<compile_context>
chip_gen: v7x
topology: tpu7x:2x2x1
jax: 0.10.2.dev20260603
libtpu: 0.0.44.dev20260713+nightly
codegen_flags: <defaults>
</compile_context>

<pallas_src>
import jax
import jax.numpy as jnp
from jax import lax
from jax.experimental import pallas as pl
from jax.experimental.pallas import tpu as pltpu
from jax.experimental.pallas import tpu_sc as plsc

B = 4
B_SC = 1
S = 2048
D = 1024
NC = 2
NS = 16
NW = NC * NS
SPW = S // NW
CH = 16
NCHUNK = SPW // CH
NSTAGE = NCHUNK * B_SC
NVEC = D // 16
NXB = 4
BS_TC = 2048


def _sc_body(x_hbm, emb_hbm, out_hbm,
             eb0, eb1, xb0, xb1, xb2, xb3,
             esem0, esem1, ls0, ls1, ls2, ls3, ss0, ss1, ss2, ss3):
    wid = lax.axis_index("s") * NC + lax.axis_index("c")
    s0 = wid * SPW
    ebufs, esems = (eb0, eb1), (esem0, esem1)
    xbufs = (xb0, xb1, xb2, xb3)
    lsems = (ls0, ls1, ls2, ls3)
    ssems = (ss0, ss1, ss2, ss3)

    def soff(c):
        return s0 + c * CH

    def start_load(t):
        c, b = divmod(t, B_SC)
        return pltpu.async_copy(
            x_hbm.at[b, pl.ds(soff(c), CH)], xbufs[t % NXB], lsems[t % NXB])

    eload = {0: pltpu.async_copy(emb_hbm.at[pl.ds(soff(0), CH)], eb0, esem0)}
    xload = {t: start_load(t) for t in range(min(2, NSTAGE))}
    store = {}

    for t in range(NSTAGE):
        c, b = divmod(t, B_SC)
        if b == 0 and c + 1 < NCHUNK:
            ne = (c + 1) % 2
            eload[c + 1] = pltpu.async_copy(
                emb_hbm.at[pl.ds(soff(c + 1), CH)], ebufs[ne], esems[ne])
        if t + 2 < NSTAGE:
            if t - 2 in store:
                store.pop(t - 2).wait()
            xload[t + 2] = start_load(t + 2)
        xload.pop(t).wait()
        if b == 0:
            eload.pop(c).wait()

        xbuf, ebuf = xbufs[t % NXB], ebufs[c % 2]

        def row_body(r, rc, xbuf=xbuf, ebuf=ebuf):
            for j in range(NVEC):
                sl = pl.ds(j * 16, 16)
                xbuf[r, sl] = xbuf[r, sl] + ebuf[r, sl]
            return rc

        lax.fori_loop(0, CH, row_body, 0)
        store[t] = pltpu.async_copy(
            xbuf, out_hbm.at[b, pl.ds(soff(c), CH)], ssems[t % NXB])

    for h in store.values():
        h.wait()


def _sc_call(x, emb_weight):
    mesh = plsc.VectorSubcoreMesh(core_axis_name="c", subcore_axis_name="s")
    f = pl.kernel(
        _sc_body,
        out_type=jax.ShapeDtypeStruct((B_SC, S, D), jnp.float32),
        mesh=mesh,
        scratch_types=[
            pltpu.VMEM((CH, D), jnp.float32),
            pltpu.VMEM((CH, D), jnp.float32),
            pltpu.VMEM((CH, D), jnp.float32),
            pltpu.VMEM((CH, D), jnp.float32),
            pltpu.VMEM((CH, D), jnp.float32),
            pltpu.VMEM((CH, D), jnp.float32),
            pltpu.SemaphoreType.DMA,
            pltpu.SemaphoreType.DMA,
            pltpu.SemaphoreType.DMA,
            pltpu.SemaphoreType.DMA,
            pltpu.SemaphoreType.DMA,
            pltpu.SemaphoreType.DMA,
            pltpu.SemaphoreType.DMA,
            pltpu.SemaphoreType.DMA,
            pltpu.SemaphoreType.DMA,
            pltpu.SemaphoreType.DMA,
        ],
    )
    return f(x, emb_weight)


def _tc_add_body(x_ref, e_ref, o_ref):
    o_ref[...] = x_ref[...] + e_ref[...][None, :, :]


def _tc_call(x, emb_weight):
    grid = (S // BS_TC, B - B_SC)
    return pl.pallas_call(
        _tc_add_body,
        grid=grid,
        in_specs=[
            pl.BlockSpec((1, BS_TC, D), lambda s, b: (b + B_SC, s, 0)),
            pl.BlockSpec((BS_TC, D), lambda s, b: (s, 0)),
        ],
        out_specs=pl.BlockSpec((1, BS_TC, D), lambda s, b: (b + B_SC, s, 0)),
        out_shape=jax.ShapeDtypeStruct((B, S, D), x.dtype),
    )(x, emb_weight)


def _merge_body(sc_ref, tc_ref, o_ref):
    o_ref[...] = sc_ref[...]


def _merge(tc_full, sc_out):
    return pl.pallas_call(
        _merge_body,
        grid=(S // BS_TC,),
        in_specs=[
            pl.BlockSpec((B_SC, BS_TC, D), lambda s: (0, s, 0)),
            pl.BlockSpec(memory_space=pl.ANY),
        ],
        out_specs=pl.BlockSpec((B_SC, BS_TC, D), lambda s: (0, s, 0)),
        out_shape=jax.ShapeDtypeStruct((B, S, D), tc_full.dtype),
        input_output_aliases={1: 0},
    )(sc_out, tc_full)


def kernel(x, emb_weight):
    sc_out = _sc_call(x, emb_weight)
    tc_out = _tc_call(x, emb_weight)
    return _merge(tc_out, sc_out)

# --- scband reference (transcript-rebuilt; emitter-appended) ---
"""Pipeline reference for scband-positional-encoding-16939351015685 (READ-ONLY COPY).

The authoritative reference and input builder live on the scoring server;
editing this copy changes nothing except your own understanding.
"""

import jax, jax.numpy as jnp
import numpy as np

D_MODEL = 1024
NUM_POSITIONS = 2048
BATCH = 4
SEQ_LEN = 2048

def setup_inputs(seed: int = 0) -> dict:
    key = jax.random.key(seed)
    k1, k2 = jax.random.split(key)
    x = jax.random.normal(k1, (BATCH, SEQ_LEN, D_MODEL), dtype=jnp.float32)
    # nn.Embedding default init: N(0, 1)
    emb_weight = jax.random.normal(k2, (NUM_POSITIONS, D_MODEL), dtype=jnp.float32)
    return {"x": x, "emb_weight": emb_weight}

def reference(x, emb_weight):
    input_size = x.shape[-2]
    indices_to_embed = jnp.arange(input_size, dtype=jnp.int64)
    emb = jnp.take(emb_weight, indices_to_embed, axis=0)  # [S, d_model]
    # batched=True path: unsqueeze(0) and broadcast-add
    emb_unsq = emb[None, :, :]
    return x + emb_unsq

if __name__ == "__main__":
    import jax
    _d = setup_inputs()
    print(jax.jit(kernel)(*tuple(_d.values())))

</pallas_src>

<mosaic_0001>
#map = affine_map<(d0, d1) -> (0, 0, 0)>
#map1 = affine_map<(d0, d1) -> (0, 0)>
module attributes {stable_mosaic.version = 14 : i64} {
  func.func @_sc_body(%arg0: i32, %arg1: i32, %arg2: memref<4x2048x1024xf32, #tpu.memory_space<hbm>>, %arg3: memref<2048x1024xf32, #tpu.memory_space<hbm>>, %arg4: memref<1x2048x1024xf32, #tpu.memory_space<hbm>>, %arg5: memref<16x1024xf32, #tpu.memory_space<vmem>>, %arg6: memref<16x1024xf32, #tpu.memory_space<vmem>>, %arg7: memref<16x1024xf32, #tpu.memory_space<vmem>>, %arg8: memref<16x1024xf32, #tpu.memory_space<vmem>>, %arg9: memref<16x1024xf32, #tpu.memory_space<vmem>>, %arg10: memref<16x1024xf32, #tpu.memory_space<vmem>>, %arg11: memref<!tpu.dma_semaphore, #tpu.memory_space<semaphore_mem>>, %arg12: memref<!tpu.dma_semaphore, #tpu.memory_space<semaphore_mem>>, %arg13: memref<!tpu.dma_semaphore, #tpu.memory_space<semaphore_mem>>, %arg14: memref<!tpu.dma_semaphore, #tpu.memory_space<semaphore_mem>>, %arg15: memref<!tpu.dma_semaphore, #tpu.memory_space<semaphore_mem>>, %arg16: memref<!tpu.dma_semaphore, #tpu.memory_space<semaphore_mem>>, %arg17: memref<!tpu.dma_semaphore, #tpu.memory_space<semaphore_mem>>, %arg18: memref<!tpu.dma_semaphore, #tpu.memory_space<semaphore_mem>>, %arg19: memref<!tpu.dma_semaphore, #tpu.memory_space<semaphore_mem>>, %arg20: memref<!tpu.dma_semaphore, #tpu.memory_space<semaphore_mem>>) attributes {dimension_semantics = [#tpu.dimension_semantics<core_parallel>, #tpu.dimension_semantics<subcore_parallel>], iteration_bounds = array<i64: 2, 16>, scalar_prefetch = 0 : i64, scratch_operands = 16 : i64, tpu.core_type = #tpu.core_type<sc_vector_subcore>, window_params = [{transform_indices = #map}, {transform_indices = #map1}, {transform_indices = #map}]} {
    %mul3A = arith.constant 2 : i32
    %mul3A_0 = arith.muli %arg1, %mul3A : i32
    %add3A = arith.addi %mul3A_0, %arg0 : i32
    %mul3A_1 = arith.constant 64 : i32
    %mul3A_2 = arith.muli %add3A, %mul3A_1 : i32
    %add3A_3 = arith.constant 0 : i32
    %add3A_4 = arith.addi %mul3A_2, %add3A_3 : i32
    %dma_start3A = arith.constant 0 : i32
    %dma_start3A_5 = tpu.memref_slice %arg3[%add3A_4, %dma_start3A] : memref<2048x1024xf32, #tpu.memory_space<hbm>> -> memref<16x1024xf32, #tpu.memory_space<hbm>>
    %dma_start3A_6 = arith.constant 0 : i32
    %dma_start3A_7 = tpu.memref_slice %arg3[%add3A_4, %dma_start3A_6] : memref<2048x1024xf32, #tpu.memory_space<hbm>> -> memref<16x1024xf32, #tpu.memory_space<hbm>>
    tpu.enqueue_dma source(%dma_start3A_7 : memref<16x1024xf32, #tpu.memory_space<hbm>>) target(%arg5 : memref<16x1024xf32, #tpu.memory_space<vmem>>) target_semaphore(%arg11 : memref<!tpu.dma_semaphore, #tpu.memory_space<semaphore_mem>>)
    %add3A_8 = arith.constant 0 : i32
    %add3A_9 = arith.addi %mul3A_2, %add3A_8 : i32
    %dma_start3A_10 = arith.constant 0 : i32
    %dma_start3A_11 = arith.constant 0 : i32
    %dma_start3A_12 = tpu.memref_slice %arg2[%dma_start3A_10, %add3A_9, %dma_start3A_11] : memref<4x2048x1024xf32, #tpu.memory_space<hbm>> -> memref<1x16x1024xf32, #tpu.memory_space<hbm>>
    %dma_start3A_13 = tpu.memref_squeeze %dma_start3A_12 : memref<1x16x1024xf32, #tpu.memory_space<hbm>> -> memref<16x1024xf32, #tpu.memory_space<hbm>>
    %dma_start3A_14 = arith.constant 0 : i32
    %dma_start3A_15 = tpu.memref_slice %arg2[%dma_start3A_10, %add3A_9, %dma_start3A_14] : memref<4x2048x1024xf32, #tpu.memory_space<hbm>> -> memref<1x16x1024xf32, #tpu.memory_space<hbm>>
    %dma_start3A_16 = tpu.memref_squeeze %dma_start3A_15 : memref<1x16x1024xf32, #tpu.memory_space<hbm>> -> memref<16x1024xf32, #tpu.memory_space<hbm>>
    tpu.enqueue_dma source(%dma_start3A_16 : memref<16x1024xf32, #tpu.memory_space<hbm>>) target(%arg7 : memref<16x1024xf32, #tpu.memory_space<vmem>>) target_semaphore(%arg13 : memref<!tpu.dma_semaphore, #tpu.memory_space<semaphore_mem>>)
    %add3A_17 = arith.constant 16 : i32
    %add3A_18 = arith.addi %mul3A_2, %add3A_17 : i32
    %dma_start3A_19 = arith.constant 0 : i32
    %dma_start3A_20 = arith.constant 0 : i32
    %dma_start3A_21 = tpu.memref_slice %arg2[%dma_start3A_19, %add3A_18, %dma_start3A_20] : memref<4x2048x1024xf32, #tpu.memory_space<hbm>> -> memref<1x16x1024xf32, #tpu.memory_space<hbm>>
    %dma_start3A_22 = tpu.memref_squeeze %dma_start3A_21 : memref<1x16x1024xf32, #tpu.memory_space<hbm>> -> memref<16x1024xf32, #tpu.memory_space<hbm>>
    %dma_start3A_23 = arith.constant 0 : i32
    %dma_start3A_24 = tpu.memref_slice %arg2[%dma_start3A_19, %add3A_18, %dma_start3A_23] : memref<4x2048x1024xf32, #tpu.memory_space<hbm>> -> memref<1x16x1024xf32, #tpu.memory_space<hbm>>
    %dma_start3A_25 = tpu.memref_squeeze %dma_start3A_24 : memref<1x16x1024xf32, #tpu.memory_space<hbm>> -> memref<16x1024xf32, #tpu.memory_space<hbm>>
    tpu.enqueue_dma source(%dma_start3A_25 : memref<16x1024xf32, #tpu.memory_space<hbm>>) target(%arg8 : memref<16x1024xf32, #tpu.memory_space<vmem>>) target_semaphore(%arg14 : memref<!tpu.dma_semaphore, #tpu.memory_space<semaphore_mem>>)
    %add3A_26 = arith.constant 16 : i32
    %add3A_27 = arith.addi %mul3A_2, %add3A_26 : i32
    %dma_start3A_28 = arith.constant 0 : i32
    %dma_start3A_29 = tpu.memref_slice %arg3[%add3A_27, %dma_start3A_28] : memref<2048x1024xf32, #tpu.memory_space<hbm>> -> memref<16x1024xf32, #tpu.memory_space<hbm>>
    %dma_start3A_30 = arith.constant 0 : i32
    %dma_start3A_31 = tpu.memref_slice %arg3[%add3A_27, %dma_start3A_30] : memref<2048x1024xf32, #tpu.memory_space<hbm>> -> memref<16x1024xf32, #tpu.memory_space<hbm>>
    tpu.enqueue_dma source(%dma_start3A_31 : memref<16x1024xf32, #tpu.memory_space<hbm>>) target(%arg6 : memref<16x1024xf32, #tpu.memory_space<vmem>>) target_semaphore(%arg12 : memref<!tpu.dma_semaphore, #tpu.memory_space<semaphore_mem>>)
    %add3A_32 = arith.constant 32 : i32
    %add3A_33 = arith.addi %mul3A_2, %add3A_32 : i32
    %dma_start3A_34 = arith.constant 0 : i32
    %dma_start3A_35 = arith.constant 0 : i32
    %dma_start3A_36 = tpu.memref_slice %arg2[%dma_start3A_34, %add3A_33, %dma_start3A_35] : memref<4x2048x1024xf32, #tpu.memory_space<hbm>> -> memref<1x16x1024xf32, #tpu.memory_space<hbm>>
    %dma_start3A_37 = tpu.memref_squeeze %dma_start3A_36 : memref<1x16x1024xf32, #tpu.memory_space<hbm>> -> memref<16x1024xf32, #tpu.memory_space<hbm>>
    %dma_start3A_38 = arith.constant 0 : i32
    %dma_start3A_39 = tpu.memref_slice %arg2[%dma_start3A_34, %add3A_33, %dma_start3A_38] : memref<4x2048x1024xf32, #tpu.memory_space<hbm>> -> memref<1x16x1024xf32, #tpu.memory_space<hbm>>
    %dma_start3A_40 = tpu.memref_squeeze %dma_start3A_39 : memref<1x16x1024xf32, #tpu.memory_space<hbm>> -> memref<16x1024xf32, #tpu.memory_space<hbm>>
    tpu.enqueue_dma source(%dma_start3A_40 : memref<16x1024xf32, #tpu.memory_space<hbm>>) target(%arg9 : memref<16x1024xf32, #tpu.memory_space<vmem>>) target_semaphore(%arg15 : memref<!tpu.dma_semaphore, #tpu.memory_space<semaphore_mem>>)
    %dma_wait3A = arith.constant 0 : i32
    %dma_wait3A_41 = arith.constant 0 : i32
    %dma_wait3A_42 = tpu.memref_slice %arg2[%dma_wait3A, %add3A_9, %dma_wait3A_41] : memref<4x2048x1024xf32, #tpu.memory_space<hbm>> -> memref<1x16x1024xf32, #tpu.memory_space<hbm>>
    %dma_wait3A_43 = tpu.memref_squeeze %dma_wait3A_42 : memref<1x16x1024xf32, #tpu.memory_space<hbm>> -> memref<16x1024xf32, #tpu.memory_space<hbm>>
    %dma_wait3A_44 = arith.constant 0 : i32
    %dma_wait3A_45 = tpu.memref_slice %arg2[%dma_wait3A, %add3A_9, %dma_wait3A_44] : memref<4x2048x1024xf32, #tpu.memory_space<hbm>> -> memref<1x16x1024xf32, #tpu.memory_space<hbm>>
    %dma_wait3A_46 = tpu.memref_squeeze %dma_wait3A_45 : memref<1x16x1024xf32, #tpu.memory_space<hbm>> -> memref<16x1024xf32, #tpu.memory_space<hbm>>
    tpu.wait_dma2 semaphore(%arg13 : memref<!tpu.dma_semaphore, #tpu.memory_space<semaphore_mem>>) src(%dma_wait3A_46 : memref<16x1024xf32, #tpu.memory_space<hbm>>) dst(%arg7 : memref<16x1024xf32, #tpu.memory_space<vmem>>)
    %dma_wait3A_47 = arith.constant 0 : i32
    %dma_wait3A_48 = tpu.memref_slice %arg3[%add3A_4, %dma_wait3A_47] : memref<2048x1024xf32, #tpu.memory_space<hbm>> -> memref<16x1024xf32, #tpu.memory_space<hbm>>
    %dma_wait3A_49 = arith.constant 0 : i32
    %dma_wait3A_50 = tpu.memref_slice %arg3[%add3A_4, %dma_wait3A_49] : memref<2048x1024xf32, #tpu.memory_space<hbm>> -> memref<16x1024xf32, #tpu.memory_space<hbm>>
    tpu.wait_dma2 semaphore(%arg11 : memref<!tpu.dma_semaphore, #tpu.memory_space<semaphore_mem>>) src(%dma_wait3A_50 : memref<16x1024xf32, #tpu.memory_space<hbm>>) dst(%arg5 : memref<16x1024xf32, #tpu.memory_space<vmem>>)
    %scan3A = arith.constant 0 : i32
    %scan3A_51 = arith.constant 0 : i32
    %scan3A_52 = arith.constant 16 : i32
    %scan3A_53 = arith.addi %scan3A_51, %scan3A_52 : i32
    %scan3A_54 = arith.constant 1 : i32
    scf.for %scan3A_192 = %scan3A_51 to %scan3A_53 step %scan3A_54  : i32 {
      %get3A = arith.index_cast %scan3A_192 : i32 to index
      %get3A_193 = arith.constant 0 : index
      %get3A_194 = tpu.vector_load %arg7[%get3A, %get3A_193] {strides = array<i32>} : memref<16x1024xf32, #tpu.memory_space<vmem>>, vector<1x16xf32>,
      %get3A_195 = vector.shape_cast %get3A_194 : vector<1x16xf32> to vector<16xf32>
      %get3A_196 = arith.index_cast %scan3A_192 : i32 to index
      %get3A_197 = arith.constant 0 : index
      %get3A_198 = tpu.vector_load %arg5[%get3A_196, %get3A_197] {strides = array<i32>} : memref<16x1024xf32, #tpu.memory_space<vmem>>, vector<1x16xf32>,
      %get3A_199 = vector.shape_cast %get3A_198 : vector<1x16xf32> to vector<16xf32>
      %add3A_200 = arith.addf %get3A_195, %get3A_199 : vector<16xf32>
      %swap3A = arith.index_cast %scan3A_192 : i32 to index
      %swap3A_201 = arith.constant 0 : index
      %swap3A_202 = tpu.vector_load %arg7[%swap3A, %swap3A_201] {strides = array<i32>} : memref<16x1024xf32, #tpu.memory_space<vmem>>, vector<1x16xf32>,
      %swap3A_203 = vector.shape_cast %swap3A_202 : vector<1x16xf32> to vector<16xf32>
      %swap3A_204 = vector.shape_cast %add3A_200 : vector<16xf32> to vector<1x16xf32>
      tpu.vector_store %arg7[%swap3A, %swap3A_201], %swap3A_204 {strides = array<i32>} : memref<16x1024xf32, #tpu.memory_space<vmem>>, vector<1x16xf32>,
      %get3A_205 = arith.index_cast %scan3A_192 : i32 to index
      %get3A_206 = arith.constant 16 : index
      %get3A_207 = tpu.vector_load %arg7[%get3A_205, %get3A_206] {strides = array<i32>} : memref<16x1024xf32, #tpu.memory_space<vmem>>, vector<1x16xf32>,
      %get3A_208 = vector.shape_cast %get3A_207 : vector<1x16xf32> to vector<16xf32>
      %get3A_209 = arith.index_cast %scan3A_192 : i32 to index
      %get3A_210 = arith.constant 16 : index
      %get3A_211 = tpu.vector_load %arg5[%get3A_209, %get3A_210] {strides = array<i32>} : memref<16x1024xf32, #tpu.memory_space<vmem>>, vector<1x16xf32>,
      %get3A_212 = vector.shape_cast %get3A_211 : vector<1x16xf32> to vector<16xf32>
      %add3A_213 = arith.addf %get3A_208, %get3A_212 : vector<16xf32>
      %swap3A_214 = arith.index_cast %scan3A_192 : i32 to index
      %swap3A_215 = arith.constant 16 : index
      %swap3A_216 = tpu.vector_load %arg7[%swap3A_214, %swap3A_215] {strides = array<i32>} : memref<16x1024xf32, #tpu.memory_space<vmem>>, vector<1x16xf32>,
      %swap3A_217 = vector.shape_cast %swap3A_216 : vector<1x16xf32> to vector<16xf32>
      %swap3A_218 = vector.shape_cast %add3A_213 : vector<16xf32> to vector<1x16xf32>
      tpu.vector_store %arg7[%swap3A_214, %swap3A_215], %swap3A_218 {strides = array<i32>} : memref<16x1024xf32, #tpu.memory_space<vmem>>, vector<1x16xf32>,
      %get3A_219 = arith.index_cast %scan3A_192 : i32 to index
      %get3A_220 = arith.constant 32 : index
      %get3A_221 = tpu.vector_load %arg7[%get3A_219, %get3A_220] {strides = array<i32>} : memref<16x1024xf32, #tpu.memory_space<vmem>>, vector<1x16xf32>,
      %get3A_222 = vector.shape_cast %get3A_221 : vector<1x16xf32> to vector<16xf32>
      %get3A_223 = arith.index_cast %scan3A_192 : i32 to index
      %get3A_224 = arith.constant 32 : index
      %get3A_225 = tpu.vector_load %arg5[%get3A_223, %get3A_224] {strides = array<i32>} : memref<16x1024xf32, #tpu.memory_space<vmem>>, vector<1x16xf32>,
      %get3A_226 = vector.shape_cast %get3A_225 : vector<1x16xf32> to vector<16xf32>
      %add3A_227 = arith.addf %get3A_222, %get3A_226 : vector<16xf32>
      %swap3A_228 = arith.index_cast %scan3A_192 : i32 to index
      %swap3A_229 = arith.constant 32 : index
      %swap3A_230 = tpu.vector_load %arg7[%swap3A_228, %swap3A_229] {strides = array<i32>} : memref<16x1024xf32, #tpu.memory_space<vmem>>, vector<1x16xf32>,
      %swap3A_231 = vector.shape_cast %swap3A_230 : vector<1x16xf32> to vector<16xf32>
      %swap3A_232 = vector.shape_cast %add3A_227 : vector<16xf32> to vector<1x16xf32>
      tpu.vector_store %arg7[%swap3A_228, %swap3A_229], %swap3A_232 {strides = array<i32>} : memref<16x1024xf32, #tpu.memory_space<vmem>>, vector<1x16xf32>,
      %get3A_233 = arith.index_cast %scan3A_192 : i32 to index
      %get3A_234 = arith.constant 48 : index
      %get3A_235 = tpu.vector_load %arg7[%get3A_233, %get3A_234] {strides = array<i32>} : memref<16x1024xf32, #tpu.memory_space<vmem>>, vector<1x16xf32>,
      %get3A_236 = vector.shape_cast %get3A_235 : vector<1x16xf32> to vector<16xf32>
      %get3A_237 = arith.index_cast %scan3A_192 : i32 to index
      %get3A_238 = arith.constant 48 : index
      %get3A_239 = tpu.vector_load %arg5[%get3A_237, %get3A_238] {strides = array<i32>} : memref<16x1024xf32, #tpu.memory_space<vmem>>, vector<1x16xf32>,
      %get3A_240 = vector.shape_cast %get3A_239 : vector<1x16xf32> to vector<16xf32>
      %add3A_241 = arith.addf %get3A_236, %get3A_240 : vector<16xf32>
      %swap3A_242 = arith.index_cast %scan3A_192 : i32 to index
      %swap3A_243 = arith.constant 48 : index
      %swap3A_244 = tpu.vector_load %arg7[%swap3A_242, %swap3A_243] {strides = array<i32>} : memref<16x1024xf32, #tpu.memory_space<vmem>>, vector<1x16xf32>,
      %swap3A_245 = vector.shape_cast %swap3A_244 : vector<1x16xf32> to vector<16xf32>
      %swap3A_246 = vector.shape_cast %add3A_241 : vector<16xf32> to vector<1x16xf32>
      tpu.vector_store %arg7[%swap3A_242, %swap3A_243], %swap3A_246 {strides = array<i32>} : memref<16x1024xf32, #tpu.memory_space<vmem>>, vector<1x16xf32>,
      %get3A_247 = arith.index_cast %scan3A_192 : i32 to index
      %get3A_248 = arith.constant 64 : index
      %get3A_249 = tpu.vector_load %arg7[%get3A_247, %get3A_248] {strides = array<i32>} : memref<16x1024xf32, #tpu.memory_space<vmem>>, vector<1x16xf32>,
      %get3A_250 = vector.shape_cast %get3A_249 : vector<1x16xf32> to vector<16xf32>
      %get3A_251 = arith.index_cast %scan3A_192 : i32 to index
      %get3A_252 = arith.constant 64 : index
      %get3A_253 = tpu.vector_load %arg5[%get3A_251, %get3A_252] {strides = array<i32>} : memref<16x1024xf32, #tpu.memory_space<vmem>>, vector<1x16xf32>,
      %get3A_254 = vector.shape_cast %get3A_253 : vector<1x16xf32> to vector<16xf32>
      %add3A_255 = arith.addf %get3A_250, %get3A_254 : vector<16xf32>
      %swap3A_256 = arith.index_cast %scan3A_192 : i32 to index
      %swap3A_257 = arith.constant 64 : index
      %swap3A_258 = tpu.vector_load %arg7[%swap3A_256, %swap3A_257] {strides = array<i32>} : memref<16x1024xf32, #tpu.memory_space<vmem>>, vector<1x16xf32>,
      %swap3A_259 = vector.shape_cast %swap3A_258 : vector<1x16xf32> to vector<16xf32>
      %swap3A_260 = vector.shape_cast %add3A_255 : vector<16xf32> to vector<1x16xf32>
      tpu.vector_store %arg7[%swap3A_256, %swap3A_257], %swap3A_260 {strides = array<i32>} : memref<16x1024xf32, #tpu.memory_space<vmem>>, vector<1x16xf32>,
      %get3A_261 = arith.index_cast %scan3A_192 : i32 to index
      %get3A_262 = arith.constant 80 : index
      %get3A_263 = tpu.vector_load %arg7[%get3A_261, %get3A_262] {strides = array<i32>} : memref<16x1024xf32, #tpu.memory_space<vmem>>, vector<1x16xf32>,
      %get3A_264 = vector.shape_cast %get3A_263 : vector<1x16xf32> to vector<16xf32>
      %get3A_265 = arith.index_cast %scan3A_192 : i32 to index
      %get3A_266 = arith.constant 80 : index
      %get3A_267 = tpu.vector_load %arg5[%get3A_265, %get3A_266] {strides = array<i32>} : memref<16x1024xf32, #tpu.memory_space<vmem>>, vector<1x16xf32>,
      %get3A_268 = vector.shape_cast %get3A_267 : vector<1x16xf32> to vector<16xf32>
      %add3A_269 = arith.addf %get3A_264, %get3A_268 : vector<16xf32>
      %swap3A_270 = arith.index_cast %scan3A_192 : i32 to index
      %swap3A_271 = arith.constant 80 : index
      %swap3A_272 = tpu.vector_load %arg7[%swap3A_270, %swap3A_271] {strides = array<i32>} : memref<16x1024xf32, #tpu.memory_space<vmem>>, vector<1x16xf32>,
      %swap3A_273 = vector.shape_cast %swap3A_272 : vector<1x16xf32> to vector<16xf32>
      %swap3A_274 = vector.shape_cast %add3A_269 : vector<16xf32> to vector<1x16xf32>
      tpu.vector_store %arg7[%swap3A_270, %swap3A_271], %swap3A_274 {strides = array<i32>} : memref<16x1024xf32, #tpu.memory_space<vmem>>, vector<1x16xf32>,
      %get3A_275 = arith.index_cast %scan3A_192 : i32 to index
      %get3A_276 = arith.constant 96 : index
      %get3A_277 = tpu.vector_load %arg7[%get3A_275, %get3A_276] {strides = array<i32>} : memref<16x1024xf32, #tpu.memory_space<vmem>>, vector<1x16xf32>,
      %get3A_278 = vector.shape_cast %get3A_277 : vector<1x16xf32> to vector<16xf32>
      %get3A_279 = arith.index_cast %scan3A_192 : i32 to index
      %get3A_280 = arith.constant 96 : index
      %get3A_281 = tpu.vector_load %arg5[%get3A_279, %get3A_280] {strides = array<i32>} : memref<16x1024xf32, #tpu.memory_space<vmem>>, vector<1x16xf32>,
      %get3A_282 = vector.shape_cast %get3A_281 : vector<1x16xf32> to vector<16xf32>
      %add3A_283 = arith.addf %get3A_278, %get3A_282 : vector<16xf32>
      %swap3A_284 = arith.index_cast %scan3A_192 : i32 to index
      %swap3A_285 = arith.constant 96 : index
      %swap3A_286 = tpu.vector_load %arg7[%swap3A_284, %swap3A_285] {strides = array<i32>} : memref<16x1024xf32, #tpu.memory_space<vmem>>, vector<1x16xf32>,
      %swap3A_287 = vector.shape_cast %swap3A_286 : vector<1x16xf32> to vector<16xf32>
      %swap3A_288 = vector.shape_cast %add3A_283 : vector<16xf32> to vector<1x16xf32>
      tpu.vector_store %arg7[%swap3A_284, %swap3A_285], %swap3A_288 {strides = array<i32>} : memref<16x1024xf32, #tpu.memory_space<vmem>>, vector<1x16xf32>,
      %get3A_289 = arith.index_cast %scan3A_192 : i32 to index
      %get3A_290 = arith.constant 112 : index
      %get3A_291 = tpu.vector_load %arg7[%get3A_289, %get3A_290] {strides = array<i32>} : memref<16x1024xf32, #tpu.memory_space<vmem>>, vector<1x16xf32>,
      %get3A_292 = vector.shape_cast %get3A_291 : vector<1x16xf32> to vector<16xf32>
      %get3A_293 = arith.index_cast %scan3A_192 : i32 to index
      %get3A_294 = arith.constant 112 : index
      %get3A_295 = tpu.vector_load %arg5[%get3A_293, %get3A_294] {strides = array<i32>} : memref<16x1024xf32, #tpu.memory_space<vmem>>, vector<1x16xf32>,
      %get3A_296 = vector.shape_cast %get3A_295 : vector<1x16xf32> to vector<16xf32>
      %add3A_297 = arith.addf %get3A_292, %get3A_296 : vector<16xf32>
      %swap3A_298 = arith.index_cast %scan3A_192 : i32 to index
      %swap3A_299 = arith.constant 112 : index
      %swap3A_300 = tpu.vector_load %arg7[%swap3A_298, %swap3A_299] {strides = array<i32>} : memref<16x1024xf32, #tpu.memory_space<vmem>>, vector<1x16xf32>,
      %swap3A_301 = vector.shape_cast %swap3A_300 : vector<1x16xf32> to vector<16xf32>
      %swap3A_302 = vector.shape_cast %add3A_297 : vector<16xf32> to vector<1x16xf32>
      tpu.vector_store %arg7[%swap3A_298, %swap3A_299], %swap3A_302 {strides = array<i32>} : memref<16x1024xf32, #tpu.memory_space<vmem>>, vector<1x16xf32>,
      %get3A_303 = arith.index_cast %scan3A_192 : i32 to index
      %get3A_304 = arith.constant 128 : index
      %get3A_305 = tpu.vector_load %arg7[%get3A_303, %get3A_304] {strides = array<i32>} : memref<16x1024xf32, #tpu.memory_space<vmem>>, vector<1x16xf32>,
      %get3A_306 = vector.shape_cast %get3A_305 : vector<1x16xf32> to vector<16xf32>
      %get3A_307 = arith.index_cast %scan3A_192 : i32 to index
      %get3A_308 = arith.constant 128 : index
      %get3A_309 = tpu.vector_load %arg5[%get3A_307, %get3A_308] {strides = array<i32>} : memref<16x1024xf32, #tpu.memory_space<vmem>>, vector<1x16xf32>,
      %get3A_310 = vector.shape_cast %get3A_309 : vector<1x16xf32> to vector<16xf32>
      %add3A_311 = arith.addf %get3A_306, %get3A_310 : vector<16xf32>
      %swap3A_312 = arith.index_cast %scan3A_192 : i32 to index
      %swap3A_313 = arith.constant 128 : index
      %swap3A_314 = tpu.vector_load %arg7[%swap3A_312, %swap3A_313] {strides = array<i32>} : memref<16x1024xf32, #tpu.memory_space<vmem>>, vector<1x16xf32>,
      %swap3A_315 = vector.shape_cast %swap3A_314 : vector<1x16xf32> to vector<16xf32>
      %swap3A_316 = vector.shape_cast %add3A_311 : vector<16xf32> to vector<1x16xf32>
      tpu.vector_store %arg7[%swap3A_312, %swap3A_313], %swap3A_316 {strides = array<i32>} : memref<16x1024xf32, #tpu.memory_space<vmem>>, vector<1x16xf32>,
      %get3A_317 = arith.index_cast %scan3A_192 : i32 to index
      %get3A_318 = arith.constant 144 : index
      %get3A_319 = tpu.vector_load %arg7[%get3A_317, %get3A_318] {strides = array<i32>} : memref<16x1024xf32, #tpu.memory_space<vmem>>, vector<1x16xf32>,
      %get3A_320 = vector.shape_cast %get3A_319 : vector<1x16xf32> to vector<16xf32>
      %get3A_321 = arith.index_cast %scan3A_192 : i32 to index
      %get3A_322 = arith.constant 144 : index
      %get3A_323 = tpu.vector_load %arg5[%get3A_321, %get3A_322] {strides = array<i32>} : memref<16x1024xf32, #tpu.memory_space<vmem>>, vector<1x16xf32>,
      %get3A_324 = vector.shape_cast %get3A_323 : vector<1x16xf32> to vector<16xf32>
      %add3A_325 = arith.addf %get3A_320, %get3A_324 : vector<16xf32>
      %swap3A_326 = arith.index_cast %scan3A_192 : i32 to index
      %swap3A_327 = arith.constant 144 : index
      %swap3A_328 = tpu.vector_load %arg7[%swap3A_326, %swap3A_327] {strides = array<i32>} : memref<16x1024xf32, #tpu.memory_space<vmem>>, vector<1x16xf32>,
      %swap3A_329 = vector.shape_cast %swap3A_328 : vector<1x16xf32> to vector<16xf32>
      %swap3A_330 = vector.shape_cast %add3A_325 : vector<16xf32> to vector<1x16xf32>
      tpu.vector_store %arg7[%swap3A_326, %swap3A_327], %swap3A_330 {strides = array<i32>} : memref<16x1024xf32, #tpu.memory_space<vmem>>, vector<1x16xf32>,
      %get3A_331 = arith.index_cast %scan3A_192 : i32 to index
      %get3A_332 = arith.constant 160 : index
      %get3A_333 = tpu.vector_load %arg7[%get3A_331, %get3A_332] {strides = array<i32>} : memref<16x1024xf32, #tpu.memory_space<vmem>>, vector<1x16xf32>,
      %get3A_334 = vector.shape_cast %get3A_333 : vector<1x16xf32> to vector<16xf32>
      %get3A_335 = arith.index_cast %scan3A_192 : i32 to index
      %get3A_336 = arith.constant 160 : index
      %get3A_337 = tpu.vector_load %arg5[%get3A_335, %get3A_336] {strides = array<i32>} : memref<16x1024xf32, #tpu.memory_space<vmem>>, vector<1x16xf32>,
      %get3A_338 = vector.shape_cast %get3A_337 : vector<1x16xf32> to vector<16xf32>
      %add3A_339 = arith.addf %get3A_334, %get3A_338 : vector<16xf32>
      %swap3A_340 = arith.index_cast %scan3A_192 : i32 to index
      %swap3A_341 = arith.constant 160 : index
      %swap3A_342 = tpu.vector_load %arg7[%swap3A_340, %swap3A_341] {strides = array<i32>} : memref<16x1024xf32, #tpu.memory_space<vmem>>, vector<1x16xf32>,
      %swap3A_343 = vector.shape_cast %swap3A_342 : vector<1x16xf32> to vector<16xf32>
      %swap3A_344 = vector.shape_cast %add3A_339 : vector<16xf32> to vector<1x16xf32>
      tpu.vector_store %arg7[%swap3A_340, %swap3A_341], %swap3A_344 {strides = array<i32>} : memref<16x1024xf32, #tpu.memory_space<vmem>>, vector<1x16xf32>,
      %get3A_345 = arith.index_cast %scan3A_192 : i32 to index
      %get3A_346 = arith.constant 176 : index
      %get3A_347 = tpu.vector_load %arg7[%get3A_345, %get3A_346] {strides = array<i32>} : memref<16x1024xf32, #tpu.memory_space<vmem>>, vector<1x16xf32>,
      %get3A_348 = vector.shape_cast %get3A_347 : vector<1x16xf32> to vector<16xf32>
      %get3A_349 = arith.index_cast %scan3A_192 : i32 to index
      %get3A_350 = arith.constant 176 : index
      %get3A_351 = tpu.vector_load %arg5[%get3A_349, %get3A_350] {strides = array<i32>} : memref<16x1024xf32, #tpu.memory_space<vmem>>, vector<1x16xf32>,
      %get3A_352 = vector.shape_cast %get3A_351 : vector<1x16xf32> to vector<16xf32>
      %add3A_353 = arith.addf %get3A_348, %get3A_352 : vector<16xf32>
      %swap3A_354 = arith.index_cast %scan3A_192 : i32 to index
      %swap3A_355 = arith.constant 176 : index
      %swap3A_356 = tpu.vector_load %arg7[%swap3A_354, %swap3A_355] {strides = array<i32>} : memref<16x1024xf32, #tpu.memory_space<vmem>>, vector<1x16xf32>,
      %swap3A_357 = vector.shape_cast %swap3A_356 : vector<1x16xf32> to vector<16xf32>
      %swap3A_358 = vector.shape_cast %add3A_353 : vector<16xf32> to vector<1x16xf32>
      tpu.vector_store %arg7[%swap3A_354, %swap3A_355], %swap3A_358 {strides = array<i32>} : memref<16x1024xf32, #tpu.memory_space<vmem>>, vector<1x16xf32>,
      %get3A_359 = arith.index_cast %scan3A_192 : i32 to index
      %get3A_360 = arith.constant 192 : index
      %get3A_361 = tpu.vector_load %arg7[%get3A_359, %get3A_360] {strides = array<i32>} : memref<16x1024xf32, #tpu.memory_space<vmem>>, vector<1x16xf32>,
      %get3A_362 = vector.shape_cast %get3A_361 : vector<1x16xf32> to vector<16xf32>
      %get3A_363 = arith.index_cast %scan3A_192 : i32 to index
      %get3A_364 = arith.constant 192 : index
      %get3A_365 = tpu.vector_load %arg5[%get3A_363, %get3A_364] {strides = array<i32>} : memref<16x1024xf32, #tpu.memory_space<vmem>>, vector<1x16xf32>,
      %get3A_366 = vector.shape_cast %get3A_365 : vector<1x16xf32> to vector<16xf32>
      %add3A_367 = arith.addf %get3A_362, %get3A_366 : vector<16xf32>
      %swap3A_368 = arith.index_cast %scan3A_192 : i32 to index
      %swap3A_369 = arith.constant 192 : index
      %swap3A_370 = tpu.vector_load %arg7[%swap3A_368, %swap3A_369] {strides = array<i32>} : memref<16x1024xf32, #tpu.memory_space<vmem>>, vector<1x16xf32>,
      %swap3A_371 = vector.shape_cast %swap3A_370 : vector<1x16xf32> to vector<16xf32>
      %swap3A_372 = vector.shape_cast %add3A_367 : vector<16xf32> to vector<1x16xf32>
      tpu.vector_store %arg7[%swap3A_368, %swap3A_369], %swap3A_372 {strides = array<i32>} : memref<16x1024xf32, #tpu.memory_space<vmem>>, vector<1x16xf32>,
      %get3A_373 = arith.index_cast %scan3A_192 : i32 to index
      %get3A_374 = arith.constant 208 : index
      %get3A_375 = tpu.vector_load %arg7[%get3A_373, %get3A_374] {strides = array<i32>} : memref<16x1024xf32, #tpu.memory_space<vmem>>, vector<1x16xf32>,
      %get3A_376 = vector.shape_cast %get3A_375 : vector<1x16xf32> to vector<16xf32>
      %get3A_377 = arith.index_cast %scan3A_192 : i32 to index
      %get3A_378 = arith.constant 208 : index
      %get3A_379 = tpu.vector_load %arg5[%get3A_377, %get3A_378] {strides = array<i32>} : memref<16x1024xf32, #tpu.memory_space<vmem>>, vector<1x16xf32>,
      %get3A_380 = vector.shape_cast %get3A_379 : vector<1x16xf32> to vector<16xf32>
      %add3A_381 = arith.addf %get3A_376, %get3A_380 : vector<16xf32>
      %swap3A_382 = arith.index_cast %scan3A_192 : i32 to index
      %swap3A_383 = arith.constant 208 : index
      %swap3A_384 = tpu.vector_load %arg7[%swap3A_382, %swap3A_383] {strides = array<i32>} : memref<16x1024xf32, #tpu.memory_space<vmem>>, vector<1x16xf32>,
      %swap3A_385 = vector.shape_cast %swap3A_384 : vector<1x16xf32> to vector<16xf32>
      %swap3A_386 = vector.shape_cast %add3A_381 : vector<16xf32> to vector<1x16xf32>
      tpu.vector_store %arg7[%swap3A_382, %swap3A_383], %swap3A_386 {strides = array<i32>} : memref<16x1024xf32, #tpu.memory_space<vmem>>, vector<1x16xf32>,
      %get3A_387 = arith.index_cast %scan3A_192 : i32 to index
      %get3A_388 = arith.constant 224 : index
      %get3A_389 = tpu.vector_load %arg7[%get3A_387, %get3A_388] {strides = array<i32>} : memref<16x1024xf32, #tpu.memory_space<vmem>>, vector<1x16xf32>,
      %get3A_390 = vector.shape_cast %get3A_389 : vector<1x16xf32> to vector<16xf32>
      %get3A_391 = arith.index_cast %scan3A_192 : i32 to index
      %get3A_392 = arith.constant 224 : index
      %get3A_393 = tpu.vector_load %arg5[%get3A_391, %get3A_392] {strides = array<i32>} : memref<16x1024xf32, #tpu.memory_space<vmem>>, vector<1x16xf32>,
      %get3A_394 = vector.shape_cast %get3A_393 : vector<1x16xf32> to vector<16xf32>
      %add3A_395 = arith.addf %get3A_390, %get3A_394 : vector<16xf32>
      %swap3A_396 = arith.index_cast %scan3A_192 : i32 to index
      %swap3A_397 = arith.constant 224 : index
      %swap3A_398 = tpu.vector_load %arg7[%swap3A_396, %swap3A_397] {strides = array<i32>} : memref<16x1024xf32, #tpu.memory_space<vmem>>, vector<1x16xf32>,
      %swap3A_399 = vector.shape_cast %swap3A_398 : vector<1x16xf32> to vector<16xf32>
      %swap3A_400 = vector.shape_cast %add3A_395 : vector<16xf32> to vector<1x16xf32>
      tpu.vector_store %arg7[%swap3A_396, %swap3A_397], %swap3A_400 {strides = array<i32>} : memref<16x1024xf32, #tpu.memory_space<vmem>>, vector<1x16xf32>,
      %get3A_401 = arith.index_cast %scan3A_192 : i32 to index
      %get3A_402 = arith.constant 240 : index
      %get3A_403 = tpu.vector_load %arg7[%get3A_401, %get3A_402] {strides = array<i32>} : memref<16x1024xf32, #tpu.memory_space<vmem>>, vector<1x16xf32>,
      %get3A_404 = vector.shape_cast %get3A_403 : vector<1x16xf32> to vector<16xf32>
      %get3A_405 = arith.index_cast %scan3A_192 : i32 to index
      %get3A_406 = arith.constant 240 : index
      %get3A_407 = tpu.vector_load %arg5[%get3A_405, %get3A_406] {strides = array<i32>} : memref<16x1024xf32, #tpu.memory_space<vmem>>, vector<1x16xf32>,
      %get3A_408 = vector.shape_cast %get3A_407 : vector<1x16xf32> to vector<16xf32>
      %add3A_409 = arith.addf %get3A_404, %get3A_408 : vector<16xf32>
      %swap3A_410 = arith.index_cast %scan3A_192 : i32 to index
      %swap3A_411 = arith.constant 240 : index
      %swap3A_412 = tpu.vector_load %arg7[%swap3A_410, %swap3A_411] {strides = array<i32>} : memref<16x1024xf32, #tpu.memory_space<vmem>>, vector<1x16xf32>,
      %swap3A_413 = vector.shape_cast %swap3A_412 : vector<1x16xf32> to vector<16xf32>
      %swap3A_414 = vector.shape_cast %add3A_409 : vector<16xf32> to vector<1x16xf32>
      tpu.vector_store %arg7[%swap3A_410, %swap3A_411], %swap3A_414 {strides = array<i32>} : memref<16x1024xf32, #tpu.memory_space<vmem>>, vector<1x16xf32>,
      %get3A_415 = arith.index_cast %scan3A_192 : i32 to index
      %get3A_416 = arith.constant 256 : index
      %get3A_417 = tpu.vector_load %arg7[%get3A_415, %get3A_416] {strides = array<i32>} : memref<16x1024xf32, #tpu.memory_space<vmem>>, vector<1x16xf32>,
      %get3A_418 = vector.shape_cast %get3A_417 : vector<1x16xf32> to vector<16xf32>
      %get3A_419 = arith.index_cast %scan3A_192 : i32 to index
      %get3A_420 = arith.constant 256 : index
      %get3A_421 = tpu.vector_load %arg5[%get3A_419, %get3A_420] {strides = array<i32>} : memref<16x1024xf32, #tpu.memory_space<vmem>>, vector<1x16xf32>,
      %get3A_422 = vector.shape_cast %get3A_421 : vector<1x16xf32> to vector<16xf32>
      %add3A_423 = arith.addf %get3A_418, %get3A_422 : vector<16xf32>
      %swap3A_424 = arith.index_cast %scan3A_192 : i32 to index
      %swap3A_425 = arith.constant 256 : index
      %swap3A_426 = tpu.vector_load %arg7[%swap3A_424, %swap3A_425] {strides = array<i32>} : memref<16x1024xf32, #tpu.memory_space<vmem>>, vector<1x16xf32>,
      %swap3A_427 = vector.shape_cast %swap3A_426 : vector<1x16xf32> to vector<16xf32>
      %swap3A_428 = vector.shape_cast %add3A_423 : vector<16xf32> to vector<1x16xf32>
      tpu.vector_store %arg7[%swap3A_424, %swap3A_425], %swap3A_428 {strides = array<i32>} : memref<16x1024xf32, #tpu.memory_space<vmem>>, vector<1x16xf32>,
      %get3A_429 = arith.index_cast %scan3A_192 : i32 to index
      %get3A_430 = arith.constant 272 : index
      %get3A_431 = tpu.vector_load %arg7[%get3A_429, %get3A_430] {strides = array<i32>} : memref<16x1024xf32, #tpu.memory_space<vmem>>, vector<1x16xf32>,
      %get3A_432 = vector.shape_cast %get3A_431 : vector<1x16xf32> to vector<16xf32>
      %get3A_433 = arith.index_cast %scan3A_192 : i32 to index
      %get3A_434 = arith.constant 272 : index
      %get3A_435 = tpu.vector_load %arg5[%get3A_433, %get3A_434] {strides = array<i32>} : memref<16x1024xf32, #tpu.memory_space<vmem>>, vector<1x16xf32>,
      %get3A_436 = vector.shape_cast %get3A_435 : vector<1x16xf32> to vector<16xf32>
      %add3A_437 = arith.addf %get3A_432, %get3A_436 : vector<16xf32>
      %swap3A_438 = arith.index_cast %scan3A_192 : i32 to index
      %swap3A_439 = arith.constant 272 : index
      %swap3A_440 = tpu.vector_load %arg7[%swap3A_438, %swap3A_439] {strides = array<i32>} : memref<16x1024xf32, #tpu.memory_space<vmem>>, vector<1x16xf32>,
      %swap3A_441 = vector.shape_cast %swap3A_440 : vector<1x16xf32> to vector<16xf32>
      %swap3A_442 = vector.shape_cast %add3A_437 : vector<16xf32> to vector<1x16xf32>
      tpu.vector_store %arg7[%swap3A_438, %swap3A_439], %swap3A_442 {strides = array<i32>} : memref<16x1024xf32, #tpu.memory_space<vmem>>, vector<1x16xf32>,
      %get3A_443 = arith.index_cast %scan3A_192 : i32 to index
      %get3A_444 = arith.constant 288 : index
      %get3A_445 = tpu.vector_load %arg7[%get3A_443, %get3A_444] {strides = array<i32>} : memref<16x1024xf32, #tpu.memory_space<vmem>>, vector<1x16xf32>,
      %get3A_446 = vector.shape_cast %get3A_445 : vector<1x16xf32> to vector<16xf32>
      %get3A_447 = arith.index_cast %scan3A_192 : i32 to index
      %get3A_448 = arith.constant 288 : index
      %get3A_449 = tpu.vector_load %arg5[%get3A_447, %get3A_448] {strides = array<i32>} : memref<16x1024xf32, #tpu.memory_space<vmem>>, vector<1x16xf32>,
      %get3A_450 = vector.shape_cast %get3A_449 : vector<1x16xf32> to vector<16xf32>
      %add3A_451 = arith.addf %get3A_446, %get3A_450 : vector<16xf32>
      %swap3A_452 = arith.index_cast %scan3A_192 : i32 to index
      %swap3A_453 = arith.constant 288 : index
      %swap3A_454 = tpu.vector_load %arg7[%swap3A_452, %swap3A_453] {strides = array<i32>} : memref<16x1024xf32, #tpu.memory_space<vmem>>, vector<1x16xf32>,
      %swap3A_455 = vector.shape_cast %swap3A_454 : vector<1x16xf32> to vector<16xf32>
      %swap3A_456 = vector.shape_cast %add3A_451 : vector<16xf32> to vector<1x16xf32>
      tpu.vector_store %arg7[%swap3A_452, %swap3A_453], %swap3A_456 {strides = array<i32>} : memref<16x1024xf32, #tpu.memory_space<vmem>>, vector<1x16xf32>,
      %get3A_457 = arith.index_cast %scan3A_192 : i32 to index
      %get3A_458 = arith.constant 304 : index
      %get3A_459 = tpu.vector_load %arg7[%get3A_457, %get3A_458] {strides = array<i32>} : memref<16x1024xf32, #tpu.memory_space<vmem>>, vector<1x16xf32>,
      %get3A_460 = vector.shape_cast %get3A_459 : vector<1x16xf32> to vector<16xf32>
      %get3A_461 = arith.index_cast %scan3A_192 : i32 to index
      %get3A_462 = arith.constant 304 : index
      %get3A_463 = tpu.vector_load %arg5[%get3A_461, %get3A_462] {strides = array<i32>} : memref<16x1024xf32, #tpu.memory_space<vmem>>, vector<1x16xf32>,
      %get3A_464 = vector.shape_cast %get3A_463 : vector<1x16xf32> to vector<16xf32>
      %add3A_465 = arith.addf %get3A_460, %get3A_464 : vector<16xf32>
      %swap3A_466 = arith.index_cast %scan3A_192 : i32 to index
      %swap3A_467 = arith.constant 304 : index
      %swap3A_468 = tpu.vector_load %arg7[%swap3A_466, %swap3A_467] {strides = array<i32>} : memref<16x1024xf32, #tpu.memory_space<vmem>>, vector<1x16xf32>,
      %swap3A_469 = vector.shape_cast %swap3A_468 : vector<1x16xf32> to vector<16xf32>
      %swap3A_470 = vector.shape_cast %add3A_465 : vector<16xf32> to vector<1x16xf32>
      tpu.vector_store %arg7[%swap3A_466, %swap3A_467], %swap3A_470 {strides = array<i32>} : memref<16x1024xf32, #tpu.memory_space<vmem>>, vector<1x16xf32>,
      %get3A_471 = arith.index_cast %scan3A_192 : i32 to index
      %get3A_472 = arith.constant 320 : index
      %get3A_473 = tpu.vector_load %arg7[%get3A_471, %get3A_472] {strides = array<i32>} : memref<16x1024xf32, #tpu.memory_space<vmem>>, vector<1x16xf32>,
      %get3A_474 = vector.shape_cast %get3A_473 : vector<1x16xf32> to vector<16xf32>
      %get3A_475 = arith.index_cast %scan3A_192 : i32 to index
      %get3A_476 = arith.constant 320 : index
      %get3A_477 = tpu.vector_load %arg5[%get3A_475, %get3A_476] {strides = array<i32>} : memref<16x1024xf32, #tpu.memory_space<vmem>>, vector<1x16xf32>,
      %get3A_478 = vector.shape_cast %get3A_477 : vector<1x16xf32> to vector<16xf32>
      %add3A_479 = arith.addf %get3A_474, %get3A_478 : vector<16xf32>
      %swap3A_480 = arith.index_cast %scan3A_192 : i32 to index
      %swap3A_481 = arith.constant 320 : index
      %swap3A_482 = tpu.vector_load %arg7[%swap3A_480, %swap3A_481] {strides = array<i32>} : memref<16x1024xf32, #tpu.memory_space<vmem>>, vector<1x16xf32>,
      %swap3A_483 = vector.shape_cast %swap3A_482 : vector<1x16xf32> to vector<16xf32>
      %swap3A_484 = vector.shape_cast %add3A_479 : vector<16xf32> to vector<1x16xf32>
      tpu.vector_store %arg7[%swap3A_480, %swap3A_481], %swap3A_484 {strides = array<i32>} : memref<16x1024xf32, #tpu.memory_space<vmem>>, vector<1x16xf32>,
      %get3A_485 = arith.index_cast %scan3A_192 : i32 to index
      %get3A_486 = arith.constant 336 : index
      %get3A_487 = tpu.vector_load %arg7[%get3A_485, %get3A_486] {strides = array<i32>} : memref<16x1024xf32, #tpu.memory_space<vmem>>, vector<1x16xf32>,
      %get3A_488 = vector.shape_cast %get3A_487 : vector<1x16xf32> to vector<16xf32>
      %get3A_489 = arith.index_cast %scan3A_192 : i32 to index
      %get3A_490 = arith.constant 336 : index
      %get3A_491 = tpu.vector_load %arg5[%get3A_489, %get3A_490] {strides = array<i32>} : memref<16x1024xf32, #tpu.memory_space<vmem>>, vector<1x16xf32>,
      %get3A_492 = vector.shape_cast %get3A_491 : vector<1x16xf32> to vector<16xf32>
      %add3A_493 = arith.addf %get3A_488, %get3A_492 : vector<16xf32>
      %swap3A_494 = arith.index_cast %scan3A_192 : i32 to index
      %swap3A_495 = arith.constant 336 : index
      %swap3A_496 = tpu.vector_load %arg7[%swap3A_494, %swap3A_495] {strides = array<i32>} : memref<16x1024xf32, #tpu.memory_space<vmem>>, vector<1x16xf32>,
      %swap3A_497 = vector.shape_cast %swap3A_496 : vector<1x16xf32> to vector<16xf32>
      %swap3A_498 = vector.shape_cast %add3A_493 : vector<16xf32> to vector<1x16xf32>
      tpu.vector_store %arg7[%swap3A_494, %swap3A_495], %swap3A_498 {strides = array<i32>} : memref<16x1024xf32, #tpu.memory_space<vmem>>, vector<1x16xf32>,
      %get3A_499 = arith.index_cast %scan3A_192 : i32 to index
      %get3A_500 = arith.constant 352 : index
      %get3A_501 = tpu.vector_load %arg7[%get3A_499, %get3A_500] {strides = array<i32>} : memref<16x1024xf32, #tpu.memory_space<vmem>>, vector<1x16xf32>,
      %get3A_502 = vector.shape_cast %get3A_501 : vector<1x16xf32> to vector<16xf32>
      %get3A_503 = arith.index_cast %scan3A_192 : i32 to index
      %get3A_504 = arith.constant 352 : index
      %get3A_505 = tpu.vector_load %arg5[%get3A_503, %get3A_504] {strides = array<i32>} : memref<16x1024xf32, #tpu.memory_space<vmem>>, vector<1x16xf32>,
      %get3A_506 = vector.shape_cast %get3A_505 : vector<1x16xf32> to vector<16xf32>
      %add3A_507 = arith.addf %get3A_502, %get3A_506 : vector<16xf32>
      %swap3A_508 = arith.index_cast %scan3A_192 : i32 to index
      %swap3A_509 = arith.constant 352 : index
      %swap3A_510 = tpu.vector_load %arg7[%swap3A_508, %swap3A_509] {strides = array<i32>} : memref<16x1024xf32, #tpu.memory_space<vmem>>, vector<1x16xf32>,
      %swap3A_511 = vector.shape_cast %swap3A_510 : vector<1x16xf32> to vector<16xf32>
      %swap3A_512 = vector.shape_cast %add3A_507 : vector<16xf32> to vector<1x16xf32>
      tpu.vector_store %arg7[%swap3A_508, %swap3A_509], %swap3A_512 {strides = array<i32>} : memref<16x1024xf32, #tpu.memory_space<vmem>>, vector<1x16xf32>,
      %get3A_513 = arith.index_cast %scan3A_192 : i32 to index
      %get3A_514 = arith.constant 368 : index
      %get3A_515 = tpu.vector_load %arg7[%get3A_513, %get3A_514] {strides = array<i32>} : memref<16x1024xf32, #tpu.memory_space<vmem>>, vector<1x16xf32>,
      %get3A_516 = vector.shape_cast %get3A_515 : vector<1x16xf32> to vector<16xf32>
      %get3A_517 = arith.index_cast %scan3A_192 : i32 to index
      %get3A_518 = arith.constant 368 : index
      %get3A_519 = tpu.vector_load %arg5[%get3A_517, %get3A_518] {strides = array<i32>} : memref<16x1024xf32, #tpu.memory_space<vmem>>, vector<1x16xf32>,
      %get3A_520 = vector.shape_cast %get3A_519 : vector<1x16xf32> to vector<16xf32>
      %add3A_521 = arith.addf %get3A_516, %get3A_520 : vector<16xf32>
      %swap3A_522 = arith.index_cast %scan3A_192 : i32 to index
      %swap3A_523 = arith.constant 368 : index
      %swap3A_524 = tpu.vector_load %arg7[%swap3A_522, %swap3A_523] {strides = array<i32>} : memref<16x1024xf32, #tpu.memory_space<vmem>>, vector<1x16xf32>,
      %swap3A_525 = vector.shape_cast %swap3A_524 : vector<1x16xf32> to vector<16xf32>
      %swap3A_526 = vector.shape_cast %add3A_521 : vector<16xf32> to vector<1x16xf32>
      tpu.vector_store %arg7[%swap3A_522, %swap3A_523], %swap3A_526 {strides = array<i32>} : memref<16x1024xf32, #tpu.memory_space<vmem>>, vector<1x16xf32>,
      %get3A_527 = arith.index_cast %scan3A_192 : i32 to index
      %get3A_528 = arith.constant 384 : index
      %get3A_529 = tpu.vector_load %arg7[%get3A_527, %get3A_528] {strides = array<i32>} : memref<16x1024xf32, #tpu.memory_space<vmem>>, vector<1x16xf32>,
      %get3A_530 = vector.shape_cast %get3A_529 : vector<1x16xf32> to vector<16xf32>
      %get3A_531 = arith.index_cast %scan3A_192 : i32 to index
      %get3A_532 = arith.constant 384 : index
      %get3A_533 = tpu.vector_load %arg5[%get3A_531, %get3A_532] {strides = array<i32>} : memref<16x1024xf32, #tpu.memory_space<vmem>>, vector<1x16xf32>,
      %get3A_534 = vector.shape_cast %get3A_533 : vector<1x16xf32> to vector<16xf32>
      %add3A_535 = arith.addf %get3A_530, %get3A_534 : vector<16xf32>
      %swap3A_536 = arith.index_cast %scan3A_192 : i32 to index
      %swap3A_537 = arith.constant 384 : index
      %swap3A_538 = tpu.vector_load %arg7[%swap3A_536, %swap3A_537] {strides = array<i32>} : memref<16x1024xf32, #tpu.memory_space<vmem>>, vector<1x16xf32>,
      %swap3A_539 = vector.shape_cast %swap3A_538 : vector<1x16xf32> to vector<16xf32>
      %swap3A_540 = vector.shape_cast %add3A_535 : vector<16xf32> to vector<1x16xf32>
      tpu.vector_store %arg7[%swap3A_536, %swap3A_537], %swap3A_540 {strides = array<i32>} : memref<16x1024xf32, #tpu.memory_space<vmem>>, vector<1x16xf32>,
      %get3A_541 = arith.index_cast %scan3A_192 : i32 to index
      %get3A_542 = arith.constant 400 : index
      %get3A_543 = tpu.vector_load %arg7[%get3A_541, %get3A_542] {strides = array<i32>} : memref<16x1024xf32, #tpu.memory_space<vmem>>, vector<1x16xf32>,
      %get3A_544 = vector.shape_cast %get3A_543 : vector<1x16xf32> to vector<16xf32>
      %get3A_545 = arith.index_cast %scan3A_192 : i32 to index
      %get3A_546 = arith.constant 400 : index
      %get3A_547 = tpu.vector_load %arg5[%get3A_545, %get3A_546] {strides = array<i32>} : memref<16x1024xf32, #tpu.memory_space<vmem>>, vector<1x16xf32>,
      %get3A_548 = vector.shape_cast %get3A_547 : vector<1x16xf32> to vector<16xf32>
      %add3A_549 = arith.addf %get3A_544, %get3A_548 : vector<16xf32>
      %swap3A_550 = arith.index_cast %scan3A_192 : i32 to index
      %swap3A_551 = arith.constant 400 : index
      %swap3A_552 = tpu.vector_load %arg7[%swap3A_550, %swap3A_551] {strides = array<i32>} : memref<16x1024xf32, #tpu.memory_space<vmem>>, vector<1x16xf32>,
      %swap3A_553 = vector.shape_cast %swap3A_552 : vector<1x16xf32> to vector<16xf32>
      %swap3A_554 = vector.shape_cast %add3A_549 : vector<16xf32> to vector<1x16xf32>
      tpu.vector_store %arg7[%swap3A_550, %swap3A_551], %swap3A_554 {strides = array<i32>} : memref<16x1024xf32, #tpu.memory_space<vmem>>, vector<1x16xf32>,
      %get3A_555 = arith.index_cast %scan3A_192 : i32 to index
      %get3A_556 = arith.constant 416 : index
      %get3A_557 = tpu.vector_load %arg7[%get3A_555, %get3A_556] {strides = array<i32>} : memref<16x1024xf32, #tpu.memory_space<vmem>>, vector<1x16xf32>,
      %get3A_558 = vector.shape_cast %get3A_557 : vector<1x16xf32> to vector<16xf32>
      %get3A_559 = arith.index_cast %scan3A_192 : i32 to index
      %get3A_560 = arith.constant 416 : index
      %get3A_561 = tpu.vector_load %arg5[%get3A_559, %get3A_560] {strides = array<i32>} : memref<16x1024xf32, #tpu.memory_space<vmem>>, vector<1x16xf32>,
      %get3A_562 = vector.shape_cast %get3A_561 : vector<1x16xf32> to vector<16xf32>
      %add3A_563 = arith.addf %get3A_558, %get3A_562 : vector<16xf32>
      %swap3A_564 = arith.index_cast %scan3A_192 : i32 to index
      %swap3A_565 = arith.constant 416 : index
      %swap3A_566 = tpu.vector_load %arg7[%swap3A_564, %swap3A_565] {strides = array<i32>} : memref<16x1024xf32, #tpu.memory_space<vmem>>, vector<1x16xf32>,
      %swap3A_567 = vector.shape_cast %swap3A_566 : vector<1x16xf32> to vector<16xf32>
      %swap3A_568 = vector.shape_cast %add3A_563 : vector<16xf32> to vector<1x16xf32>
      tpu.vector_store %arg7[%swap3A_564, %swap3A_565], %swap3A_568 {strides = array<i32>} : memref<16x1024xf32, #tpu.memory_space<vmem>>, vector<1x16xf32>,
      %get3A_569 = arith.index_cast %scan3A_192 : i32 to index
      %get3A_570 = arith.constant 432 : index
      %get3A_571 = tpu.vector_load %arg7[%get3A_569, %get3A_570] {strides = array<i32>} : memref<16x1024xf32, #tpu.memory_space<vmem>>, vector<1x16xf32>,
      %get3A_572 = vector.shape_cast %get3A_571 : vector<1x16xf32> to vector<16xf32>
      %get3A_573 = arith.index_cast %scan3A_192 : i32 to index
      %get3A_574 = arith.constant 432 : index
      %get3A_575 = tpu.vector_load %arg5[%get3A_573, %get3A_574] {strides = array<i32>} : memref<16x1024xf32, #tpu.memory_space<vmem>>, vector<1x16xf32>,
      %get3A_576 = vector.shape_cast %get3A_575 : vector<1x16xf32> to vector<16xf32>
      %add3A_577 = arith.addf %get3A_572, %get3A_576 : vector<16xf32>
      %swap3A_578 = arith.index_cast %scan3A_192 : i32 to index
      %swap3A_579 = arith.constant 432 : index
      %swap3A_580 = tpu.vector_load %arg7[%swap3A_578, %swap3A_579] {strides = array<i32>} : memref<16x1024xf32, #tpu.memory_space<vmem>>, vector<1x16xf32>,
      %swap3A_581 = vector.shape_cast %swap3A_580 : vector<1x16xf32> to vector<16xf32>
      %swap3A_582 = vector.shape_cast %add3A_577 : vector<16xf32> to vector<1x16xf32>
      tpu.vector_store %arg7[%swap3A_578, %swap3A_579], %swap3A_582 {strides = array<i32>} : memref<16x1024xf32, #tpu.memory_space<vmem>>, vector<1x16xf32>,
      %get3A_583 = arith.index_cast %scan3A_192 : i32 to index
      %get3A_584 = arith.constant 448 : index
      %get3A_585 = tpu.vector_load %arg7[%get3A_583, %get3A_584] {strides = array<i32>} : memref<16x1024xf32, #tpu.memory_space<vmem>>, vector<1x16xf32>,
      %get3A_586 = vector.shape_cast %get3A_585 : vector<1x16xf32> to vector<16xf32>
      %get3A_587 = arith.index_cast %scan3A_192 : i32 to index
      %get3A_588 = arith.constant 448 : index
      %get3A_589 = tpu.vector_load %arg5[%get3A_587, %get3A_588] {strides = array<i32>} : memref<16x1024xf32, #tpu.memory_space<vmem>>, vector<1x16xf32>,
      %get3A_590 = vector.shape_cast %get3A_589 : vector<1x16xf32> to vector<16xf32>
      %add3A_591 = arith.addf %get3A_586, %get3A_590 : vector<16xf32>
      %swap3A_592 = arith.index_cast %scan3A_192 : i32 to index
      %swap3A_593 = arith.constant 448 : index
      %swap3A_594 = tpu.vector_load %arg7[%swap3A_592, %swap3A_593] {strides = array<i32>} : memref<16x1024xf32, #tpu.memory_space<vmem>>, vector<1x16xf32>,
      %swap3A_595 = vector.shape_cast %swap3A_594 : vector<1x16xf32> to vector<16xf32>
      %swap3A_596 = vector.shape_cast %add3A_591 : vector<16xf32> to vector<1x16xf32>
      tpu.vector_store %arg7[%swap3A_592, %swap3A_593], %swap3A_596 {strides = array<i32>} : memref<16x1024xf32, #tpu.memory_space<vmem>>, vector<1x16xf32>,
      %get3A_597 = arith.index_cast %scan3A_192 : i32 to index
      %get3A_598 = arith.constant 464 : index
      %get3A_599 = tpu.vector_load %arg7[%get3A_597, %get3A_598] {strides = array<i32>} : memref<16x1024xf32, #tpu.memory_space<vmem>>, vector<1x16xf32>,
      %get3A_600 = vector.shape_cast %get3A_599 : vector<1x16xf32> to vector<16xf32>
      %get3A_601 = arith.index_cast %scan3A_192 : i32 to index
      %get3A_602 = arith.constant 464 : index
      %get3A_603 = tpu.vector_load %arg5[%get3A_601, %get3A_602] {strides = array<i32>} : memref<16x1024xf32, #tpu.memory_space<vmem>>, vector<1x16xf32>,
      %get3A_604 = vector.shape_cast %get3A_603 : vector<1x16xf32> to vector<16xf32>
      %add3A_605 = arith.addf %get3A_600, %get3A_604 : vector<16xf32>
      %swap3A_606 = arith.index_cast %scan3A_192 : i32 to index
      %swap3A_607 = arith.constant 464 : index
      %swap3A_608 = tpu.vector_load %arg7[%swap3A_606, %swap3A_607] {strides = array<i32>} : memref<16x1024xf32, #tpu.memory_space<vmem>>, vector<1x16xf32>,
      %swap3A_609 = vector.shape_cast %swap3A_608 : vector<1x16xf32> to vector<16xf32>
      %swap3A_610 = vector.shape_cast %add3A_605 : vector<16xf32> to vector<1x16xf32>
      tpu.vector_store %arg7[%swap3A_606, %swap3A_607], %swap3A_610 {strides = array<i32>} : memref<16x1024xf32, #tpu.memory_space<vmem>>, vector<1x16xf32>,
      %get3A_611 = arith.index_cast %scan3A_192 : i32 to index
      %get3A_612 = arith.constant 480 : index
      %get3A_613 = tpu.vector_load %arg7[%get3A_611, %get3A_612] {strides = array<i32>} : memref<16x1024xf32, #tpu.memory_space<vmem>>, vector<1x16xf32>,
      %get3A_614 = vector.shape_cast %get3A_613 : vector<1x16xf32> to vector<16xf32>
      %get3A_615 = arith.index_cast %scan3A_192 : i32 to index
      %get3A_616 = arith.constant 480 : index
      %get3A_617 = tpu.vector_load %arg5[%get3A_615, %get3A_616] {strides = array<i32>} : memref<16x1024xf32, #tpu.memory_space<vmem>>, vector<1x16xf32>,
      %get3A_618 = vector.shape_cast %get3A_617 : vector<1x16xf32> to vector<16xf32>
      %add3A_619 = arith.addf %get3A_614, %get3A_618 : vector<16xf32>
      %swap3A_620 = arith.index_cast %scan3A_192 : i32 to index
      %swap3A_621 = arith.constant 480 : index
      %swap3A_622 = tpu.vector_load %arg7[%swap3A_620, %swap3A_621] {strides = array<i32>} : memref<16x1024xf32, #tpu.memory_space<vmem>>, vector<1x16xf32>,
      %swap3A_623 = vector.shape_cast %swap3A_622 : vector<1x16xf32> to vector<16xf32>
      %swap3A_624 = vector.shape_cast %add3A_619 : vector<16xf32> to vector<1x16xf32>
      tpu.vector_store %arg7[%swap3A_620, %swap3A_621], %swap3A_624 {strides = array<i32>} : memref<16x1024xf32, #tpu.memory_space<vmem>>, vector<1x16xf32>,
      %get3A_625 = arith.index_cast %scan3A_192 : i32 to index
      %get3A_626 = arith.constant 496 : index
      %get3A_627 = tpu.vector_load %arg7[%get3A_625, %get3A_626] {strides = array<i32>} : memref<16x1024xf32, #tpu.memory_space<vmem>>, vector<1x16xf32>,
      %get3A_628 = vector.shape_cast %get3A_627 : vector<1x16xf32> to vector<16xf32>
      %get3A_629 = arith.index_cast %scan3A_192 : i32 to index
      %get3A_630 = arith.constant 496 : index
      %get3A_631 = tpu.vector_load %arg5[%get3A_629, %get3A_630] {strides = array<i32>} : memref<16x1024xf32, #tpu.memory_space<vmem>>, vector<1x16xf32>,
      %get3A_632 = vector.shape_cast %get3A_631 : vector<1x16xf32> to vector<16xf32>
      %add3A_633 = arith.addf %get3A_628, %get3A_632 : vector<16xf32>
      %swap3A_634 = arith.index_cast %scan3A_192 : i32 to index
      %swap3A_635 = arith.constant 496 : index
      %swap3A_636 = tpu.vector_load %arg7[%swap3A_634, %swap3A_635] {strides = array<i32>} : memref<16x1024xf32, #tpu.memory_space<vmem>>, vector<1x16xf32>,
      %swap3A_637 = vector.shape_cast %swap3A_636 : vector<1x16xf32> to vector<16xf32>
      %swap3A_638 = vector.shape_cast %add3A_633 : vector<16xf32> to vector<1x16xf32>
      tpu.vector_store %arg7[%swap3A_634, %swap3A_635], %swap3A_638 {strides = array<i32>} : memref<16x1024xf32, #tpu.memory_space<vmem>>, vector<1x16xf32>,
      %get3A_639 = arith.index_cast %scan3A_192 : i32 to index
      %get3A_640 = arith.constant 512 : index
      %get3A_641 = tpu.vector_load %arg7[%get3A_639, %get3A_640] {strides = array<i32>} : memref<16x1024xf32, #tpu.memory_space<vmem>>, vector<1x16xf32>,
      %get3A_642 = vector.shape_cast %get3A_641 : vector<1x16xf32> to vector<16xf32>
      %get3A_643 = arith.index_cast %scan3A_192 : i32 to index
      %get3A_644 = arith.constant 512 : index
      %get3A_645 = tpu.vector_load %arg5[%get3A_643, %get3A_644] {strides = array<i32>} : memref<16x1024xf32, #tpu.memory_space<vmem>>, vector<1x16xf32>,
      %get3A_646 = vector.shape_cast %get3A_645 : vector<1x16xf32> to vector<16xf32>
      %add3A_647 = arith.addf %get3A_642, %get3A_646 : vector<16xf32>
      %swap3A_648 = arith.index_cast %scan3A_192 : i32 to index
      %swap3A_649 = arith.constant 512 : index
      %swap3A_650 = tpu.vector_load %arg7[%swap3A_648, %swap3A_649] {strides = array<i32>} : memref<16x1024xf32, #tpu.memory_space<vmem>>, vector<1x16xf32>,
      %swap3A_651 = vector.shape_cast %swap3A_650 : vector<1x16xf32> to vector<16xf32>
      %swap3A_652 = vector.shape_cast %add3A_647 : vector<16xf32> to vector<1x16xf32>
      tpu.vector_store %arg7[%swap3A_648, %swap3A_649], %swap3A_652 {strides = array<i32>} : memref<16x1024xf32, #tpu.memory_space<vmem>>, vector<1x16xf32>,
      %get3A_653 = arith.index_cast %scan3A_192 : i32 to index
      %get3A_654 = arith.constant 528 : index
      %get3A_655 = tpu.vector_load %arg7[%get3A_653, %get3A_654] {strides = array<i32>} : memref<16x1024xf32, #tpu.memory_space<vmem>>, vector<1x16xf32>,
      %get3A_656 = vector.shape_cast %get3A_655 : vector<1x16xf32> to vector<16xf32>
      %get3A_657 = arith.index_cast %scan3A_192 : i32 to index
      %get3A_658 = arith.constant 528 : index
      %get3A_659 = tpu.vector_load %arg5[%get3A_657, %get3A_658] {strides = array<i32>} : memref<16x1024xf32, #tpu.memory_space<vmem>>, vector<1x16xf32>,
      %get3A_660 = vector.shape_cast %get3A_659 : vector<1x16xf32> to vector<16xf32>
      %add3A_661 = arith.addf %get3A_656, %get3A_660 : vector<16xf32>
      %swap3A_662 = arith.index_cast %scan3A_192 : i32 to index
      %swap3A_663 = arith.constant 528 : index
      %swap3A_664 = tpu.vector_load %arg7[%swap3A_662, %swap3A_663] {strides = array<i32>} : memref<16x1024xf32, #tpu.memory_space<vmem>>, vector<1x16xf32>,
      %swap3A_665 = vector.shape_cast %swap3A_664 : vector<1x16xf32> to vector<16xf32>
      %swap3A_666 = vector.shape_cast %add3A_661 : vector<16xf32> to vector<1x16xf32>
      tpu.vector_store %arg7[%swap3A_662, %swap3A_663], %swap3A_666 {strides = array<i32>} : memref<16x1024xf32, #tpu.memory_space<vmem>>, vector<1x16xf32>,
      %get3A_667 = arith.index_cast %scan3A_192 : i32 to index
      %get3A_668 = arith.constant 544 : index
      %get3A_669 = tpu.vector_load %arg7[%get3A_667, %get3A_668] {strides = array<i32>} : memref<16x1024xf32, #tpu.memory_space<vmem>>, vector<1x16xf32>,
      %get3A_670 = vector.shape_cast %get3A_669 : vector<1x16xf32> to vector<16xf32>
      %get3A_671 = arith.index_cast %scan3A_192 : i32 to index
      %get3A_672 = arith.constant 544 : index
      %get3A_673 = tpu.vector_load %arg5[%get3A_671, %get3A_672] {strides = array<i32>} : memref<16x1024xf32, #tpu.memory_space<vmem>>, vector<1x16xf32>,
      %get3A_674 = vector.shape_cast %get3A_673 : vector<1x16xf32> to vector<16xf32>
      %add3A_675 = arith.addf %get3A_670, %get3A_674 : vector<16xf32>
      %swap3A_676 = arith.index_cast %scan3A_192 : i32 to index
      %swap3A_677 = arith.constant 544 : index
      %swap3A_678 = tpu.vector_load %arg7[%swap3A_676, %swap3A_677] {strides = array<i32>} : memref<16x1024xf32, #tpu.memory_space<vmem>>, vector<1x16xf32>,
      %swap3A_679 = vector.shape_cast %swap3A_678 : vector<1x16xf32> to vector<16xf32>
      %swap3A_680 = vector.shape_cast %add3A_675 : vector<16xf32> to vector<1x16xf32>
      tpu.vector_store %arg7[%swap3A_676, %swap3A_677], %swap3A_680 {strides = array<i32>} : memref<16x1024xf32, #tpu.memory_space<vmem>>, vector<1x16xf32>,
      %get3A_681 = arith.index_cast %scan3A_192 : i32 to index
      %get3A_682 = arith.constant 560 : index
      %get3A_683 = tpu.vector_load %arg7[%get3A_681, %get3A_682] {strides = array<i32>} : memref<16x1024xf32, #tpu.memory_space<vmem>>, vector<1x16xf32>,
      %get3A_684 = vector.shape_cast %get3A_683 : vector<1x16xf32> to vector<16xf32>
      %get3A_685 = arith.index_cast %scan3A_192 : i32 to index
      %get3A_686 = arith.constant 560 : index
      %get3A_687 = tpu.vector_load %arg5[%get3A_685, %get3A_686] {strides = array<i32>} : memref<16x1024xf32, #tpu.memory_space<vmem>>, vector<1x16xf32>,
      %get3A_688 = vector.shape_cast %get3A_687 : vector<1x16xf32> to vector<16xf32>
      %add3A_689 = arith.addf %get3A_684, %get3A_688 : vector<16xf32>
      %swap3A_690 = arith.index_cast %scan3A_192 : i32 to index
      %swap3A_691 = arith.constant 560 : index
      %swap3A_692 = tpu.vector_load %arg7[%swap3A_690, %swap3A_691] {strides = array<i32>} : memref<16x1024xf32, #tpu.memory_space<vmem>>, vector<1x16xf32>,
      %swap3A_693 = vector.shape_cast %swap3A_692 : vector<1x16xf32> to vector<16xf32>
      %swap3A_694 = vector.shape_cast %add3A_689 : vector<16xf32> to vector<1x16xf32>
      tpu.vector_store %arg7[%swap3A_690, %swap3A_691], %swap3A_694 {strides = array<i32>} : memref<16x1024xf32, #tpu.memory_space<vmem>>, vector<1x16xf32>,
      %get3A_695 = arith.index_cast %scan3A_192 : i32 to index
      %get3A_696 = arith.constant 576 : index
      %get3A_697 = tpu.vector_load %arg7[%get3A_695, %get3A_696] {strides = array<i32>} : memref<16x1024xf32, #tpu.memory_space<vmem>>, vector<1x16xf32>,
      %get3A_698 = vector.shape_cast %get3A_697 : vector<1x16xf32> to vector<16xf32>
      %get3A_699 = arith.index_cast %scan3A_192 : i32 to index
      %get3A_700 = arith.constant 576 : index
      %get3A_701 = tpu.vector_load %arg5[%get3A_699, %get3A_700] {strides = array<i32>} : memref<16x1024xf32, #tpu.memory_space<vmem>>, vector<1x16xf32>,
      %get3A_702 = vector.shape_cast %get3A_701 : vector<1x16xf32> to vector<16xf32>
      %add3A_703 = arith.addf %get3A_698, %get3A_702 : vector<16xf32>
      %swap3A_704 = arith.index_cast %scan3A_192 : i32 to index
      %swap3A_705 = arith.constant 576 : index
      %swap3A_706 = tpu.vector_load %arg7[%swap3A_704, %swap3A_705] {strides = array<i32>} : memref<16x1024xf32, #tpu.memory_space<vmem>>, vector<1x16xf32>,
      %swap3A_707 = vector.shape_cast %swap3A_706 : vector<1x16xf32> to vector<16xf32>
      %swap3A_708 = vector.shape_cast %add3A_703 : vector<16xf32> to vector<1x16xf32>
      tpu.vector_store %arg7[%swap3A_704, %swap3A_705], %swap3A_708 {strides = array<i32>} : memref<16x1024xf32, #tpu.memory_space<vmem>>, vector<1x16xf32>,
      %get3A_709 = arith.index_cast %scan3A_192 : i32 to index
      %get3A_710 = arith.constant 592 : index
      %get3A_711 = tpu.vector_load %arg7[%get3A_709, %get3A_710] {strides = array<i32>} : memref<16x1024xf32, #tpu.memory_space<vmem>>, vector<1x16xf32>,
      %get3A_712 = vector.shape_cast %get3A_711 : vector<1x16xf32> to vector<16xf32>
      %get3A_713 = arith.index_cast %scan3A_192 : i32 to index
      %get3A_714 = arith.constant 592 : index
      %get3A_715 = tpu.vector_load %arg5[%get3A_713, %get3A_714] {strides = array<i32>} : memref<16x1024xf32, #tpu.memory_space<vmem>>, vector<1x16xf32>,
      %get3A_716 = vector.shape_cast %get3A_715 : vector<1x16xf32> to vector<16xf32>
      %add3A_717 = arith.addf %get3A_712, %get3A_716 : vector<16xf32>
      %swap3A_718 = arith.index_cast %scan3A_192 : i32 to index
      %swap3A_719 = arith.constant 592 : index
      %swap3A_720 = tpu.vector_load %arg7[%swap3A_718, %swap3A_719] {strides = array<i32>} : memref<16x1024xf32, #tpu.memory_space<vmem>>, vector<1x16xf32>,
      %swap3A_721 = vector.shape_cast %swap3A_720 : vector<1x16xf32> to vector<16xf32>
      %swap3A_722 = vector.shape_cast %add3A_717 : vector<16xf32> to vector<1x16xf32>
      tpu.vector_store %arg7[%swap3A_718, %swap3A_719], %swap3A_722 {strides = array<i32>} : memref<16x1024xf32, #tpu.memory_space<vmem>>, vector<1x16xf32>,
      %get3A_723 = arith.index_cast %scan3A_192 : i32 to index
      %get3A_724 = arith.constant 608 : index
      %get3A_725 = tpu.vector_load %arg7[%get3A_723, %get3A_724] {strides = array<i32>} : memref<16x1024xf32, #tpu.memory_space<vmem>>, vector<1x16xf32>,
      %get3A_726 = vector.shape_cast %get3A_725 : vector<1x16xf32> to vector<16xf32>
      %get3A_727 = arith.index_cast %scan3A_192 : i32 to index
      %get3A_728 = arith.constant 608 : index
      %get3A_729 = tpu.vector_load %arg5[%get3A_727, %get3A_728] {strides = array<i32>} : memref<16x1024xf32, #tpu.memory_space<vmem>>, vector<1x16xf32>,
      %get3A_730 = vector.shape_cast %get3A_729 : vector<1x16xf32> to vector<16xf32>
      %add3A_731 = arith.addf %get3A_726, %get3A_730 : vector<16xf32>
      %swap3A_732 = arith.index_cast %scan3A_192 : i32 to index
      %swap3A_733 = arith.constant 608 : index
      %swap3A_734 = tpu.vector_load %arg7[%swap3A_732, %swap3A_733] {strides = array<i32>} : memref<16x1024xf32, #tpu.memory_space<vmem>>, vector<1x16xf32>,
      %swap3A_735 = vector.shape_cast %swap3A_734 : vector<1x16xf32> to vector<16xf32>
      %swap3A_736 = vector.shape_cast %add3A_731 : vector<16xf32> to vector<1x16xf32>
      tpu.vector_store %arg7[%swap3A_732, %swap3A_733], %swap3A_736 {strides = array<i32>} : memref<16x1024xf32, #tpu.memory_space<vmem>>, vector<1x16xf32>,
      %get3A_737 = arith.index_cast %scan3A_192 : i32 to index
      %get3A_738 = arith.constant 624 : index
      %get3A_739 = tpu.vector_load %arg7[%get3A_737, %get3A_738] {strides = array<i32>} : memref<16x1024xf32, #tpu.memory_space<vmem>>, vector<1x16xf32>,
      %get3A_740 = vector.shape_cast %get3A_739 : vector<1x16xf32> to vector<16xf32>
      %get3A_741 = arith.index_cast %scan3A_192 : i32 to index
      %get3A_742 = arith.constant 624 : index
      %get3A_743 = tpu.vector_load %arg5[%get3A_741, %get3A_742] {strides = array<i32>} : memref<16x1024xf32, #tpu.memory_space<vmem>>, vector<1x16xf32>,
      %get3A_744 = vector.shape_cast %get3A_743 : vector<1x16xf32> to vector<16xf32>
      %add3A_745 = arith.addf %get3A_740, %get3A_744 : vector<16xf32>
      %swap3A_746 = arith.index_cast %scan3A_192 : i32 to index
      %swap3A_747 = arith.constant 624 : index
      %swap3A_748 = tpu.vector_load %arg7[%swap3A_746, %swap3A_747] {strides = array<i32>} : memref<16x1024xf32, #tpu.memory_space<vmem>>, vector<1x16xf32>,
      %swap3A_749 = vector.shape_cast %swap3A_748 : vector<1x16xf32> to vector<16xf32>
      %swap3A_750 = vector.shape_cast %add3A_745 : vector<16xf32> to vector<1x16xf32>
      tpu.vector_store %arg7[%swap3A_746, %swap3A_747], %swap3A_750 {strides = array<i32>} : memref<16x1024xf32, #tpu.memory_space<vmem>>, vector<1x16xf32>,
      %get3A_751 = arith.index_cast %scan3A_192 : i32 to index
      %get3A_752 = arith.constant 640 : index
      %get3A_753 = tpu.vector_load %arg7[%get3A_751, %get3A_752] {strides = array<i32>} : memref<16x1024xf32, #tpu.memory_space<vmem>>, vector<1x16xf32>,
      %get3A_754 = vector.shape_cast %get3A_753 : vector<1x16xf32> to vector<16xf32>
      %get3A_755 = arith.index_cast %scan3A_192 : i32 to index
      %get3A_756 = arith.constant 640 : index
      %get3A_757 = tpu.vector_load %arg5[%get3A_755, %get3A_756] {strides = array<i32>} : memref<16x1024xf32, #tpu.memory_space<vmem>>, vector<1x16xf32>,
      %get3A_758 = vector.shape_cast %get3A_757 : vector<1x16xf32> to vector<16xf32>
      %add3A_759 = arith.addf %get3A_754, %get3A_758 : vector<16xf32>
      %swap3A_760 = arith.index_cast %scan3A_192 : i32 to index
      %swap3A_761 = arith.constant 640 : index
      %swap3A_762 = tpu.vector_load %arg7[%swap3A_760, %swap3A_761] {strides = array<i32>} : memref<16x1024xf32, #tpu.memory_space<vmem>>, vector<1x16xf32>,
      %swap3A_763 = vector.shape_cast %swap3A_762 : vector<1x16xf32> to vector<16xf32>
      %swap3A_764 = vector.shape_cast %add3A_759 : vector<16xf32> to vector<1x16xf32>
      tpu.vector_store %arg7[%swap3A_760, %swap3A_761], %swap3A_764 {strides = array<i32>} : memref<16x1024xf32, #tpu.memory_space<vmem>>, vector<1x16xf32>,
      %get3A_765 = arith.index_cast %scan3A_192 : i32 to index
      %get3A_766 = arith.constant 656 : index
      %get3A_767 = tpu.vector_load %arg7[%get3A_765, %get3A_766] {strides = array<i32>} : memref<16x1024xf32, #tpu.memory_space<vmem>>, vector<1x16xf32>,
      %get3A_768 = vector.shape_cast %get3A_767 : vector<1x16xf32> to vector<16xf32>
      %get3A_769 = arith.index_cast %scan3A_192 : i32 to index
      %get3A_770 = arith.constant 656 : index
      %get3A_771 = tpu.vector_load %arg5[%get3A_769, %get3A_770] {strides = array<i32>} : memref<16x1024xf32, #tpu.memory_space<vmem>>, vector<1x16xf32>,
      %get3A_772 = vector.shape_cast %get3A_771 : vector<1x16xf32> to vector<16xf32>
      %add3A_773 = arith.addf %get3A_768, %get3A_772 : vector<16xf32>
      %swap3A_774 = arith.index_cast %scan3A_192 : i32 to index
      %swap3A_775 = arith.constant 656 : index
      %swap3A_776 = tpu.vector_load %arg7[%swap3A_774, %swap3A_775] {strides = array<i32>} : memref<16x1024xf32, #tpu.memory_space<vmem>>, vector<1x16xf32>,
      %swap3A_777 = vector.shape_cast %swap3A_776 : vector<1x16xf32> to vector<16xf32>
      %swap3A_778 = vector.shape_cast %add3A_773 : vector<16xf32> to vector<1x16xf32>
      tpu.vector_store %arg7[%swap3A_774, %swap3A_775], %swap3A_778 {strides = array<i32>} : memref<16x1024xf32, #tpu.memory_space<vmem>>, vector<1x16xf32>,
      %get3A_779 = arith.index_cast %scan3A_192 : i32 to index
      %get3A_780 = arith.constant 672 : index
      %get3A_781 = tpu.vector_load %arg7[%get3A_779, %get3A_780] {strides = array<i32>} : memref<16x1024xf32, #tpu.memory_space<vmem>>, vector<1x16xf32>,
      %get3A_782 = vector.shape_cast %get3A_781 : vector<1x16xf32> to vector<16xf32>
      %get3A_783 = arith.index_cast %scan3A_192 : i32 to index
      %get3A_784 = arith.constant 672 : index
      %get3A_785 = tpu.vector_load %arg5[%get3A_783, %get3A_784] {strides = array<i32>} : memref<16x1024xf32, #tpu.memory_space<vmem>>, vector<1x16xf32>,
      %get3A_786 = vector.shape_cast %get3A_785 : vector<1x16xf32> to vector<16xf32>
      %add3A_787 = arith.addf %get3A_782, %get3A_786 : vector<16xf32>
      %swap3A_788 = arith.index_cast %scan3A_192 : i32 to index
      %swap3A_789 = arith.constant 672 : index
      %swap3A_790 = tpu.vector_load %arg7[%swap3A_788, %swap3A_789] {strides = array<i32>} : memref<16x1024xf32, #tpu.memory_space<vmem>>, vector<1x16xf32>,
      %swap3A_791 = vector.shape_cast %swap3A_790 : vector<1x16xf32> to vector<16xf32>
      %swap3A_792 = vector.shape_cast %add3A_787 : vector<16xf32> to vector<1x16xf32>
      tpu.vector_store %arg7[%swap3A_788, %swap3A_789], %swap3A_792 {strides = array<i32>} : memref<16x1024xf32, #tpu.memory_space<vmem>>, vector<1x16xf32>,
      %get3A_793 = arith.index_cast %scan3A_192 : i32 to index
      %get3A_794 = arith.constant 688 : index
      %get3A_795 = tpu.vector_load %arg7[%get3A_793, %get3A_794] {strides = array<i32>} : memref<16x1024xf32, #tpu.memory_space<vmem>>, vector<1x16xf32>,
      %get3A_796 = vector.shape_cast %get3A_795 : vector<1x16xf32> to vector<16xf32>
      %get3A_797 = arith.index_cast %scan3A_192 : i32 to index
      %get3A_798 = arith.constant 688 : index
      %get3A_799 = tpu.vector_load %arg5[%get3A_797, %get3A_798] {strides = array<i32>} : memref<16x1024xf32, #tpu.memory_space<vmem>>, vector<1x16xf32>,
      %get3A_800 = vector.shape_cast %get3A_799 : vector<1x16xf32> to vector<16xf32>
      %add3A_801 = arith.addf %get3A_796, %get3A_800 : vector<16xf32>
      %swap3A_802 = arith.index_cast %scan3A_192 : i32 to index
      %swap3A_803 = arith.constant 688 : index
      %swap3A_804 = tpu.vector_load %arg7[%swap3A_802, %swap3A_803] {strides = array<i32>} : memref<16x1024xf32, #tpu.memory_space<vmem>>, vector<1x16xf32>,
      %swap3A_805 = vector.shape_cast %swap3A_804 : vector<1x16xf32> to vector<16xf32>
      %swap3A_806 = vector.shape_cast %add3A_801 : vector<16xf32> to vector<1x16xf32>
      tpu.vector_store %arg7[%swap3A_802, %swap3A_803], %swap3A_806 {strides = array<i32>} : memref<16x1024xf32, #tpu.memory_space<vmem>>, vector<1x16xf32>,
      %get3A_807 = arith.index_cast %scan3A_192 : i32 to index
      %get3A_808 = arith.constant 704 : index
      %get3A_809 = tpu.vector_load %arg7[%get3A_807, %get3A_808] {strides = array<i32>} : memref<16x1024xf32, #tpu.memory_space<vmem>>, vector<1x16xf32>,
      %get3A_810 = vector.shape_cast %get3A_809 : vector<1x16xf32> to vector<16xf32>
      %get3A_811 = arith.index_cast %scan3A_192 : i32 to index
      %get3A_812 = arith.constant 704 : index
      %get3A_813 = tpu.vector_load %arg5[%get3A_811, %get3A_812] {strides = array<i32>} : memref<16x1024xf32, #tpu.memory_space<vmem>>, vector<1x16xf32>,
      %get3A_814 = vector.shape_cast %get3A_813 : vector<1x16xf32> to vector<16xf32>
      %add3A_815 = arith.addf %get3A_810, %get3A_814 : vector<16xf32>
      %swap3A_816 = arith.index_cast %scan3A_192 : i32 to index
      %swap3A_817 = arith.constant 704 : index
      %swap3A_818 = tpu.vector_load %arg7[%swap3A_816, %swap3A_817] {strides = array<i32>} : memref<16x1024xf32, #tpu.memory_space<vmem>>, vector<1x16xf32>,
      %swap3A_819 = vector.shape_cast %swap3A_818 : vector<1x16xf32> to vector<16xf32>
      %swap3A_820 = vector.shape_cast %add3A_815 : vector<16xf32> to vector<1x16xf32>
      tpu.vector_store %arg7[%swap3A_816, %swap3A_817], %swap3A_820 {strides = array<i32>} : memref<16x1024xf32, #tpu.memory_space<vmem>>, vector<1x16xf32>,
      %get3A_821 = arith.index_cast %scan3A_192 : i32 to index
      %get3A_822 = arith.constant 720 : index
      %get3A_823 = tpu.vector_load %arg7[%get3A_821, %get3A_822] {strides = array<i32>} : memref<16x1024xf32, #tpu.memory_space<vmem>>, vector<1x16xf32>,
      %get3A_824 = vector.shape_cast %get3A_823 : vector<1x16xf32> to vector<16xf32>
      %get3A_825 = arith.index_cast %scan3A_192 : i32 to index
      %get3A_826 = arith.constant 720 : index
      %get3A_827 = tpu.vector_load %arg5[%get3A_825, %get3A_826] {strides = array<i32>} : memref<16x1024xf32, #tpu.memory_space<vmem>>, vector<1x16xf32>,
      %get3A_828 = vector.shape_cast %get3A_827 : vector<1x16xf32> to vector<16xf32>
      %add3A_829 = arith.addf %get3A_824, %get3A_828 : vector<16xf32>
      %swap3A_830 = arith.index_cast %scan3A_192 : i32 to index
      %swap3A_831 = arith.constant 720 : index
      %swap3A_832 = tpu.vector_load %arg7[%swap3A_830, %swap3A_831] {strides = array<i32>} : memref<16x1024xf32, #tpu.memory_space<vmem>>, vector<1x16xf32>,
      %swap3A_833 = vector.shape_cast %swap3A_832 : vector<1x16xf32> to vector<16xf32>
      %swap3A_834 = vector.shape_cast %add3A_829 : vector<16xf32> to vector<1x16xf32>
      tpu.vector_store %arg7[%swap3A_830, %swap3A_831], %swap3A_834 {strides = array<i32>} : memref<16x1024xf32, #tpu.memory_space<vmem>>, vector<1x16xf32>,
      %get3A_835 = arith.index_cast %scan3A_192 : i32 to index
      %get3A_836 = arith.constant 736 : index
      %get3A_837 = tpu.vector_load %arg7[%get3A_835, %get3A_836] {strides = array<i32>} : memref<16x1024xf32, #tpu.memory_space<vmem>>, vector<1x16xf32>,
      %get3A_838 = vector.shape_cast %get3A_837 : vector<1x16xf32> to vector<16xf32>
      %get3A_839 = arith.index_cast %scan3A_192 : i32 to index
      %get3A_840 = arith.constant 736 : index
      %get3A_841 = tpu.vector_load %arg5[%get3A_839, %get3A_840] {strides = array<i32>} : memref<16x1024xf32, #tpu.memory_space<vmem>>, vector<1x16xf32>,
      %get3A_842 = vector.shape_cast %get3A_841 : vector<1x16xf32> to vector<16xf32>
      %add3A_843 = arith.addf %get3A_838, %get3A_842 : vector<16xf32>
      %swap3A_844 = arith.index_cast %scan3A_192 : i32 to index
      %swap3A_845 = arith.constant 736 : index
      %swap3A_846 = tpu.vector_load %arg7[%swap3A_844, %swap3A_845] {strides = array<i32>} : memref<16x1024xf32, #tpu.memory_space<vmem>>, vector<1x16xf32>,
      %swap3A_847 = vector.shape_cast %swap3A_846 : vector<1x16xf32> to vector<16xf32>
      %swap3A_848 = vector.shape_cast %add3A_843 : vector<16xf32> to vector<1x16xf32>
      tpu.vector_store %arg7[%swap3A_844, %swap3A_845], %swap3A_848 {strides = array<i32>} : memref<16x1024xf32, #tpu.memory_space<vmem>>, vector<1x16xf32>,
      %get3A_849 = arith.index_cast %scan3A_192 : i32 to index
      %get3A_850 = arith.constant 752 : index
      %get3A_851 = tpu.vector_load %arg7[%get3A_849, %get3A_850] {strides = array<i32>} : memref<16x1024xf32, #tpu.memory_space<vmem>>, vector<1x16xf32>,
      %get3A_852 = vector.shape_cast %get3A_851 : vector<1x16xf32> to vector<16xf32>
      %get3A_853 = arith.index_cast %scan3A_192 : i32 to index
      %get3A_854 = arith.constant 752 : index
      %get3A_855 = tpu.vector_load %arg5[%get3A_853, %get3A_854] {strides = array<i32>} : memref<16x1024xf32, #tpu.memory_space<vmem>>, vector<1x16xf32>,
      %get3A_856 = vector.shape_cast %get3A_855 : vector<1x16xf32> to vector<16xf32>
      %add3A_857 = arith.addf %get3A_852, %get3A_856 : vector<16xf32>
      %swap3A_858 = arith.index_cast %scan3A_192 : i32 to index
      %swap3A_859 = arith.constant 752 : index
      %swap3A_860 = tpu.vector_load %arg7[%swap3A_858, %swap3A_859] {strides = array<i32>} : memref<16x1024xf32, #tpu.memory_space<vmem>>, vector<1x16xf32>,
      %swap3A_861 = vector.shape_cast %swap3A_860 : vector<1x16xf32> to vector<16xf32>
      %swap3A_862 = vector.shape_cast %add3A_857 : vector<16xf32> to vector<1x16xf32>
      tpu.vector_store %arg7[%swap3A_858, %swap3A_859], %swap3A_862 {strides = array<i32>} : memref<16x1024xf32, #tpu.memory_space<vmem>>, vector<1x16xf32>,
      %get3A_863 = arith.index_cast %scan3A_192 : i32 to index
      %get3A_864 = arith.constant 768 : index
      %get3A_865 = tpu.vector_load %arg7[%get3A_863, %get3A_864] {strides = array<i32>} : memref<16x1024xf32, #tpu.memory_space<vmem>>, vector<1x16xf32>,
      %get3A_866 = vector.shape_cast %get3A_865 : vector<1x16xf32> to vector<16xf32>
      %get3A_867 = arith.index_cast %scan3A_192 : i32 to index
      %get3A_868 = arith.constant 768 : index
      %get3A_869 = tpu.vector_load %arg5[%get3A_867, %get3A_868] {strides = array<i32>} : memref<16x1024xf32, #tpu.memory_space<vmem>>, vector<1x16xf32>,
      %get3A_870 = vector.shape_cast %get3A_869 : vector<1x16xf32> to vector<16xf32>
      %add3A_871 = arith.addf %get3A_866, %get3A_870 : vector<16xf32>
      %swap3A_872 = arith.index_cast %scan3A_192 : i32 to index
      %swap3A_873 = arith.constant 768 : index
      %swap3A_874 = tpu.vector_load %arg7[%swap3A_872, %swap3A_873] {strides = array<i32>} : memref<16x1024xf32, #tpu.memory_space<vmem>>, vector<1x16xf32>,
      %swap3A_875 = vector.shape_cast %swap3A_874 : vector<1x16xf32> to vector<16xf32>
      %swap3A_876 = vector.shape_cast %add3A_871 : vector<16xf32> to vector<1x16xf32>
      tpu.vector_store %arg7[%swap3A_872, %swap3A_873], %swap3A_876 {strides = array<i32>} : memref<16x1024xf32, #tpu.memory_space<vmem>>, vector<1x16xf32>,
      %get3A_877 = arith.index_cast %scan3A_192 : i32 to index
      %get3A_878 = arith.constant 784 : index
      %get3A_879 = tpu.vector_load %arg7[%get3A_877, %get3A_878] {strides = array<i32>} : memref<16x1024xf32, #tpu.memory_space<vmem>>, vector<1x16xf32>,
      %get3A_880 = vector.shape_cast %get3A_879 : vector<1x16xf32> to vector<16xf32>
      %get3A_881 = arith.index_cast %scan3A_192 : i32 to index
      %get3A_882 = arith.constant 784 : index
      %get3A_883 = tpu.vector_load %arg5[%get3A_881, %get3A_882] {strides = array<i32>} : memref<16x1024xf32, #tpu.memory_space<vmem>>, vector<1x16xf32>,
      %get3A_884 = vector.shape_cast %get3A_883 : vector<1x16xf32> to vector<16xf32>
      %add3A_885 = arith.addf %get3A_880, %get3A_884 : vector<16xf32>
      %swap3A_886 = arith.index_cast %scan3A_192 : i32 to index
      %swap3A_887 = arith.constant 784 : index
      %swap3A_888 = tpu.vector_load %arg7[%swap3A_886, %swap3A_887] {strides = array<i32>} : memref<16x1024xf32, #tpu.memory_space<vmem>>, vector<1x16xf32>,
      %swap3A_889 = vector.shape_cast %swap3A_888 : vector<1x16xf32> to vector<16xf32>
      %swap3A_890 = vector.shape_cast %add3A_885 : vector<16xf32> to vector<1x16xf32>
      tpu.vector_store %arg7[%swap3A_886, %swap3A_887], %swap3A_890 {strides = array<i32>} : memref<16x1024xf32, #tpu.memory_space<vmem>>, vector<1x16xf32>,
      %get3A_891 = arith.index_cast %scan3A_192 : i32 to index
      %get3A_892 = arith.constant 800 : index
      %get3A_893 = tpu.vector_load %arg7[%get3A_891, %get3A_892] {strides = array<i32>} : memref<16x1024xf32, #tpu.memory_space<vmem>>, vector<1x16xf32>,
      %get3A_894 = vector.shape_cast %get3A_893 : vector<1x16xf32> to vector<16xf32>
      %get3A_895 = arith.index_cast %scan3A_192 : i32 to index
      %get3A_896 = arith.constant 800 : index
      %get3A_897 = tpu.vector_load %arg5[%get3A_895, %get3A_896] {strides = array<i32>} : memref<16x1024xf32, #tpu.memory_space<vmem>>, vector<1x16xf32>,
      %get3A_898 = vector.shape_cast %get3A_897 : vector<1x16xf32> to vector<16xf32>
      %add3A_899 = arith.addf %get3A_894, %get3A_898 : vector<16xf32>
      %swap3A_900 = arith.index_cast %scan3A_192 : i32 to index
      %swap3A_901 = arith.constant 800 : index
      %swap3A_902 = tpu.vector_load %arg7[%swap3A_900, %swap3A_901] {strides = array<i32>} : memref<16x1024xf32, #tpu.memory_space<vmem>>, vector<1x16xf32>,
      %swap3A_903 = vector.shape_cast %swap3A_902 : vector<1x16xf32> to vector<16xf32>
      %swap3A_904 = vector.shape_cast %add3A_899 : vector<16xf32> to vector<1x16xf32>
      tpu.vector_store %arg7[%swap3A_900, %swap3A_901], %swap3A_904 {strides = array<i32>} : memref<16x1024xf32, #tpu.memory_space<vmem>>, vector<1x16xf32>,
      %get3A_905 = arith.index_cast %scan3A_192 : i32 to index
      %get3A_906 = arith.constant 816 : index
      %get3A_907 = tpu.vector_load %arg7[%get3A_905, %get3A_906] {strides = array<i32>} : memref<16x1024xf32, #tpu.memory_space<vmem>>, vector<1x16xf32>,
      %get3A_908 = vector.shape_cast %get3A_907 : vector<1x16xf32> to vector<16xf32>
      %get3A_909 = arith.index_cast %scan3A_192 : i32 to index
      %get3A_910 = arith.constant 816 : index
      %get3A_911 = tpu.vector_load %arg5[%get3A_909, %get3A_910] {strides = array<i32>} : memref<16x1024xf32, #tpu.memory_space<vmem>>, vector<1x16xf32>,
      %get3A_912 = vector.shape_cast %get3A_911 : vector<1x16xf32> to vector<16xf32>
      %add3A_913 = arith.addf %get3A_908, %get3A_912 : vector<16xf32>
      %swap3A_914 = arith.index_cast %scan3A_192 : i32 to index
      %swap3A_915 = arith.constant 816 : index
      %swap3A_916 = tpu.vector_load %arg7[%swap3A_914, %swap3A_915] {strides = array<i32>} : memref<16x1024xf32, #tpu.memory_space<vmem>>, vector<1x16xf32>,
      %swap3A_917 = vector.shape_cast %swap3A_916 : vector<1x16xf32> to vector<16xf32>
      %swap3A_918 = vector.shape_cast %add3A_913 : vector<16xf32> to vector<1x16xf32>
      tpu.vector_store %arg7[%swap3A_914, %swap3A_915], %swap3A_918 {strides = array<i32>} : memref<16x1024xf32, #tpu.memory_space<vmem>>, vector<1x16xf32>,
      %get3A_919 = arith.index_cast %scan3A_192 : i32 to index
      %get3A_920 = arith.constant 832 : index
      %get3A_921 = tpu.vector_load %arg7[%get3A_919, %get3A_920] {strides = array<i32>} : memref<16x1024xf32, #tpu.memory_space<vmem>>, vector<1x16xf32>,
      %get3A_922 = vector.shape_cast %get3A_921 : vector<1x16xf32> to vector<16xf32>
      %get3A_923 = arith.index_cast %scan3A_192 : i32 to index
      %get3A_924 = arith.constant 832 : index
      %get3A_925 = tpu.vector_load %arg5[%get3A_923, %get3A_924] {strides = array<i32>} : memref<16x1024xf32, #tpu.memory_space<vmem>>, vector<1x16xf32>,
      %get3A_926 = vector.shape_cast %get3A_925 : vector<1x16xf32> to vector<16xf32>
      %add3A_927 = arith.addf %get3A_922, %get3A_926 : vector<16xf32>
      %swap3A_928 = arith.index_cast %scan3A_192 : i32 to index
      %swap3A_929 = arith.constant 832 : index
      %swap3A_930 = tpu.vector_load %arg7[%swap3A_928, %swap3A_929] {strides = array<i32>} : memref<16x1024xf32, #tpu.memory_space<vmem>>, vector<1x16xf32>,
      %swap3A_931 = vector.shape_cast %swap3A_930 : vector<1x16xf32> to vector<16xf32>
      %swap3A_932 = vector.shape_cast %add3A_927 : vector<16xf32> to vector<1x16xf32>
      tpu.vector_store %arg7[%swap3A_928, %swap3A_929], %swap3A_932 {strides = array<i32>} : memref<16x1024xf32, #tpu.memory_space<vmem>>, vector<1x16xf32>,
      %get3A_933 = arith.index_cast %scan3A_192 : i32 to index
      %get3A_934 = arith.constant 848 : index
      %get3A_935 = tpu.vector_load %arg7[%get3A_933, %get3A_934] {strides = array<i32>} : memref<16x1024xf32, #tpu.memory_space<vmem>>, vector<1x16xf32>,
      %get3A_936 = vector.shape_cast %get3A_935 : vector<1x16xf32> to vector<16xf32>
      %get3A_937 = arith.index_cast %scan3A_192 : i32 to index
      %get3A_938 = arith.constant 848 : index
      %get3A_939 = tpu.vector_load %arg5[%get3A_937, %get3A_938] {strides = array<i32>} : memref<16x1024xf32, #tpu.memory_space<vmem>>, vector<1x16xf32>,
      %get3A_940 = vector.shape_cast %get3A_939 : vector<1x16xf32> to vector<16xf32>
      %add3A_941 = arith.addf %get3A_936, %get3A_940 : vector<16xf32>
      %swap3A_942 = arith.index_cast %scan3A_192 : i32 to index
      %swap3A_943 = arith.constant 848 : index
      %swap3A_944 = tpu.vector_load %arg7[%swap3A_942, %swap3A_943] {strides = array<i32>} : memref<16x1024xf32, #tpu.memory_space<vmem>>, vector<1x16xf32>,
      %swap3A_945 = vector.shape_cast %swap3A_944 : vector<1x16xf32> to vector<16xf32>
      %swap3A_946 = vector.shape_cast %add3A_941 : vector<16xf32> to vector<1x16xf32>
      tpu.vector_store %arg7[%swap3A_942, %swap3A_943], %swap3A_946 {strides = array<i32>} : memref<16x1024xf32, #tpu.memory_space<vmem>>, vector<1x16xf32>,
      %get3A_947 = arith.index_cast %scan3A_192 : i32 to index
      %get3A_948 = arith.constant 864 : index
      %get3A_949 = tpu.vector_load %arg7[%get3A_947, %get3A_948] {strides = array<i32>} : memref<16x1024xf32, #tpu.memory_space<vmem>>, vector<1x16xf32>,
      %get3A_950 = vector.shape_cast %get3A_949 : vector<1x16xf32> to vector<16xf32>
      %get3A_951 = arith.index_cast %scan3A_192 : i32 to index
      %get3A_952 = arith.constant 864 : index
      %get3A_953 = tpu.vector_load %arg5[%get3A_951, %get3A_952] {strides = array<i32>} : memref<16x1024xf32, #tpu.memory_space<vmem>>, vector<1x16xf32>,
      %get3A_954 = vector.shape_cast %get3A_953 : vector<1x16xf32> to vector<16xf32>
      %add3A_955 = arith.addf %get3A_950, %get3A_954 : vector<16xf32>
      %swap3A_956 = arith.index_cast %scan3A_192 : i32 to index
      %swap3A_957 = arith.constant 864 : index
      %swap3A_958 = tpu.vector_load %arg7[%swap3A_956, %swap3A_957] {strides = array<i32>} : memref<16x1024xf32, #tpu.memory_space<vmem>>, vector<1x16xf32>,
      %swap3A_959 = vector.shape_cast %swap3A_958 : vector<1x16xf32> to vector<16xf32>
      %swap3A_960 = vector.shape_cast %add3A_955 : vector<16xf32> to vector<1x16xf32>
      tpu.vector_store %arg7[%swap3A_956, %swap3A_957], %swap3A_960 {strides = array<i32>} : memref<16x1024xf32, #tpu.memory_space<vmem>>, vector<1x16xf32>,
      %get3A_961 = arith.index_cast %scan3A_192 : i32 to index
      %get3A_962 = arith.constant 880 : index
      %get3A_963 = tpu.vector_load %arg7[%get3A_961, %get3A_962] {strides = array<i32>} : memref<16x1024xf32, #tpu.memory_space<vmem>>, vector<1x16xf32>,
      %get3A_964 = vector.shape_cast %get3A_963 : vector<1x16xf32> to vector<16xf32>
      %get3A_965 = arith.index_cast %scan3A_192 : i32 to index
      %get3A_966 = arith.constant 880 : index
      %get3A_967 = tpu.vector_load %arg5[%get3A_965, %get3A_966] {strides = array<i32>} : memref<16x1024xf32, #tpu.memory_space<vmem>>, vector<1x16xf32>,
      %get3A_968 = vector.shape_cast %get3A_967 : vector<1x16xf32> to vector<16xf32>
      %add3A_969 = arith.addf %get3A_964, %get3A_968 : vector<16xf32>
      %swap3A_970 = arith.index_cast %scan3A_192 : i32 to index
      %swap3A_971 = arith.constant 880 : index
      %swap3A_972 = tpu.vector_load %arg7[%swap3A_970, %swap3A_971] {strides = array<i32>} : memref<16x1024xf32, #tpu.memory_space<vmem>>, vector<1x16xf32>,
      %swap3A_973 = vector.shape_cast %swap3A_972 : vector<1x16xf32> to vector<16xf32>
      %swap3A_974 = vector.shape_cast %add3A_969 : vector<16xf32> to vector<1x16xf32>
      tpu.vector_store %arg7[%swap3A_970, %swap3A_971], %swap3A_974 {strides = array<i32>} : memref<16x1024xf32, #tpu.memory_space<vmem>>, vector<1x16xf32>,
      %get3A_975 = arith.index_cast %scan3A_192 : i32 to index
      %get3A_976 = arith.constant 896 : index
      %get3A_977 = tpu.vector_load %arg7[%get3A_975, %get3A_976] {strides = array<i32>} : memref<16x1024xf32, #tpu.memory_space<vmem>>, vector<1x16xf32>,
      %get3A_978 = vector.shape_cast %get3A_977 : vector<1x16xf32> to vector<16xf32>
      %get3A_979 = arith.index_cast %scan3A_192 : i32 to index
      %get3A_980 = arith.constant 896 : index
      %get3A_981 = tpu.vector_load %arg5[%get3A_979, %get3A_980] {strides = array<i32>} : memref<16x1024xf32, #tpu.memory_space<vmem>>, vector<1x16xf32>,
      %get3A_982 = vector.shape_cast %get3A_981 : vector<1x16xf32> to vector<16xf32>
      %add3A_983 = arith.addf %get3A_978, %get3A_982 : vector<16xf32>
      %swap3A_984 = arith.index_cast %scan3A_192 : i32 to index
      %swap3A_985 = arith.constant 896 : index
      %swap3A_986 = tpu.vector_load %arg7[%swap3A_984, %swap3A_985] {strides = array<i32>} : memref<16x1024xf32, #tpu.memory_space<vmem>>, vector<1x16xf32>,
      %swap3A_987 = vector.shape_cast %swap3A_986 : vector<1x16xf32> to vector<16xf32>
      %swap3A_988 = vector.shape_cast %add3A_983 : vector<16xf32> to vector<1x16xf32>
      tpu.vector_store %arg7[%swap3A_984, %swap3A_985], %swap3A_988 {strides = array<i32>} : memref<16x1024xf32, #tpu.memory_space<vmem>>, vector<1x16xf32>,
      %get3A_989 = arith.index_cast %scan3A_192 : i32 to index
      %get3A_990 = arith.constant 912 : index
      %get3A_991 = tpu.vector_load %arg7[%get3A_989, %get3A_990] {strides = array<i32>} : memref<16x1024xf32, #tpu.memory_space<vmem>>, vector<1x16xf32>,
      %get3A_992 = vector.shape_cast %get3A_991 : vector<1x16xf32> to vector<16xf32>
      %get3A_993 = arith.index_cast %scan3A_192 : i32 to index
      %get3A_994 = arith.constant 912 : index
      %get3A_995 = tpu.vector_load %arg5[%get3A_993, %get3A_994] {strides = array<i32>} : memref<16x1024xf32, #tpu.memory_space<vmem>>, vector<1x16xf32>,
      %get3A_996 = vector.shape_cast %get3A_995 : vector<1x16xf32> to vector<16xf32>
      %add3A_997 = arith.addf %get3A_992, %get3A_996 : vector<16xf32>
      %swap3A_998 = arith.index_cast %scan3A_192 : i32 to index
      %swap3A_999 = arith.constant 912 : index
      %swap3A_1000 = tpu.vector_load %arg7[%swap3A_998, %swap3A_999] {strides = array<i32>} : memref<16x1024xf32, #tpu.memory_space<vmem>>, vector<1x16xf32>,
      %swap3A_1001 = vector.shape_cast %swap3A_1000 : vector<1x16xf32> to vector<16xf32>
      %swap3A_1002 = vector.shape_cast %add3A_997 : vector<16xf32> to vector<1x16xf32>
      tpu.vector_store %arg7[%swap3A_998, %swap3A_999], %swap3A_1002 {strides = array<i32>} : memref<16x1024xf32, #tpu.memory_space<vmem>>, vector<1x16xf32>,
      %get3A_1003 = arith.index_cast %scan3A_192 : i32 to index
      %get3A_1004 = arith.constant 928 : index
      %get3A_1005 = tpu.vector_load %arg7[%get3A_1003, %get3A_1004] {strides = array<i32>} : memref<16x1024xf32, #tpu.memory_space<vmem>>, vector<1x16xf32>,
      %get3A_1006 = vector.shape_cast %get3A_1005 : vector<1x16xf32> to vector<16xf32>
      %get3A_1007 = arith.index_cast %scan3A_192 : i32 to index
      %get3A_1008 = arith.constant 928 : index
      %get3A_1009 = tpu.vector_load %arg5[%get3A_1007, %get3A_1008] {strides = array<i32>} : memref<16x1024xf32, #tpu.memory_space<vmem>>, vector<1x16xf32>,
      %get3A_1010 = vector.shape_cast %get3A_1009 : vector<1x16xf32> to vector<16xf32>
      %add3A_1011 = arith.addf %get3A_1006, %get3A_1010 : vector<16xf32>
      %swap3A_1012 = arith.index_cast %scan3A_192 : i32 to index
      %swap3A_1013 = arith.constant 928 : index
      %swap3A_1014 = tpu.vector_load %arg7[%swap3A_1012, %swap3A_1013] {strides = array<i32>} : memref<16x1024xf32, #tpu.memory_space<vmem>>, vector<1x16xf32>,
      %swap3A_1015 = vector.shape_cast %swap3A_1014 : vector<1x16xf32> to vector<16xf32>
      %swap3A_1016 = vector.shape_cast %add3A_1011 : vector<16xf32> to vector<1x16xf32>
      tpu.vector_store %arg7[%swap3A_1012, %swap3A_1013], %swap3A_1016 {strides = array<i32>} : memref<16x1024xf32, #tpu.memory_space<vmem>>, vector<1x16xf32>,
      %get3A_1017 = arith.index_cast %scan3A_192 : i32 to index
      %get3A_1018 = arith.constant 944 : index
      %get3A_1019 = tpu.vector_load %arg7[%get3A_1017, %get3A_1018] {strides = array<i32>} : memref<16x1024xf32, #tpu.memory_space<vmem>>, vector<1x16xf32>,
      %get3A_1020 = vector.shape_cast %get3A_1019 : vector<1x16xf32> to vector<16xf32>
      %get3A_1021 = arith.index_cast %scan3A_192 : i32 to index
      %get3A_1022 = arith.constant 944 : index
      %get3A_1023 = tpu.vector_load %arg5[%get3A_1021, %get3A_1022] {strides = array<i32>} : memref<16x1024xf32, #tpu.memory_space<vmem>>, vector<1x16xf32>,
      %get3A_1024 = vector.shape_cast %get3A_1023 : vector<1x16xf32> to vector<16xf32>
      %add3A_1025 = arith.addf %get3A_1020, %get3A_1024 : vector<16xf32>
      %swap3A_1026 = arith.index_cast %scan3A_192 : i32 to index
      %swap3A_1027 = arith.constant 944 : index
      %swap3A_1028 = tpu.vector_load %arg7[%swap3A_1026, %swap3A_1027] {strides = array<i32>} : memref<16x1024xf32, #tpu.memory_space<vmem>>, vector<1x16xf32>,
      %swap3A_1029 = vector.shape_cast %swap3A_1028 : vector<1x16xf32> to vector<16xf32>
      %swap3A_1030 = vector.shape_cast %add3A_1025 : vector<16xf32> to vector<1x16xf32>
      tpu.vector_store %arg7[%swap3A_1026, %swap3A_1027], %swap3A_1030 {strides = array<i32>} : memref<16x1024xf32, #tpu.memory_space<vmem>>, vector<1x16xf32>,
      %get3A_1031 = arith.index_cast %scan3A_192 : i32 to index
      %get3A_1032 = arith.constant 960 : index
      %get3A_1033 = tpu.vector_load %arg7[%get3A_1031, %get3A_1032] {strides = array<i32>} : memref<16x1024xf32, #tpu.memory_space<vmem>>, vector<1x16xf32>,
      %get3A_1034 = vector.shape_cast %get3A_1033 : vector<1x16xf32> to vector<16xf32>
      %get3A_1035 = arith.index_cast %scan3A_192 : i32 to index
      %get3A_1036 = arith.constant 960 : index
      %get3A_1037 = tpu.vector_load %arg5[%get3A_1035, %get3A_1036] {strides = array<i32>} : memref<16x1024xf32, #tpu.memory_space<vmem>>, vector<1x16xf32>,
      %get3A_1038 = vector.shape_cast %get3A_1037 : vector<1x16xf32> to vector<16xf32>
      %add3A_1039 = arith.addf %get3A_1034, %get3A_1038 : vector<16xf32>
      %swap3A_1040 = arith.index_cast %scan3A_192 : i32 to index
      %swap3A_1041 = arith.constant 960 : index
      %swap3A_1042 = tpu.vector_load %arg7[%swap3A_1040, %swap3A_1041] {strides = array<i32>} : memref<16x1024xf32, #tpu.memory_space<vmem>>, vector<1x16xf32>,
      %swap3A_1043 = vector.shape_cast %swap3A_1042 : vector<1x16xf32> to vector<16xf32>
      %swap3A_1044 = vector.shape_cast %add3A_1039 : vector<16xf32> to vector<1x16xf32>
      tpu.vector_store %arg7[%swap3A_1040, %swap3A_1041], %swap3A_1044 {strides = array<i32>} : memref<16x1024xf32, #tpu.memory_space<vmem>>, vector<1x16xf32>,
      %get3A_1045 = arith.index_cast %scan3A_192 : i32 to index
      %get3A_1046 = arith.constant 976 : index
      %get3A_1047 = tpu.vector_load %arg7[%get3A_1045, %get3A_1046] {strides = array<i32>} : memref<16x1024xf32, #tpu.memory_space<vmem>>, vector<1x16xf32>,
      %get3A_1048 = vector.shape_cast %get3A_1047 : vector<1x16xf32> to vector<16xf32>
      %get3A_1049 = arith.index_cast %scan3A_192 : i32 to index
      %get3A_1050 = arith.constant 976 : index
      %get3A_1051 = tpu.vector_load %arg5[%get3A_1049, %get3A_1050] {strides = array<i32>} : memref<16x1024xf32, #tpu.memory_space<vmem>>, vector<1x16xf32>,
      %get3A_1052 = vector.shape_cast %get3A_1051 : vector<1x16xf32> to vector<16xf32>
      %add3A_1053 = arith.addf %get3A_1048, %get3A_1052 : vector<16xf32>
      %swap3A_1054 = arith.index_cast %scan3A_192 : i32 to index
      %swap3A_1055 = arith.constant 976 : index
      %swap3A_1056 = tpu.vector_load %arg7[%swap3A_1054, %swap3A_1055] {strides = array<i32>} : memref<16x1024xf32, #tpu.memory_space<vmem>>, vector<1x16xf32>,
      %swap3A_1057 = vector.shape_cast %swap3A_1056 : vector<1x16xf32> to vector<16xf32>
      %swap3A_1058 = vector.shape_cast %add3A_1053 : vector<16xf32> to vector<1x16xf32>
      tpu.vector_store %arg7[%swap3A_1054, %swap3A_1055], %swap3A_1058 {strides = array<i32>} : memref<16x1024xf32, #tpu.memory_space<vmem>>, vector<1x16xf32>,
      %get3A_1059 = arith.index_cast %scan3A_192 : i32 to index
      %get3A_1060 = arith.constant 992 : index
      %get3A_1061 = tpu.vector_load %arg7[%get3A_1059, %get3A_1060] {strides = array<i32>} : memref<16x1024xf32, #tpu.memory_space<vmem>>, vector<1x16xf32>,
      %get3A_1062 = vector.shape_cast %get3A_1061 : vector<1x16xf32> to vector<16xf32>
      %get3A_1063 = arith.index_cast %scan3A_192 : i32 to index
      %get3A_1064 = arith.constant 992 : index
      %get3A_1065 = tpu.vector_load %arg5[%get3A_1063, %get3A_1064] {strides = array<i32>} : memref<16x1024xf32, #tpu.memory_space<vmem>>, vector<1x16xf32>,
      %get3A_1066 = vector.shape_cast %get3A_1065 : vector<1x16xf32> to vector<16xf32>
      %add3A_1067 = arith.addf %get3A_1062, %get3A_1066 : vector<16xf32>
      %swap3A_1068 = arith.index_cast %scan3A_192 : i32 to index
      %swap3A_1069 = arith.constant 992 : index
      %swap3A_1070 = tpu.vector_load %arg7[%swap3A_1068, %swap3A_1069] {strides = array<i32>} : memref<16x1024xf32, #tpu.memory_space<vmem>>, vector<1x16xf32>,
      %swap3A_1071 = vector.shape_cast %swap3A_1070 : vector<1x16xf32> to vector<16xf32>
      %swap3A_1072 = vector.shape_cast %add3A_1067 : vector<16xf32> to vector<1x16xf32>
      tpu.vector_store %arg7[%swap3A_1068, %swap3A_1069], %swap3A_1072 {strides = array<i32>} : memref<16x1024xf32, #tpu.memory_space<vmem>>, vector<1x16xf32>,
      %get3A_1073 = arith.index_cast %scan3A_192 : i32 to index
      %get3A_1074 = arith.constant 1008 : index
      %get3A_1075 = tpu.vector_load %arg7[%get3A_1073, %get3A_1074] {strides = array<i32>} : memref<16x1024xf32, #tpu.memory_space<vmem>>, vector<1x16xf32>,
      %get3A_1076 = vector.shape_cast %get3A_1075 : vector<1x16xf32> to vector<16xf32>
      %get3A_1077 = arith.index_cast %scan3A_192 : i32 to index
      %get3A_1078 = arith.constant 1008 : index
      %get3A_1079 = tpu.vector_load %arg5[%get3A_1077, %get3A_1078] {strides = array<i32>} : memref<16x1024xf32, #tpu.memory_space<vmem>>, vector<1x16xf32>,
      %get3A_1080 = vector.shape_cast %get3A_1079 : vector<1x16xf32> to vector<16xf32>
      %add3A_1081 = arith.addf %get3A_1076, %get3A_1080 : vector<16xf32>
      %swap3A_1082 = arith.index_cast %scan3A_192 : i32 to index
      %swap3A_1083 = arith.constant 1008 : index
      %swap3A_1084 = tpu.vector_load %arg7[%swap3A_1082, %swap3A_1083] {strides = array<i32>} : memref<16x1024xf32, #tpu.memory_space<vmem>>, vector<1x16xf32>,
      %swap3A_1085 = vector.shape_cast %swap3A_1084 : vector<1x16xf32> to vector<16xf32>
      %swap3A_1086 = vector.shape_cast %add3A_1081 : vector<16xf32> to vector<1x16xf32>
      tpu.vector_store %arg7[%swap3A_1082, %swap3A_1083], %swap3A_1086 {strides = array<i32>} : memref<16x1024xf32, #tpu.memory_space<vmem>>, vector<1x16xf32>,
    }
    %scan3A_55 = arith.constant 16 : i32
    %add3A_56 = arith.constant 0 : i32
    %add3A_57 = arith.addi %mul3A_2, %add3A_56 : i32
    %dma_start3A_58 = arith.constant 0 : i32
    %dma_start3A_59 = arith.constant 0 : i32
    %dma_start3A_60 = tpu.memref_slice %arg4[%dma_start3A_58, %add3A_57, %dma_start3A_59] : memref<1x2048x1024xf32, #tpu.memory_space<hbm>> -> memref<1x16x1024xf32, #tpu.memory_space<hbm>>
    %dma_start3A_61 = tpu.memref_squeeze %dma_start3A_60 : memref<1x16x1024xf32, #tpu.memory_space<hbm>> -> memref<16x1024xf32, #tpu.memory_space<hbm>>
    %dma_start3A_62 = arith.constant 0 : i32
    %dma_start3A_63 = tpu.memref_slice %arg4[%dma_start3A_58, %add3A_57, %dma_start3A_62] : memref<1x2048x1024xf32, #tpu.memory_space<hbm>> -> memref<1x16x1024xf32, #tpu.memory_space<hbm>>
    %dma_start3A_64 = tpu.memref_squeeze %dma_start3A_63 : memref<1x16x1024xf32, #tpu.memory_space<hbm>> -> memref<16x1024xf32, #tpu.memory_space<hbm>>
    tpu.enqueue_dma source(%arg7 : memref<16x1024xf32, #tpu.memory_space<vmem>>) target(%dma_start3A_64 : memref<16x1024xf32, #tpu.memory_space<hbm>>) target_semaphore(%arg17 : memref<!tpu.dma_semaphore, #tpu.memory_space<semaphore_mem>>)
    %add3A_65 = arith.constant 32 : i32
    %add3A_66 = arith.addi %mul3A_2, %add3A_65 : i32
    %dma_start3A_67 = arith.constant 0 : i32
    %dma_start3A_68 = tpu.memref_slice %arg3[%add3A_66, %dma_start3A_67] : memref<2048x1024xf32, #tpu.memory_space<hbm>> -> memref<16x1024xf32, #tpu.memory_space<hbm>>
    %dma_start3A_69 = arith.constant 0 : i32
    %dma_start3A_70 = tpu.memref_slice %arg3[%add3A_66, %dma_start3A_69] : memref<2048x1024xf32, #tpu.memory_space<hbm>> -> memref<16x1024xf32, #tpu.memory_space<hbm>>
    tpu.enqueue_dma source(%dma_start3A_70 : memref<16x1024xf32, #tpu.memory_space<hbm>>) target(%arg5 : memref<16x1024xf32, #tpu.memory_space<vmem>>) target_semaphore(%arg11 : memref<!tpu.dma_semaphore, #tpu.memory_space<semaphore_mem>>)
    %add3A_71 = arith.constant 48 : i32
    %add3A_72 = arith.addi %mul3A_2, %add3A_71 : i32
    %dma_start3A_73 = arith.constant 0 : i32
    %dma_start3A_74 = arith.constant 0 : i32
    %dma_start3A_75 = tpu.memref_slice %arg2[%dma_start3A_73, %add3A_72, %dma_start3A_74] : memref<4x2048x1024xf32, #tpu.memory_space<hbm>> -> memref<1x16x1024xf32, #tpu.memory_space<hbm>>
    %dma_start3A_76 = tpu.memref_squeeze %dma_start3A_75 : memref<1x16x1024xf32, #tpu.memory_space<hbm>> -> memref<16x1024xf32, #tpu.memory_space<hbm>>
    %dma_start3A_77 = arith.constant 0 : i32
    %dma_start3A_78 = tpu.memref_slice %arg2[%dma_start3A_73, %add3A_72, %dma_start3A_77] : memref<4x2048x1024xf32, #tpu.memory_space<hbm>> -> memref<1x16x1024xf32, #tpu.memory_space<hbm>>
    %dma_start3A_79 = tpu.memref_squeeze %dma_start3A_78 : memref<1x16x1024xf32, #tpu.memory_space<hbm>> -> memref<16x1024xf32, #tpu.memory_space<hbm>>
    tpu.enqueue_dma source(%dma_start3A_79 : memref<16x1024xf32, #tpu.memory_space<hbm>>) target(%arg10 : memref<16x1024xf32, #tpu.memory_space<vmem>>) target_semaphore(%arg16 : memref<!tpu.dma_semaphore, #tpu.memory_space<semaphore_mem>>)
    %dma_wait3A_80 = arith.constant 0 : i32
    %dma_wait3A_81 = arith.constant 0 : i32
    %dma_wait3A_82 = tpu.memref_slice %arg2[%dma_wait3A_80, %add3A_18, %dma_wait3A_81] : memref<4x2048x1024xf32, #tpu.memory_space<hbm>> -> memref<1x16x1024xf32, #tpu.memory_space<hbm>>
    %dma_wait3A_83 = tpu.memref_squeeze %dma_wait3A_82 : memref<1x16x1024xf32, #tpu.memory_space<hbm>> -> memref<16x1024xf32, #tpu.memory_space<hbm>>
    %dma_wait3A_84 = arith.constant 0 : i32
    %dma_wait3A_85 = tpu.memref_slice %arg2[%dma_wait3A_80, %add3A_18, %dma_wait3A_84] : memref<4x2048x1024xf32, #tpu.memory_space<hbm>> -> memref<1x16x1024xf32, #tpu.memory_space<hbm>>
    %dma_wait3A_86 = tpu.memref_squeeze %dma_wait3A_85 : memref<1x16x1024xf32, #tpu.memory_space<hbm>> -> memref<16x1024xf32, #tpu.memory_space<hbm>>
    tpu.wait_dma2 semaphore(%arg14 : memref<!tpu.dma_semaphore, #tpu.memory_space<semaphore_mem>>) src(%dma_wait3A_86 : memref<16x1024xf32, #tpu.memory_space<hbm>>) dst(%arg8 : memref<16x1024xf32, #tpu.memory_space<vmem>>)
    %dma_wait3A_87 = arith.constant 0 : i32
    %dma_wait3A_88 = tpu.memref_slice %arg3[%add3A_27, %dma_wait3A_87] : memref<2048x1024xf32, #tpu.memory_space<hbm>> -> memref<16x1024xf32, #tpu.memory_space<hbm>>
    %dma_wait3A_89 = arith.constant 0 : i32
    %dma_wait3A_90 = tpu.memref_slice %arg3[%add3A_27, %dma_wait3A_89] : memref<2048x1024xf32, #tpu.memory_space<hbm>> -> memref<16x1024xf32, #tpu.memory_space<hbm>>
    tpu.wait_dma2 semaphore(%arg12 : memref<!tpu.dma_semaphore, #tpu.memory_space<semaphore_mem>>) src(%dma_wait3A_90 : memref<16x1024xf32, #tpu.memory_space<hbm>>) dst(%arg6 : memref<16x1024xf32, #tpu.memory_space<vmem>>)
    %scan3A_91 = arith.constant 0 : i32
    %scan3A_92 = arith.constant 0 : i32
    %scan3A_93 = arith.constant 16 : i32
    %scan3A_94 = arith.addi %scan3A_92, %scan3A_93 : i32
    %scan3A_95 = arith.constant 1 : i32
    scf.for %scan3A_192 = %scan3A_92 to %scan3A_94 step %scan3A_95  : i32 {
      %get3A = arith.index_cast %scan3A_192 : i32 to index
      %get3A_193 = arith.constant 0 : index
      %get3A_194 = tpu.vector_load %arg8[%get3A, %get3A_193] {strides = array<i32>} : memref<16x1024xf32, #tpu.memory_space<vmem>>, vector<1x16xf32>,
      %get3A_195 = vector.shape_cast %get3A_194 : vector<1x16xf32> to vector<16xf32>
      %get3A_196 = arith.index_cast %scan3A_192 : i32 to index
      %get3A_197 = arith.constant 0 : index
      %get3A_198 = tpu.vector_load %arg6[%get3A_196, %get3A_197] {strides = array<i32>} : memref<16x1024xf32, #tpu.memory_space<vmem>>, vector<1x16xf32>,
      %get3A_199 = vector.shape_cast %get3A_198 : vector<1x16xf32> to vector<16xf32>
      %add3A_200 = arith.addf %get3A_195, %get3A_199 : vector<16xf32>
      %swap3A = arith.index_cast %scan3A_192 : i32 to index
      %swap3A_201 = arith.constant 0 : index
      %swap3A_202 = tpu.vector_load %arg8[%swap3A, %swap3A_201] {strides = array<i32>} : memref<16x1024xf32, #tpu.memory_space<vmem>>, vector<1x16xf32>,
      %swap3A_203 = vector.shape_cast %swap3A_202 : vector<1x16xf32> to vector<16xf32>
      %swap3A_204 = vector.shape_cast %add3A_200 : vector<16xf32> to vector<1x16xf32>
      tpu.vector_store %arg8[%swap3A, %swap3A_201], %swap3A_204 {strides = array<i32>} : memref<16x1024xf32, #tpu.memory_space<vmem>>, vector<1x16xf32>,
      %get3A_205 = arith.index_cast %scan3A_192 : i32 to index
      %get3A_206 = arith.constant 16 : index
      %get3A_207 = tpu.vector_load %arg8[%get3A_205, %get3A_206] {strides = array<i32>} : memref<16x1024xf32, #tpu.memory_space<vmem>>, vector<1x16xf32>,
      %get3A_208 = vector.shape_cast %get3A_207 : vector<1x16xf32> to vector<16xf32>
      %get3A_209 = arith.index_cast %scan3A_192 : i32 to index
      %get3A_210 = arith.constant 16 : index
      %get3A_211 = tpu.vector_load %arg6[%get3A_209, %get3A_210] {strides = array<i32>} : memref<16x1024xf32, #tpu.memory_space<vmem>>, vector<1x16xf32>,
      %get3A_212 = vector.shape_cast %get3A_211 : vector<1x16xf32> to vector<16xf32>
      %add3A_213 = arith.addf %get3A_208, %get3A_212 : vector<16xf32>
      %swap3A_214 = arith.index_cast %scan3A_192 : i32 to index
      %swap3A_215 = arith.constant 16 : index
      %swap3A_216 = tpu.vector_load %arg8[%swap3A_214, %swap3A_215] {strides = array<i32>} : memref<16x1024xf32, #tpu.memory_space<vmem>>, vector<1x16xf32>,
      %swap3A_217 = vector.shape_cast %swap3A_216 : vector<1x16xf32> to vector<16xf32>
      %swap3A_218 = vector.shape_cast %add3A_213 : vector<16xf32> to vector<1x16xf32>
      tpu.vector_store %arg8[%swap3A_214, %swap3A_215], %swap3A_218 {strides = array<i32>} : memref<16x1024xf32, #tpu.memory_space<vmem>>, vector<1x16xf32>,
      %get3A_219 = arith.index_cast %scan3A_192 : i32 to index
      %get3A_220 = arith.constant 32 : index
      %get3A_221 = tpu.vector_load %arg8[%get3A_219, %get3A_220] {strides = array<i32>} : memref<16x1024xf32, #tpu.memory_space<vmem>>, vector<1x16xf32>,
      %get3A_222 = vector.shape_cast %get3A_221 : vector<1x16xf32> to vector<16xf32>
      %get3A_223 = arith.index_cast %scan3A_192 : i32 to index
      %get3A_224 = arith.constant 32 : index
      %get3A_225 = tpu.vector_load %arg6[%get3A_223, %get3A_224] {strides = array<i32>} : memref<16x1024xf32, #tpu.memory_space<vmem>>, vector<1x16xf32>,
      %get3A_226 = vector.shape_cast %get3A_225 : vector<1x16xf32> to vector<16xf32>
      %add3A_227 = arith.addf %get3A_222, %get3A_226 : vector<16xf32>
      %swap3A_228 = arith.index_cast %scan3A_192 : i32 to index
      %swap3A_229 = arith.constant 32 : index
      %swap3A_230 = tpu.vector_load %arg8[%swap3A_228, %swap3A_229] {strides = array<i32>} : memref<16x1024xf32, #tpu.memory_space<vmem>>, vector<1x16xf32>,
      %swap3A_231 = vector.shape_cast %swap3A_230 : vector<1x16xf32> to vector<16xf32>
      %swap3A_232 = vector.shape_cast %add3A_227 : vector<16xf32> to vector<1x16xf32>
      tpu.vector_store %arg8[%swap3A_228, %swap3A_229], %swap3A_232 {strides = array<i32>} : memref<16x1024xf32, #tpu.memory_space<vmem>>, vector<1x16xf32>,
      %get3A_233 = arith.index_cast %scan3A_192 : i32 to index
      %get3A_234 = arith.constant 48 : index
      %get3A_235 = tpu.vector_load %arg8[%get3A_233, %get3A_234] {strides = array<i32>} : memref<16x1024xf32, #tpu.memory_space<vmem>>, vector<1x16xf32>,
      %get3A_236 = vector.shape_cast %get3A_235 : vector<1x16xf32> to vector<16xf32>
      %get3A_237 = arith.index_cast %scan3A_192 : i32 to index
      %get3A_238 = arith.constant 48 : index
      %get3A_239 = tpu.vector_load %arg6[%get3A_237, %get3A_238] {strides = array<i32>} : memref<16x1024xf32, #tpu.memory_space<vmem>>, vector<1x16xf32>,
      %get3A_240 = vector.shape_cast %get3A_239 : vector<1x16xf32> to vector<16xf32>
      %add3A_241 = arith.addf %get3A_236, %get3A_240 : vector<16xf32>
      %swap3A_242 = arith.index_cast %scan3A_192 : i32 to index
      %swap3A_243 = arith.constant 48 : index
      %swap3A_244 = tpu.vector_load %arg8[%swap3A_242, %swap3A_243] {strides = array<i32>} : memref<16x1024xf32, #tpu.memory_space<vmem>>, vector<1x16xf32>,
      %swap3A_245 = vector.shape_cast %swap3A_244 : vector<1x16xf32> to vector<16xf32>
      %swap3A_246 = vector.shape_cast %add3A_241 : vector<16xf32> to vector<1x16xf32>
      tpu.vector_store %arg8[%swap3A_242, %swap3A_243], %swap3A_246 {strides = array<i32>} : memref<16x1024xf32, #tpu.memory_space<vmem>>, vector<1x16xf32>,
      %get3A_247 = arith.index_cast %scan3A_192 : i32 to index
      %get3A_248 = arith.constant 64 : index
      %get3A_249 = tpu.vector_load %arg8[%get3A_247, %get3A_248] {strides = array<i32>} : memref<16x1024xf32, #tpu.memory_space<vmem>>, vector<1x16xf32>,
      %get3A_250 = vector.shape_cast %get3A_249 : vector<1x16xf32> to vector<16xf32>
      %get3A_251 = arith.index_cast %scan3A_192 : i32 to index
      %get3A_252 = arith.constant 64 : index
      %get3A_253 = tpu.vector_load %arg6[%get3A_251, %get3A_252] {strides = array<i32>} : memref<16x1024xf32, #tpu.memory_space<vmem>>, vector<1x16xf32>,
      %get3A_254 = vector.shape_cast %get3A_253 : vector<1x16xf32> to vector<16xf32>
      %add3A_255 = arith.addf %get3A_250, %get3A_254 : vector<16xf32>
      %swap3A_256 = arith.index_cast %scan3A_192 : i32 to index
      %swap3A_257 = arith.constant 64 : index
      %swap3A_258 = tpu.vector_load %arg8[%swap3A_256, %swap3A_257] {strides = array<i32>} : memref<16x1024xf32, #tpu.memory_space<vmem>>, vector<1x16xf32>,
      %swap3A_259 = vector.shape_cast %swap3A_258 : vector<1x16xf32> to vector<16xf32>
      %swap3A_260 = vector.shape_cast %add3A_255 : vector<16xf32> to vector<1x16xf32>
      tpu.vector_store %arg8[%swap3A_256, %swap3A_257], %swap3A_260 {strides = array<i32>} : memref<16x1024xf32, #tpu.memory_space<vmem>>, vector<1x16xf32>,
      %get3A_261 = arith.index_cast %scan3A_192 : i32 to index
      %get3A_262 = arith.constant 80 : index
      %get3A_263 = tpu.vector_load %arg8[%get3A_261, %get3A_262] {strides = array<i32>} : memref<16x1024xf32, #tpu.memory_space<vmem>>, vector<1x16xf32>,
      %get3A_264 = vector.shape_cast %get3A_263 : vector<1x16xf32> to vector<16xf32>
      %get3A_265 = arith.index_cast %scan3A_192 : i32 to index
      %get3A_266 = arith.constant 80 : index
      %get3A_267 = tpu.vector_load %arg6[%get3A_265, %get3A_266] {strides = array<i32>} : memref<16x1024xf32, #tpu.memory_space<vmem>>, vector<1x16xf32>,
      %get3A_268 = vector.shape_cast %get3A_267 : vector<1x16xf32> to vector<16xf32>
      %add3A_269 = arith.addf %get3A_264, %get3A_268 : vector<16xf32>
      %swap3A_270 = arith.index_cast %scan3A_192 : i32 to index
      %swap3A_271 = arith.constant 80 : index
      %swap3A_272 = tpu.vector_load %arg8[%swap3A_270, %swap3A_271] {strides = array<i32>} : memref<16x1024xf32, #tpu.memory_space<vmem>>, vector<1x16xf32>,
      %swap3A_273 = vector.shape_cast %swap3A_272 : vector<1x16xf32> to vector<16xf32>
      %swap3A_274 = vector.shape_cast %add3A_269 : vector<16xf32> to vector<1x16xf32>
      tpu.vector_store %arg8[%swap3A_270, %swap3A_271], %swap3A_274 {strides = array<i32>} : memref<16x1024xf32, #tpu.memory_space<vmem>>, vector<1x16xf32>,
      %get3A_275 = arith.index_cast %scan3A_192 : i32 to index
      %get3A_276 = arith.constant 96 : index
      %get3A_277 = tpu.vector_load %arg8[%get3A_275, %get3A_276] {strides = array<i32>} : memref<16x1024xf32, #tpu.memory_space<vmem>>, vector<1x16xf32>,
      %get3A_278 = vector.shape_cast %get3A_277 : vector<1x16xf32> to vector<16xf32>
      %get3A_279 = arith.index_cast %scan3A_192 : i32 to index
      %get3A_280 = arith.constant 96 : index
      %get3A_281 = tpu.vector_load %arg6[%get3A_279, %get3A_280] {strides = array<i32>} : memref<16x1024xf32, #tpu.memory_space<vmem>>, vector<1x16xf32>,
      %get3A_282 = vector.shape_cast %get3A_281 : vector<1x16xf32> to vector<16xf32>
      %add3A_283 = arith.addf %get3A_278, %get3A_282 : vector<16xf32>
      %swap3A_284 = arith.index_cast %scan3A_192 : i32 to index
      %swap3A_285 = arith.constant 96 : index
      %swap3A_286 = tpu.vector_load %arg8[%swap3A_284, %swap3A_285] {strides = array<i32>} : memref<16x1024xf32, #tpu.memory_space<vmem>>, vector<1x16xf32>,
      %swap3A_287 = vector.shape_cast %swap3A_286 : vector<1x16xf32> to vector<16xf32>
      %swap3A_288 = vector.shape_cast %add3A_283 : vector<16xf32> to vector<1x16xf32>
      tpu.vector_store %arg8[%swap3A_284, %swap3A_285], %swap3A_288 {strides = array<i32>} : memref<16x1024xf32, #tpu.memory_space<vmem>>, vector<1x16xf32>,
      %get3A_289 = arith.index_cast %scan3A_192 : i32 to index
      %get3A_290 = arith.constant 112 : index
      %get3A_291 = tpu.vector_load %arg8[%get3A_289, %get3A_290] {strides = array<i32>} : memref<16x1024xf32, #tpu.memory_space<vmem>>, vector<1x16xf32>,
      %get3A_292 = vector.shape_cast %get3A_291 : vector<1x16xf32> to vector<16xf32>
      %get3A_293 = arith.index_cast %scan3A_192 : i32 to index
      %get3A_294 = arith.constant 112 : index
      %get3A_295 = tpu.vector_load %arg6[%get3A_293, %get3A_294] {strides = array<i32>} : memref<16x1024xf32, #tpu.memory_space<vmem>>, vector<1x16xf32>,
      %get3A_296 = vector.shape_cast %get3A_295 : vector<1x16xf32> to vector<16xf32>
      %add3A_297 = arith.addf %get3A_292, %get3A_296 : vector<16xf32>
      %swap3A_298 = arith.index_cast %scan3A_192 : i32 to index
      %swap3A_299 = arith.constant 112 : index
      %swap3A_300 = tpu.vector_load %arg8[%swap3A_298, %swap3A_299] {strides = array<i32>} : memref<16x1024xf32, #tpu.memory_space<vmem>>, vector<1x16xf32>,
      %swap3A_301 = vector.shape_cast %swap3A_300 : vector<1x16xf32> to vector<16xf32>
      %swap3A_302 = vector.shape_cast %add3A_297 : vector<16xf32> to vector<1x16xf32>
      tpu.vector_store %arg8[%swap3A_298, %swap3A_299], %swap3A_302 {strides = array<i32>} : memref<16x1024xf32, #tpu.memory_space<vmem>>, vector<1x16xf32>,
      %get3A_303 = arith.index_cast %scan3A_192 : i32 to index
      %get3A_304 = arith.constant 128 : index
      %get3A_305 = tpu.vector_load %arg8[%get3A_303, %get3A_304] {strides = array<i32>} : memref<16x1024xf32, #tpu.memory_space<vmem>>, vector<1x16xf32>,
      %get3A_306 = vector.shape_cast %get3A_305 : vector<1x16xf32> to vector<16xf32>
      %get3A_307 = arith.index_cast %scan3A_192 : i32 to index
      %get3A_308 = arith.constant 128 : index
      %get3A_309 = tpu.vector_load %arg6[%get3A_307, %get3A_308] {strides = array<i32>} : memref<16x1024xf32, #tpu.memory_space<vmem>>, vector<1x16xf32>,
      %get3A_310 = vector.shape_cast %get3A_309 : vector<1x16xf32> to vector<16xf32>
      %add3A_311 = arith.addf %get3A_306, %get3A_310 : vector<16xf32>
      %swap3A_312 = arith.index_cast %scan3A_192 : i32 to index
      %swap3A_313 = arith.constant 128 : index
      %swap3A_314 = tpu.vector_load %arg8[%swap3A_312, %swap3A_313] {strides = array<i32>} : memref<16x1024xf32, #tpu.memory_space<vmem>>, vector<1x16xf32>,
      %swap3A_315 = vector.shape_cast %swap3A_314 : vector<1x16xf32> to vector<16xf32>
      %swap3A_316 = vector.shape_cast %add3A_311 : vector<16xf32> to vector<1x16xf32>
      tpu.vector_store %arg8[%swap3A_312, %swap3A_313], %swap3A_316 {strides = array<i32>} : memref<16x1024xf32, #tpu.memory_space<vmem>>, vector<1x16xf32>,
      %get3A_317 = arith.index_cast %scan3A_192 : i32 to index
      %get3A_318 = arith.constant 144 : index
      %get3A_319 = tpu.vector_load %arg8[%get3A_317, %get3A_318] {strides = array<i32>} : memref<16x1024xf32, #tpu.memory_space<vmem>>, vector<1x16xf32>,
      %get3A_320 = vector.shape_cast %get3A_319 : vector<1x16xf32> to vector<16xf32>
      %get3A_321 = arith.index_cast %scan3A_192 : i32 to index
      %get3A_322 = arith.constant 144 : index
      %get3A_323 = tpu.vector_load %arg6[%get3A_321, %get3A_322] {strides = array<i32>} : memref<16x1024xf32, #tpu.memory_space<vmem>>, vector<1x16xf32>,
      %get3A_324 = vector.shape_cast %get3A_323 : vector<1x16xf32> to vector<16xf32>
      %add3A_325 = arith.addf %get3A_320, %get3A_324 : vector<16xf32>
      %swap3A_326 = arith.index_cast %scan3A_192 : i32 to index
      %swap3A_327 = arith.constant 144 : index
      %swap3A_328 = tpu.vector_load %arg8[%swap3A_326, %swap3A_327] {strides = array<i32>} : memref<16x1024xf32, #tpu.memory_space<vmem>>, vector<1x16xf32>,
      %swap3A_329 = vector.shape_cast %swap3A_328 : vector<1x16xf32> to vector<16xf32>
      %swap3A_330 = vector.shape_cast %add3A_325 : vector<16xf32> to vector<1x16xf32>
      tpu.vector_store %arg8[%swap3A_326, %swap3A_327], %swap3A_330 {strides = array<i32>} : memref<16x1024xf32, #tpu.memory_space<vmem>>, vector<1x16xf32>,
      %get3A_331 = arith.index_cast %scan3A_192 : i32 to index
      %get3A_332 = arith.constant 160 : index
      %get3A_333 = tpu.vector_load %arg8[%get3A_331, %get3A_332] {strides = array<i32>} : memref<16x1024xf32, #tpu.memory_space<vmem>>, vector<1x16xf32>,
      %get3A_334 = vector.shape_cast %get3A_333 : vector<1x16xf32> to vector<16xf32>
      %get3A_335 = arith.index_cast %scan3A_192 : i32 to index
      %get3A_336 = arith.constant 160 : index
      %get3A_337 = tpu.vector_load %arg6[%get3A_335, %get3A_336] {strides = array<i32>} : memref<16x1024xf32, #tpu.memory_space<vmem>>, vector<1x16xf32>,
      %get3A_338 = vector.shape_cast %get3A_337 : vector<1x16xf32> to vector<16xf32>
      %add3A_339 = arith.addf %get3A_334, %get3A_338 : vector<16xf32>
      %swap3A_340 = arith.index_cast %scan3A_192 : i32 to index
      %swap3A_341 = arith.constant 160 : index
      %swap3A_342 = tpu.vector_load %arg8[%swap3A_340, %swap3A_341] {strides = array<i32>} : memref<16x1024xf32, #tpu.memory_space<vmem>>, vector<1x16xf32>,
      %swap3A_343 = vector.shape_cast %swap3A_342 : vector<1x16xf32> to vector<16xf32>
      %swap3A_344 = vector.shape_cast %add3A_339 : vector<16xf32> to vector<1x16xf32>
      tpu.vector_store %arg8[%swap3A_340, %swap3A_341], %swap3A_344 {strides = array<i32>} : memref<16x1024xf32, #tpu.memory_space<vmem>>, vector<1x16xf32>,
      %get3A_345 = arith.index_cast %scan3A_192 : i32 to index
      %get3A_346 = arith.constant 176 : index
      %get3A_347 = tpu.vector_load %arg8[%get3A_345, %get3A_346] {strides = array<i32>} : memref<16x1024xf32, #tpu.memory_space<vmem>>, vector<1x16xf32>,
      %get3A_348 = vector.shape_cast %get3A_347 : vector<1x16xf32> to vector<16xf32>
      %get3A_349 = arith.index_cast %scan3A_192 : i32 to index
      %get3A_350 = arith.constant 176 : index
      %get3A_351 = tpu.vector_load %arg6[%get3A_349, %get3A_350] {strides = array<i32>} : memref<16x1024xf32, #tpu.memory_space<vmem>>, vector<1x16xf32>,
      %get3A_352 = vector.shape_cast %get3A_351 : vector<1x16xf32> to vector<16xf32>
      %add3A_353 = arith.addf %get3A_348, %get3A_352 : vector<16xf32>
      %swap3A_354 = arith.index_cast %scan3A_192 : i32 to index
      %swap3A_355 = arith.constant 176 : index
      %swap3A_356 = tpu.vector_load %arg8[%swap3A_354, %swap3A_355] {strides = array<i32>} : memref<16x1024xf32, #tpu.memory_space<vmem>>, vector<1x16xf32>,
      %swap3A_357 = vector.shape_cast %swap3A_356 : vector<1x16xf32> to vector<16xf32>
      %swap3A_358 = vector.shape_cast %add3A_353 : vector<16xf32> to vector<1x16xf32>
      tpu.vector_store %arg8[%swap3A_354, %swap3A_355], %swap3A_358 {strides = array<i32>} : memref<16x1024xf32, #tpu.memory_space<vmem>>, vector<1x16xf32>,
      %get3A_359 = arith.index_cast %scan3A_192 : i32 to index
      %get3A_360 = arith.constant 192 : index
      %get3A_361 = tpu.vector_load %arg8[%get3A_359, %get3A_360] {strides = array<i32>} : memref<16x1024xf32, #tpu.memory_space<vmem>>, vector<1x16xf32>,
      %get3A_362 = vector.shape_cast %get3A_361 : vector<1x16xf32> to vector<16xf32>
      %get3A_363 = arith.index_cast %scan3A_192 : i32 to index
      %get3A_364 = arith.constant 192 : index
      %get3A_365 = tpu.vector_load %arg6[%get3A_363, %get3A_364] {strides = array<i32>} : memref<16x1024xf32, #tpu.memory_space<vmem>>, vector<1x16xf32>,
      %get3A_366 = vector.shape_cast %get3A_365 : vector<1x16xf32> to vector<16xf32>
      %add3A_367 = arith.addf %get3A_362, %get3A_366 : vector<16xf32>
      %swap3A_368 = arith.index_cast %scan3A_192 : i32 to index
      %swap3A_369 = arith.constant 192 : index
      %swap3A_370 = tpu.vector_load %arg8[%swap3A_368, %swap3A_369] {strides = array<i32>} : memref<16x1024xf32, #tpu.memory_space<vmem>>, vector<1x16xf32>,
      %swap3A_371 = vector.shape_cast %swap3A_370 : vector<1x16xf32> to vector<16xf32>
      %swap3A_372 = vector.shape_cast %add3A_367 : vector<16xf32> to vector<1x16xf32>
      tpu.vector_store %arg8[%swap3A_368, %swap3A_369], %swap3A_372 {strides = array<i32>} : memref<16x1024xf32, #tpu.memory_space<vmem>>, vector<1x16xf32>,
      %get3A_373 = arith.index_cast %scan3A_192 : i32 to index
      %get3A_374 = arith.constant 208 : index
      %get3A_375 = tpu.vector_load %arg8[%get3A_373, %get3A_374] {strides = array<i32>} : memref<16x1024xf32, #tpu.memory_space<vmem>>, vector<1x16xf32>,
      %get3A_376 = vector.shape_cast %get3A_375 : vector<1x16xf32> to vector<16xf32>
      %get3A_377 = arith.index_cast %scan3A_192 : i32 to index
      %get3A_378 = arith.constant 208 : index
      %get3A_379 = tpu.vector_load %arg6[%get3A_377, %get3A_378] {strides = array<i32>} : memref<16x1024xf32, #tpu.memory_space<vmem>>, vector<1x16xf32>,
      %get3A_380 = vector.shape_cast %get3A_379 : vector<1x16xf32> to vector<16xf32>
      %add3A_381 = arith.addf %get3A_376, %get3A_380 : vector<16xf32>
      %swap3A_382 = arith.index_cast %scan3A_192 : i32 to index
      %swap3A_383 = arith.constant 208 : index
      %swap3A_384 = tpu.vector_load %arg8[%swap3A_382, %swap3A_383] {strides = array<i32>} : memref<16x1024xf32, #tpu.memory_space<vmem>>, vector<1x16xf32>,
      %swap3A_385 = vector.shape_cast %swap3A_384 : vector<1x16xf32> to vector<16xf32>
      %swap3A_386 = vector.shape_cast %add3A_381 : vector<16xf32> to vector<1x16xf32>
      tpu.vector_store %arg8[%swap3A_382, %swap3A_383], %swap3A_386 {strides = array<i32>} : memref<16x1024xf32, #tpu.memory_space<vmem>>, vector<1x16xf32>,
      %get3A_387 = arith.index_cast %scan3A_192 : i32 to index
      %get3A_388 = arith.constant 224 : index
      %get3A_389 = tpu.vector_load %arg8[%get3A_387, %get3A_388] {strides = array<i32>} : memref<16x1024xf32, #tpu.memory_space<vmem>>, vector<1x16xf32>,
      %get3A_390 = vector.shape_cast %get3A_389 : vector<1x16xf32> to vector<16xf32>
      %get3A_391 = arith.index_cast %scan3A_192 : i32 to index
      %get3A_392 = arith.constant 224 : index
      %get3A_393 = tpu.vector_load %arg6[%get3A_391, %get3A_392] {strides = array<i32>} : memref<16x1024xf32, #tpu.memory_space<vmem>>, vector<1x16xf32>,
      %get3A_394 = vector.shape_cast %get3A_393 : vector<1x16xf32> to vector<16xf32>
      %add3A_395 = arith.addf %get3A_390, %get3A_394 : vector<16xf32>
      %swap3A_396 = arith.index_cast %scan3A_192 : i32 to index
      %swap3A_397 = arith.constant 224 : index
      %swap3A_398 = tpu.vector_load %arg8[%swap3A_396, %swap3A_397] {strides = array<i32>} : memref<16x1024xf32, #tpu.memory_space<vmem>>, vector<1x16xf32>,
      %swap3A_399 = vector.shape_cast %swap3A_398 : vector<1x16xf32> to vector<16xf32>
      %swap3A_400 = vector.shape_cast %add3A_395 : vector<16xf32> to vector<1x16xf32>
      tpu.vector_store %arg8[%swap3A_396, %swap3A_397], %swap3A_400 {strides = array<i32>} : memref<16x1024xf32, #tpu.memory_space<vmem>>, vector<1x16xf32>,
      %get3A_401 = arith.index_cast %scan3A_192 : i32 to index
      %get3A_402 = arith.constant 240 : index
      %get3A_403 = tpu.vector_load %arg8[%get3A_401, %get3A_402] {strides = array<i32>} : memref<16x1024xf32, #tpu.memory_space<vmem>>, vector<1x16xf32>,
      %get3A_404 = vector.shape_cast %get3A_403 : vector<1x16xf32> to vector<16xf32>
      %get3A_405 = arith.index_cast %scan3A_192 : i32 to index
      %get3A_406 = arith.constant 240 : index
      %get3A_407 = tpu.vector_load %arg6[%get3A_405, %get3A_406] {strides = array<i32>} : memref<16x1024xf32, #tpu.memory_space<vmem>>, vector<1x16xf32>,
      %get3A_408 = vector.shape_cast %get3A_407 : vector<1x16xf32> to vector<16xf32>
      %add3A_409 = arith.addf %get3A_404, %get3A_408 : vector<16xf32>
      %swap3A_410 = arith.index_cast %scan3A_192 : i32 to index
      %swap3A_411 = arith.constant 240 : index
      %swap3A_412 = tpu.vector_load %arg8[%swap3A_410, %swap3A_411] {strides = array<i32>} : memref<16x1024xf32, #tpu.memory_space<vmem>>, vector<1x16xf32>,
      %swap3A_413 = vector.shape_cast %swap3A_412 : vector<1x16xf32> to vector<16xf32>
      %swap3A_414 = vector.shape_cast %add3A_409 : vector<16xf32> to vector<1x16xf32>
      tpu.vector_store %arg8[%swap3A_410, %swap3A_411], %swap3A_414 {strides = array<i32>} : memref<16x1024xf32, #tpu.memory_space<vmem>>, vector<1x16xf32>,
      %get3A_415 = arith.index_cast %scan3A_192 : i32 to index
      %get3A_416 = arith.constant 256 : index
      %get3A_417 = tpu.vector_load %arg8[%get3A_415, %get3A_416] {strides = array<i32>} : memref<16x1024xf32, #tpu.memory_space<vmem>>, vector<1x16xf32>,
      %get3A_418 = vector.shape_cast %get3A_417 : vector<1x16xf32> to vector<16xf32>
      %get3A_419 = arith.index_cast %scan3A_192 : i32 to index
      %get3A_420 = arith.constant 256 : index
      %get3A_421 = tpu.vector_load %arg6[%get3A_419, %get3A_420] {strides = array<i32>} : memref<16x1024xf32, #tpu.memory_space<vmem>>, vector<1x16xf32>,
      %get3A_422 = vector.shape_cast %get3A_421 : vector<1x16xf32> to vector<16xf32>
      %add3A_423 = arith.addf %get3A_418, %get3A_422 : vector<16xf32>
      %swap3A_424 = arith.index_cast %scan3A_192 : i32 to index
      %swap3A_425 = arith.constant 256 : index
      %swap3A_426 = tpu.vector_load %arg8[%swap3A_424, %swap3A_425] {strides = array<i32>} : memref<16x1024xf32, #tpu.memory_space<vmem>>, vector<1x16xf32>,
      %swap3A_427 = vector.shape_cast %swap3A_426 : vector<1x16xf32> to vector<16xf32>
      %swap3A_428 = vector.shape_cast %add3A_423 : vector<16xf32> to vector<1x16xf32>
      tpu.vector_store %arg8[%swap3A_424, %swap3A_425], %swap3A_428 {strides = array<i32>} : memref<16x1024xf32, #tpu.memory_space<vmem>>, vector<1x16xf32>,
      %get3A_429 = arith.index_cast %scan3A_192 : i32 to index
      %get3A_430 = arith.constant 272 : index
      %get3A_431 = tpu.vector_load %arg8[%get3A_429, %get3A_430] {strides = array<i32>} : memref<16x1024xf32, #tpu.memory_space<vmem>>, vector<1x16xf32>,
      %get3A_432 = vector.shape_cast %get3A_431 : vector<1x16xf32> to vector<16xf32>
      %get3A_433 = arith.index_cast %scan3A_192 : i32 to index
      %get3A_434 = arith.constant 272 : index
      %get3A_435 = tpu.vector_load %arg6[%get3A_433, %get3A_434] {strides = array<i32>} : memref<16x1024xf32, #tpu.memory_space<vmem>>, vector<1x16xf32>,
      %get3A_436 = vector.shape_cast %get3A_435 : vector<1x16xf32> to vector<16xf32>
      %add3A_437 = arith.addf %get3A_432, %get3A_436 : vector<16xf32>
      %swap3A_438 = arith.index_cast %scan3A_192 : i32 to index
      %swap3A_439 = arith.constant 272 : index
      %swap3A_440 = tpu.vector_load %arg8[%swap3A_438, %swap3A_439] {strides = array<i32>} : memref<16x1024xf32, #tpu.memory_space<vmem>>, vector<1x16xf32>,
      %swap3A_441 = vector.shape_cast %swap3A_440 : vector<1x16xf32> to vector<16xf32>
      %swap3A_442 = vector.shape_cast %add3A_437 : vector<16xf32> to vector<1x16xf32>
      tpu.vector_store %arg8[%swap3A_438, %swap3A_439], %swap3A_442 {strides = array<i32>} : memref<16x1024xf32, #tpu.memory_space<vmem>>, vector<1x16xf32>,
      %get3A_443 = arith.index_cast %scan3A_192 : i32 to index
      %get3A_444 = arith.constant 288 : index
      %get3A_445 = tpu.vector_load %arg8[%get3A_443, %get3A_444] {strides = array<i32>} : memref<16x1024xf32, #tpu.memory_space<vmem>>, vector<1x16xf32>,
      %get3A_446 = vector.shape_cast %get3A_445 : vector<1x16xf32> to vector<16xf32>
      %get3A_447 = arith.index_cast %scan3A_192 : i32 to index
      %get3A_448 = arith.constant 288 : index
      %get3A_449 = tpu.vector_load %arg6[%get3A_447, %get3A_448] {strides = array<i32>} : memref<16x1024xf32, #tpu.memory_space<vmem>>, vector<1x16xf32>,
      %get3A_450 = vector.shape_cast %get3A_449 : vector<1x16xf32> to vector<16xf32>
      %add3A_451 = arith.addf %get3A_446, %get3A_450 : vector<16xf32>
      %swap3A_452 = arith.index_cast %scan3A_192 : i32 to index
      %swap3A_453 = arith.constant 288 : index
      %swap3A_454 = tpu.vector_load %arg8[%swap3A_452, %swap3A_453] {strides = array<i32>} : memref<16x1024xf32, #tpu.memory_space<vmem>>, vector<1x16xf32>,
      %swap3A_455 = vector.shape_cast %swap3A_454 : vector<1x16xf32> to vector<16xf32>
      %swap3A_456 = vector.shape_cast %add3A_451 : vector<16xf32> to vector<1x16xf32>
      tpu.vector_store %arg8[%swap3A_452, %swap3A_453], %swap3A_456 {strides = array<i32>} : memref<16x1024xf32, #tpu.memory_space<vmem>>, vector<1x16xf32>,
      %get3A_457 = arith.index_cast %scan3A_192 : i32 to index
      %get3A_458 = arith.constant 304 : index
      %get3A_459 = tpu.vector_load %arg8[%get3A_457, %get3A_458] {strides = array<i32>} : memref<16x1024xf32, #tpu.memory_space<vmem>>, vector<1x16xf32>,
      %get3A_460 = vector.shape_cast %get3A_459 : vector<1x16xf32> to vector<16xf32>
      %get3A_461 = arith.index_cast %scan3A_192 : i32 to index
      %get3A_462 = arith.constant 304 : index
      %get3A_463 = tpu.vector_load %arg6[%get3A_461, %get3A_462] {strides = array<i32>} : memref<16x1024xf32, #tpu.memory_space<vmem>>, vector<1x16xf32>,
      %get3A_464 = vector.shape_cast %get3A_463 : vector<1x16xf32> to vector<16xf32>
      %add3A_465 = arith.addf %get3A_460, %get3A_464 : vector<16xf32>
      %swap3A_466 = arith.index_cast %scan3A_192 : i32 to index
      %swap3A_467 = arith.constant 304 : index
      %swap3A_468 = tpu.vector_load %arg8[%swap3A_466, %swap3A_467] {strides = array<i32>} : memref<16x1024xf32, #tpu.memory_space<vmem>>, vector<1x16xf32>,
      %swap3A_469 = vector.shape_cast %swap3A_468 : vector<1x16xf32> to vector<16xf32>
      %swap3A_470 = vector.shape_cast %add3A_465 : vector<16xf32> to vector<1x16xf32>
      tpu.vector_store %arg8[%swap3A_466, %swap3A_467], %swap3A_470 {strides = array<i32>} : memref<16x1024xf32, #tpu.memory_space<vmem>>, vector<1x16xf32>,
      %get3A_471 = arith.index_cast %scan3A_192 : i32 to index
      %get3A_472 = arith.constant 320 : index
      %get3A_473 = tpu.vector_load %arg8[%get3A_471, %get3A_472] {strides = array<i32>} : memref<16x1024xf32, #tpu.memory_space<vmem>>, vector<1x16xf32>,
      %get3A_474 = vector.shape_cast %get3A_473 : vector<1x16xf32> to vector<16xf32>
      %get3A_475 = arith.index_cast %scan3A_192 : i32 to index
      %get3A_476 = arith.constant 320 : index
      %get3A_477 = tpu.vector_load %arg6[%get3A_475, %get3A_476] {strides = array<i32>} : memref<16x1024xf32, #tpu.memory_space<vmem>>, vector<1x16xf32>,
      %get3A_478 = vector.shape_cast %get3A_477 : vector<1x16xf32> to vector<16xf32>
      %add3A_479 = arith.addf %get3A_474, %get3A_478 : vector<16xf32>
      %swap3A_480 = arith.index_cast %scan3A_192 : i32 to index
      %swap3A_481 = arith.constant 320 : index
      %swap3A_482 = tpu.vector_load %arg8[%swap3A_480, %swap3A_481] {strides = array<i32>} : memref<16x1024xf32, #tpu.memory_space<vmem>>, vector<1x16xf32>,
      %swap3A_483 = vector.shape_cast %swap3A_482 : vector<1x16xf32> to vector<16xf32>
      %swap3A_484 = vector.shape_cast %add3A_479 : vector<16xf32> to vector<1x16xf32>
      tpu.vector_store %arg8[%swap3A_480, %swap3A_481], %swap3A_484 {strides = array<i32>} : memref<16x1024xf32, #tpu.memory_space<vmem>>, vector<1x16xf32>,
      %get3A_485 = arith.index_cast %scan3A_192 : i32 to index
      %get3A_486 = arith.constant 336 : index
      %get3A_487 = tpu.vector_load %arg8[%get3A_485, %get3A_486] {strides = array<i32>} : memref<16x1024xf32, #tpu.memory_space<vmem>>, vector<1x16xf32>,
      %get3A_488 = vector.shape_cast %get3A_487 : vector<1x16xf32> to vector<16xf32>
      %get3A_489 = arith.index_cast %scan3A_192 : i32 to index
      %get3A_490 = arith.constant 336 : index
      %get3A_491 = tpu.vector_load %arg6[%get3A_489, %get3A_490] {strides = array<i32>} : memref<16x1024xf32, #tpu.memory_space<vmem>>, vector<1x16xf32>,
      %get3A_492 = vector.shape_cast %get3A_491 : vector<1x16xf32> to vector<16xf32>
      %add3A_493 = arith.addf %get3A_488, %get3A_492 : vector<16xf32>
      %swap3A_494 = arith.index_cast %scan3A_192 : i32 to index
      %swap3A_495 = arith.constant 336 : index
      %swap3A_496 = tpu.vector_load %arg8[%swap3A_494, %swap3A_495] {strides = array<i32>} : memref<16x1024xf32, #tpu.memory_space<vmem>>, vector<1x16xf32>,
      %swap3A_497 = vector.shape_cast %swap3A_496 : vector<1x16xf32> to vector<16xf32>
      %swap3A_498 = vector.shape_cast %add3A_493 : vector<16xf32> to vector<1x16xf32>
      tpu.vector_store %arg8[%swap3A_494, %swap3A_495], %swap3A_498 {strides = array<i32>} : memref<16x1024xf32, #tpu.memory_space<vmem>>, vector<1x16xf32>,
      %get3A_499 = arith.index_cast %scan3A_192 : i32 to index
      %get3A_500 = arith.constant 352 : index
      %get3A_501 = tpu.vector_load %arg8[%get3A_499, %get3A_500] {strides = array<i32>} : memref<16x1024xf32, #tpu.memory_space<vmem>>, vector<1x16xf32>,
      %get3A_502 = vector.shape_cast %get3A_501 : vector<1x16xf32> to vector<16xf32>
      %get3A_503 = arith.index_cast %scan3A_192 : i32 to index
      %get3A_504 = arith.constant 352 : index
      %get3A_505 = tpu.vector_load %arg6[%get3A_503, %get3A_504] {strides = array<i32>} : memref<16x1024xf32, #tpu.memory_space<vmem>>, vector<1x16xf32>,
      %get3A_506 = vector.shape_cast %get3A_505 : vector<1x16xf32> to vector<16xf32>
      %add3A_507 = arith.addf %get3A_502, %get3A_506 : vector<16xf32>
      %swap3A_508 = arith.index_cast %scan3A_192 : i32 to index
      %swap3A_509 = arith.constant 352 : index
      %swap3A_510 = tpu.vector_load %arg8[%swap3A_508, %swap3A_509] {strides = array<i32>} : memref<16x1024xf32, #tpu.memory_space<vmem>>, vector<1x16xf32>,
      %swap3A_511 = vector.shape_cast %swap3A_510 : vector<1x16xf32> to vector<16xf32>
      %swap3A_512 = vector.shape_cast %add3A_507 : vector<16xf32> to vector<1x16xf32>
      tpu.vector_store %arg8[%swap3A_508, %swap3A_509], %swap3A_512 {strides = array<i32>} : memref<16x1024xf32, #tpu.memory_space<vmem>>, vector<1x16xf32>,
      %get3A_513 = arith.index_cast %scan3A_192 : i32 to index
      %get3A_514 = arith.constant 368 : index
      %get3A_515 = tpu.vector_load %arg8[%get3A_513, %get3A_514] {strides = array<i32>} : memref<16x1024xf32, #tpu.memory_space<vmem>>, vector<1x16xf32>,
      %get3A_516 = vector.shape_cast %get3A_515 : vector<1x16xf32> to vector<16xf32>
      %get3A_517 = arith.index_cast %scan3A_192 : i32 to index
      %get3A_518 = arith.constant 368 : index
      %get3A_519 = tpu.vector_load %arg6[%get3A_517, %get3A_518] {strides = array<i32>} : memref<16x1024xf32, #tpu.memory_space<vmem>>, vector<1x16xf32>,
      %get3A_520 = vector.shape_cast %get3A_519 : vector<1x16xf32> to vector<16xf32>
      %add3A_521 = arith.addf %get3A_516, %get3A_520 : vector<16xf32>
      %swap3A_522 = arith.index_cast %scan3A_192 : i32 to index
      %swap3A_523 = arith.constant 368 : index
      %swap3A_524 = tpu.vector_load %arg8[%swap3A_522, %swap3A_523] {strides = array<i32>} : memref<16x1024xf32, #tpu.memory_space<vmem>>, vector<1x16xf32>,
      %swap3A_525 = vector.shape_cast %swap3A_524 : vector<1x16xf32> to vector<16xf32>
      %swap3A_526 = vector.shape_cast %add3A_521 : vector<16xf32> to vector<1x16xf32>
      tpu.vector_store %arg8[%swap3A_522, %swap3A_523], %swap3A_526 {strides = array<i32>} : memref<16x1024xf32, #tpu.memory_space<vmem>>, vector<1x16xf32>,
      %get3A_527 = arith.index_cast %scan3A_192 : i32 to index
      %get3A_528 = arith.constant 384 : index
      %get3A_529 = tpu.vector_load %arg8[%get3A_527, %get3A_528] {strides = array<i32>} : memref<16x1024xf32, #tpu.memory_space<vmem>>, vector<1x16xf32>,
      %get3A_530 = vector.shape_cast %get3A_529 : vector<1x16xf32> to vector<16xf32>
      %get3A_531 = arith.index_cast %scan3A_192 : i32 to index
      %get3A_532 = arith.constant 384 : index
      %get3A_533 = tpu.vector_load %arg6[%get3A_531, %get3A_532] {strides = array<i32>} : memref<16x1024xf32, #tpu.memory_space<vmem>>, vector<1x16xf32>,
      %get3A_534 = vector.shape_cast %get3A_533 : vector<1x16xf32> to vector<16xf32>
      %add3A_535 = arith.addf %get3A_530, %get3A_534 : vector<16xf32>
      %swap3A_536 = arith.index_cast %scan3A_192 : i32 to index
      %swap3A_537 = arith.constant 384 : index
      %swap3A_538 = tpu.vector_load %arg8[%swap3A_536, %swap3A_537] {strides = array<i32>} : memref<16x1024xf32, #tpu.memory_space<vmem>>, vector<1x16xf32>,
      %swap3A_539 = vector.shape_cast %swap3A_538 : vector<1x16xf32> to vector<16xf32>
      %swap3A_540 = vector.shape_cast %add3A_535 : vector<16xf32> to vector<1x16xf32>
      tpu.vector_store %arg8[%swap3A_536, %swap3A_537], %swap3A_540 {strides = array<i32>} : memref<16x1024xf32, #tpu.memory_space<vmem>>, vector<1x16xf32>,
      %get3A_541 = arith.index_cast %scan3A_192 : i32 to index
      %get3A_542 = arith.constant 400 : index
      %get3A_543 = tpu.vector_load %arg8[%get3A_541, %get3A_542] {strides = array<i32>} : memref<16x1024xf32, #tpu.memory_space<vmem>>, vector<1x16xf32>,
      %get3A_544 = vector.shape_cast %get3A_543 : vector<1x16xf32> to vector<16xf32>
      %get3A_545 = arith.index_cast %scan3A_192 : i32 to index
      %get3A_546 = arith.constant 400 : index
      %get3A_547 = tpu.vector_load %arg6[%get3A_545, %get3A_546] {strides = array<i32>} : memref<16x1024xf32, #tpu.memory_space<vmem>>, vector<1x16xf32>,
      %get3A_548 = vector.shape_cast %get3A_547 : vector<1x16xf32> to vector<16xf32>
      %add3A_549 = arith.addf %get3A_544, %get3A_548 : vector<16xf32>
      %swap3A_550 = arith.index_cast %scan3A_192 : i32 to index
      %swap3A_551 = arith.constant 400 : index
      %swap3A_552 = tpu.vector_load %arg8[%swap3A_550, %swap3A_551] {strides = array<i32>} : memref<16x1024xf32, #tpu.memory_space<vmem>>, vector<1x16xf32>,
      %swap3A_553 = vector.shape_cast %swap3A_552 : vector<1x16xf32> to vector<16xf32>
      %swap3A_554 = vector.shape_cast %add3A_549 : vector<16xf32> to vector<1x16xf32>
      tpu.vector_store %arg8[%swap3A_550, %swap3A_551], %swap3A_554 {strides = array<i32>} : memref<16x1024xf32, #tpu.memory_space<vmem>>, vector<1x16xf32>,
      %get3A_555 = arith.index_cast %scan3A_192 : i32 to index
      %get3A_556 = arith.constant 416 : index
      %get3A_557 = tpu.vector_load %arg8[%get3A_555, %get3A_556] {strides = array<i32>} : memref<16x1024xf32, #tpu.memory_space<vmem>>, vector<1x16xf32>,
      %get3A_558 = vector.shape_cast %get3A_557 : vector<1x16xf32> to vector<16xf32>
      %get3A_559 = arith.index_cast %scan3A_192 : i32 to index
      %get3A_560 = arith.constant 416 : index
      %get3A_561 = tpu.vector_load %arg6[%get3A_559, %get3A_560] {strides = array<i32>} : memref<16x1024xf32, #tpu.memory_space<vmem>>, vector<1x16xf32>,
      %get3A_562 = vector.shape_cast %get3A_561 : vector<1x16xf32> to vector<16xf32>
      %add3A_563 = arith.addf %get3A_558, %get3A_562 : vector<16xf32>
      %swap3A_564 = arith.index_cast %scan3A_192 : i32 to index
      %swap3A_565 = arith.constant 416 : index
      %swap3A_566 = tpu.vector_load %arg8[%swap3A_564, %swap3A_565] {strides = array<i32>} : memref<16x1024xf32, #tpu.memory_space<vmem>>, vector<1x16xf32>,
      %swap3A_567 = vector.shape_cast %swap3A_566 : vector<1x16xf32> to vector<16xf32>
      %swap3A_568 = vector.shape_cast %add3A_563 : vector<16xf32> to vector<1x16xf32>
      tpu.vector_store %arg8[%swap3A_564, %swap3A_565], %swap3A_568 {strides = array<i32>} : memref<16x1024xf32, #tpu.memory_space<vmem>>, vector<1x16xf32>,
      %get3A_569 = arith.index_cast %scan3A_192 : i32 to index
      %get3A_570 = arith.constant 432 : index
      %get3A_571 = tpu.vector_load %arg8[%get3A_569, %get3A_570] {strides = array<i32>} : memref<16x1024xf32, #tpu.memory_space<vmem>>, vector<1x16xf32>,
      %get3A_572 = vector.shape_cast %get3A_571 : vector<1x16xf32> to vector<16xf32>
      %get3A_573 = arith.index_cast %scan3A_192 : i32 to index
      %get3A_574 = arith.constant 432 : index
      %get3A_575 = tpu.vector_load %arg6[%get3A_573, %get3A_574] {strides = array<i32>} : memref<16x1024xf32, #tpu.memory_space<vmem>>, vector<1x16xf32>,
      %get3A_576 = vector.shape_cast %get3A_575 : vector<1x16xf32> to vector<16xf32>
      %add3A_577 = arith.addf %get3A_572, %get3A_576 : vector<16xf32>
      %swap3A_578 = arith.index_cast %scan3A_192 : i32 to index
      %swap3A_579 = arith.constant 432 : index
      %swap3A_580 = tpu.vector_load %arg8[%swap3A_578, %swap3A_579] {strides = array<i32>} : memref<16x1024xf32, #tpu.memory_space<vmem>>, vector<1x16xf32>,
      %swap3A_581 = vector.shape_cast %swap3A_580 : vector<1x16xf32> to vector<16xf32>
      %swap3A_582 = vector.shape_cast %add3A_577 : vector<16xf32> to vector<1x16xf32>
      tpu.vector_store %arg8[%swap3A_578, %swap3A_579], %swap3A_582 {strides = array<i32>} : memref<16x1024xf32, #tpu.memory_space<vmem>>, vector<1x16xf32>,
      %get3A_583 = arith.index_cast %scan3A_192 : i32 to index
      %get3A_584 = arith.constant 448 : index
      %get3A_585 = tpu.vector_load %arg8[%get3A_583, %get3A_584] {strides = array<i32>} : memref<16x1024xf32, #tpu.memory_space<vmem>>, vector<1x16xf32>,
      %get3A_586 = vector.shape_cast %get3A_585 : vector<1x16xf32> to vector<16xf32>
      %get3A_587 = arith.index_cast %scan3A_192 : i32 to index
      %get3A_588 = arith.constant 448 : index
      %get3A_589 = tpu.vector_load %arg6[%get3A_587, %get3A_588] {strides = array<i32>} : memref<16x1024xf32, #tpu.memory_space<vmem>>, vector<1x16xf32>,
      %get3A_590 = vector.shape_cast %get3A_589 : vector<1x16xf32> to vector<16xf32>
      %add3A_591 = arith.addf %get3A_586, %get3A_590 : vector<16xf32>
      %swap3A_592 = arith.index_cast %scan3A_192 : i32 to index
      %swap3A_593 = arith.constant 448 : index
      %swap3A_594 = tpu.vector_load %arg8[%swap3A_592, %swap3A_593] {strides = array<i32>} : memref<16x1024xf32, #tpu.memory_space<vmem>>, vector<1x16xf32>,
      %swap3A_595 = vector.shape_cast %swap3A_594 : vector<1x16xf32> to vector<16xf32>
      %swap3A_596 = vector.shape_cast %add3A_591 : vector<16xf32> to vector<1x16xf32>
      tpu.vector_store %arg8[%swap3A_592, %swap3A_593], %swap3A_596 {strides = array<i32>} : memref<16x1024xf32, #tpu.memory_space<vmem>>, vector<1x16xf32>,
      %get3A_597 = arith.index_cast %scan3A_192 : i32 to index
      %get3A_598 = arith.constant 464 : index
      %get3A_599 = tpu.vector_load %arg8[%get3A_597, %get3A_598] {strides = array<i32>} : memref<16x1024xf32, #tpu.memory_space<vmem>>, vector<1x16xf32>,
      %get3A_600 = vector.shape_cast %get3A_599 : vector<1x16xf32> to vector<16xf32>
      %get3A_601 = arith.index_cast %scan3A_192 : i32 to index
      %get3A_602 = arith.constant 464 : index
      %get3A_603 = tpu.vector_load %arg6[%get3A_601, %get3A_602] {strides = array<i32>} : memref<16x1024xf32, #tpu.memory_space<vmem>>, vector<1x16xf32>,
      %get3A_604 = vector.shape_cast %get3A_603 : vector<1x16xf32> to vector<16xf32>
      %add3A_605 = arith.addf %get3A_600, %get3A_604 : vector<16xf32>
      %swap3A_606 = arith.index_cast %scan3A_192 : i32 to index
      %swap3A_607 = arith.constant 464 : index
      %swap3A_608 = tpu.vector_load %arg8[%swap3A_606, %swap3A_607] {strides = array<i32>} : memref<16x1024xf32, #tpu.memory_space<vmem>>, vector<1x16xf32>,
      %swap3A_609 = vector.shape_cast %swap3A_608 : vector<1x16xf32> to vector<16xf32>
      %swap3A_610 = vector.shape_cast %add3A_605 : vector<16xf32> to vector<1x16xf32>
      tpu.vector_store %arg8[%swap3A_606, %swap3A_607], %swap3A_610 {strides = array<i32>} : memref<16x1024xf32, #tpu.memory_space<vmem>>, vector<1x16xf32>,
      %get3A_611 = arith.index_cast %scan3A_192 : i32 to index
      %get3A_612 = arith.constant 480 : index
      %get3A_613 = tpu.vector_load %arg8[%get3A_611, %get3A_612] {strides = array<i32>} : memref<16x1024xf32, #tpu.memory_space<vmem>>, vector<1x16xf32>,
      %get3A_614 = vector.shape_cast %get3A_613 : vector<1x16xf32> to vector<16xf32>
      %get3A_615 = arith.index_cast %scan3A_192 : i32 to index
      %get3A_616 = arith.constant 480 : index
      %get3A_617 = tpu.vector_load %arg6[%get3A_615, %get3A_616] {strides = array<i32>} : memref<16x1024xf32, #tpu.memory_space<vmem>>, vector<1x16xf32>,
      %get3A_618 = vector.shape_cast %get3A_617 : vector<1x16xf32> to vector<16xf32>
      %add3A_619 = arith.addf %get3A_614, %get3A_618 : vector<16xf32>
      %swap3A_620 = arith.index_cast %scan3A_192 : i32 to index
      %swap3A_621 = arith.constant 480 : index
      %swap3A_622 = tpu.vector_load %arg8[%swap3A_620, %swap3A_621] {strides = array<i32>} : memref<16x1024xf32, #tpu.memory_space<vmem>>, vector<1x16xf32>,
      %swap3A_623 = vector.shape_cast %swap3A_622 : vector<1x16xf32> to vector<16xf32>
      %swap3A_624 = vector.shape_cast %add3A_619 : vector<16xf32> to vector<1x16xf32>
      tpu.vector_store %arg8[%swap3A_620, %swap3A_621], %swap3A_624 {strides = array<i32>} : memref<16x1024xf32, #tpu.memory_space<vmem>>, vector<1x16xf32>,
      %get3A_625 = arith.index_cast %scan3A_192 : i32 to index
      %get3A_626 = arith.constant 496 : index
      %get3A_627 = tpu.vector_load %arg8[%get3A_625, %get3A_626] {strides = array<i32>} : memref<16x1024xf32, #tpu.memory_space<vmem>>, vector<1x16xf32>,
      %get3A_628 = vector.shape_cast %get3A_627 : vector<1x16xf32> to vector<16xf32>
      %get3A_629 = arith.index_cast %scan3A_192 : i32 to index
      %get3A_630 = arith.constant 496 : index
      %get3A_631 = tpu.vector_load %arg6[%get3A_629, %get3A_630] {strides = array<i32>} : memref<16x1024xf32, #tpu.memory_space<vmem>>, vector<1x16xf32>,
      %get3A_632 = vector.shape_cast %get3A_631 : vector<1x16xf32> to vector<16xf32>
      %add3A_633 = arith.addf %get3A_628, %get3A_632 : vector<16xf32>
      %swap3A_634 = arith.index_cast %scan3A_192 : i32 to index
      %swap3A_635 = arith.constant 496 : index
      %swap3A_636 = tpu.vector_load %arg8[%swap3A_634, %swap3A_635] {strides = array<i32>} : memref<16x1024xf32, #tpu.memory_space<vmem>>, vector<1x16xf32>,
      %swap3A_637 = vector.shape_cast %swap3A_636 : vector<1x16xf32> to vector<16xf32>
      %swap3A_638 = vector.shape_cast %add3A_633 : vector<16xf32> to vector<1x16xf32>
      tpu.vector_store %arg8[%swap3A_634, %swap3A_635], %swap3A_638 {strides = array<i32>} : memref<16x1024xf32, #tpu.memory_space<vmem>>, vector<1x16xf32>,
      %get3A_639 = arith.index_cast %scan3A_192 : i32 to index
      %get3A_640 = arith.constant 512 : index
      %get3A_641 = tpu.vector_load %arg8[%get3A_639, %get3A_640] {strides = array<i32>} : memref<16x1024xf32, #tpu.memory_space<vmem>>, vector<1x16xf32>,
      %get3A_642 = vector.shape_cast %get3A_641 : vector<1x16xf32> to vector<16xf32>
      %get3A_643 = arith.index_cast %scan3A_192 : i32 to index
      %get3A_644 = arith.constant 512 : index
      %get3A_645 = tpu.vector_load %arg6[%get3A_643, %get3A_644] {strides = array<i32>} : memref<16x1024xf32, #tpu.memory_space<vmem>>, vector<1x16xf32>,
      %get3A_646 = vector.shape_cast %get3A_645 : vector<1x16xf32> to vector<16xf32>
      %add3A_647 = arith.addf %get3A_642, %get3A_646 : vector<16xf32>
      %swap3A_648 = arith.index_cast %scan3A_192 : i32 to index
      %swap3A_649 = arith.constant 512 : index
      %swap3A_650 = tpu.vector_load %arg8[%swap3A_648, %swap3A_649] {strides = array<i32>} : memref<16x1024xf32, #tpu.memory_space<vmem>>, vector<1x16xf32>,
      %swap3A_651 = vector.shape_cast %swap3A_650 : vector<1x16xf32> to vector<16xf32>
      %swap3A_652 = vector.shape_cast %add3A_647 : vector<16xf32> to vector<1x16xf32>
      tpu.vector_store %arg8[%swap3A_648, %swap3A_649], %swap3A_652 {strides = array<i32>} : memref<16x1024xf32, #tpu.memory_space<vmem>>, vector<1x16xf32>,
      %get3A_653 = arith.index_cast %scan3A_192 : i32 to index
      %get3A_654 = arith.constant 528 : index
      %get3A_655 = tpu.vector_load %arg8[%get3A_653, %get3A_654] {strides = array<i32>} : memref<16x1024xf32, #tpu.memory_space<vmem>>, vector<1x16xf32>,
      %get3A_656 = vector.shape_cast %get3A_655 : vector<1x16xf32> to vector<16xf32>
      %get3A_657 = arith.index_cast %scan3A_192 : i32 to index
      %get3A_658 = arith.constant 528 : index
      %get3A_659 = tpu.vector_load %arg6[%get3A_657, %get3A_658] {strides = array<i32>} : memref<16x1024xf32, #tpu.memory_space<vmem>>, vector<1x16xf32>,
      %get3A_660 = vector.shape_cast %get3A_659 : vector<1x16xf32> to vector<16xf32>
      %add3A_661 = arith.addf %get3A_656, %get3A_660 : vector<16xf32>
      %swap3A_662 = arith.index_cast %scan3A_192 : i32 to index
      %swap3A_663 = arith.constant 528 : index
      %swap3A_664 = tpu.vector_load %arg8[%swap3A_662, %swap3A_663] {strides = array<i32>} : memref<16x1024xf32, #tpu.memory_space<vmem>>, vector<1x16xf32>,
      %swap3A_665 = vector.shape_cast %swap3A_664 : vector<1x16xf32> to vector<16xf32>
      %swap3A_666 = vector.shape_cast %add3A_661 : vector<16xf32> to vector<1x16xf32>
      tpu.vector_store %arg8[%swap3A_662, %swap3A_663], %swap3A_666 {strides = array<i32>} : memref<16x1024xf32, #tpu.memory_space<vmem>>, vector<1x16xf32>,
      %get3A_667 = arith.index_cast %scan3A_192 : i32 to index
      %get3A_668 = arith.constant 544 : index
      %get3A_669 = tpu.vector_load %arg8[%get3A_667, %get3A_668] {strides = array<i32>} : memref<16x1024xf32, #tpu.memory_space<vmem>>, vector<1x16xf32>,
      %get3A_670 = vector.shape_cast %get3A_669 : vector<1x16xf32> to vector<16xf32>
      %get3A_671 = arith.index_cast %scan3A_192 : i32 to index
      %get3A_672 = arith.constant 544 : index
      %get3A_673 = tpu.vector_load %arg6[%get3A_671, %get3A_672] {strides = array<i32>} : memref<16x1024xf32, #tpu.memory_space<vmem>>, vector<1x16xf32>,
      %get3A_674 = vector.shape_cast %get3A_673 : vector<1x16xf32> to vector<16xf32>
      %add3A_675 = arith.addf %get3A_670, %get3A_674 : vector<16xf32>
      %swap3A_676 = arith.index_cast %scan3A_192 : i32 to index
      %swap3A_677 = arith.constant 544 : index
      %swap3A_678 = tpu.vector_load %arg8[%swap3A_676, %swap3A_677] {strides = array<i32>} : memref<16x1024xf32, #tpu.memory_space<vmem>>, vector<1x16xf32>,
      %swap3A_679 = vector.shape_cast %swap3A_678 : vector<1x16xf32> to vector<16xf32>
      %swap3A_680 = vector.shape_cast %add3A_675 : vector<16xf32> to vector<1x16xf32>
      tpu.vector_store %arg8[%swap3A_676, %swap3A_677], %swap3A_680 {strides = array<i32>} : memref<16x1024xf32, #tpu.memory_space<vmem>>, vector<1x16xf32>,
      %get3A_681 = arith.index_cast %scan3A_192 : i32 to index
      %get3A_682 = arith.constant 560 : index
      %get3A_683 = tpu.vector_load %arg8[%get3A_681, %get3A_682] {strides = array<i32>} : memref<16x1024xf32, #tpu.memory_space<vmem>>, vector<1x16xf32>,
      %get3A_684 = vector.shape_cast %get3A_683 : vector<1x16xf32> to vector<16xf32>
      %get3A_685 = arith.index_cast %scan3A_192 : i32 to index
      %get3A_686 = arith.constant 560 : index
      %get3A_687 = tpu.vector_load %arg6[%get3A_685, %get3A_686] {strides = array<i32>} : memref<16x1024xf32, #tpu.memory_space<vmem>>, vector<1x16xf32>,
      %get3A_688 = vector.shape_cast %get3A_687 : vector<1x16xf32> to vector<16xf32>
      %add3A_689 = arith.addf %get3A_684, %get3A_688 : vector<16xf32>
      %swap3A_690 = arith.index_cast %scan3A_192 : i32 to index
      %swap3A_691 = arith.constant 560 : index
      %swap3A_692 = tpu.vector_load %arg8[%swap3A_690, %swap3A_691] {strides = array<i32>} : memref<16x1024xf32, #tpu.memory_space<vmem>>, vector<1x16xf32>,
      %swap3A_693 = vector.shape_cast %swap3A_692 : vector<1x16xf32> to vector<16xf32>
      %swap3A_694 = vector.shape_cast %add3A_689 : vector<16xf32> to vector<1x16xf32>
      tpu.vector_store %arg8[%swap3A_690, %swap3A_691], %swap3A_694 {strides = array<i32>} : memref<16x1024xf32, #tpu.memory_space<vmem>>, vector<1x16xf32>,
      %get3A_695 = arith.index_cast %scan3A_192 : i32 to index
      %get3A_696 = arith.constant 576 : index
      %get3A_697 = tpu.vector_load %arg8[%get3A_695, %get3A_696] {strides = array<i32>} : memref<16x1024xf32, #tpu.memory_space<vmem>>, vector<1x16xf32>,
      %get3A_698 = vector.shape_cast %get3A_697 : vector<1x16xf32> to vector<16xf32>
      %get3A_699 = arith.index_cast %scan3A_192 : i32 to index
      %get3A_700 = arith.constant 576 : index
      %get3A_701 = tpu.vector_load %arg6[%get3A_699, %get3A_700] {strides = array<i32>} : memref<16x1024xf32, #tpu.memory_space<vmem>>, vector<1x16xf32>,
      %get3A_702 = vector.shape_cast %get3A_701 : vector<1x16xf32> to vector<16xf32>
      %add3A_703 = arith.addf %get3A_698, %get3A_702 : vector<16xf32>
      %swap3A_704 = arith.index_cast %scan3A_192 : i32 to index
      %swap3A_705 = arith.constant 576 : index
      %swap3A_706 = tpu.vector_load %arg8[%swap3A_704, %swap3A_705] {strides = array<i32>} : memref<16x1024xf32, #tpu.memory_space<vmem>>, vector<1x16xf32>,
      %swap3A_707 = vector.shape_cast %swap3A_706 : vector<1x16xf32> to vector<16xf32>
      %swap3A_708 = vector.shape_cast %add3A_703 : vector<16xf32> to vector<1x16xf32>
      tpu.vector_store %arg8[%swap3A_704, %swap3A_705], %swap3A_708 {strides = array<i32>} : memref<16x1024xf32, #tpu.memory_space<vmem>>, vector<1x16xf32>,
      %get3A_709 = arith.index_cast %scan3A_192 : i32 to index
      %get3A_710 = arith.constant 592 : index
      %get3A_711 = tpu.vector_load %arg8[%get3A_709, %get3A_710] {strides = array<i32>} : memref<16x1024xf32, #tpu.memory_space<vmem>>, vector<1x16xf32>,
      %get3A_712 = vector.shape_cast %get3A_711 : vector<1x16xf32> to vector<16xf32>
      %get3A_713 = arith.index_cast %scan3A_192 : i32 to index
      %get3A_714 = arith.constant 592 : index
      %get3A_715 = tpu.vector_load %arg6[%get3A_713, %get3A_714] {strides = array<i32>} : memref<16x1024xf32, #tpu.memory_space<vmem>>, vector<1x16xf32>,
      %get3A_716 = vector.shape_cast %get3A_715 : vector<1x16xf32> to vector<16xf32>
      %add3A_717 = arith.addf %get3A_712, %get3A_716 : vector<16xf32>
      %swap3A_718 = arith.index_cast %scan3A_192 : i32 to index
      %swap3A_719 = arith.constant 592 : index
      %swap3A_720 = tpu.vector_load %arg8[%swap3A_718, %swap3A_719] {strides = array<i32>} : memref<16x1024xf32, #tpu.memory_space<vmem>>, vector<1x16xf32>,
      %swap3A_721 = vector.shape_cast %swap3A_720 : vector<1x16xf32> to vector<16xf32>
      %swap3A_722 = vector.shape_cast %add3A_717 : vector<16xf32> to vector<1x16xf32>
      tpu.vector_store %arg8[%swap3A_718, %swap3A_719], %swap3A_722 {strides = array<i32>} : memref<16x1024xf32, #tpu.memory_space<vmem>>, vector<1x16xf32>,
      %get3A_723 = arith.index_cast %scan3A_192 : i32 to index
      %get3A_724 = arith.constant 608 : index
      %get3A_725 = tpu.vector_load %arg8[%get3A_723, %get3A_724] {strides = array<i32>} : memref<16x1024xf32, #tpu.memory_space<vmem>>, vector<1x16xf32>,
      %get3A_726 = vector.shape_cast %get3A_725 : vector<1x16xf32> to vector<16xf32>
      %get3A_727 = arith.index_cast %scan3A_192 : i32 to index
      %get3A_728 = arith.constant 608 : index
      %get3A_729 = tpu.vector_load %arg6[%get3A_727, %get3A_728] {strides = array<i32>} : memref<16x1024xf32, #tpu.memory_space<vmem>>, vector<1x16xf32>,
      %get3A_730 = vector.shape_cast %get3A_729 : vector<1x16xf32> to vector<16xf32>
      %add3A_731 = arith.addf %get3A_726, %get3A_730 : vector<16xf32>
      %swap3A_732 = arith.index_cast %scan3A_192 : i32 to index
      %swap3A_733 = arith.constant 608 : index
      %swap3A_734 = tpu.vector_load %arg8[%swap3A_732, %swap3A_733] {strides = array<i32>} : memref<16x1024xf32, #tpu.memory_space<vmem>>, vector<1x16xf32>,
      %swap3A_735 = vector.shape_cast %swap3A_734 : vector<1x16xf32> to vector<16xf32>
      %swap3A_736 = vector.shape_cast %add3A_731 : vector<16xf32> to vector<1x16xf32>
      tpu.vector_store %arg8[%swap3A_732, %swap3A_733], %swap3A_736 {strides = array<i32>} : memref<16x1024xf32, #tpu.memory_space<vmem>>, vector<1x16xf32>,
      %get3A_737 = arith.index_cast %scan3A_192 : i32 to index
      %get3A_738 = arith.constant 624 : index
      %get3A_739 = tpu.vector_load %arg8[%get3A_737, %get3A_738] {strides = array<i32>} : memref<16x1024xf32, #tpu.memory_space<vmem>>, vector<1x16xf32>,
      %get3A_740 = vector.shape_cast %get3A_739 : vector<1x16xf32> to vector<16xf32>
      %get3A_741 = arith.index_cast %scan3A_192 : i32 to index
      %get3A_742 = arith.constant 624 : index
      %get3A_743 = tpu.vector_load %arg6[%get3A_741, %get3A_742] {strides = array<i32>} : memref<16x1024xf32, #tpu.memory_space<vmem>>, vector<1x16xf32>,
      %get3A_744 = vector.shape_cast %get3A_743 : vector<1x16xf32> to vector<16xf32>
      %add3A_745 = arith.addf %get3A_740, %get3A_744 : vector<16xf32>
      %swap3A_746 = arith.index_cast %scan3A_192 : i32 to index
      %swap3A_747 = arith.constant 624 : index
      %swap3A_748 = tpu.vector_load %arg8[%swap3A_746, %swap3A_747] {strides = array<i32>} : memref<16x1024xf32, #tpu.memory_space<vmem>>, vector<1x16xf32>,
      %swap3A_749 = vector.shape_cast %swap3A_748 : vector<1x16xf32> to vector<16xf32>
      %swap3A_750 = vector.shape_cast %add3A_745 : vector<16xf32> to vector<1x16xf32>
      tpu.vector_store %arg8[%swap3A_746, %swap3A_747], %swap3A_750 {strides = array<i32>} : memref<16x1024xf32, #tpu.memory_space<vmem>>, vector<1x16xf32>,
      %get3A_751 = arith.index_cast %scan3A_192 : i32 to index
      %get3A_752 = arith.constant 640 : index
      %get3A_753 = tpu.vector_load %arg8[%get3A_751, %get3A_752] {strides = array<i32>} : memref<16x1024xf32, #tpu.memory_space<vmem>>, vector<1x16xf32>,
      %get3A_754 = vector.shape_cast %get3A_753 : vector<1x16xf32> to vector<16xf32>
      %get3A_755 = arith.index_cast %scan3A_192 : i32 to index
      %get3A_756 = arith.constant 640 : index
      %get3A_757 = tpu.vector_load %arg6[%get3A_755, %get3A_756] {strides = array<i32>} : memref<16x1024xf32, #tpu.memory_space<vmem>>, vector<1x16xf32>,
      %get3A_758 = vector.shape_cast %get3A_757 : vector<1x16xf32> to vector<16xf32>
      %add3A_759 = arith.addf %get3A_754, %get3A_758 : vector<16xf32>
      %swap3A_760 = arith.index_cast %scan3A_192 : i32 to index
      %swap3A_761 = arith.constant 640 : index
      %swap3A_762 = tpu.vector_load %arg8[%swap3A_760, %swap3A_761] {strides = array<i32>} : memref<16x1024xf32, #tpu.memory_space<vmem>>, vector<1x16xf32>,
      %swap3A_763 = vector.shape_cast %swap3A_762 : vector<1x16xf32> to vector<16xf32>
      %swap3A_764 = vector.shape_cast %add3A_759 : vector<16xf32> to vector<1x16xf32>
      tpu.vector_store %arg8[%swap3A_760, %swap3A_761], %swap3A_764 {strides = array<i32>} : memref<16x1024xf32, #tpu.memory_space<vmem>>, vector<1x16xf32>,
      %get3A_765 = arith.index_cast %scan3A_192 : i32 to index
      %get3A_766 = arith.constant 656 : index
      %get3A_767 = tpu.vector_load %arg8[%get3A_765, %get3A_766] {strides = array<i32>} : memref<16x1024xf32, #tpu.memory_space<vmem>>, vector<1x16xf32>,
      %get3A_768 = vector.shape_cast %get3A_767 : vector<1x16xf32> to vector<16xf32>
      %get3A_769 = arith.index_cast %scan3A_192 : i32 to index
      %get3A_770 = arith.constant 656 : index
      %get3A_771 = tpu.vector_load %arg6[%get3A_769, %get3A_770] {strides = array<i32>} : memref<16x1024xf32, #tpu.memory_space<vmem>>, vector<1x16xf32>,
      %get3A_772 = vector.shape_cast %get3A_771 : vector<1x16xf32> to vector<16xf32>
      %add3A_773 = arith.addf %get3A_768, %get3A_772 : vector<16xf32>
      %swap3A_774 = arith.index_cast %scan3A_192 : i32 to index
      %swap3A_775 = arith.constant 656 : index
      %swap3A_776 = tpu.vector_load %arg8[%swap3A_774, %swap3A_775] {strides = array<i32>} : memref<16x1024xf32, #tpu.memory_space<vmem>>, vector<1x16xf32>,
      %swap3A_777 = vector.shape_cast %swap3A_776 : vector<1x16xf32> to vector<16xf32>
      %swap3A_778 = vector.shape_cast %add3A_773 : vector<16xf32> to vector<1x16xf32>
      tpu.vector_store %arg8[%swap3A_774, %swap3A_775], %swap3A_778 {strides = array<i32>} : memref<16x1024xf32, #tpu.memory_space<vmem>>, vector<1x16xf32>,
      %get3A_779 = arith.index_cast %scan3A_192 : i32 to index
      %get3A_780 = arith.constant 672 : index
      %get3A_781 = tpu.vector_load %arg8[%get3A_779, %get3A_780] {strides = array<i32>} : memref<16x1024xf32, #tpu.memory_space<vmem>>, vector<1x16xf32>,
      %get3A_782 = vector.shape_cast %get3A_781 : vector<1x16xf32> to vector<16xf32>
      %get3A_783 = arith.index_cast %scan3A_192 : i32 to index
      %get3A_784 = arith.constant 672 : index
      %get3A_785 = tpu.vector_load %arg6[%get3A_783, %get3A_784] {strides = array<i32>} : memref<16x1024xf32, #tpu.memory_space<vmem>>, vector<1x16xf32>,
      %get3A_786 = vector.shape_cast %get3A_785 : vector<1x16xf32> to vector<16xf32>
      %add3A_787 = arith.addf %get3A_782, %get3A_786 : vector<16xf32>
      %swap3A_788 = arith.index_cast %scan3A_192 : i32 to index
      %swap3A_789 = arith.constant 672 : index
      %swap3A_790 = tpu.vector_load %arg8[%swap3A_788, %swap3A_789] {strides = array<i32>} : memref<16x1024xf32, #tpu.memory_space<vmem>>, vector<1x16xf32>,
      %swap3A_791 = vector.shape_cast %swap3A_790 : vector<1x16xf32> to vector<16xf32>
      %swap3A_792 = vector.shape_cast %add3A_787 : vector<16xf32> to vector<1x16xf32>
      tpu.vector_store %arg8[%swap3A_788, %swap3A_789], %swap3A_792 {strides = array<i32>} : memref<16x1024xf32, #tpu.memory_space<vmem>>, vector<1x16xf32>,
      %get3A_793 = arith.index_cast %scan3A_192 : i32 to index
      %get3A_794 = arith.constant 688 : index
      %get3A_795 = tpu.vector_load %arg8[%get3A_793, %get3A_794] {strides = array<i32>} : memref<16x1024xf32, #tpu.memory_space<vmem>>, vector<1x16xf32>,
      %get3A_796 = vector.shape_cast %get3A_795 : vector<1x16xf32> to vector<16xf32>
      %get3A_797 = arith.index_cast %scan3A_192 : i32 to index
      %get3A_798 = arith.constant 688 : index
      %get3A_799 = tpu.vector_load %arg6[%get3A_797, %get3A_798] {strides = array<i32>} : memref<16x1024xf32, #tpu.memory_space<vmem>>, vector<1x16xf32>,
      %get3A_800 = vector.shape_cast %get3A_799 : vector<1x16xf32> to vector<16xf32>
      %add3A_801 = arith.addf %get3A_796, %get3A_800 : vector<16xf32>
      %swap3A_802 = arith.index_cast %scan3A_192 : i32 to index
      %swap3A_803 = arith.constant 688 : index
      %swap3A_804 = tpu.vector_load %arg8[%swap3A_802, %swap3A_803] {strides = array<i32>} : memref<16x1024xf32, #tpu.memory_space<vmem>>, vector<1x16xf32>,
      %swap3A_805 = vector.shape_cast %swap3A_804 : vector<1x16xf32> to vector<16xf32>
      %swap3A_806 = vector.shape_cast %add3A_801 : vector<16xf32> to vector<1x16xf32>
      tpu.vector_store %arg8[%swap3A_802, %swap3A_803], %swap3A_806 {strides = array<i32>} : memref<16x1024xf32, #tpu.memory_space<vmem>>, vector<1x16xf32>,
      %get3A_807 = arith.index_cast %scan3A_192 : i32 to index
      %get3A_808 = arith.constant 704 : index
      %get3A_809 = tpu.vector_load %arg8[%get3A_807, %get3A_808] {strides = array<i32>} : memref<16x1024xf32, #tpu.memory_space<vmem>>, vector<1x16xf32>,
      %get3A_810 = vector.shape_cast %get3A_809 : vector<1x16xf32> to vector<16xf32>
      %get3A_811 = arith.index_cast %scan3A_192 : i32 to index
      %get3A_812 = arith.constant 704 : index
      %get3A_813 = tpu.vector_load %arg6[%get3A_811, %get3A_812] {strides = array<i32>} : memref<16x1024xf32, #tpu.memory_space<vmem>>, vector<1x16xf32>,
      %get3A_814 = vector.shape_cast %get3A_813 : vector<1x16xf32> to vector<16xf32>
      %add3A_815 = arith.addf %get3A_810, %get3A_814 : vector<16xf32>
      %swap3A_816 = arith.index_cast %scan3A_192 : i32 to index
      %swap3A_817 = arith.constant 704 : index
      %swap3A_818 = tpu.vector_load %arg8[%swap3A_816, %swap3A_817] {strides = array<i32>} : memref<16x1024xf32, #tpu.memory_space<vmem>>, vector<1x16xf32>,
      %swap3A_819 = vector.shape_cast %swap3A_818 : vector<1x16xf32> to vector<16xf32>
      %swap3A_820 = vector.shape_cast %add3A_815 : vector<16xf32> to vector<1x16xf32>
      tpu.vector_store %arg8[%swap3A_816, %swap3A_817], %swap3A_820 {strides = array<i32>} : memref<16x1024xf32, #tpu.memory_space<vmem>>, vector<1x16xf32>,
      %get3A_821 = arith.index_cast %scan3A_192 : i32 to index
      %get3A_822 = arith.constant 720 : index
      %get3A_823 = tpu.vector_load %arg8[%get3A_821, %get3A_822] {strides = array<i32>} : memref<16x1024xf32, #tpu.memory_space<vmem>>, vector<1x16xf32>,
      %get3A_824 = vector.shape_cast %get3A_823 : vector<1x16xf32> to vector<16xf32>
      %get3A_825 = arith.index_cast %scan3A_192 : i32 to index
      %get3A_826 = arith.constant 720 : index
      %get3A_827 = tpu.vector_load %arg6[%get3A_825, %get3A_826] {strides = array<i32>} : memref<16x1024xf32, #tpu.memory_space<vmem>>, vector<1x16xf32>,
      %get3A_828 = vector.shape_cast %get3A_827 : vector<1x16xf32> to vector<16xf32>
      %add3A_829 = arith.addf %get3A_824, %get3A_828 : vector<16xf32>
      %swap3A_830 = arith.index_cast %scan3A_192 : i32 to index
      %swap3A_831 = arith.constant 720 : index
      %swap3A_832 = tpu.vector_load %arg8[%swap3A_830, %swap3A_831] {strides = array<i32>} : memref<16x1024xf32, #tpu.memory_space<vmem>>, vector<1x16xf32>,
      %swap3A_833 = vector.shape_cast %swap3A_832 : vector<1x16xf32> to vector<16xf32>
      %swap3A_834 = vector.shape_cast %add3A_829 : vector<16xf32> to vector<1x16xf32>
      tpu.vector_store %arg8[%swap3A_830, %swap3A_831], %swap3A_834 {strides = array<i32>} : memref<16x1024xf32, #tpu.memory_space<vmem>>, vector<1x16xf32>,
      %get3A_835 = arith.index_cast %scan3A_192 : i32 to index
      %get3A_836 = arith.constant 736 : index
      %get3A_837 = tpu.vector_load %arg8[%get3A_835, %get3A_836] {strides = array<i32>} : memref<16x1024xf32, #tpu.memory_space<vmem>>, vector<1x16xf32>,
      %get3A_838 = vector.shape_cast %get3A_837 : vector<1x16xf32> to vector<16xf32>
      %get3A_839 = arith.index_cast %scan3A_192 : i32 to index
      %get3A_840 = arith.constant 736 : index
      %get3A_841 = tpu.vector_load %arg6[%get3A_839, %get3A_840] {strides = array<i32>} : memref<16x1024xf32, #tpu.memory_space<vmem>>, vector<1x16xf32>,
      %get3A_842 = vector.shape_cast %get3A_841 : vector<1x16xf32> to vector<16xf32>
      %add3A_843 = arith.addf %get3A_838, %get3A_842 : vector<16xf32>
      %swap3A_844 = arith.index_cast %scan3A_192 : i32 to index
      %swap3A_845 = arith.constant 736 : index
      %swap3A_846 = tpu.vector_load %arg8[%swap3A_844, %swap3A_845] {strides = array<i32>} : memref<16x1024xf32, #tpu.memory_space<vmem>>, vector<1x16xf32>,
      %swap3A_847 = vector.shape_cast %swap3A_846 : vector<1x16xf32> to vector<16xf32>
      %swap3A_848 = vector.shape_cast %add3A_843 : vector<16xf32> to vector<1x16xf32>
      tpu.vector_store %arg8[%swap3A_844, %swap3A_845], %swap3A_848 {strides = array<i32>} : memref<16x1024xf32, #tpu.memory_space<vmem>>, vector<1x16xf32>,
      %get3A_849 = arith.index_cast %scan3A_192 : i32 to index
      %get3A_850 = arith.constant 752 : index
      %get3A_851 = tpu.vector_load %arg8[%get3A_849, %get3A_850] {strides = array<i32>} : memref<16x1024xf32, #tpu.memory_space<vmem>>, vector<1x16xf32>,
      %get3A_852 = vector.shape_cast %get3A_851 : vector<1x16xf32> to vector<16xf32>
      %get3A_853 = arith.index_cast %scan3A_192 : i32 to index
      %get3A_854 = arith.constant 752 : index
      %get3A_855 = tpu.vector_load %arg6[%get3A_853, %get3A_854] {strides = array<i32>} : memref<16x1024xf32, #tpu.memory_space<vmem>>, vector<1x16xf32>,
      %get3A_856 = vector.shape_cast %get3A_855 : vector<1x16xf32> to vector<16xf32>
      %add3A_857 = arith.addf %get3A_852, %get3A_856 : vector<16xf32>
      %swap3A_858 = arith.index_cast %scan3A_192 : i32 to index
      %swap3A_859 = arith.constant 752 : index
      %swap3A_860 = tpu.vector_load %arg8[%swap3A_858, %swap3A_859] {strides = array<i32>} : memref<16x1024xf32, #tpu.memory_space<vmem>>, vector<1x16xf32>,
      %swap3A_861 = vector.shape_cast %swap3A_860 : vector<1x16xf32> to vector<16xf32>
      %swap3A_862 = vector.shape_cast %add3A_857 : vector<16xf32> to vector<1x16xf32>
      tpu.vector_store %arg8[%swap3A_858, %swap3A_859], %swap3A_862 {strides = array<i32>} : memref<16x1024xf32, #tpu.memory_space<vmem>>, vector<1x16xf32>,
      %get3A_863 = arith.index_cast %scan3A_192 : i32 to index
      %get3A_864 = arith.constant 768 : index
      %get3A_865 = tpu.vector_load %arg8[%get3A_863, %get3A_864] {strides = array<i32>} : memref<16x1024xf32, #tpu.memory_space<vmem>>, vector<1x16xf32>,
      %get3A_866 = vector.shape_cast %get3A_865 : vector<1x16xf32> to vector<16xf32>
      %get3A_867 = arith.index_cast %scan3A_192 : i32 to index
      %get3A_868 = arith.constant 768 : index
      %get3A_869 = tpu.vector_load %arg6[%get3A_867, %get3A_868] {strides = array<i32>} : memref<16x1024xf32, #tpu.memory_space<vmem>>, vector<1x16xf32>,
      %get3A_870 = vector.shape_cast %get3A_869 : vector<1x16xf32> to vector<16xf32>
      %add3A_871 = arith.addf %get3A_866, %get3A_870 : vector<16xf32>
      %swap3A_872 = arith.index_cast %scan3A_192 : i32 to index
      %swap3A_873 = arith.constant 768 : index
      %swap3A_874 = tpu.vector_load %arg8[%swap3A_872, %swap3A_873] {strides = array<i32>} : memref<16x1024xf32, #tpu.memory_space<vmem>>, vector<1x16xf32>,
      %swap3A_875 = vector.shape_cast %swap3A_874 : vector<1x16xf32> to vector<16xf32>
      %swap3A_876 = vector.shape_cast %add3A_871 : vector<16xf32> to vector<1x16xf32>
      tpu.vector_store %arg8[%swap3A_872, %swap3A_873], %swap3A_876 {strides = array<i32>} : memref<16x1024xf32, #tpu.memory_space<vmem>>, vector<1x16xf32>,
      %get3A_877 = arith.index_cast %scan3A_192 : i32 to index
      %get3A_878 = arith.constant 784 : index
      %get3A_879 = tpu.vector_load %arg8[%get3A_877, %get3A_878] {strides = array<i32>} : memref<16x1024xf32, #tpu.memory_space<vmem>>, vector<1x16xf32>,
      %get3A_880 = vector.shape_cast %get3A_879 : vector<1x16xf32> to vector<16xf32>
      %get3A_881 = arith.index_cast %scan3A_192 : i32 to index
      %get3A_882 = arith.constant 784 : index
      %get3A_883 = tpu.vector_load %arg6[%get3A_881, %get3A_882] {strides = array<i32>} : memref<16x1024xf32, #tpu.memory_space<vmem>>, vector<1x16xf32>,
      %get3A_884 = vector.shape_cast %get3A_883 : vector<1x16xf32> to vector<16xf32>
      %add3A_885 = arith.addf %get3A_880, %get3A_884 : vector<16xf32>
      %swap3A_886 = arith.index_cast %scan3A_192 : i32 to index
      %swap3A_887 = arith.constant 784 : index
      %swap3A_888 = tpu.vector_load %arg8[%swap3A_886, %swap3A_887] {strides = array<i32>} : memref<16x1024xf32, #tpu.memory_space<vmem>>, vector<1x16xf32>,
      %swap3A_889 = vector.shape_cast %swap3A_888 : vector<1x16xf32> to vector<16xf32>
      %swap3A_890 = vector.shape_cast %add3A_885 : vector<16xf32> to vector<1x16xf32>
      tpu.vector_store %arg8[%swap3A_886, %swap3A_887], %swap3A_890 {strides = array<i32>} : memref<16x1024xf32, #tpu.memory_space<vmem>>, vector<1x16xf32>,
      %get3A_891 = arith.index_cast %scan3A_192 : i32 to index
      %get3A_892 = arith.constant 800 : index
      %get3A_893 = tpu.vector_load %arg8[%get3A_891, %get3A_892] {strides = array<i32>} : memref<16x1024xf32, #tpu.memory_space<vmem>>, vector<1x16xf32>,
      %get3A_894 = vector.shape_cast %get3A_893 : vector<1x16xf32> to vector<16xf32>
      %get3A_895 = arith.index_cast %scan3A_192 : i32 to index
      %get3A_896 = arith.constant 800 : index
      %get3A_897 = tpu.vector_load %arg6[%get3A_895, %get3A_896] {strides = array<i32>} : memref<16x1024xf32, #tpu.memory_space<vmem>>, vector<1x16xf32>,
      %get3A_898 = vector.shape_cast %get3A_897 : vector<1x16xf32> to vector<16xf32>
      %add3A_899 = arith.addf %get3A_894, %get3A_898 : vector<16xf32>
      %swap3A_900 = arith.index_cast %scan3A_192 : i32 to index
      %swap3A_901 = arith.constant 800 : index
      %swap3A_902 = tpu.vector_load %arg8[%swap3A_900, %swap3A_901] {strides = array<i32>} : memref<16x1024xf32, #tpu.memory_space<vmem>>, vector<1x16xf32>,
      %swap3A_903 = vector.shape_cast %swap3A_902 : vector<1x16xf32> to vector<16xf32>
      %swap3A_904 = vector.shape_cast %add3A_899 : vector<16xf32> to vector<1x16xf32>
      tpu.vector_store %arg8[%swap3A_900, %swap3A_901], %swap3A_904 {strides = array<i32>} : memref<16x1024xf32, #tpu.memory_space<vmem>>, vector<1x16xf32>,
      %get3A_905 = arith.index_cast %scan3A_192 : i32 to index
      %get3A_906 = arith.constant 816 : index
      %get3A_907 = tpu.vector_load %arg8[%get3A_905, %get3A_906] {strides = array<i32>} : memref<16x1024xf32, #tpu.memory_space<vmem>>, vector<1x16xf32>,
      %get3A_908 = vector.shape_cast %get3A_907 : vector<1x16xf32> to vector<16xf32>
      %get3A_909 = arith.index_cast %scan3A_192 : i32 to index
      %get3A_910 = arith.constant 816 : index
      %get3A_911 = tpu.vector_load %arg6[%get3A_909, %get3A_910] {strides = array<i32>} : memref<16x1024xf32, #tpu.memory_space<vmem>>, vector<1x16xf32>,
      %get3A_912 = vector.shape_cast %get3A_911 : vector<1x16xf32> to vector<16xf32>
      %add3A_913 = arith.addf %get3A_908, %get3A_912 : vector<16xf32>
      %swap3A_914 = arith.index_cast %scan3A_192 : i32 to index
      %swap3A_915 = arith.constant 816 : index
      %swap3A_916 = tpu.vector_load %arg8[%swap3A_914, %swap3A_915] {strides = array<i32>} : memref<16x1024xf32, #tpu.memory_space<vmem>>, vector<1x16xf32>,
      %swap3A_917 = vector.shape_cast %swap3A_916 : vector<1x16xf32> to vector<16xf32>
      %swap3A_918 = vector.shape_cast %add3A_913 : vector<16xf32> to vector<1x16xf32>
      tpu.vector_store %arg8[%swap3A_914, %swap3A_915], %swap3A_918 {strides = array<i32>} : memref<16x1024xf32, #tpu.memory_space<vmem>>, vector<1x16xf32>,
      %get3A_919 = arith.index_cast %scan3A_192 : i32 to index
      %get3A_920 = arith.constant 832 : index
      %get3A_921 = tpu.vector_load %arg8[%get3A_919, %get3A_920] {strides = array<i32>} : memref<16x1024xf32, #tpu.memory_space<vmem>>, vector<1x16xf32>,
      %get3A_922 = vector.shape_cast %get3A_921 : vector<1x16xf32> to vector<16xf32>
      %get3A_923 = arith.index_cast %scan3A_192 : i32 to index
      %get3A_924 = arith.constant 832 : index
      %get3A_925 = tpu.vector_load %arg6[%get3A_923, %get3A_924] {strides = array<i32>} : memref<16x1024xf32, #tpu.memory_space<vmem>>, vector<1x16xf32>,
      %get3A_926 = vector.shape_cast %get3A_925 : vector<1x16xf32> to vector<16xf32>
      %add3A_927 = arith.addf %get3A_922, %get3A_926 : vector<16xf32>
      %swap3A_928 = arith.index_cast %scan3A_192 : i32 to index
      %swap3A_929 = arith.constant 832 : index
      %swap3A_930 = tpu.vector_load %arg8[%swap3A_928, %swap3A_929] {strides = array<i32>} : memref<16x1024xf32, #tpu.memory_space<vmem>>, vector<1x16xf32>,
      %swap3A_931 = vector.shape_cast %swap3A_930 : vector<1x16xf32> to vector<16xf32>
      %swap3A_932 = vector.shape_cast %add3A_927 : vector<16xf32> to vector<1x16xf32>
      tpu.vector_store %arg8[%swap3A_928, %swap3A_929], %swap3A_932 {strides = array<i32>} : memref<16x1024xf32, #tpu.memory_space<vmem>>, vector<1x16xf32>,
      %get3A_933 = arith.index_cast %scan3A_192 : i32 to index
      %get3A_934 = arith.constant 848 : index
      %get3A_935 = tpu.vector_load %arg8[%get3A_933, %get3A_934] {strides = array<i32>} : memref<16x1024xf32, #tpu.memory_space<vmem>>, vector<1x16xf32>,
      %get3A_936 = vector.shape_cast %get3A_935 : vector<1x16xf32> to vector<16xf32>
      %get3A_937 = arith.index_cast %scan3A_192 : i32 to index
      %get3A_938 = arith.constant 848 : index
      %get3A_939 = tpu.vector_load %arg6[%get3A_937, %get3A_938] {strides = array<i32>} : memref<16x1024xf32, #tpu.memory_space<vmem>>, vector<1x16xf32>,
      %get3A_940 = vector.shape_cast %get3A_939 : vector<1x16xf32> to vector<16xf32>
      %add3A_941 = arith.addf %get3A_936, %get3A_940 : vector<16xf32>
      %swap3A_942 = arith.index_cast %scan3A_192 : i32 to index
      %swap3A_943 = arith.constant 848 : index
      %swap3A_944 = tpu.vector_load %arg8[%swap3A_942, %swap3A_943] {strides = array<i32>} : memref<16x1024xf32, #tpu.memory_space<vmem>>, vector<1x16xf32>,
      %swap3A_945 = vector.shape_cast %swap3A_944 : vector<1x16xf32> to vector<16xf32>
      %swap3A_946 = vector.shape_cast %add3A_941 : vector<16xf32> to vector<1x16xf32>
      tpu.vector_store %arg8[%swap3A_942, %swap3A_943], %swap3A_946 {strides = array<i32>} : memref<16x1024xf32, #tpu.memory_space<vmem>>, vector<1x16xf32>,
      %get3A_947 = arith.index_cast %scan3A_192 : i32 to index
      %get3A_948 = arith.constant 864 : index
      %get3A_949 = tpu.vector_load %arg8[%get3A_947, %get3A_948] {strides = array<i32>} : memref<16x1024xf32, #tpu.memory_space<vmem>>, vector<1x16xf32>,
      %get3A_950 = vector.shape_cast %get3A_949 : vector<1x16xf32> to vector<16xf32>
      %get3A_951 = arith.index_cast %scan3A_192 : i32 to index
      %get3A_952 = arith.constant 864 : index
      %get3A_953 = tpu.vector_load %arg6[%get3A_951, %get3A_952] {strides = array<i32>} : memref<16x1024xf32, #tpu.memory_space<vmem>>, vector<1x16xf32>,
      %get3A_954 = vector.shape_cast %get3A_953 : vector<1x16xf32> to vector<16xf32>
      %add3A_955 = arith.addf %get3A_950, %get3A_954 : vector<16xf32>
      %swap3A_956 = arith.index_cast %scan3A_192 : i32 to index
      %swap3A_957 = arith.constant 864 : index
      %swap3A_958 = tpu.vector_load %arg8[%swap3A_956, %swap3A_957] {strides = array<i32>} : memref<16x1024xf32, #tpu.memory_space<vmem>>, vector<1x16xf32>,
      %swap3A_959 = vector.shape_cast %swap3A_958 : vector<1x16xf32> to vector<16xf32>
      %swap3A_960 = vector.shape_cast %add3A_955 : vector<16xf32> to vector<1x16xf32>
      tpu.vector_store %arg8[%swap3A_956, %swap3A_957], %swap3A_960 {strides = array<i32>} : memref<16x1024xf32, #tpu.memory_space<vmem>>, vector<1x16xf32>,
      %get3A_961 = arith.index_cast %scan3A_192 : i32 to index
      %get3A_962 = arith.constant 880 : index
      %get3A_963 = tpu.vector_load %arg8[%get3A_961, %get3A_962] {strides = array<i32>} : memref<16x1024xf32, #tpu.memory_space<vmem>>, vector<1x16xf32>,
      %get3A_964 = vector.shape_cast %get3A_963 : vector<1x16xf32> to vector<16xf32>
      %get3A_965 = arith.index_cast %scan3A_192 : i32 to index
      %get3A_966 = arith.constant 880 : index
      %get3A_967 = tpu.vector_load %arg6[%get3A_965, %get3A_966] {strides = array<i32>} : memref<16x1024xf32, #tpu.memory_space<vmem>>, vector<1x16xf32>,
      %get3A_968 = vector.shape_cast %get3A_967 : vector<1x16xf32> to vector<16xf32>
      %add3A_969 = arith.addf %get3A_964, %get3A_968 : vector<16xf32>
      %swap3A_970 = arith.index_cast %scan3A_192 : i32 to index
      %swap3A_971 = arith.constant 880 : index
      %swap3A_972 = tpu.vector_load %arg8[%swap3A_970, %swap3A_971] {strides = array<i32>} : memref<16x1024xf32, #tpu.memory_space<vmem>>, vector<1x16xf32>,
      %swap3A_973 = vector.shape_cast %swap3A_972 : vector<1x16xf32> to vector<16xf32>
      %swap3A_974 = vector.shape_cast %add3A_969 : vector<16xf32> to vector<1x16xf32>
      tpu.vector_store %arg8[%swap3A_970, %swap3A_971], %swap3A_974 {strides = array<i32>} : memref<16x1024xf32, #tpu.memory_space<vmem>>, vector<1x16xf32>,
      %get3A_975 = arith.index_cast %scan3A_192 : i32 to index
      %get3A_976 = arith.constant 896 : index
      %get3A_977 = tpu.vector_load %arg8[%get3A_975, %get3A_976] {strides = array<i32>} : memref<16x1024xf32, #tpu.memory_space<vmem>>, vector<1x16xf32>,
      %get3A_978 = vector.shape_cast %get3A_977 : vector<1x16xf32> to vector<16xf32>
      %get3A_979 = arith.index_cast %scan3A_192 : i32 to index
      %get3A_980 = arith.constant 896 : index
      %get3A_981 = tpu.vector_load %arg6[%get3A_979, %get3A_980] {strides = array<i32>} : memref<16x1024xf32, #tpu.memory_space<vmem>>, vector<1x16xf32>,
      %get3A_982 = vector.shape_cast %get3A_981 : vector<1x16xf32> to vector<16xf32>
      %add3A_983 = arith.addf %get3A_978, %get3A_982 : vector<16xf32>
      %swap3A_984 = arith.index_cast %scan3A_192 : i32 to index
      %swap3A_985 = arith.constant 896 : index
      %swap3A_986 = tpu.vector_load %arg8[%swap3A_984, %swap3A_985] {strides = array<i32>} : memref<16x1024xf32, #tpu.memory_space<vmem>>, vector<1x16xf32>,
      %swap3A_987 = vector.shape_cast %swap3A_986 : vector<1x16xf32> to vector<16xf32>
      %swap3A_988 = vector.shape_cast %add3A_983 : vector<16xf32> to vector<1x16xf32>
      tpu.vector_store %arg8[%swap3A_984, %swap3A_985], %swap3A_988 {strides = array<i32>} : memref<16x1024xf32, #tpu.memory_space<vmem>>, vector<1x16xf32>,
      %get3A_989 = arith.index_cast %scan3A_192 : i32 to index
      %get3A_990 = arith.constant 912 : index
      %get3A_991 = tpu.vector_load %arg8[%get3A_989, %get3A_990] {strides = array<i32>} : memref<16x1024xf32, #tpu.memory_space<vmem>>, vector<1x16xf32>,
      %get3A_992 = vector.shape_cast %get3A_991 : vector<1x16xf32> to vector<16xf32>
      %get3A_993 = arith.index_cast %scan3A_192 : i32 to index
      %get3A_994 = arith.constant 912 : index
      %get3A_995 = tpu.vector_load %arg6[%get3A_993, %get3A_994] {strides = array<i32>} : memref<16x1024xf32, #tpu.memory_space<vmem>>, vector<1x16xf32>,
      %get3A_996 = vector.shape_cast %get3A_995 : vector<1x16xf32> to vector<16xf32>
      %add3A_997 = arith.addf %get3A_992, %get3A_996 : vector<16xf32>
      %swap3A_998 = arith.index_cast %scan3A_192 : i32 to index
      %swap3A_999 = arith.constant 912 : index
      %swap3A_1000 = tpu.vector_load %arg8[%swap3A_998, %swap3A_999] {strides = array<i32>} : memref<16x1024xf32, #tpu.memory_space<vmem>>, vector<1x16xf32>,
      %swap3A_1001 = vector.shape_cast %swap3A_1000 : vector<1x16xf32> to vector<16xf32>
      %swap3A_1002 = vector.shape_cast %add3A_997 : vector<16xf32> to vector<1x16xf32>
      tpu.vector_store %arg8[%swap3A_998, %swap3A_999], %swap3A_1002 {strides = array<i32>} : memref<16x1024xf32, #tpu.memory_space<vmem>>, vector<1x16xf32>,
      %get3A_1003 = arith.index_cast %scan3A_192 : i32 to index
      %get3A_1004 = arith.constant 928 : index
      %get3A_1005 = tpu.vector_load %arg8[%get3A_1003, %get3A_1004] {strides = array<i32>} : memref<16x1024xf32, #tpu.memory_space<vmem>>, vector<1x16xf32>,
      %get3A_1006 = vector.shape_cast %get3A_1005 : vector<1x16xf32> to vector<16xf32>
      %get3A_1007 = arith.index_cast %scan3A_192 : i32 to index
      %get3A_1008 = arith.constant 928 : index
      %get3A_1009 = tpu.vector_load %arg6[%get3A_1007, %get3A_1008] {strides = array<i32>} : memref<16x1024xf32, #tpu.memory_space<vmem>>, vector<1x16xf32>,
      %get3A_1010 = vector.shape_cast %get3A_1009 : vector<1x16xf32> to vector<16xf32>
      %add3A_1011 = arith.addf %get3A_1006, %get3A_1010 : vector<16xf32>
      %swap3A_1012 = arith.index_cast %scan3A_192 : i32 to index
      %swap3A_1013 = arith.constant 928 : index
      %swap3A_1014 = tpu.vector_load %arg8[%swap3A_1012, %swap3A_1013] {strides = array<i32>} : memref<16x1024xf32, #tpu.memory_space<vmem>>, vector<1x16xf32>,
      %swap3A_1015 = vector.shape_cast %swap3A_1014 : vector<1x16xf32> to vector<16xf32>
      %swap3A_1016 = vector.shape_cast %add3A_1011 : vector<16xf32> to vector<1x16xf32>
      tpu.vector_store %arg8[%swap3A_1012, %swap3A_1013], %swap3A_1016 {strides = array<i32>} : memref<16x1024xf32, #tpu.memory_space<vmem>>, vector<1x16xf32>,
      %get3A_1017 = arith.index_cast %scan3A_192 : i32 to index
      %get3A_1018 = arith.constant 944 : index
      %get3A_1019 = tpu.vector_load %arg8[%get3A_1017, %get3A_1018] {strides = array<i32>} : memref<16x1024xf32, #tpu.memory_space<vmem>>, vector<1x16xf32>,
      %get3A_1020 = vector.shape_cast %get3A_1019 : vector<1x16xf32> to vector<16xf32>
      %get3A_1021 = arith.index_cast %scan3A_192 : i32 to index
      %get3A_1022 = arith.constant 944 : index
      %get3A_1023 = tpu.vector_load %arg6[%get3A_1021, %get3A_1022] {strides = array<i32>} : memref<16x1024xf32, #tpu.memory_space<vmem>>, vector<1x16xf32>,
      %get3A_1024 = vector.shape_cast %get3A_1023 : vector<1x16xf32> to vector<16xf32>
      %add3A_1025 = arith.addf %get3A_1020, %get3A_1024 : vector<16xf32>
      %swap3A_1026 = arith.index_cast %scan3A_192 : i32 to index
      %swap3A_1027 = arith.constant 944 : index
      %swap3A_1028 = tpu.vector_load %arg8[%swap3A_1026, %swap3A_1027] {strides = array<i32>} : memref<16x1024xf32, #tpu.memory_space<vmem>>, vector<1x16xf32>,
      %swap3A_1029 = vector.shape_cast %swap3A_1028 : vector<1x16xf32> to vector<16xf32>
      %swap3A_1030 = vector.shape_cast %add3A_1025 : vector<16xf32> to vector<1x16xf32>
      tpu.vector_store %arg8[%swap3A_1026, %swap3A_1027], %swap3A_1030 {strides = array<i32>} : memref<16x1024xf32, #tpu.memory_space<vmem>>, vector<1x16xf32>,
      %get3A_1031 = arith.index_cast %scan3A_192 : i32 to index
      %get3A_1032 = arith.constant 960 : index
      %get3A_1033 = tpu.vector_load %arg8[%get3A_1031, %get3A_1032] {strides = array<i32>} : memref<16x1024xf32, #tpu.memory_space<vmem>>, vector<1x16xf32>,
      %get3A_1034 = vector.shape_cast %get3A_1033 : vector<1x16xf32> to vector<16xf32>
      %get3A_1035 = arith.index_cast %scan3A_192 : i32 to index
      %get3A_1036 = arith.constant 960 : index
      %get3A_1037 = tpu.vector_load %arg6[%get3A_1035, %get3A_1036] {strides = array<i32>} : memref<16x1024xf32, #tpu.memory_space<vmem>>, vector<1x16xf32>,
      %get3A_1038 = vector.shape_cast %get3A_1037 : vector<1x16xf32> to vector<16xf32>
      %add3A_1039 = arith.addf %get3A_1034, %get3A_1038 : vector<16xf32>
      %swap3A_1040 = arith.index_cast %scan3A_192 : i32 to index
      %swap3A_1041 = arith.constant 960 : index
      %swap3A_1042 = tpu.vector_load %arg8[%swap3A_1040, %swap3A_1041] {strides = array<i32>} : memref<16x1024xf32, #tpu.memory_space<vmem>>, vector<1x16xf32>,
      %swap3A_1043 = vector.shape_cast %swap3A_1042 : vector<1x16xf32> to vector<16xf32>
      %swap3A_1044 = vector.shape_cast %add3A_1039 : vector<16xf32> to vector<1x16xf32>
      tpu.vector_store %arg8[%swap3A_1040, %swap3A_1041], %swap3A_1044 {strides = array<i32>} : memref<16x1024xf32, #tpu.memory_space<vmem>>, vector<1x16xf32>,
      %get3A_1045 = arith.index_cast %scan3A_192 : i32 to index
      %get3A_1046 = arith.constant 976 : index
      %get3A_1047 = tpu.vector_load %arg8[%get3A_1045, %get3A_1046] {strides = array<i32>} : memref<16x1024xf32, #tpu.memory_space<vmem>>, vector<1x16xf32>,
      %get3A_1048 = vector.shape_cast %get3A_1047 : vector<1x16xf32> to vector<16xf32>
      %get3A_1049 = arith.index_cast %scan3A_192 : i32 to index
      %get3A_1050 = arith.constant 976 : index
      %get3A_1051 = tpu.vector_load %arg6[%get3A_1049, %get3A_1050] {strides = array<i32>} : memref<16x1024xf32, #tpu.memory_space<vmem>>, vector<1x16xf32>,
      %get3A_1052 = vector.shape_cast %get3A_1051 : vector<1x16xf32> to vector<16xf32>
      %add3A_1053 = arith.addf %get3A_1048, %get3A_1052 : vector<16xf32>
      %swap3A_1054 = arith.index_cast %scan3A_192 : i32 to index
      %swap3A_1055 = arith.constant 976 : index
      %swap3A_1056 = tpu.vector_load %arg8[%swap3A_1054, %swap3A_1055] {strides = array<i32>} : memref<16x1024xf32, #tpu.memory_space<vmem>>, vector<1x16xf32>,
      %swap3A_1057 = vector.shape_cast %swap3A_1056 : vector<1x16xf32> to vector<16xf32>
      %swap3A_1058 = vector.shape_cast %add3A_1053 : vector<16xf32> to vector<1x16xf32>
      tpu.vector_store %arg8[%swap3A_1054, %swap3A_1055], %swap3A_1058 {strides = array<i32>} : memref<16x1024xf32, #tpu.memory_space<vmem>>, vector<1x16xf32>,
      %get3A_1059 = arith.index_cast %scan3A_192 : i32 to index
      %get3A_1060 = arith.constant 992 : index
      %get3A_1061 = tpu.vector_load %arg8[%get3A_1059, %get3A_1060] {strides = array<i32>} : memref<16x1024xf32, #tpu.memory_space<vmem>>, vector<1x16xf32>,
      %get3A_1062 = vector.shape_cast %get3A_1061 : vector<1x16xf32> to vector<16xf32>
      %get3A_1063 = arith.index_cast %scan3A_192 : i32 to index
      %get3A_1064 = arith.constant 992 : index
      %get3A_1065 = tpu.vector_load %arg6[%get3A_1063, %get3A_1064] {strides = array<i32>} : memref<16x1024xf32, #tpu.memory_space<vmem>>, vector<1x16xf32>,
      %get3A_1066 = vector.shape_cast %get3A_1065 : vector<1x16xf32> to vector<16xf32>
      %add3A_1067 = arith.addf %get3A_1062, %get3A_1066 : vector<16xf32>
      %swap3A_1068 = arith.index_cast %scan3A_192 : i32 to index
      %swap3A_1069 = arith.constant 992 : index
      %swap3A_1070 = tpu.vector_load %arg8[%swap3A_1068, %swap3A_1069] {strides = array<i32>} : memref<16x1024xf32, #tpu.memory_space<vmem>>, vector<1x16xf32>,
      %swap3A_1071 = vector.shape_cast %swap3A_1070 : vector<1x16xf32> to vector<16xf32>
      %swap3A_1072 = vector.shape_cast %add3A_1067 : vector<16xf32> to vector<1x16xf32>
      tpu.vector_store %arg8[%swap3A_1068, %swap3A_1069], %swap3A_1072 {strides = array<i32>} : memref<16x1024xf32, #tpu.memory_space<vmem>>, vector<1x16xf32>,
      %get3A_1073 = arith.index_cast %scan3A_192 : i32 to index
      %get3A_1074 = arith.constant 1008 : index
      %get3A_1075 = tpu.vector_load %arg8[%get3A_1073, %get3A_1074] {strides = array<i32>} : memref<16x1024xf32, #tpu.memory_space<vmem>>, vector<1x16xf32>,
      %get3A_1076 = vector.shape_cast %get3A_1075 : vector<1x16xf32> to vector<16xf32>
      %get3A_1077 = arith.index_cast %scan3A_192 : i32 to index
      %get3A_1078 = arith.constant 1008 : index
      %get3A_1079 = tpu.vector_load %arg6[%get3A_1077, %get3A_1078] {strides = array<i32>} : memref<16x1024xf32, #tpu.memory_space<vmem>>, vector<1x16xf32>,
      %get3A_1080 = vector.shape_cast %get3A_1079 : vector<1x16xf32> to vector<16xf32>
      %add3A_1081 = arith.addf %get3A_1076, %get3A_1080 : vector<16xf32>
      %swap3A_1082 = arith.index_cast %scan3A_192 : i32 to index
      %swap3A_1083 = arith.constant 1008 : index
      %swap3A_1084 = tpu.vector_load %arg8[%swap3A_1082, %swap3A_1083] {strides = array<i32>} : memref<16x1024xf32, #tpu.memory_space<vmem>>, vector<1x16xf32>,
      %swap3A_1085 = vector.shape_cast %swap3A_1084 : vector<1x16xf32> to vector<16xf32>
      %swap3A_1086 = vector.shape_cast %add3A_1081 : vector<16xf32> to vector<1x16xf32>
      tpu.vector_store %arg8[%swap3A_1082, %swap3A_1083], %swap3A_1086 {strides = array<i32>} : memref<16x1024xf32, #tpu.memory_space<vmem>>, vector<1x16xf32>,
    }
    %scan3A_96 = arith.constant 16 : i32
    %add3A_97 = arith.constant 16 : i32
    %add3A_98 = arith.addi %mul3A_2, %add3A_97 : i32
    %dma_start3A_99 = arith.constant 0 : i32
    %dma_start3A_100 = arith.constant 0 : i32
    %dma_start3A_101 = tpu.memref_slice %arg4[%dma_start3A_99, %add3A_98, %dma_start3A_100] : memref<1x2048x1024xf32, #tpu.memory_space<hbm>> -> memref<1x16x1024xf32, #tpu.memory_space<hbm>>
    %dma_start3A_102 = tpu.memref_squeeze %dma_start3A_101 : memref<1x16x1024xf32, #tpu.memory_space<hbm>> -> memref<16x1024xf32, #tpu.memory_space<hbm>>
    %dma_start3A_103 = arith.constant 0 : i32
    %dma_start3A_104 = tpu.memref_slice %arg4[%dma_start3A_99, %add3A_98, %dma_start3A_103] : memref<1x2048x1024xf32, #tpu.memory_space<hbm>> -> memref<1x16x1024xf32, #tpu.memory_space<hbm>>
    %dma_start3A_105 = tpu.memref_squeeze %dma_start3A_104 : memref<1x16x1024xf32, #tpu.memory_space<hbm>> -> memref<16x1024xf32, #tpu.memory_space<hbm>>
    tpu.enqueue_dma source(%arg8 : memref<16x1024xf32, #tpu.memory_space<vmem>>) target(%dma_start3A_105 : memref<16x1024xf32, #tpu.memory_space<hbm>>) target_semaphore(%arg18 : memref<!tpu.dma_semaphore, #tpu.memory_space<semaphore_mem>>)
    %add3A_106 = arith.constant 48 : i32
    %add3A_107 = arith.addi %mul3A_2, %add3A_106 : i32
    %dma_start3A_108 = arith.constant 0 : i32
    %dma_start3A_109 = tpu.memref_slice %arg3[%add3A_107, %dma_start3A_108] : memref<2048x1024xf32, #tpu.memory_space<hbm>> -> memref<16x1024xf32, #tpu.memory_space<hbm>>
    %dma_start3A_110 = arith.constant 0 : i32
    %dma_start3A_111 = tpu.memref_slice %arg3[%add3A_107, %dma_start3A_110] : memref<2048x1024xf32, #tpu.memory_space<hbm>> -> memref<16x1024xf32, #tpu.memory_space<hbm>>
    tpu.enqueue_dma source(%dma_start3A_111 : memref<16x1024xf32, #tpu.memory_space<hbm>>) target(%arg6 : memref<16x1024xf32, #tpu.memory_space<vmem>>) target_semaphore(%arg12 : memref<!tpu.dma_semaphore, #tpu.memory_space<semaphore_mem>>)
    %dma_wait3A_112 = arith.constant 0 : i32
    %dma_wait3A_113 = arith.constant 0 : i32
    %dma_wait3A_114 = tpu.memref_slice %arg2[%dma_wait3A_112, %add3A_33, %dma_wait3A_113] : memref<4x2048x1024xf32, #tpu.memory_space<hbm>> -> memref<1x16x1024xf32, #tpu.memory_space<hbm>>
    %dma_wait3A_115 = tpu.memref_squeeze %dma_wait3A_114 : memref<1x16x1024xf32, #tpu.memory_space<hbm>> -> memref<16x1024xf32, #tpu.memory_space<hbm>>
    %dma_wait3A_116 = arith.constant 0 : i32
    %dma_wait3A_117 = tpu.memref_slice %arg2[%dma_wait3A_112, %add3A_33, %dma_wait3A_116] : memref<4x2048x1024xf32, #tpu.memory_space<hbm>> -> memref<1x16x1024xf32, #tpu.memory_space<hbm>>
    %dma_wait3A_118 = tpu.memref_squeeze %dma_wait3A_117 : memref<1x16x1024xf32, #tpu.memory_space<hbm>> -> memref<16x1024xf32, #tpu.memory_space<hbm>>
    tpu.wait_dma2 semaphore(%arg15 : memref<!tpu.dma_semaphore, #tpu.memory_space<semaphore_mem>>) src(%dma_wait3A_118 : memref<16x1024xf32, #tpu.memory_space<hbm>>) dst(%arg9 : memref<16x1024xf32, #tpu.memory_space<vmem>>)
    %dma_wait3A_119 = arith.constant 0 : i32
    %dma_wait3A_120 = tpu.memref_slice %arg3[%add3A_66, %dma_wait3A_119] : memref<2048x1024xf32, #tpu.memory_space<hbm>> -> memref<16x1024xf32, #tpu.memory_space<hbm>>
    %dma_wait3A_121 = arith.constant 0 : i32
    %dma_wait3A_122 = tpu.memref_slice %arg3[%add3A_66, %dma_wait3A_121] : memref<2048x1024xf32, #tpu.memory_space<hbm>> -> memref<16x1024xf32, #tpu.memory_space<hbm>>
    tpu.wait_dma2 semaphore(%arg11 : memref<!tpu.dma_semaphore, #tpu.memory_space<semaphore_mem>>) src(%dma_wait3A_122 : memref<16x1024xf32, #tpu.memory_space<hbm>>) dst(%arg5 : memref<16x1024xf32, #tpu.memory_space<vmem>>)
    %scan3A_123 = arith.constant 0 : i32
    %scan3A_124 = arith.constant 0 : i32
    %scan3A_125 = arith.constant 16 : i32
    %scan3A_126 = arith.addi %scan3A_124, %scan3A_125 : i32
    %scan3A_127 = arith.constant 1 : i32
    scf.for %scan3A_192 = %scan3A_124 to %scan3A_126 step %scan3A_127  : i32 {
      %get3A = arith.index_cast %scan3A_192 : i32 to index
      %get3A_193 = arith.constant 0 : index
      %get3A_194 = tpu.vector_load %arg9[%get3A, %get3A_193] {strides = array<i32>} : memref<16x1024xf32, #tpu.memory_space<vmem>>, vector<1x16xf32>,
      %get3A_195 = vector.shape_cast %get3A_194 : vector<1x16xf32> to vector<16xf32>
      %get3A_196 = arith.index_cast %scan3A_192 : i32 to index
      %get3A_197 = arith.constant 0 : index
      %get3A_198 = tpu.vector_load %arg5[%get3A_196, %get3A_197] {strides = array<i32>} : memref<16x1024xf32, #tpu.memory_space<vmem>>, vector<1x16xf32>,
      %get3A_199 = vector.shape_cast %get3A_198 : vector<1x16xf32> to vector<16xf32>
      %add3A_200 = arith.addf %get3A_195, %get3A_199 : vector<16xf32>
      %swap3A = arith.index_cast %scan3A_192 : i32 to index
      %swap3A_201 = arith.constant 0 : index
      %swap3A_202 = tpu.vector_load %arg9[%swap3A, %swap3A_201] {strides = array<i32>} : memref<16x1024xf32, #tpu.memory_space<vmem>>, vector<1x16xf32>,
      %swap3A_203 = vector.shape_cast %swap3A_202 : vector<1x16xf32> to vector<16xf32>
      %swap3A_204 = vector.shape_cast %add3A_200 : vector<16xf32> to vector<1x16xf32>
      tpu.vector_store %arg9[%swap3A, %swap3A_201], %swap3A_204 {strides = array<i32>} : memref<16x1024xf32, #tpu.memory_space<vmem>>, vector<1x16xf32>,
      %get3A_205 = arith.index_cast %scan3A_192 : i32 to index
      %get3A_206 = arith.constant 16 : index
      %get3A_207 = tpu.vector_load %arg9[%get3A_205, %get3A_206] {strides = array<i32>} : memref<16x1024xf32, #tpu.memory_space<vmem>>, vector<1x16xf32>,
      %get3A_208 = vector.shape_cast %get3A_207 : vector<1x16xf32> to vector<16xf32>
      %get3A_209 = arith.index_cast %scan3A_192 : i32 to index
      %get3A_210 = arith.constant 16 : index
      %get3A_211 = tpu.vector_load %arg5[%get3A_209, %get3A_210] {strides = array<i32>} : memref<16x1024xf32, #tpu.memory_space<vmem>>, vector<1x16xf32>,
      %get3A_212 = vector.shape_cast %get3A_211 : vector<1x16xf32> to vector<16xf32>
      %add3A_213 = arith.addf %get3A_208, %get3A_212 : vector<16xf32>
      %swap3A_214 = arith.index_cast %scan3A_192 : i32 to index
      %swap3A_215 = arith.constant 16 : index
      %swap3A_216 = tpu.vector_load %arg9[%swap3A_214, %swap3A_215] {strides = array<i32>} : memref<16x1024xf32, #tpu.memory_space<vmem>>, vector<1x16xf32>,
      %swap3A_217 = vector.shape_cast %swap3A_216 : vector<1x16xf32> to vector<16xf32>
      %swap3A_218 = vector.shape_cast %add3A_213 : vector<16xf32> to vector<1x16xf32>
      tpu.vector_store %arg9[%swap3A_214, %swap3A_215], %swap3A_218 {strides = array<i32>} : memref<16x1024xf32, #tpu.memory_space<vmem>>, vector<1x16xf32>,
      %get3A_219 = arith.index_cast %scan3A_192 : i32 to index
      %get3A_220 = arith.constant 32 : index
      %get3A_221 = tpu.vector_load %arg9[%get3A_219, %get3A_220] {strides = array<i32>} : memref<16x1024xf32, #tpu.memory_space<vmem>>, vector<1x16xf32>,
      %get3A_222 = vector.shape_cast %get3A_221 : vector<1x16xf32> to vector<16xf32>
      %get3A_223 = arith.index_cast %scan3A_192 : i32 to index
      %get3A_224 = arith.constant 32 : index
      %get3A_225 = tpu.vector_load %arg5[%get3A_223, %get3A_224] {strides = array<i32>} : memref<16x1024xf32, #tpu.memory_space<vmem>>, vector<1x16xf32>,
      %get3A_226 = vector.shape_cast %get3A_225 : vector<1x16xf32> to vector<16xf32>
      %add3A_227 = arith.addf %get3A_222, %get3A_226 : vector<16xf32>
      %swap3A_228 = arith.index_cast %scan3A_192 : i32 to index
      %swap3A_229 = arith.constant 32 : index
      %swap3A_230 = tpu.vector_load %arg9[%swap3A_228, %swap3A_229] {strides = array<i32>} : memref<16x1024xf32, #tpu.memory_space<vmem>>, vector<1x16xf32>,
      %swap3A_231 = vector.shape_cast %swap3A_230 : vector<1x16xf32> to vector<16xf32>
      %swap3A_232 = vector.shape_cast %add3A_227 : vector<16xf32> to vector<1x16xf32>
      tpu.vector_store %arg9[%swap3A_228, %swap3A_229], %swap3A_232 {strides = array<i32>} : memref<16x1024xf32, #tpu.memory_space<vmem>>, vector<1x16xf32>,
      %get3A_233 = arith.index_cast %scan3A_192 : i32 to index
      %get3A_234 = arith.constant 48 : index
      %get3A_235 = tpu.vector_load %arg9[%get3A_233, %get3A_234] {strides = array<i32>} : memref<16x1024xf32, #tpu.memory_space<vmem>>, vector<1x16xf32>,
      %get3A_236 = vector.shape_cast %get3A_235 : vector<1x16xf32> to vector<16xf32>
      %get3A_237 = arith.index_cast %scan3A_192 : i32 to index
      %get3A_238 = arith.constant 48 : index
      %get3A_239 = tpu.vector_load %arg5[%get3A_237, %get3A_238] {strides = array<i32>} : memref<16x1024xf32, #tpu.memory_space<vmem>>, vector<1x16xf32>,
      %get3A_240 = vector.shape_cast %get3A_239 : vector<1x16xf32> to vector<16xf32>
      %add3A_241 = arith.addf %get3A_236, %get3A_240 : vector<16xf32>
      %swap3A_242 = arith.index_cast %scan3A_192 : i32 to index
      %swap3A_243 = arith.constant 48 : index
      %swap3A_244 = tpu.vector_load %arg9[%swap3A_242, %swap3A_243] {strides = array<i32>} : memref<16x1024xf32, #tpu.memory_space<vmem>>, vector<1x16xf32>,
      %swap3A_245 = vector.shape_cast %swap3A_244 : vector<1x16xf32> to vector<16xf32>
      %swap3A_246 = vector.shape_cast %add3A_241 : vector<16xf32> to vector<1x16xf32>
      tpu.vector_store %arg9[%swap3A_242, %swap3A_243], %swap3A_246 {strides = array<i32>} : memref<16x1024xf32, #tpu.memory_space<vmem>>, vector<1x16xf32>,
      %get3A_247 = arith.index_cast %scan3A_192 : i32 to index
      %get3A_248 = arith.constant 64 : index
      %get3A_249 = tpu.vector_load %arg9[%get3A_247, %get3A_248] {strides = array<i32>} : memref<16x1024xf32, #tpu.memory_space<vmem>>, vector<1x16xf32>,
      %get3A_250 = vector.shape_cast %get3A_249 : vector<1x16xf32> to vector<16xf32>
      %get3A_251 = arith.index_cast %scan3A_192 : i32 to index
      %get3A_252 = arith.constant 64 : index
      %get3A_253 = tpu.vector_load %arg5[%get3A_251, %get3A_252] {strides = array<i32>} : memref<16x1024xf32, #tpu.memory_space<vmem>>, vector<1x16xf32>,
      %get3A_254 = vector.shape_cast %get3A_253 : vector<1x16xf32> to vector<16xf32>
      %add3A_255 = arith.addf %get3A_250, %get3A_254 : vector<16xf32>
      %swap3A_256 = arith.index_cast %scan3A_192 : i32 to index
      %swap3A_257 = arith.constant 64 : index
      %swap3A_258 = tpu.vector_load %arg9[%swap3A_256, %swap3A_257] {strides = array<i32>} : memref<16x1024xf32, #tpu.memory_space<vmem>>, vector<1x16xf32>,
      %swap3A_259 = vector.shape_cast %swap3A_258 : vector<1x16xf32> to vector<16xf32>
      %swap3A_260 = vector.shape_cast %add3A_255 : vector<16xf32> to vector<1x16xf32>
      tpu.vector_store %arg9[%swap3A_256, %swap3A_257], %swap3A_260 {strides = array<i32>} : memref<16x1024xf32, #tpu.memory_space<vmem>>, vector<1x16xf32>,
      %get3A_261 = arith.index_cast %scan3A_192 : i32 to index
      %get3A_262 = arith.constant 80 : index
      %get3A_263 = tpu.vector_load %arg9[%get3A_261, %get3A_262] {strides = array<i32>} : memref<16x1024xf32, #tpu.memory_space<vmem>>, vector<1x16xf32>,
      %get3A_264 = vector.shape_cast %get3A_263 : vector<1x16xf32> to vector<16xf32>
      %get3A_265 = arith.index_cast %scan3A_192 : i32 to index
      %get3A_266 = arith.constant 80 : index
      %get3A_267 = tpu.vector_load %arg5[%get3A_265, %get3A_266] {strides = array<i32>} : memref<16x1024xf32, #tpu.memory_space<vmem>>, vector<1x16xf32>,
      %get3A_268 = vector.shape_cast %get3A_267 : vector<1x16xf32> to vector<16xf32>
      %add3A_269 = arith.addf %get3A_264, %get3A_268 : vector<16xf32>
      %swap3A_270 = arith.index_cast %scan3A_192 : i32 to index
      %swap3A_271 = arith.constant 80 : index
      %swap3A_272 = tpu.vector_load %arg9[%swap3A_270, %swap3A_271] {strides = array<i32>} : memref<16x1024xf32, #tpu.memory_space<vmem>>, vector<1x16xf32>,
      %swap3A_273 = vector.shape_cast %swap3A_272 : vector<1x16xf32> to vector<16xf32>
      %swap3A_274 = vector.shape_cast %add3A_269 : vector<16xf32> to vector<1x16xf32>
      tpu.vector_store %arg9[%swap3A_270, %swap3A_271], %swap3A_274 {strides = array<i32>} : memref<16x1024xf32, #tpu.memory_space<vmem>>, vector<1x16xf32>,
      %get3A_275 = arith.index_cast %scan3A_192 : i32 to index
      %get3A_276 = arith.constant 96 : index
      %get3A_277 = tpu.vector_load %arg9[%get3A_275, %get3A_276] {strides = array<i32>} : memref<16x1024xf32, #tpu.memory_space<vmem>>, vector<1x16xf32>,
      %get3A_278 = vector.shape_cast %get3A_277 : vector<1x16xf32> to vector<16xf32>
      %get3A_279 = arith.index_cast %scan3A_192 : i32 to index
      %get3A_280 = arith.constant 96 : index
      %get3A_281 = tpu.vector_load %arg5[%get3A_279, %get3A_280] {strides = array<i32>} : memref<16x1024xf32, #tpu.memory_space<vmem>>, vector<1x16xf32>,
      %get3A_282 = vector.shape_cast %get3A_281 : vector<1x16xf32> to vector<16xf32>
      %add3A_283 = arith.addf %get3A_278, %get3A_282 : vector<16xf32>
      %swap3A_284 = arith.index_cast %scan3A_192 : i32 to index
      %swap3A_285 = arith.constant 96 : index
      %swap3A_286 = tpu.vector_load %arg9[%swap3A_284, %swap3A_285] {strides = array<i32>} : memref<16x1024xf32, #tpu.memory_space<vmem>>, vector<1x16xf32>,
      %swap3A_287 = vector.shape_cast %swap3A_286 : vector<1x16xf32> to vector<16xf32>
      %swap3A_288 = vector.shape_cast %add3A_283 : vector<16xf32> to vector<1x16xf32>
      tpu.vector_store %arg9[%swap3A_284, %swap3A_285], %swap3A_288 {strides = array<i32>} : memref<16x1024xf32, #tpu.memory_space<vmem>>, vector<1x16xf32>,
      %get3A_289 = arith.index_cast %scan3A_192 : i32 to index
      %get3A_290 = arith.constant 112 : index
      %get3A_291 = tpu.vector_load %arg9[%get3A_289, %get3A_290] {strides = array<i32>} : memref<16x1024xf32, #tpu.memory_space<vmem>>, vector<1x16xf32>,
      %get3A_292 = vector.shape_cast %get3A_291 : vector<1x16xf32> to vector<16xf32>
      %get3A_293 = arith.index_cast %scan3A_192 : i32 to index
      %get3A_294 = arith.constant 112 : index
      %get3A_295 = tpu.vector_load %arg5[%get3A_293, %get3A_294] {strides = array<i32>} : memref<16x1024xf32, #tpu.memory_space<vmem>>, vector<1x16xf32>,
      %get3A_296 = vector.shape_cast %get3A_295 : vector<1x16xf32> to vector<16xf32>
      %add3A_297 = arith.addf %get3A_292, %get3A_296 : vector<16xf32>
      %swap3A_298 = arith.index_cast %scan3A_192 : i32 to index
      %swap3A_299 = arith.constant 112 : index
      %swap3A_300 = tpu.vector_load %arg9[%swap3A_298, %swap3A_299] {strides = array<i32>} : memref<16x1024xf32, #tpu.memory_space<vmem>>, vector<1x16xf32>,
      %swap3A_301 = vector.shape_cast %swap3A_300 : vector<1x16xf32> to vector<16xf32>
      %swap3A_302 = vector.shape_cast %add3A_297 : vector<16xf32> to vector<1x16xf32>
      tpu.vector_store %arg9[%swap3A_298, %swap3A_299], %swap3A_302 {strides = array<i32>} : memref<16x1024xf32, #tpu.memory_space<vmem>>, vector<1x16xf32>,
      %get3A_303 = arith.index_cast %scan3A_192 : i32 to index
      %get3A_304 = arith.constant 128 : index
      %get3A_305 = tpu.vector_load %arg9[%get3A_303, %get3A_304] {strides = array<i32>} : memref<16x1024xf32, #tpu.memory_space<vmem>>, vector<1x16xf32>,
      %get3A_306 = vector.shape_cast %get3A_305 : vector<1x16xf32> to vector<16xf32>
      %get3A_307 = arith.index_cast %scan3A_192 : i32 to index
      %get3A_308 = arith.constant 128 : index
      %get3A_309 = tpu.vector_load %arg5[%get3A_307, %get3A_308] {strides = array<i32>} : memref<16x1024xf32, #tpu.memory_space<vmem>>, vector<1x16xf32>,
      %get3A_310 = vector.shape_cast %get3A_309 : vector<1x16xf32> to vector<16xf32>
      %add3A_311 = arith.addf %get3A_306, %get3A_310 : vector<16xf32>
      %swap3A_312 = arith.index_cast %scan3A_192 : i32 to index
      %swap3A_313 = arith.constant 128 : index
      %swap3A_314 = tpu.vector_load %arg9[%swap3A_312, %swap3A_313] {strides = array<i32>} : memref<16x1024xf32, #tpu.memory_space<vmem>>, vector<1x16xf32>,
      %swap3A_315 = vector.shape_cast %swap3A_314 : vector<1x16xf32> to vector<16xf32>
      %swap3A_316 = vector.shape_cast %add3A_311 : vector<16xf32> to vector<1x16xf32>
      tpu.vector_store %arg9[%swap3A_312, %swap3A_313], %swap3A_316 {strides = array<i32>} : memref<16x1024xf32, #tpu.memory_space<vmem>>, vector<1x16xf32>,
      %get3A_317 = arith.index_cast %scan3A_192 : i32 to index
      %get3A_318 = arith.constant 144 : index
      %get3A_319 = tpu.vector_load %arg9[%get3A_317, %get3A_318] {strides = array<i32>} : memref<16x1024xf32, #tpu.memory_space<vmem>>, vector<1x16xf32>,
      %get3A_320 = vector.shape_cast %get3A_319 : vector<1x16xf32> to vector<16xf32>
      %get3A_321 = arith.index_cast %scan3A_192 : i32 to index
      %get3A_322 = arith.constant 144 : index
      %get3A_323 = tpu.vector_load %arg5[%get3A_321, %get3A_322] {strides = array<i32>} : memref<16x1024xf32, #tpu.memory_space<vmem>>, vector<1x16xf32>,
      %get3A_324 = vector.shape_cast %get3A_323 : vector<1x16xf32> to vector<16xf32>
      %add3A_325 = arith.addf %get3A_320, %get3A_324 : vector<16xf32>
      %swap3A_326 = arith.index_cast %scan3A_192 : i32 to index
      %swap3A_327 = arith.constant 144 : index
      %swap3A_328 = tpu.vector_load %arg9[%swap3A_326, %swap3A_327] {strides = array<i32>} : memref<16x1024xf32, #tpu.memory_space<vmem>>, vector<1x16xf32>,
      %swap3A_329 = vector.shape_cast %swap3A_328 : vector<1x16xf32> to vector<16xf32>
      %swap3A_330 = vector.shape_cast %add3A_325 : vector<16xf32> to vector<1x16xf32>
      tpu.vector_store %arg9[%swap3A_326, %swap3A_327], %swap3A_330 {strides = array<i32>} : memref<16x1024xf32, #tpu.memory_space<vmem>>, vector<1x16xf32>,
      %get3A_331 = arith.index_cast %scan3A_192 : i32 to index
      %get3A_332 = arith.constant 160 : index
      %get3A_333 = tpu.vector_load %arg9[%get3A_331, %get3A_332] {strides = array<i32>} : memref<16x1024xf32, #tpu.memory_space<vmem>>, vector<1x16xf32>,
      %get3A_334 = vector.shape_cast %get3A_333 : vector<1x16xf32> to vector<16xf32>
      %get3A_335 = arith.index_cast %scan3A_192 : i32 to index
      %get3A_336 = arith.constant 160 : index
      %get3A_337 = tpu.vector_load %arg5[%get3A_335, %get3A_336] {strides = array<i32>} : memref<16x1024xf32, #tpu.memory_space<vmem>>, vector<1x16xf32>,
      %get3A_338 = vector.shape_cast %get3A_337 : vector<1x16xf32> to vector<16xf32>
      %add3A_339 = arith.addf %get3A_334, %get3A_338 : vector<16xf32>
      %swap3A_340 = arith.index_cast %scan3A_192 : i32 to index
      %swap3A_341 = arith.constant 160 : index
      %swap3A_342 = tpu.vector_load %arg9[%swap3A_340, %swap3A_341] {strides = array<i32>} : memref<16x1024xf32, #tpu.memory_space<vmem>>, vector<1x16xf32>,
      %swap3A_343 = vector.shape_cast %swap3A_342 : vector<1x16xf32> to vector<16xf32>
      %swap3A_344 = vector.shape_cast %add3A_339 : vector<16xf32> to vector<1x16xf32>
      tpu.vector_store %arg9[%swap3A_340, %swap3A_341], %swap3A_344 {strides = array<i32>} : memref<16x1024xf32, #tpu.memory_space<vmem>>, vector<1x16xf32>,
      %get3A_345 = arith.index_cast %scan3A_192 : i32 to index
      %get3A_346 = arith.constant 176 : index
      %get3A_347 = tpu.vector_load %arg9[%get3A_345, %get3A_346] {strides = array<i32>} : memref<16x1024xf32, #tpu.memory_space<vmem>>, vector<1x16xf32>,
      %get3A_348 = vector.shape_cast %get3A_347 : vector<1x16xf32> to vector<16xf32>
      %get3A_349 = arith.index_cast %scan3A_192 : i32 to index
      %get3A_350 = arith.constant 176 : index
      %get3A_351 = tpu.vector_load %arg5[%get3A_349, %get3A_350] {strides = array<i32>} : memref<16x1024xf32, #tpu.memory_space<vmem>>, vector<1x16xf32>,
      %get3A_352 = vector.shape_cast %get3A_351 : vector<1x16xf32> to vector<16xf32>
      %add3A_353 = arith.addf %get3A_348, %get3A_352 : vector<16xf32>
      %swap3A_354 = arith.index_cast %scan3A_192 : i32 to index
      %swap3A_355 = arith.constant 176 : index
      %swap3A_356 = tpu.vector_load %arg9[%swap3A_354, %swap3A_355] {strides = array<i32>} : memref<16x1024xf32, #tpu.memory_space<vmem>>, vector<1x16xf32>,
      %swap3A_357 = vector.shape_cast %swap3A_356 : vector<1x16xf32> to vector<16xf32>
      %swap3A_358 = vector.shape_cast %add3A_353 : vector<16xf32> to vector<1x16xf32>
      tpu.vector_store %arg9[%swap3A_354, %swap3A_355], %swap3A_358 {strides = array<i32>} : memref<16x1024xf32, #tpu.memory_space<vmem>>, vector<1x16xf32>,
      %get3A_359 = arith.index_cast %scan3A_192 : i32 to index
      %get3A_360 = arith.constant 192 : index
      %get3A_361 = tpu.vector_load %arg9[%get3A_359, %get3A_360] {strides = array<i32>} : memref<16x1024xf32, #tpu.memory_space<vmem>>, vector<1x16xf32>,
      %get3A_362 = vector.shape_cast %get3A_361 : vector<1x16xf32> to vector<16xf32>
      %get3A_363 = arith.index_cast %scan3A_192 : i32 to index
      %get3A_364 = arith.constant 192 : index
      %get3A_365 = tpu.vector_load %arg5[%get3A_363, %get3A_364] {strides = array<i32>} : memref<16x1024xf32, #tpu.memory_space<vmem>>, vector<1x16xf32>,
      %get3A_366 = vector.shape_cast %get3A_365 : vector<1x16xf32> to vector<16xf32>
      %add3A_367 = arith.addf %get3A_362, %get3A_366 : vector<16xf32>
      %swap3A_368 = arith.index_cast %scan3A_192 : i32 to index
      %swap3A_369 = arith.constant 192 : index
      %swap3A_370 = tpu.vector_load %arg9[%swap3A_368, %swap3A_369] {strides = array<i32>} : memref<16x1024xf32, #tpu.memory_space<vmem>>, vector<1x16xf32>,
      %swap3A_371 = vector.shape_cast %swap3A_370 : vector<1x16xf32> to vector<16xf32>
      %swap3A_372 = vector.shape_cast %add3A_367 : vector<16xf32> to vector<1x16xf32>
      tpu.vector_store %arg9[%swap3A_368, %swap3A_369], %swap3A_372 {strides = array<i32>} : memref<16x1024xf32, #tpu.memory_space<vmem>>, vector<1x16xf32>,
      %get3A_373 = arith.index_cast %scan3A_192 : i32 to index
      %get3A_374 = arith.constant 208 : index
      %get3A_375 = tpu.vector_load %arg9[%get3A_373, %get3A_374] {strides = array<i32>} : memref<16x1024xf32, #tpu.memory_space<vmem>>, vector<1x16xf32>,
      %get3A_376 = vector.shape_cast %get3A_375 : vector<1x16xf32> to vector<16xf32>
      %get3A_377 = arith.index_cast %scan3A_192 : i32 to index
      %get3A_378 = arith.constant 208 : index
      %get3A_379 = tpu.vector_load %arg5[%get3A_377, %get3A_378] {strides = array<i32>} : memref<16x1024xf32, #tpu.memory_space<vmem>>, vector<1x16xf32>,
      %get3A_380 = vector.shape_cast %get3A_379 : vector<1x16xf32> to vector<16xf32>
      %add3A_381 = arith.addf %get3A_376, %get3A_380 : vector<16xf32>
      %swap3A_382 = arith.index_cast %scan3A_192 : i32 to index
      %swap3A_383 = arith.constant 208 : index
      %swap3A_384 = tpu.vector_load %arg9[%swap3A_382, %swap3A_383] {strides = array<i32>} : memref<16x1024xf32, #tpu.memory_space<vmem>>, vector<1x16xf32>,
      %swap3A_385 = vector.shape_cast %swap3A_384 : vector<1x16xf32> to vector<16xf32>
      %swap3A_386 = vector.shape_cast %add3A_381 : vector<16xf32> to vector<1x16xf32>
      tpu.vector_store %arg9[%swap3A_382, %swap3A_383], %swap3A_386 {strides = array<i32>} : memref<16x1024xf32, #tpu.memory_space<vmem>>, vector<1x16xf32>,
      %get3A_387 = arith.index_cast %scan3A_192 : i32 to index
      %get3A_388 = arith.constant 224 : index
      %get3A_389 = tpu.vector_load %arg9[%get3A_387, %get3A_388] {strides = array<i32>} : memref<16x1024xf32, #tpu.memory_space<vmem>>, vector<1x16xf32>,
      %get3A_390 = vector.shape_cast %get3A_389 : vector<1x16xf32> to vector<16xf32>
      %get3A_391 = arith.index_cast %scan3A_192 : i32 to index
      %get3A_392 = arith.constant 224 : index
      %get3A_393 = tpu.vector_load %arg5[%get3A_391, %get3A_392] {strides = array<i32>} : memref<16x1024xf32, #tpu.memory_space<vmem>>, vector<1x16xf32>,
      %get3A_394 = vector.shape_cast %get3A_393 : vector<1x16xf32> to vector<16xf32>
      %add3A_395 = arith.addf %get3A_390, %get3A_394 : vector<16xf32>
      %swap3A_396 = arith.index_cast %scan3A_192 : i32 to index
      %swap3A_397 = arith.constant 224 : index
      %swap3A_398 = tpu.vector_load %arg9[%swap3A_396, %swap3A_397] {strides = array<i32>} : memref<16x1024xf32, #tpu.memory_space<vmem>>, vector<1x16xf32>,
      %swap3A_399 = vector.shape_cast %swap3A_398 : vector<1x16xf32> to vector<16xf32>
      %swap3A_400 = vector.shape_cast %add3A_395 : vector<16xf32> to vector<1x16xf32>
      tpu.vector_store %arg9[%swap3A_396, %swap3A_397], %swap3A_400 {strides = array<i32>} : memref<16x1024xf32, #tpu.memory_space<vmem>>, vector<1x16xf32>,
      %get3A_401 = arith.index_cast %scan3A_192 : i32 to index
      %get3A_402 = arith.constant 240 : index
      %get3A_403 = tpu.vector_load %arg9[%get3A_401, %get3A_402] {strides = array<i32>} : memref<16x1024xf32, #tpu.memory_space<vmem>>, vector<1x16xf32>,
      %get3A_404 = vector.shape_cast %get3A_403 : vector<1x16xf32> to vector<16xf32>
      %get3A_405 = arith.index_cast %scan3A_192 : i32 to index
      %get3A_406 = arith.constant 240 : index
      %get3A_407 = tpu.vector_load %arg5[%get3A_405, %get3A_406] {strides = array<i32>} : memref<16x1024xf32, #tpu.memory_space<vmem>>, vector<1x16xf32>,
      %get3A_408 = vector.shape_cast %get3A_407 : vector<1x16xf32> to vector<16xf32>
      %add3A_409 = arith.addf %get3A_404, %get3A_408 : vector<16xf32>
      %swap3A_410 = arith.index_cast %scan3A_192 : i32 to index
      %swap3A_411 = arith.constant 240 : index
      %swap3A_412 = tpu.vector_load %arg9[%swap3A_410, %swap3A_411] {strides = array<i32>} : memref<16x1024xf32, #tpu.memory_space<vmem>>, vector<1x16xf32>,
      %swap3A_413 = vector.shape_cast %swap3A_412 : vector<1x16xf32> to vector<16xf32>
      %swap3A_414 = vector.shape_cast %add3A_409 : vector<16xf32> to vector<1x16xf32>
      tpu.vector_store %arg9[%swap3A_410, %swap3A_411], %swap3A_414 {strides = array<i32>} : memref<16x1024xf32, #tpu.memory_space<vmem>>, vector<1x16xf32>,
      %get3A_415 = arith.index_cast %scan3A_192 : i32 to index
      %get3A_416 = arith.constant 256 : index
      %get3A_417 = tpu.vector_load %arg9[%get3A_415, %get3A_416] {strides = array<i32>} : memref<16x1024xf32, #tpu.memory_space<vmem>>, vector<1x16xf32>,
      %get3A_418 = vector.shape_cast %get3A_417 : vector<1x16xf32> to vector<16xf32>
      %get3A_419 = arith.index_cast %scan3A_192 : i32 to index
      %get3A_420 = arith.constant 256 : index
      %get3A_421 = tpu.vector_load %arg5[%get3A_419, %get3A_420] {strides = array<i32>} : memref<16x1024xf32, #tpu.memory_space<vmem>>, vector<1x16xf32>,
      %get3A_422 = vector.shape_cast %get3A_421 : vector<1x16xf32> to vector<16xf32>
      %add3A_423 = arith.addf %get3A_418, %get3A_422 : vector<16xf32>
      %swap3A_424 = arith.index_cast %scan3A_192 : i32 to index
      %swap3A_425 = arith.constant 256 : index
      %swap3A_426 = tpu.vector_load %arg9[%swap3A_424, %swap3A_425] {strides = array<i32>} : memref<16x1024xf32, #tpu.memory_space<vmem>>, vector<1x16xf32>,
      %swap3A_427 = vector.shape_cast %swap3A_426 : vector<1x16xf32> to vector<16xf32>
      %swap3A_428 = vector.shape_cast %add3A_423 : vector<16xf32> to vector<1x16xf32>
      tpu.vector_store %arg9[%swap3A_424, %swap3A_425], %swap3A_428 {strides = array<i32>} : memref<16x1024xf32, #tpu.memory_space<vmem>>, vector<1x16xf32>,
      %get3A_429 = arith.index_cast %scan3A_192 : i32 to index
      %get3A_430 = arith.constant 272 : index
      %get3A_431 = tpu.vector_load %arg9[%get3A_429, %get3A_430] {strides = array<i32>} : memref<16x1024xf32, #tpu.memory_space<vmem>>, vector<1x16xf32>,
      %get3A_432 = vector.shape_cast %get3A_431 : vector<1x16xf32> to vector<16xf32>
      %get3A_433 = arith.index_cast %scan3A_192 : i32 to index
      %get3A_434 = arith.constant 272 : index
      %get3A_435 = tpu.vector_load %arg5[%get3A_433, %get3A_434] {strides = array<i32>} : memref<16x1024xf32, #tpu.memory_space<vmem>>, vector<1x16xf32>,
      %get3A_436 = vector.shape_cast %get3A_435 : vector<1x16xf32> to vector<16xf32>
      %add3A_437 = arith.addf %get3A_432, %get3A_436 : vector<16xf32>
      %swap3A_438 = arith.index_cast %scan3A_192 : i32 to index
      %swap3A_439 = arith.constant 272 : index
      %swap3A_440 = tpu.vector_load %arg9[%swap3A_438, %swap3A_439] {strides = array<i32>} : memref<16x1024xf32, #tpu.memory_space<vmem>>, vector<1x16xf32>,
      %swap3A_441 = vector.shape_cast %swap3A_440 : vector<1x16xf32> to vector<16xf32>
      %swap3A_442 = vector.shape_cast %add3A_437 : vector<16xf32> to vector<1x16xf32>
      tpu.vector_store %arg9[%swap3A_438, %swap3A_439], %swap3A_442 {strides = array<i32>} : memref<16x1024xf32, #tpu.memory_space<vmem>>, vector<1x16xf32>,
      %get3A_443 = arith.index_cast %scan3A_192 : i32 to index
      %get3A_444 = arith.constant 288 : index
      %get3A_445 = tpu.vector_load %arg9[%get3A_443, %get3A_444] {strides = array<i32>} : memref<16x1024xf32, #tpu.memory_space<vmem>>, vector<1x16xf32>,
      %get3A_446 = vector.shape_cast %get3A_445 : vector<1x16xf32> to vector<16xf32>
      %get3A_447 = arith.index_cast %scan3A_192 : i32 to index
      %get3A_448 = arith.constant 288 : index
      %get3A_449 = tpu.vector_load %arg5[%get3A_447, %get3A_448] {strides = array<i32>} : memref<16x1024xf32, #tpu.memory_space<vmem>>, vector<1x16xf32>,
      %get3A_450 = vector.shape_cast %get3A_449 : vector<1x16xf32> to vector<16xf32>
      %add3A_451 = arith.addf %get3A_446, %get3A_450 : vector<16xf32>
      %swap3A_452 = arith.index_cast %scan3A_192 : i32 to index
      %swap3A_453 = arith.constant 288 : index
      %swap3A_454 = tpu.vector_load %arg9[%swap3A_452, %swap3A_453] {strides = array<i32>} : memref<16x1024xf32, #tpu.memory_space<vmem>>, vector<1x16xf32>,
      %swap3A_455 = vector.shape_cast %swap3A_454 : vector<1x16xf32> to vector<16xf32>
      %swap3A_456 = vector.shape_cast %add3A_451 : vector<16xf32> to vector<1x16xf32>
      tpu.vector_store %arg9[%swap3A_452, %swap3A_453], %swap3A_456 {strides = array<i32>} : memref<16x1024xf32, #tpu.memory_space<vmem>>, vector<1x16xf32>,
      %get3A_457 = arith.index_cast %scan3A_192 : i32 to index
      %get3A_458 = arith.constant 304 : index
      %get3A_459 = tpu.vector_load %arg9[%get3A_457, %get3A_458] {strides = array<i32>} : memref<16x1024xf32, #tpu.memory_space<vmem>>, vector<1x16xf32>,
      %get3A_460 = vector.shape_cast %get3A_459 : vector<1x16xf32> to vector<16xf32>
      %get3A_461 = arith.index_cast %scan3A_192 : i32 to index
      %get3A_462 = arith.constant 304 : index
      %get3A_463 = tpu.vector_load %arg5[%get3A_461, %get3A_462] {strides = array<i32>} : memref<16x1024xf32, #tpu.memory_space<vmem>>, vector<1x16xf32>,
      %get3A_464 = vector.shape_cast %get3A_463 : vector<1x16xf32> to vector<16xf32>
      %add3A_465 = arith.addf %get3A_460, %get3A_464 : vector<16xf32>
      %swap3A_466 = arith.index_cast %scan3A_192 : i32 to index
      %swap3A_467 = arith.constant 304 : index
      %swap3A_468 = tpu.vector_load %arg9[%swap3A_466, %swap3A_467] {strides = array<i32>} : memref<16x1024xf32, #tpu.memory_space<vmem>>, vector<1x16xf32>,
      %swap3A_469 = vector.shape_cast %swap3A_468 : vector<1x16xf32> to vector<16xf32>
      %swap3A_470 = vector.shape_cast %add3A_465 : vector<16xf32> to vector<1x16xf32>
      tpu.vector_store %arg9[%swap3A_466, %swap3A_467], %swap3A_470 {strides = array<i32>} : memref<16x1024xf32, #tpu.memory_space<vmem>>, vector<1x16xf32>,
      %get3A_471 = arith.index_cast %scan3A_192 : i32 to index
      %get3A_472 = arith.constant 320 : index
      %get3A_473 = tpu.vector_load %arg9[%get3A_471, %get3A_472] {strides = array<i32>} : memref<16x1024xf32, #tpu.memory_space<vmem>>, vector<1x16xf32>,
      %get3A_474 = vector.shape_cast %get3A_473 : vector<1x16xf32> to vector<16xf32>
      %get3A_475 = arith.index_cast %scan3A_192 : i32 to index
      %get3A_476 = arith.constant 320 : index
      %get3A_477 = tpu.vector_load %arg5[%get3A_475, %get3A_476] {strides = array<i32>} : memref<16x1024xf32, #tpu.memory_space<vmem>>, vector<1x16xf32>,
      %get3A_478 = vector.shape_cast %get3A_477 : vector<1x16xf32> to vector<16xf32>
      %add3A_479 = arith.addf %get3A_474, %get3A_478 : vector<16xf32>
      %swap3A_480 = arith.index_cast %scan3A_192 : i32 to index
      %swap3A_481 = arith.constant 320 : index
      %swap3A_482 = tpu.vector_load %arg9[%swap3A_480, %swap3A_481] {strides = array<i32>} : memref<16x1024xf32, #tpu.memory_space<vmem>>, vector<1x16xf32>,
      %swap3A_483 = vector.shape_cast %swap3A_482 : vector<1x16xf32> to vector<16xf32>
      %swap3A_484 = vector.shape_cast %add3A_479 : vector<16xf32> to vector<1x16xf32>
      tpu.vector_store %arg9[%swap3A_480, %swap3A_481], %swap3A_484 {strides = array<i32>} : memref<16x1024xf32, #tpu.memory_space<vmem>>, vector<1x16xf32>,
      %get3A_485 = arith.index_cast %scan3A_192 : i32 to index
      %get3A_486 = arith.constant 336 : index
      %get3A_487 = tpu.vector_load %arg9[%get3A_485, %get3A_486] {strides = array<i32>} : memref<16x1024xf32, #tpu.memory_space<vmem>>, vector<1x16xf32>,
      %get3A_488 = vector.shape_cast %get3A_487 : vector<1x16xf32> to vector<16xf32>
      %get3A_489 = arith.index_cast %scan3A_192 : i32 to index
      %get3A_490 = arith.constant 336 : index
      %get3A_491 = tpu.vector_load %arg5[%get3A_489, %get3A_490] {strides = array<i32>} : memref<16x1024xf32, #tpu.memory_space<vmem>>, vector<1x16xf32>,
      %get3A_492 = vector.shape_cast %get3A_491 : vector<1x16xf32> to vector<16xf32>
      %add3A_493 = arith.addf %get3A_488, %get3A_492 : vector<16xf32>
      %swap3A_494 = arith.index_cast %scan3A_192 : i32 to index
      %swap3A_495 = arith.constant 336 : index
      %swap3A_496 = tpu.vector_load %arg9[%swap3A_494, %swap3A_495] {strides = array<i32>} : memref<16x1024xf32, #tpu.memory_space<vmem>>, vector<1x16xf32>,
      %swap3A_497 = vector.shape_cast %swap3A_496 : vector<1x16xf32> to vector<16xf32>
      %swap3A_498 = vector.shape_cast %add3A_493 : vector<16xf32> to vector<1x16xf32>
      tpu.vector_store %arg9[%swap3A_494, %swap3A_495], %swap3A_498 {strides = array<i32>} : memref<16x1024xf32, #tpu.memory_space<vmem>>, vector<1x16xf32>,
      %get3A_499 = arith.index_cast %scan3A_192 : i32 to index
      %get3A_500 = arith.constant 352 : index
      %get3A_501 = tpu.vector_load %arg9[%get3A_499, %get3A_500] {strides = array<i32>} : memref<16x1024xf32, #tpu.memory_space<vmem>>, vector<1x16xf32>,
      %get3A_502 = vector.shape_cast %get3A_501 : vector<1x16xf32> to vector<16xf32>
      %get3A_503 = arith.index_cast %scan3A_192 : i32 to index
      %get3A_504 = arith.constant 352 : index
      %get3A_505 = tpu.vector_load %arg5[%get3A_503, %get3A_504] {strides = array<i32>} : memref<16x1024xf32, #tpu.memory_space<vmem>>, vector<1x16xf32>,
      %get3A_506 = vector.shape_cast %get3A_505 : vector<1x16xf32> to vector<16xf32>
      %add3A_507 = arith.addf %get3A_502, %get3A_506 : vector<16xf32>
      %swap3A_508 = arith.index_cast %scan3A_192 : i32 to index
      %swap3A_509 = arith.constant 352 : index
      %swap3A_510 = tpu.vector_load %arg9[%swap3A_508, %swap3A_509] {strides = array<i32>} : memref<16x1024xf32, #tpu.memory_space<vmem>>, vector<1x16xf32>,
      %swap3A_511 = vector.shape_cast %swap3A_510 : vector<1x16xf32> to vector<16xf32>
      %swap3A_512 = vector.shape_cast %add3A_507 : vector<16xf32> to vector<1x16xf32>
      tpu.vector_store %arg9[%swap3A_508, %swap3A_509], %swap3A_512 {strides = array<i32>} : memref<16x1024xf32, #tpu.memory_space<vmem>>, vector<1x16xf32>,
      %get3A_513 = arith.index_cast %scan3A_192 : i32 to index
      %get3A_514 = arith.constant 368 : index
      %get3A_515 = tpu.vector_load %arg9[%get3A_513, %get3A_514] {strides = array<i32>} : memref<16x1024xf32, #tpu.memory_space<vmem>>, vector<1x16xf32>,
      %get3A_516 = vector.shape_cast %get3A_515 : vector<1x16xf32> to vector<16xf32>
      %get3A_517 = arith.index_cast %scan3A_192 : i32 to index
      %get3A_518 = arith.constant 368 : index
      %get3A_519 = tpu.vector_load %arg5[%get3A_517, %get3A_518] {strides = array<i32>} : memref<16x1024xf32, #tpu.memory_space<vmem>>, vector<1x16xf32>,
      %get3A_520 = vector.shape_cast %get3A_519 : vector<1x16xf32> to vector<16xf32>
      %add3A_521 = arith.addf %get3A_516, %get3A_520 : vector<16xf32>
      %swap3A_522 = arith.index_cast %scan3A_192 : i32 to index
      %swap3A_523 = arith.constant 368 : index
      %swap3A_524 = tpu.vector_load %arg9[%swap3A_522, %swap3A_523] {strides = array<i32>} : memref<16x1024xf32, #tpu.memory_space<vmem>>, vector<1x16xf32>,
      %swap3A_525 = vector.shape_cast %swap3A_524 : vector<1x16xf32> to vector<16xf32>
      %swap3A_526 = vector.shape_cast %add3A_521 : vector<16xf32> to vector<1x16xf32>
      tpu.vector_store %arg9[%swap3A_522, %swap3A_523], %swap3A_526 {strides = array<i32>} : memref<16x1024xf32, #tpu.memory_space<vmem>>, vector<1x16xf32>,
      %get3A_527 = arith.index_cast %scan3A_192 : i32 to index
      %get3A_528 = arith.constant 384 : index
      %get3A_529 = tpu.vector_load %arg9[%get3A_527, %get3A_528] {strides = array<i32>} : memref<16x1024xf32, #tpu.memory_space<vmem>>, vector<1x16xf32>,
      %get3A_530 = vector.shape_cast %get3A_529 : vector<1x16xf32> to vector<16xf32>
      %get3A_531 = arith.index_cast %scan3A_192 : i32 to index
      %get3A_532 = arith.constant 384 : index
      %get3A_533 = tpu.vector_load %arg5[%get3A_531, %get3A_532] {strides = array<i32>} : memref<16x1024xf32, #tpu.memory_space<vmem>>, vector<1x16xf32>,
      %get3A_534 = vector.shape_cast %get3A_533 : vector<1x16xf32> to vector<16xf32>
      %add3A_535 = arith.addf %get3A_530, %get3A_534 : vector<16xf32>
      %swap3A_536 = arith.index_cast %scan3A_192 : i32 to index
      %swap3A_537 = arith.constant 384 : index
      %swap3A_538 = tpu.vector_load %arg9[%swap3A_536, %swap3A_537] {strides = array<i32>} : memref<16x1024xf32, #tpu.memory_space<vmem>>, vector<1x16xf32>,
      %swap3A_539 = vector.shape_cast %swap3A_538 : vector<1x16xf32> to vector<16xf32>
      %swap3A_540 = vector.shape_cast %add3A_535 : vector<16xf32> to vector<1x16xf32>
      tpu.vector_store %arg9[%swap3A_536, %swap3A_537], %swap3A_540 {strides = array<i32>} : memref<16x1024xf32, #tpu.memory_space<vmem>>, vector<1x16xf32>,
      %get3A_541 = arith.index_cast %scan3A_192 : i32 to index
      %get3A_542 = arith.constant 400 : index
      %get3A_543 = tpu.vector_load %arg9[%get3A_541, %get3A_542] {strides = array<i32>} : memref<16x1024xf32, #tpu.memory_space<vmem>>, vector<1x16xf32>,
      %get3A_544 = vector.shape_cast %get3A_543 : vector<1x16xf32> to vector<16xf32>
      %get3A_545 = arith.index_cast %scan3A_192 : i32 to index
      %get3A_546 = arith.constant 400 : index
      %get3A_547 = tpu.vector_load %arg5[%get3A_545, %get3A_546] {strides = array<i32>} : memref<16x1024xf32, #tpu.memory_space<vmem>>, vector<1x16xf32>,
      %get3A_548 = vector.shape_cast %get3A_547 : vector<1x16xf32> to vector<16xf32>
      %add3A_549 = arith.addf %get3A_544, %get3A_548 : vector<16xf32>
      %swap3A_550 = arith.index_cast %scan3A_192 : i32 to index
      %swap3A_551 = arith.constant 400 : index
      %swap3A_552 = tpu.vector_load %arg9[%swap3A_550, %swap3A_551] {strides = array<i32>} : memref<16x1024xf32, #tpu.memory_space<vmem>>, vector<1x16xf32>,
      %swap3A_553 = vector.shape_cast %swap3A_552 : vector<1x16xf32> to vector<16xf32>
      %swap3A_554 = vector.shape_cast %add3A_549 : vector<16xf32> to vector<1x16xf32>
      tpu.vector_store %arg9[%swap3A_550, %swap3A_551], %swap3A_554 {strides = array<i32>} : memref<16x1024xf32, #tpu.memory_space<vmem>>, vector<1x16xf32>,
      %get3A_555 = arith.index_cast %scan3A_192 : i32 to index
      %get3A_556 = arith.constant 416 : index
      %get3A_557 = tpu.vector_load %arg9[%get3A_555, %get3A_556] {strides = array<i32>} : memref<16x1024xf32, #tpu.memory_space<vmem>>, vector<1x16xf32>,
      %get3A_558 = vector.shape_cast %get3A_557 : vector<1x16xf32> to vector<16xf32>
      %get3A_559 = arith.index_cast %scan3A_192 : i32 to index
      %get3A_560 = arith.constant 416 : index
      %get3A_561 = tpu.vector_load %arg5[%get3A_559, %get3A_560] {strides = array<i32>} : memref<16x1024xf32, #tpu.memory_space<vmem>>, vector<1x16xf32>,
      %get3A_562 = vector.shape_cast %get3A_561 : vector<1x16xf32> to vector<16xf32>
      %add3A_563 = arith.addf %get3A_558, %get3A_562 : vector<16xf32>
      %swap3A_564 = arith.index_cast %scan3A_192 : i32 to index
      %swap3A_565 = arith.constant 416 : index
      %swap3A_566 = tpu.vector_load %arg9[%swap3A_564, %swap3A_565] {strides = array<i32>} : memref<16x1024xf32, #tpu.memory_space<vmem>>, vector<1x16xf32>,
      %swap3A_567 = vector.shape_cast %swap3A_566 : vector<1x16xf32> to vector<16xf32>
      %swap3A_568 = vector.shape_cast %add3A_563 : vector<16xf32> to vector<1x16xf32>
      tpu.vector_store %arg9[%swap3A_564, %swap3A_565], %swap3A_568 {strides = array<i32>} : memref<16x1024xf32, #tpu.memory_space<vmem>>, vector<1x16xf32>,
      %get3A_569 = arith.index_cast %scan3A_192 : i32 to index
      %get3A_570 = arith.constant 432 : index
      %get3A_571 = tpu.vector_load %arg9[%get3A_569, %get3A_570] {strides = array<i32>} : memref<16x1024xf32, #tpu.memory_space<vmem>>, vector<1x16xf32>,
      %get3A_572 = vector.shape_cast %get3A_571 : vector<1x16xf32> to vector<16xf32>
      %get3A_573 = arith.index_cast %scan3A_192 : i32 to index
      %get3A_574 = arith.constant 432 : index
      %get3A_575 = tpu.vector_load %arg5[%get3A_573, %get3A_574] {strides = array<i32>} : memref<16x1024xf32, #tpu.memory_space<vmem>>, vector<1x16xf32>,
      %get3A_576 = vector.shape_cast %get3A_575 : vector<1x16xf32> to vector<16xf32>
      %add3A_577 = arith.addf %get3A_572, %get3A_576 : vector<16xf32>
      %swap3A_578 = arith.index_cast %scan3A_192 : i32 to index
      %swap3A_579 = arith.constant 432 : index
      %swap3A_580 = tpu.vector_load %arg9[%swap3A_578, %swap3A_579] {strides = array<i32>} : memref<16x1024xf32, #tpu.memory_space<vmem>>, vector<1x16xf32>,
      %swap3A_581 = vector.shape_cast %swap3A_580 : vector<1x16xf32> to vector<16xf32>
      %swap3A_582 = vector.shape_cast %add3A_577 : vector<16xf32> to vector<1x16xf32>
      tpu.vector_store %arg9[%swap3A_578, %swap3A_579], %swap3A_582 {strides = array<i32>} : memref<16x1024xf32, #tpu.memory_space<vmem>>, vector<1x16xf32>,
      %get3A_583 = arith.index_cast %scan3A_192 : i32 to index
      %get3A_584 = arith.constant 448 : index
      %get3A_585 = tpu.vector_load %arg9[%get3A_583, %get3A_584] {strides = array<i32>} : memref<16x1024xf32, #tpu.memory_space<vmem>>, vector<1x16xf32>,
      %get3A_586 = vector.shape_cast %get3A_585 : vector<1x16xf32> to vector<16xf32>
      %get3A_587 = arith.index_cast %scan3A_192 : i32 to index
      %get3A_588 = arith.constant 448 : index
      %get3A_589 = tpu.vector_load %arg5[%get3A_587, %get3A_588] {strides = array<i32>} : memref<16x1024xf32, #tpu.memory_space<vmem>>, vector<1x16xf32>,
      %get3A_590 = vector.shape_cast %get3A_589 : vector<1x16xf32> to vector<16xf32>
      %add3A_591 = arith.addf %get3A_586, %get3A_590 : vector<16xf32>
      %swap3A_592 = arith.index_cast %scan3A_192 : i32 to index
      %swap3A_593 = arith.constant 448 : index
      %swap3A_594 = tpu.vector_load %arg9[%swap3A_592, %swap3A_593] {strides = array<i32>} : memref<16x1024xf32, #tpu.memory_space<vmem>>, vector<1x16xf32>,
      %swap3A_595 = vector.shape_cast %swap3A_594 : vector<1x16xf32> to vector<16xf32>
      %swap3A_596 = vector.shape_cast %add3A_591 : vector<16xf32> to vector<1x16xf32>
      tpu.vector_store %arg9[%swap3A_592, %swap3A_593], %swap3A_596 {strides = array<i32>} : memref<16x1024xf32, #tpu.memory_space<vmem>>, vector<1x16xf32>,
      %get3A_597 = arith.index_cast %scan3A_192 : i32 to index
      %get3A_598 = arith.constant 464 : index
      %get3A_599 = tpu.vector_load %arg9[%get3A_597, %get3A_598] {strides = array<i32>} : memref<16x1024xf32, #tpu.memory_space<vmem>>, vector<1x16xf32>,
      %get3A_600 = vector.shape_cast %get3A_599 : vector<1x16xf32> to vector<16xf32>
      %get3A_601 = arith.index_cast %scan3A_192 : i32 to index
      %get3A_602 = arith.constant 464 : index
      %get3A_603 = tpu.vector_load %arg5[%get3A_601, %get3A_602] {strides = array<i32>} : memref<16x1024xf32, #tpu.memory_space<vmem>>, vector<1x16xf32>,
      %get3A_604 = vector.shape_cast %get3A_603 : vector<1x16xf32> to vector<16xf32>
      %add3A_605 = arith.addf %get3A_600, %get3A_604 : vector<16xf32>
      %swap3A_606 = arith.index_cast %scan3A_192 : i32 to index
      %swap3A_607 = arith.constant 464 : index
      %swap3A_608 = tpu.vector_load %arg9[%swap3A_606, %swap3A_607] {strides = array<i32>} : memref<16x1024xf32, #tpu.memory_space<vmem>>, vector<1x16xf32>,
      %swap3A_609 = vector.shape_cast %swap3A_608 : vector<1x16xf32> to vector<16xf32>
      %swap3A_610 = vector.shape_cast %add3A_605 : vector<16xf32> to vector<1x16xf32>
      tpu.vector_store %arg9[%swap3A_606, %swap3A_607], %swap3A_610 {strides = array<i32>} : memref<16x1024xf32, #tpu.memory_space<vmem>>, vector<1x16xf32>,
      %get3A_611 = arith.index_cast %scan3A_192 : i32 to index
      %get3A_612 = arith.constant 480 : index
      %get3A_613 = tpu.vector_load %arg9[%get3A_611, %get3A_612] {strides = array<i32>} : memref<16x1024xf32, #tpu.memory_space<vmem>>, vector<1x16xf32>,
      %get3A_614 = vector.shape_cast %get3A_613 : vector<1x16xf32> to vector<16xf32>
      %get3A_615 = arith.index_cast %scan3A_192 : i32 to index
      %get3A_616 = arith.constant 480 : index
      %get3A_617 = tpu.vector_load %arg5[%get3A_615, %get3A_616] {strides = array<i32>} : memref<16x1024xf32, #tpu.memory_space<vmem>>, vector<1x16xf32>,
      %get3A_618 = vector.shape_cast %get3A_617 : vector<1x16xf32> to vector<16xf32>
      %add3A_619 = arith.addf %get3A_614, %get3A_618 : vector<16xf32>
      %swap3A_620 = arith.index_cast %scan3A_192 : i32 to index
      %swap3A_621 = arith.constant 480 : index
      %swap3A_622 = tpu.vector_load %arg9[%swap3A_620, %swap3A_621] {strides = array<i32>} : memref<16x1024xf32, #tpu.memory_space<vmem>>, vector<1x16xf32>,
      %swap3A_623 = vector.shape_cast %swap3A_622 : vector<1x16xf32> to vector<16xf32>
      %swap3A_624 = vector.shape_cast %add3A_619 : vector<16xf32> to vector<1x16xf32>
      tpu.vector_store %arg9[%swap3A_620, %swap3A_621], %swap3A_624 {strides = array<i32>} : memref<16x1024xf32, #tpu.memory_space<vmem>>, vector<1x16xf32>,
      %get3A_625 = arith.index_cast %scan3A_192 : i32 to index
      %get3A_626 = arith.constant 496 : index
      %get3A_627 = tpu.vector_load %arg9[%get3A_625, %get3A_626] {strides = array<i32>} : memref<16x1024xf32, #tpu.memory_space<vmem>>, vector<1x16xf32>,
      %get3A_628 = vector.shape_cast %get3A_627 : vector<1x16xf32> to vector<16xf32>
      %get3A_629 = arith.index_cast %scan3A_192 : i32 to index
      %get3A_630 = arith.constant 496 : index
      %get3A_631 = tpu.vector_load %arg5[%get3A_629, %get3A_630] {strides = array<i32>} : memref<16x1024xf32, #tpu.memory_space<vmem>>, vector<1x16xf32>,
      %get3A_632 = vector.shape_cast %get3A_631 : vector<1x16xf32> to vector<16xf32>
      %add3A_633 = arith.addf %get3A_628, %get3A_632 : vector<16xf32>
      %swap3A_634 = arith.index_cast %scan3A_192 : i32 to index
      %swap3A_635 = arith.constant 496 : index
      %swap3A_636 = tpu.vector_load %arg9[%swap3A_634, %swap3A_635] {strides = array<i32>} : memref<16x1024xf32, #tpu.memory_space<vmem>>, vector<1x16xf32>,
      %swap3A_637 = vector.shape_cast %swap3A_636 : vector<1x16xf32> to vector<16xf32>
      %swap3A_638 = vector.shape_cast %add3A_633 : vector<16xf32> to vector<1x16xf32>
      tpu.vector_store %arg9[%swap3A_634, %swap3A_635], %swap3A_638 {strides = array<i32>} : memref<16x1024xf32, #tpu.memory_space<vmem>>, vector<1x16xf32>,
      %get3A_639 = arith.index_cast %scan3A_192 : i32 to index
      %get3A_640 = arith.constant 512 : index
      %get3A_641 = tpu.vector_load %arg9[%get3A_639, %get3A_640] {strides = array<i32>} : memref<16x1024xf32, #tpu.memory_space<vmem>>, vector<1x16xf32>,
      %get3A_642 = vector.shape_cast %get3A_641 : vector<1x16xf32> to vector<16xf32>
      %get3A_643 = arith.index_cast %scan3A_192 : i32 to index
      %get3A_644 = arith.constant 512 : index
      %get3A_645 = tpu.vector_load %arg5[%get3A_643, %get3A_644] {strides = array<i32>} : memref<16x1024xf32, #tpu.memory_space<vmem>>, vector<1x16xf32>,
      %get3A_646 = vector.shape_cast %get3A_645 : vector<1x16xf32> to vector<16xf32>
      %add3A_647 = arith.addf %get3A_642, %get3A_646 : vector<16xf32>
      %swap3A_648 = arith.index_cast %scan3A_192 : i32 to index
      %swap3A_649 = arith.constant 512 : index
      %swap3A_650 = tpu.vector_load %arg9[%swap3A_648, %swap3A_649] {strides = array<i32>} : memref<16x1024xf32, #tpu.memory_space<vmem>>, vector<1x16xf32>,
      %swap3A_651 = vector.shape_cast %swap3A_650 : vector<1x16xf32> to vector<16xf32>
      %swap3A_652 = vector.shape_cast %add3A_647 : vector<16xf32> to vector<1x16xf32>
      tpu.vector_store %arg9[%swap3A_648, %swap3A_649], %swap3A_652 {strides = array<i32>} : memref<16x1024xf32, #tpu.memory_space<vmem>>, vector<1x16xf32>,
      %get3A_653 = arith.index_cast %scan3A_192 : i32 to index
      %get3A_654 = arith.constant 528 : index
      %get3A_655 = tpu.vector_load %arg9[%get3A_653, %get3A_654] {strides = array<i32>} : memref<16x1024xf32, #tpu.memory_space<vmem>>, vector<1x16xf32>,
      %get3A_656 = vector.shape_cast %get3A_655 : vector<1x16xf32> to vector<16xf32>
      %get3A_657 = arith.index_cast %scan3A_192 : i32 to index
      %get3A_658 = arith.constant 528 : index
      %get3A_659 = tpu.vector_load %arg5[%get3A_657, %get3A_658] {strides = array<i32>} : memref<16x1024xf32, #tpu.memory_space<vmem>>, vector<1x16xf32>,
      %get3A_660 = vector.shape_cast %get3A_659 : vector<1x16xf32> to vector<16xf32>
      %add3A_661 = arith.addf %get3A_656, %get3A_660 : vector<16xf32>
      %swap3A_662 = arith.index_cast %scan3A_192 : i32 to index
      %swap3A_663 = arith.constant 528 : index
      %swap3A_664 = tpu.vector_load %arg9[%swap3A_662, %swap3A_663] {strides = array<i32>} : memref<16x1024xf32, #tpu.memory_space<vmem>>, vector<1x16xf32>,
      %swap3A_665 = vector.shape_cast %swap3A_664 : vector<1x16xf32> to vector<16xf32>
      %swap3A_666 = vector.shape_cast %add3A_661 : vector<16xf32> to vector<1x16xf32>
      tpu.vector_store %arg9[%swap3A_662, %swap3A_663], %swap3A_666 {strides = array<i32>} : memref<16x1024xf32, #tpu.memory_space<vmem>>, vector<1x16xf32>,
      %get3A_667 = arith.index_cast %scan3A_192 : i32 to index
      %get3A_668 = arith.constant 544 : index
      %get3A_669 = tpu.vector_load %arg9[%get3A_667, %get3A_668] {strides = array<i32>} : memref<16x1024xf32, #tpu.memory_space<vmem>>, vector<1x16xf32>,
      %get3A_670 = vector.shape_cast %get3A_669 : vector<1x16xf32> to vector<16xf32>
      %get3A_671 = arith.index_cast %scan3A_192 : i32 to index
      %get3A_672 = arith.constant 544 : index
      %get3A_673 = tpu.vector_load %arg5[%get3A_671, %get3A_672] {strides = array<i32>} : memref<16x1024xf32, #tpu.memory_space<vmem>>, vector<1x16xf32>,
      %get3A_674 = vector.shape_cast %get3A_673 : vector<1x16xf32> to vector<16xf32>
      %add3A_675 = arith.addf %get3A_670, %get3A_674 : vector<16xf32>
      %swap3A_676 = arith.index_cast %scan3A_192 : i32 to index
      %swap3A_677 = arith.constant 544 : index
      %swap3A_678 = tpu.vector_load %arg9[%swap3A_676, %swap3A_677] {strides = array<i32>} : memref<16x1024xf32, #tpu.memory_space<vmem>>, vector<1x16xf32>,
      %swap3A_679 = vector.shape_cast %swap3A_678 : vector<1x16xf32> to vector<16xf32>
      %swap3A_680 = vector.shape_cast %add3A_675 : vector<16xf32> to vector<1x16xf32>
      tpu.vector_store %arg9[%swap3A_676, %swap3A_677], %swap3A_680 {strides = array<i32>} : memref<16x1024xf32, #tpu.memory_space<vmem>>, vector<1x16xf32>,
      %get3A_681 = arith.index_cast %scan3A_192 : i32 to index
      %get3A_682 = arith.constant 560 : index
      %get3A_683 = tpu.vector_load %arg9[%get3A_681, %get3A_682] {strides = array<i32>} : memref<16x1024xf32, #tpu.memory_space<vmem>>, vector<1x16xf32>,
      %get3A_684 = vector.shape_cast %get3A_683 : vector<1x16xf32> to vector<16xf32>
      %get3A_685 = arith.index_cast %scan3A_192 : i32 to index
      %get3A_686 = arith.constant 560 : index
      %get3A_687 = tpu.vector_load %arg5[%get3A_685, %get3A_686] {strides = array<i32>} : memref<16x1024xf32, #tpu.memory_space<vmem>>, vector<1x16xf32>,
      %get3A_688 = vector.shape_cast %get3A_687 : vector<1x16xf32> to vector<16xf32>
      %add3A_689 = arith.addf %get3A_684, %get3A_688 : vector<16xf32>
      %swap3A_690 = arith.index_cast %scan3A_192 : i32 to index
      %swap3A_691 = arith.constant 560 : index
      %swap3A_692 = tpu.vector_load %arg9[%swap3A_690, %swap3A_691] {strides = array<i32>} : memref<16x1024xf32, #tpu.memory_space<vmem>>, vector<1x16xf32>,
      %swap3A_693 = vector.shape_cast %swap3A_692 : vector<1x16xf32> to vector<16xf32>
      %swap3A_694 = vector.shape_cast %add3A_689 : vector<16xf32> to vector<1x16xf32>
      tpu.vector_store %arg9[%swap3A_690, %swap3A_691], %swap3A_694 {strides = array<i32>} : memref<16x1024xf32, #tpu.memory_space<vmem>>, vector<1x16xf32>,
      %get3A_695 = arith.index_cast %scan3A_192 : i32 to index
      %get3A_696 = arith.constant 576 : index
      %get3A_697 = tpu.vector_load %arg9[%get3A_695, %get3A_696] {strides = array<i32>} : memref<16x1024xf32, #tpu.memory_space<vmem>>, vector<1x16xf32>,
      %get3A_698 = vector.shape_cast %get3A_697 : vector<1x16xf32> to vector<16xf32>
      %get3A_699 = arith.index_cast %scan3A_192 : i32 to index
      %get3A_700 = arith.constant 576 : index
      %get3A_701 = tpu.vector_load %arg5[%get3A_699, %get3A_700] {strides = array<i32>} : memref<16x1024xf32, #tpu.memory_space<vmem>>, vector<1x16xf32>,
      %get3A_702 = vector.shape_cast %get3A_701 : vector<1x16xf32> to vector<16xf32>
      %add3A_703 = arith.addf %get3A_698, %get3A_702 : vector<16xf32>
      %swap3A_704 = arith.index_cast %scan3A_192 : i32 to index
      %swap3A_705 = arith.constant 576 : index
      %swap3A_706 = tpu.vector_load %arg9[%swap3A_704, %swap3A_705] {strides = array<i32>} : memref<16x1024xf32, #tpu.memory_space<vmem>>, vector<1x16xf32>,
      %swap3A_707 = vector.shape_cast %swap3A_706 : vector<1x16xf32> to vector<16xf32>
      %swap3A_708 = vector.shape_cast %add3A_703 : vector<16xf32> to vector<1x16xf32>
      tpu.vector_store %arg9[%swap3A_704, %swap3A_705], %swap3A_708 {strides = array<i32>} : memref<16x1024xf32, #tpu.memory_space<vmem>>, vector<1x16xf32>,
      %get3A_709 = arith.index_cast %scan3A_192 : i32 to index
      %get3A_710 = arith.constant 592 : index
      %get3A_711 = tpu.vector_load %arg9[%get3A_709, %get3A_710] {strides = array<i32>} : memref<16x1024xf32, #tpu.memory_space<vmem>>, vector<1x16xf32>,
      %get3A_712 = vector.shape_cast %get3A_711 : vector<1x16xf32> to vector<16xf32>
      %get3A_713 = arith.index_cast %scan3A_192 : i32 to index
      %get3A_714 = arith.constant 592 : index
      %get3A_715 = tpu.vector_load %arg5[%get3A_713, %get3A_714] {strides = array<i32>} : memref<16x1024xf32, #tpu.memory_space<vmem>>, vector<1x16xf32>,
      %get3A_716 = vector.shape_cast %get3A_715 : vector<1x16xf32> to vector<16xf32>
      %add3A_717 = arith.addf %get3A_712, %get3A_716 : vector<16xf32>
      %swap3A_718 = arith.index_cast %scan3A_192 : i32 to index
      %swap3A_719 = arith.constant 592 : index
      %swap3A_720 = tpu.vector_load %arg9[%swap3A_718, %swap3A_719] {strides = array<i32>} : memref<16x1024xf32, #tpu.memory_space<vmem>>, vector<1x16xf32>,
      %swap3A_721 = vector.shape_cast %swap3A_720 : vector<1x16xf32> to vector<16xf32>
      %swap3A_722 = vector.shape_cast %add3A_717 : vector<16xf32> to vector<1x16xf32>
      tpu.vector_store %arg9[%swap3A_718, %swap3A_719], %swap3A_722 {strides = array<i32>} : memref<16x1024xf32, #tpu.memory_space<vmem>>, vector<1x16xf32>,
      %get3A_723 = arith.index_cast %scan3A_192 : i32 to index
      %get3A_724 = arith.constant 608 : index
      %get3A_725 = tpu.vector_load %arg9[%get3A_723, %get3A_724] {strides = array<i32>} : memref<16x1024xf32, #tpu.memory_space<vmem>>, vector<1x16xf32>,
      %get3A_726 = vector.shape_cast %get3A_725 : vector<1x16xf32> to vector<16xf32>
      %get3A_727 = arith.index_cast %scan3A_192 : i32 to index
      %get3A_728 = arith.constant 608 : index
      %get3A_729 = tpu.vector_load %arg5[%get3A_727, %get3A_728] {strides = array<i32>} : memref<16x1024xf32, #tpu.memory_space<vmem>>, vector<1x16xf32>,
      %get3A_730 = vector.shape_cast %get3A_729 : vector<1x16xf32> to vector<16xf32>
      %add3A_731 = arith.addf %get3A_726, %get3A_730 : vector<16xf32>
      %swap3A_732 = arith.index_cast %scan3A_192 : i32 to index
      %swap3A_733 = arith.constant 608 : index
      %swap3A_734 = tpu.vector_load %arg9[%swap3A_732, %swap3A_733] {strides = array<i32>} : memref<16x1024xf32, #tpu.memory_space<vmem>>, vector<1x16xf32>,
      %swap3A_735 = vector.shape_cast %swap3A_734 : vector<1x16xf32> to vector<16xf32>
      %swap3A_736 = vector.shape_cast %add3A_731 : vector<16xf32> to vector<1x16xf32>
      tpu.vector_store %arg9[%swap3A_732, %swap3A_733], %swap3A_736 {strides = array<i32>} : memref<16x1024xf32, #tpu.memory_space<vmem>>, vector<1x16xf32>,
      %get3A_737 = arith.index_cast %scan3A_192 : i32 to index
      %get3A_738 = arith.constant 624 : index
      %get3A_739 = tpu.vector_load %arg9[%get3A_737, %get3A_738] {strides = array<i32>} : memref<16x1024xf32, #tpu.memory_space<vmem>>, vector<1x16xf32>,
      %get3A_740 = vector.shape_cast %get3A_739 : vector<1x16xf32> to vector<16xf32>
      %get3A_741 = arith.index_cast %scan3A_192 : i32 to index
      %get3A_742 = arith.constant 624 : index
      %get3A_743 = tpu.vector_load %arg5[%get3A_741, %get3A_742] {strides = array<i32>} : memref<16x1024xf32, #tpu.memory_space<vmem>>, vector<1x16xf32>,
      %get3A_744 = vector.shape_cast %get3A_743 : vector<1x16xf32> to vector<16xf32>
      %add3A_745 = arith.addf %get3A_740, %get3A_744 : vector<16xf32>
      %swap3A_746 = arith.index_cast %scan3A_192 : i32 to index
      %swap3A_747 = arith.constant 624 : index
      %swap3A_748 = tpu.vector_load %arg9[%swap3A_746, %swap3A_747] {strides = array<i32>} : memref<16x1024xf32, #tpu.memory_space<vmem>>, vector<1x16xf32>,
      %swap3A_749 = vector.shape_cast %swap3A_748 : vector<1x16xf32> to vector<16xf32>
      %swap3A_750 = vector.shape_cast %add3A_745 : vector<16xf32> to vector<1x16xf32>
      tpu.vector_store %arg9[%swap3A_746, %swap3A_747], %swap3A_750 {strides = array<i32>} : memref<16x1024xf32, #tpu.memory_space<vmem>>, vector<1x16xf32>,
      %get3A_751 = arith.index_cast %scan3A_192 : i32 to index
      %get3A_752 = arith.constant 640 : index
      %get3A_753 = tpu.vector_load %arg9[%get3A_751, %get3A_752] {strides = array<i32>} : memref<16x1024xf32, #tpu.memory_space<vmem>>, vector<1x16xf32>,
      %get3A_754 = vector.shape_cast %get3A_753 : vector<1x16xf32> to vector<16xf32>
      %get3A_755 = arith.index_cast %scan3A_192 : i32 to index
      %get3A_756 = arith.constant 640 : index
      %get3A_757 = tpu.vector_load %arg5[%get3A_755, %get3A_756] {strides = array<i32>} : memref<16x1024xf32, #tpu.memory_space<vmem>>, vector<1x16xf32>,
      %get3A_758 = vector.shape_cast %get3A_757 : vector<1x16xf32> to vector<16xf32>
      %add3A_759 = arith.addf %get3A_754, %get3A_758 : vector<16xf32>
      %swap3A_760 = arith.index_cast %scan3A_192 : i32 to index
      %swap3A_761 = arith.constant 640 : index
      %swap3A_762 = tpu.vector_load %arg9[%swap3A_760, %swap3A_761] {strides = array<i32>} : memref<16x1024xf32, #tpu.memory_space<vmem>>, vector<1x16xf32>,
      %swap3A_763 = vector.shape_cast %swap3A_762 : vector<1x16xf32> to vector<16xf32>
      %swap3A_764 = vector.shape_cast %add3A_759 : vector<16xf32> to vector<1x16xf32>
      tpu.vector_store %arg9[%swap3A_760, %swap3A_761], %swap3A_764 {strides = array<i32>} : memref<16x1024xf32, #tpu.memory_space<vmem>>, vector<1x16xf32>,
      %get3A_765 = arith.index_cast %scan3A_192 : i32 to index
      %get3A_766 = arith.constant 656 : index
      %get3A_767 = tpu.vector_load %arg9[%get3A_765, %get3A_766] {strides = array<i32>} : memref<16x1024xf32, #tpu.memory_space<vmem>>, vector<1x16xf32>,
      %get3A_768 = vector.shape_cast %get3A_767 : vector<1x16xf32> to vector<16xf32>
      %get3A_769 = arith.index_cast %scan3A_192 : i32 to index
      %get3A_770 = arith.constant 656 : index
      %get3A_771 = tpu.vector_load %arg5[%get3A_769, %get3A_770] {strides = array<i32>} : memref<16x1024xf32, #tpu.memory_space<vmem>>, vector<1x16xf32>,
      %get3A_772 = vector.shape_cast %get3A_771 : vector<1x16xf32> to vector<16xf32>
      %add3A_773 = arith.addf %get3A_768, %get3A_772 : vector<16xf32>
      %swap3A_774 = arith.index_cast %scan3A_192 : i32 to index
      %swap3A_775 = arith.constant 656 : index
      %swap3A_776 = tpu.vector_load %arg9[%swap3A_774, %swap3A_775] {strides = array<i32>} : memref<16x1024xf32, #tpu.memory_space<vmem>>, vector<1x16xf32>,
      %swap3A_777 = vector.shape_cast %swap3A_776 : vector<1x16xf32> to vector<16xf32>
      %swap3A_778 = vector.shape_cast %add3A_773 : vector<16xf32> to vector<1x16xf32>
      tpu.vector_store %arg9[%swap3A_774, %swap3A_775], %swap3A_778 {strides = array<i32>} : memref<16x1024xf32, #tpu.memory_space<vmem>>, vector<1x16xf32>,
      %get3A_779 = arith.index_cast %scan3A_192 : i32 to index
      %get3A_780 = arith.constant 672 : index
      %get3A_781 = tpu.vector_load %arg9[%get3A_779, %get3A_780] {strides = array<i32>} : memref<16x1024xf32, #tpu.memory_space<vmem>>, vector<1x16xf32>,
      %get3A_782 = vector.shape_cast %get3A_781 : vector<1x16xf32> to vector<16xf32>
      %get3A_783 = arith.index_cast %scan3A_192 : i32 to index
      %get3A_784 = arith.constant 672 : index
      %get3A_785 = tpu.vector_load %arg5[%get3A_783, %get3A_784] {strides = array<i32>} : memref<16x1024xf32, #tpu.memory_space<vmem>>, vector<1x16xf32>,
      %get3A_786 = vector.shape_cast %get3A_785 : vector<1x16xf32> to vector<16xf32>
      %add3A_787 = arith.addf %get3A_782, %get3A_786 : vector<16xf32>
      %swap3A_788 = arith.index_cast %scan3A_192 : i32 to index
      %swap3A_789 = arith.constant 672 : index
      %swap3A_790 = tpu.vector_load %arg9[%swap3A_788, %swap3A_789] {strides = array<i32>} : memref<16x1024xf32, #tpu.memory_space<vmem>>, vector<1x16xf32>,
      %swap3A_791 = vector.shape_cast %swap3A_790 : vector<1x16xf32> to vector<16xf32>
      %swap3A_792 = vector.shape_cast %add3A_787 : vector<16xf32> to vector<1x16xf32>
      tpu.vector_store %arg9[%swap3A_788, %swap3A_789], %swap3A_792 {strides = array<i32>} : memref<16x1024xf32, #tpu.memory_space<vmem>>, vector<1x16xf32>,
      %get3A_793 = arith.index_cast %scan3A_192 : i32 to index
      %get3A_794 = arith.constant 688 : index
      %get3A_795 = tpu.vector_load %arg9[%get3A_793, %get3A_794] {strides = array<i32>} : memref<16x1024xf32, #tpu.memory_space<vmem>>, vector<1x16xf32>,
      %get3A_796 = vector.shape_cast %get3A_795 : vector<1x16xf32> to vector<16xf32>
      %get3A_797 = arith.index_cast %scan3A_192 : i32 to index
      %get3A_798 = arith.constant 688 : index
      %get3A_799 = tpu.vector_load %arg5[%get3A_797, %get3A_798] {strides = array<i32>} : memref<16x1024xf32, #tpu.memory_space<vmem>>, vector<1x16xf32>,
      %get3A_800 = vector.shape_cast %get3A_799 : vector<1x16xf32> to vector<16xf32>
      %add3A_801 = arith.addf %get3A_796, %get3A_800 : vector<16xf32>
      %swap3A_802 = arith.index_cast %scan3A_192 : i32 to index
      %swap3A_803 = arith.constant 688 : index
      %swap3A_804 = tpu.vector_load %arg9[%swap3A_802, %swap3A_803] {strides = array<i32>} : memref<16x1024xf32, #tpu.memory_space<vmem>>, vector<1x16xf32>,
      %swap3A_805 = vector.shape_cast %swap3A_804 : vector<1x16xf32> to vector<16xf32>
      %swap3A_806 = vector.shape_cast %add3A_801 : vector<16xf32> to vector<1x16xf32>
      tpu.vector_store %arg9[%swap3A_802, %swap3A_803], %swap3A_806 {strides = array<i32>} : memref<16x1024xf32, #tpu.memory_space<vmem>>, vector<1x16xf32>,
      %get3A_807 = arith.index_cast %scan3A_192 : i32 to index
      %get3A_808 = arith.constant 704 : index
      %get3A_809 = tpu.vector_load %arg9[%get3A_807, %get3A_808] {strides = array<i32>} : memref<16x1024xf32, #tpu.memory_space<vmem>>, vector<1x16xf32>,
      %get3A_810 = vector.shape_cast %get3A_809 : vector<1x16xf32> to vector<16xf32>
      %get3A_811 = arith.index_cast %scan3A_192 : i32 to index
      %get3A_812 = arith.constant 704 : index
      %get3A_813 = tpu.vector_load %arg5[%get3A_811, %get3A_812] {strides = array<i32>} : memref<16x1024xf32, #tpu.memory_space<vmem>>, vector<1x16xf32>,
      %get3A_814 = vector.shape_cast %get3A_813 : vector<1x16xf32> to vector<16xf32>
      %add3A_815 = arith.addf %get3A_810, %get3A_814 : vector<16xf32>
      %swap3A_816 = arith.index_cast %scan3A_192 : i32 to index
      %swap3A_817 = arith.constant 704 : index
      %swap3A_818 = tpu.vector_load %arg9[%swap3A_816, %swap3A_817] {strides = array<i32>} : memref<16x1024xf32, #tpu.memory_space<vmem>>, vector<1x16xf32>,
      %swap3A_819 = vector.shape_cast %swap3A_818 : vector<1x16xf32> to vector<16xf32>
      %swap3A_820 = vector.shape_cast %add3A_815 : vector<16xf32> to vector<1x16xf32>
      tpu.vector_store %arg9[%swap3A_816, %swap3A_817], %swap3A_820 {strides = array<i32>} : memref<16x1024xf32, #tpu.memory_space<vmem>>, vector<1x16xf32>,
      %get3A_821 = arith.index_cast %scan3A_192 : i32 to index
      %get3A_822 = arith.constant 720 : index
      %get3A_823 = tpu.vector_load %arg9[%get3A_821, %get3A_822] {strides = array<i32>} : memref<16x1024xf32, #tpu.memory_space<vmem>>, vector<1x16xf32>,
      %get3A_824 = vector.shape_cast %get3A_823 : vector<1x16xf32> to vector<16xf32>
      %get3A_825 = arith.index_cast %scan3A_192 : i32 to index
      %get3A_826 = arith.constant 720 : index
      %get3A_827 = tpu.vector_load %arg5[%get3A_825, %get3A_826] {strides = array<i32>} : memref<16x1024xf32, #tpu.memory_space<vmem>>, vector<1x16xf32>,
      %get3A_828 = vector.shape_cast %get3A_827 : vector<1x16xf32> to vector<16xf32>
      %add3A_829 = arith.addf %get3A_824, %get3A_828 : vector<16xf32>
      %swap3A_830 = arith.index_cast %scan3A_192 : i32 to index
      %swap3A_831 = arith.constant 720 : index
      %swap3A_832 = tpu.vector_load %arg9[%swap3A_830, %swap3A_831] {strides = array<i32>} : memref<16x1024xf32, #tpu.memory_space<vmem>>, vector<1x16xf32>,
      %swap3A_833 = vector.shape_cast %swap3A_832 : vector<1x16xf32> to vector<16xf32>
      %swap3A_834 = vector.shape_cast %add3A_829 : vector<16xf32> to vector<1x16xf32>
      tpu.vector_store %arg9[%swap3A_830, %swap3A_831], %swap3A_834 {strides = array<i32>} : memref<16x1024xf32, #tpu.memory_space<vmem>>, vector<1x16xf32>,
      %get3A_835 = arith.index_cast %scan3A_192 : i32 to index
      %get3A_836 = arith.constant 736 : index
      %get3A_837 = tpu.vector_load %arg9[%get3A_835, %get3A_836] {strides = array<i32>} : memref<16x1024xf32, #tpu.memory_space<vmem>>, vector<1x16xf32>,
      %get3A_838 = vector.shape_cast %get3A_837 : vector<1x16xf32> to vector<16xf32>
      %get3A_839 = arith.index_cast %scan3A_192 : i32 to index
      %get3A_840 = arith.constant 736 : index
      %get3A_841 = tpu.vector_load %arg5[%get3A_839, %get3A_840] {strides = array<i32>} : memref<16x1024xf32, #tpu.memory_space<vmem>>, vector<1x16xf32>,
      %get3A_842 = vector.shape_cast %get3A_841 : vector<1x16xf32> to vector<16xf32>
      %add3A_843 = arith.addf %get3A_838, %get3A_842 : vector<16xf32>
      %swap3A_844 = arith.index_cast %scan3A_192 : i32 to index
      %swap3A_845 = arith.constant 736 : index
      %swap3A_846 = tpu.vector_load %arg9[%swap3A_844, %swap3A_845] {strides = array<i32>} : memref<16x1024xf32, #tpu.memory_space<vmem>>, vector<1x16xf32>,
      %swap3A_847 = vector.shape_cast %swap3A_846 : vector<1x16xf32> to vector<16xf32>
      %swap3A_848 = vector.shape_cast %add3A_843 : vector<16xf32> to vector<1x16xf32>
      tpu.vector_store %arg9[%swap3A_844, %swap3A_845], %swap3A_848 {strides = array<i32>} : memref<16x1024xf32, #tpu.memory_space<vmem>>, vector<1x16xf32>,
      %get3A_849 = arith.index_cast %scan3A_192 : i32 to index
      %get3A_850 = arith.constant 752 : index
      %get3A_851 = tpu.vector_load %arg9[%get3A_849, %get3A_850] {strides = array<i32>} : memref<16x1024xf32, #tpu.memory_space<vmem>>, vector<1x16xf32>,
      %get3A_852 = vector.shape_cast %get3A_851 : vector<1x16xf32> to vector<16xf32>
      %get3A_853 = arith.index_cast %scan3A_192 : i32 to index
      %get3A_854 = arith.constant 752 : index
      %get3A_855 = tpu.vector_load %arg5[%get3A_853, %get3A_854] {strides = array<i32>} : memref<16x1024xf32, #tpu.memory_space<vmem>>, vector<1x16xf32>,
      %get3A_856 = vector.shape_cast %get3A_855 : vector<1x16xf32> to vector<16xf32>
      %add3A_857 = arith.addf %get3A_852, %get3A_856 : vector<16xf32>
      %swap3A_858 = arith.index_cast %scan3A_192 : i32 to index
      %swap3A_859 = arith.constant 752 : index
      %swap3A_860 = tpu.vector_load %arg9[%swap3A_858, %swap3A_859] {strides = array<i32>} : memref<16x1024xf32, #tpu.memory_space<vmem>>, vector<1x16xf32>,
      %swap3A_861 = vector.shape_cast %swap3A_860 : vector<1x16xf32> to vector<16xf32>
      %swap3A_862 = vector.shape_cast %add3A_857 : vector<16xf32> to vector<1x16xf32>
      tpu.vector_store %arg9[%swap3A_858, %swap3A_859], %swap3A_862 {strides = array<i32>} : memref<16x1024xf32, #tpu.memory_space<vmem>>, vector<1x16xf32>,
      %get3A_863 = arith.index_cast %scan3A_192 : i32 to index
      %get3A_864 = arith.constant 768 : index
      %get3A_865 = tpu.vector_load %arg9[%get3A_863, %get3A_864] {strides = array<i32>} : memref<16x1024xf32, #tpu.memory_space<vmem>>, vector<1x16xf32>,
      %get3A_866 = vector.shape_cast %get3A_865 : vector<1x16xf32> to vector<16xf32>
      %get3A_867 = arith.index_cast %scan3A_192 : i32 to index
      %get3A_868 = arith.constant 768 : index
      %get3A_869 = tpu.vector_load %arg5[%get3A_867, %get3A_868] {strides = array<i32>} : memref<16x1024xf32, #tpu.memory_space<vmem>>, vector<1x16xf32>,
      %get3A_870 = vector.shape_cast %get3A_869 : vector<1x16xf32> to vector<16xf32>
      %add3A_871 = arith.addf %get3A_866, %get3A_870 : vector<16xf32>
      %swap3A_872 = arith.index_cast %scan3A_192 : i32 to index
      %swap3A_873 = arith.constant 768 : index
      %swap3A_874 = tpu.vector_load %arg9[%swap3A_872, %swap3A_873] {strides = array<i32>} : memref<16x1024xf32, #tpu.memory_space<vmem>>, vector<1x16xf32>,
      %swap3A_875 = vector.shape_cast %swap3A_874 : vector<1x16xf32> to vector<16xf32>
      %swap3A_876 = vector.shape_cast %add3A_871 : vector<16xf32> to vector<1x16xf32>
      tpu.vector_store %arg9[%swap3A_872, %swap3A_873], %swap3A_876 {strides = array<i32>} : memref<16x1024xf32, #tpu.memory_space<vmem>>, vector<1x16xf32>,
      %get3A_877 = arith.index_cast %scan3A_192 : i32 to index
      %get3A_878 = arith.constant 784 : index
      %get3A_879 = tpu.vector_load %arg9[%get3A_877, %get3A_878] {strides = array<i32>} : memref<16x1024xf32, #tpu.memory_space<vmem>>, vector<1x16xf32>,
      %get3A_880 = vector.shape_cast %get3A_879 : vector<1x16xf32> to vector<16xf32>
      %get3A_881 = arith.index_cast %scan3A_192 : i32 to index
      %get3A_882 = arith.constant 784 : index
      %get3A_883 = tpu.vector_load %arg5[%get3A_881, %get3A_882] {strides = array<i32>} : memref<16x1024xf32, #tpu.memory_space<vmem>>, vector<1x16xf32>,
      %get3A_884 = vector.shape_cast %get3A_883 : vector<1x16xf32> to vector<16xf32>
      %add3A_885 = arith.addf %get3A_880, %get3A_884 : vector<16xf32>
      %swap3A_886 = arith.index_cast %scan3A_192 : i32 to index
      %swap3A_887 = arith.constant 784 : index
      %swap3A_888 = tpu.vector_load %arg9[%swap3A_886, %swap3A_887] {strides = array<i32>} : memref<16x1024xf32, #tpu.memory_space<vmem>>, vector<1x16xf32>,
      %swap3A_889 = vector.shape_cast %swap3A_888 : vector<1x16xf32> to vector<16xf32>
      %swap3A_890 = vector.shape_cast %add3A_885 : vector<16xf32> to vector<1x16xf32>
      tpu.vector_store %arg9[%swap3A_886, %swap3A_887], %swap3A_890 {strides = array<i32>} : memref<16x1024xf32, #tpu.memory_space<vmem>>, vector<1x16xf32>,
      %get3A_891 = arith.index_cast %scan3A_192 : i32 to index
      %get3A_892 = arith.constant 800 : index
      %get3A_893 = tpu.vector_load %arg9[%get3A_891, %get3A_892] {strides = array<i32>} : memref<16x1024xf32, #tpu.memory_space<vmem>>, vector<1x16xf32>,
      %get3A_894 = vector.shape_cast %get3A_893 : vector<1x16xf32> to vector<16xf32>
      %get3A_895 = arith.index_cast %scan3A_192 : i32 to index
      %get3A_896 = arith.constant 800 : index
      %get3A_897 = tpu.vector_load %arg5[%get3A_895, %get3A_896] {strides = array<i32>} : memref<16x1024xf32, #tpu.memory_space<vmem>>, vector<1x16xf32>,
      %get3A_898 = vector.shape_cast %get3A_897 : vector<1x16xf32> to vector<16xf32>
      %add3A_899 = arith.addf %get3A_894, %get3A_898 : vector<16xf32>
      %swap3A_900 = arith.index_cast %scan3A_192 : i32 to index
      %swap3A_901 = arith.constant 800 : index
      %swap3A_902 = tpu.vector_load %arg9[%swap3A_900, %swap3A_901] {strides = array<i32>} : memref<16x1024xf32, #tpu.memory_space<vmem>>, vector<1x16xf32>,
      %swap3A_903 = vector.shape_cast %swap3A_902 : vector<1x16xf32> to vector<16xf32>
      %swap3A_904 = vector.shape_cast %add3A_899 : vector<16xf32> to vector<1x16xf32>
      tpu.vector_store %arg9[%swap3A_900, %swap3A_901], %swap3A_904 {strides = array<i32>} : memref<16x1024xf32, #tpu.memory_space<vmem>>, vector<1x16xf32>,
      %get3A_905 = arith.index_cast %scan3A_192 : i32 to index
      %get3A_906 = arith.constant 816 : index
      %get3A_907 = tpu.vector_load %arg9[%get3A_905, %get3A_906] {strides = array<i32>} : memref<16x1024xf32, #tpu.memory_space<vmem>>, vector<1x16xf32>,
      %get3A_908 = vector.shape_cast %get3A_907 : vector<1x16xf32> to vector<16xf32>
      %get3A_909 = arith.index_cast %scan3A_192 : i32 to index
      %get3A_910 = arith.constant 816 : index
      %get3A_911 = tpu.vector_load %arg5[%get3A_909, %get3A_910] {strides = array<i32>} : memref<16x1024xf32, #tpu.memory_space<vmem>>, vector<1x16xf32>,
      %get3A_912 = vector.shape_cast %get3A_911 : vector<1x16xf32> to vector<16xf32>
      %add3A_913 = arith.addf %get3A_908, %get3A_912 : vector<16xf32>
      %swap3A_914 = arith.index_cast %scan3A_192 : i32 to index
      %swap3A_915 = arith.constant 816 : index
      %swap3A_916 = tpu.vector_load %arg9[%swap3A_914, %swap3A_915] {strides = array<i32>} : memref<16x1024xf32, #tpu.memory_space<vmem>>, vector<1x16xf32>,
      %swap3A_917 = vector.shape_cast %swap3A_916 : vector<1x16xf32> to vector<16xf32>
      %swap3A_918 = vector.shape_cast %add3A_913 : vector<16xf32> to vector<1x16xf32>
      tpu.vector_store %arg9[%swap3A_914, %swap3A_915], %swap3A_918 {strides = array<i32>} : memref<16x1024xf32, #tpu.memory_space<vmem>>, vector<1x16xf32>,
      %get3A_919 = arith.index_cast %scan3A_192 : i32 to index
      %get3A_920 = arith.constant 832 : index
      %get3A_921 = tpu.vector_load %arg9[%get3A_919, %get3A_920] {strides = array<i32>} : memref<16x1024xf32, #tpu.memory_space<vmem>>, vector<1x16xf32>,
      %get3A_922 = vector.shape_cast %get3A_921 : vector<1x16xf32> to vector<16xf32>
      %get3A_923 = arith.index_cast %scan3A_192 : i32 to index
      %get3A_924 = arith.constant 832 : index
      %get3A_925 = tpu.vector_load %arg5[%get3A_923, %get3A_924] {strides = array<i32>} : memref<16x1024xf32, #tpu.memory_space<vmem>>, vector<1x16xf32>,
      %get3A_926 = vector.shape_cast %get3A_925 : vector<1x16xf32> to vector<16xf32>
      %add3A_927 = arith.addf %get3A_922, %get3A_926 : vector<16xf32>
      %swap3A_928 = arith.index_cast %scan3A_192 : i32 to index
      %swap3A_929 = arith.constant 832 : index
      %swap3A_930 = tpu.vector_load %arg9[%swap3A_928, %swap3A_929] {strides = array<i32>} : memref<16x1024xf32, #tpu.memory_space<vmem>>, vector<1x16xf32>,
      %swap3A_931 = vector.shape_cast %swap3A_930 : vector<1x16xf32> to vector<16xf32>
      %swap3A_932 = vector.shape_cast %add3A_927 : vector<16xf32> to vector<1x16xf32>
      tpu.vector_store %arg9[%swap3A_928, %swap3A_929], %swap3A_932 {strides = array<i32>} : memref<16x1024xf32, #tpu.memory_space<vmem>>, vector<1x16xf32>,
      %get3A_933 = arith.index_cast %scan3A_192 : i32 to index
      %get3A_934 = arith.constant 848 : index
      %get3A_935 = tpu.vector_load %arg9[%get3A_933, %get3A_934] {strides = array<i32>} : memref<16x1024xf32, #tpu.memory_space<vmem>>, vector<1x16xf32>,
      %get3A_936 = vector.shape_cast %get3A_935 : vector<1x16xf32> to vector<16xf32>
      %get3A_937 = arith.index_cast %scan3A_192 : i32 to index
      %get3A_938 = arith.constant 848 : index
      %get3A_939 = tpu.vector_load %arg5[%get3A_937, %get3A_938] {strides = array<i32>} : memref<16x1024xf32, #tpu.memory_space<vmem>>, vector<1x16xf32>,
      %get3A_940 = vector.shape_cast %get3A_939 : vector<1x16xf32> to vector<16xf32>
      %add3A_941 = arith.addf %get3A_936, %get3A_940 : vector<16xf32>
      %swap3A_942 = arith.index_cast %scan3A_192 : i32 to index
      %swap3A_943 = arith.constant 848 : index
      %swap3A_944 = tpu.vector_load %arg9[%swap3A_942, %swap3A_943] {strides = array<i32>} : memref<16x1024xf32, #tpu.memory_space<vmem>>, vector<1x16xf32>,
      %swap3A_945 = vector.shape_cast %swap3A_944 : vector<1x16xf32> to vector<16xf32>
      %swap3A_946 = vector.shape_cast %add3A_941 : vector<16xf32> to vector<1x16xf32>
      tpu.vector_store %arg9[%swap3A_942, %swap3A_943], %swap3A_946 {strides = array<i32>} : memref<16x1024xf32, #tpu.memory_space<vmem>>, vector<1x16xf32>,
      %get3A_947 = arith.index_cast %scan3A_192 : i32 to index
      %get3A_948 = arith.constant 864 : index
      %get3A_949 = tpu.vector_load %arg9[%get3A_947, %get3A_948] {strides = array<i32>} : memref<16x1024xf32, #tpu.memory_space<vmem>>, vector<1x16xf32>,
      %get3A_950 = vector.shape_cast %get3A_949 : vector<1x16xf32> to vector<16xf32>
      %get3A_951 = arith.index_cast %scan3A_192 : i32 to index
      %get3A_952 = arith.constant 864 : index
      %get3A_953 = tpu.vector_load %arg5[%get3A_951, %get3A_952] {strides = array<i32>} : memref<16x1024xf32, #tpu.memory_space<vmem>>, vector<1x16xf32>,
      %get3A_954 = vector.shape_cast %get3A_953 : vector<1x16xf32> to vector<16xf32>
      %add3A_955 = arith.addf %get3A_950, %get3A_954 : vector<16xf32>
      %swap3A_956 = arith.index_cast %scan3A_192 : i32 to index
      %swap3A_957 = arith.constant 864 : index
      %swap3A_958 = tpu.vector_load %arg9[%swap3A_956, %swap3A_957] {strides = array<i32>} : memref<16x1024xf32, #tpu.memory_space<vmem>>, vector<1x16xf32>,
      %swap3A_959 = vector.shape_cast %swap3A_958 : vector<1x16xf32> to vector<16xf32>
      %swap3A_960 = vector.shape_cast %add3A_955 : vector<16xf32> to vector<1x16xf32>
      tpu.vector_store %arg9[%swap3A_956, %swap3A_957], %swap3A_960 {strides = array<i32>} : memref<16x1024xf32, #tpu.memory_space<vmem>>, vector<1x16xf32>,
      %get3A_961 = arith.index_cast %scan3A_192 : i32 to index
      %get3A_962 = arith.constant 880 : index
      %get3A_963 = tpu.vector_load %arg9[%get3A_961, %get3A_962] {strides = array<i32>} : memref<16x1024xf32, #tpu.memory_space<vmem>>, vector<1x16xf32>,
      %get3A_964 = vector.shape_cast %get3A_963 : vector<1x16xf32> to vector<16xf32>
      %get3A_965 = arith.index_cast %scan3A_192 : i32 to index
      %get3A_966 = arith.constant 880 : index
      %get3A_967 = tpu.vector_load %arg5[%get3A_965, %get3A_966] {strides = array<i32>} : memref<16x1024xf32, #tpu.memory_space<vmem>>, vector<1x16xf32>,
      %get3A_968 = vector.shape_cast %get3A_967 : vector<1x16xf32> to vector<16xf32>
      %add3A_969 = arith.addf %get3A_964, %get3A_968 : vector<16xf32>
      %swap3A_970 = arith.index_cast %scan3A_192 : i32 to index
      %swap3A_971 = arith.constant 880 : index
      %swap3A_972 = tpu.vector_load %arg9[%swap3A_970, %swap3A_971] {strides = array<i32>} : memref<16x1024xf32, #tpu.memory_space<vmem>>, vector<1x16xf32>,
      %swap3A_973 = vector.shape_cast %swap3A_972 : vector<1x16xf32> to vector<16xf32>
      %swap3A_974 = vector.shape_cast %add3A_969 : vector<16xf32> to vector<1x16xf32>
      tpu.vector_store %arg9[%swap3A_970, %swap3A_971], %swap3A_974 {strides = array<i32>} : memref<16x1024xf32, #tpu.memory_space<vmem>>, vector<1x16xf32>,
      %get3A_975 = arith.index_cast %scan3A_192 : i32 to index
      %get3A_976 = arith.constant 896 : index
      %get3A_977 = tpu.vector_load %arg9[%get3A_975, %get3A_976] {strides = array<i32>} : memref<16x1024xf32, #tpu.memory_space<vmem>>, vector<1x16xf32>,
      %get3A_978 = vector.shape_cast %get3A_977 : vector<1x16xf32> to vector<16xf32>
      %get3A_979 = arith.index_cast %scan3A_192 : i32 to index
      %get3A_980 = arith.constant 896 : index
      %get3A_981 = tpu.vector_load %arg5[%get3A_979, %get3A_980] {strides = array<i32>} : memref<16x1024xf32, #tpu.memory_space<vmem>>, vector<1x16xf32>,
      %get3A_982 = vector.shape_cast %get3A_981 : vector<1x16xf32> to vector<16xf32>
      %add3A_983 = arith.addf %get3A_978, %get3A_982 : vector<16xf32>
      %swap3A_984 = arith.index_cast %scan3A_192 : i32 to index
      %swap3A_985 = arith.constant 896 : index
      %swap3A_986 = tpu.vector_load %arg9[%swap3A_984, %swap3A_985] {strides = array<i32>} : memref<16x1024xf32, #tpu.memory_space<vmem>>, vector<1x16xf32>,
      %swap3A_987 = vector.shape_cast %swap3A_986 : vector<1x16xf32> to vector<16xf32>
      %swap3A_988 = vector.shape_cast %add3A_983 : vector<16xf32> to vector<1x16xf32>
      tpu.vector_store %arg9[%swap3A_984, %swap3A_985], %swap3A_988 {strides = array<i32>} : memref<16x1024xf32, #tpu.memory_space<vmem>>, vector<1x16xf32>,
      %get3A_989 = arith.index_cast %scan3A_192 : i32 to index
      %get3A_990 = arith.constant 912 : index
      %get3A_991 = tpu.vector_load %arg9[%get3A_989, %get3A_990] {strides = array<i32>} : memref<16x1024xf32, #tpu.memory_space<vmem>>, vector<1x16xf32>,
      %get3A_992 = vector.shape_cast %get3A_991 : vector<1x16xf32> to vector<16xf32>
      %get3A_993 = arith.index_cast %scan3A_192 : i32 to index
      %get3A_994 = arith.constant 912 : index
      %get3A_995 = tpu.vector_load %arg5[%get3A_993, %get3A_994] {strides = array<i32>} : memref<16x1024xf32, #tpu.memory_space<vmem>>, vector<1x16xf32>,
      %get3A_996 = vector.shape_cast %get3A_995 : vector<1x16xf32> to vector<16xf32>
      %add3A_997 = arith.addf %get3A_992, %get3A_996 : vector<16xf32>
      %swap3A_998 = arith.index_cast %scan3A_192 : i32 to index
      %swap3A_999 = arith.constant 912 : index
      %swap3A_1000 = tpu.vector_load %arg9[%swap3A_998, %swap3A_999] {strides = array<i32>} : memref<16x1024xf32, #tpu.memory_space<vmem>>, vector<1x16xf32>,
      %swap3A_1001 = vector.shape_cast %swap3A_1000 : vector<1x16xf32> to vector<16xf32>
      %swap3A_1002 = vector.shape_cast %add3A_997 : vector<16xf32> to vector<1x16xf32>
      tpu.vector_store %arg9[%swap3A_998, %swap3A_999], %swap3A_1002 {strides = array<i32>} : memref<16x1024xf32, #tpu.memory_space<vmem>>, vector<1x16xf32>,
      %get3A_1003 = arith.index_cast %scan3A_192 : i32 to index
      %get3A_1004 = arith.constant 928 : index
      %get3A_1005 = tpu.vector_load %arg9[%get3A_1003, %get3A_1004] {strides = array<i32>} : memref<16x1024xf32, #tpu.memory_space<vmem>>, vector<1x16xf32>,
      %get3A_1006 = vector.shape_cast %get3A_1005 : vector<1x16xf32> to vector<16xf32>
      %get3A_1007 = arith.index_cast %scan3A_192 : i32 to index
      %get3A_1008 = arith.constant 928 : index
      %get3A_1009 = tpu.vector_load %arg5[%get3A_1007, %get3A_1008] {strides = array<i32>} : memref<16x1024xf32, #tpu.memory_space<vmem>>, vector<1x16xf32>,
      %get3A_1010 = vector.shape_cast %get3A_1009 : vector<1x16xf32> to vector<16xf32>
      %add3A_1011 = arith.addf %get3A_1006, %get3A_1010 : vector<16xf32>
      %swap3A_1012 = arith.index_cast %scan3A_192 : i32 to index
      %swap3A_1013 = arith.constant 928 : index
      %swap3A_1014 = tpu.vector_load %arg9[%swap3A_1012, %swap3A_1013] {strides = array<i32>} : memref<16x1024xf32, #tpu.memory_space<vmem>>, vector<1x16xf32>,
      %swap3A_1015 = vector.shape_cast %swap3A_1014 : vector<1x16xf32> to vector<16xf32>
      %swap3A_1016 = vector.shape_cast %add3A_1011 : vector<16xf32> to vector<1x16xf32>
      tpu.vector_store %arg9[%swap3A_1012, %swap3A_1013], %swap3A_1016 {strides = array<i32>} : memref<16x1024xf32, #tpu.memory_space<vmem>>, vector<1x16xf32>,
      %get3A_1017 = arith.index_cast %scan3A_192 : i32 to index
      %get3A_1018 = arith.constant 944 : index
      %get3A_1019 = tpu.vector_load %arg9[%get3A_1017, %get3A_1018] {strides = array<i32>} : memref<16x1024xf32, #tpu.memory_space<vmem>>, vector<1x16xf32>,
      %get3A_1020 = vector.shape_cast %get3A_1019 : vector<1x16xf32> to vector<16xf32>
      %get3A_1021 = arith.index_cast %scan3A_192 : i32 to index
      %get3A_1022 = arith.constant 944 : index
      %get3A_1023 = tpu.vector_load %arg5[%get3A_1021, %get3A_1022] {strides = array<i32>} : memref<16x1024xf32, #tpu.memory_space<vmem>>, vector<1x16xf32>,
      %get3A_1024 = vector.shape_cast %get3A_1023 : vector<1x16xf32> to vector<16xf32>
      %add3A_1025 = arith.addf %get3A_1020, %get3A_1024 : vector<16xf32>
      %swap3A_1026 = arith.index_cast %scan3A_192 : i32 to index
      %swap3A_1027 = arith.constant 944 : index
      %swap3A_1028 = tpu.vector_load %arg9[%swap3A_1026, %swap3A_1027] {strides = array<i32>} : memref<16x1024xf32, #tpu.memory_space<vmem>>, vector<1x16xf32>,
      %swap3A_1029 = vector.shape_cast %swap3A_1028 : vector<1x16xf32> to vector<16xf32>
      %swap3A_1030 = vector.shape_cast %add3A_1025 : vector<16xf32> to vector<1x16xf32>
      tpu.vector_store %arg9[%swap3A_1026, %swap3A_1027], %swap3A_1030 {strides = array<i32>} : memref<16x1024xf32, #tpu.memory_space<vmem>>, vector<1x16xf32>,
      %get3A_1031 = arith.index_cast %scan3A_192 : i32 to index
      %get3A_1032 = arith.constant 960 : index
      %get3A_1033 = tpu.vector_load %arg9[%get3A_1031, %get3A_1032] {strides = array<i32>} : memref<16x1024xf32, #tpu.memory_space<vmem>>, vector<1x16xf32>,
      %get3A_1034 = vector.shape_cast %get3A_1033 : vector<1x16xf32> to vector<16xf32>
      %get3A_1035 = arith.index_cast %scan3A_192 : i32 to index
      %get3A_1036 = arith.constant 960 : index
      %get3A_1037 = tpu.vector_load %arg5[%get3A_1035, %get3A_1036] {strides = array<i32>} : memref<16x1024xf32, #tpu.memory_space<vmem>>, vector<1x16xf32>,
      %get3A_1038 = vector.shape_cast %get3A_1037 : vector<1x16xf32> to vector<16xf32>
      %add3A_1039 = arith.addf %get3A_1034, %get3A_1038 : vector<16xf32>
      %swap3A_1040 = arith.index_cast %scan3A_192 : i32 to index
      %swap3A_1041 = arith.constant 960 : index
      %swap3A_1042 = tpu.vector_load %arg9[%swap3A_1040, %swap3A_1041] {strides = array<i32>} : memref<16x1024xf32, #tpu.memory_space<vmem>>, vector<1x16xf32>,
      %swap3A_1043 = vector.shape_cast %swap3A_1042 : vector<1x16xf32> to vector<16xf32>
      %swap3A_1044 = vector.shape_cast %add3A_1039 : vector<16xf32> to vector<1x16xf32>
      tpu.vector_store %arg9[%swap3A_1040, %swap3A_1041], %swap3A_1044 {strides = array<i32>} : memref<16x1024xf32, #tpu.memory_space<vmem>>, vector<1x16xf32>,
      %get3A_1045 = arith.index_cast %scan3A_192 : i32 to index
      %get3A_1046 = arith.constant 976 : index
      %get3A_1047 = tpu.vector_load %arg9[%get3A_1045, %get3A_1046] {strides = array<i32>} : memref<16x1024xf32, #tpu.memory_space<vmem>>, vector<1x16xf32>,
      %get3A_1048 = vector.shape_cast %get3A_1047 : vector<1x16xf32> to vector<16xf32>
      %get3A_1049 = arith.index_cast %scan3A_192 : i32 to index
      %get3A_1050 = arith.constant 976 : index
      %get3A_1051 = tpu.vector_load %arg5[%get3A_1049, %get3A_1050] {strides = array<i32>} : memref<16x1024xf32, #tpu.memory_space<vmem>>, vector<1x16xf32>,
      %get3A_1052 = vector.shape_cast %get3A_1051 : vector<1x16xf32> to vector<16xf32>
      %add3A_1053 = arith.addf %get3A_1048, %get3A_1052 : vector<16xf32>
      %swap3A_1054 = arith.index_cast %scan3A_192 : i32 to index
      %swap3A_1055 = arith.constant 976 : index
      %swap3A_1056 = tpu.vector_load %arg9[%swap3A_1054, %swap3A_1055] {strides = array<i32>} : memref<16x1024xf32, #tpu.memory_space<vmem>>, vector<1x16xf32>,
      %swap3A_1057 = vector.shape_cast %swap3A_1056 : vector<1x16xf32> to vector<16xf32>
      %swap3A_1058 = vector.shape_cast %add3A_1053 : vector<16xf32> to vector<1x16xf32>
      tpu.vector_store %arg9[%swap3A_1054, %swap3A_1055], %swap3A_1058 {strides = array<i32>} : memref<16x1024xf32, #tpu.memory_space<vmem>>, vector<1x16xf32>,
      %get3A_1059 = arith.index_cast %scan3A_192 : i32 to index
      %get3A_1060 = arith.constant 992 : index
      %get3A_1061 = tpu.vector_load %arg9[%get3A_1059, %get3A_1060] {strides = array<i32>} : memref<16x1024xf32, #tpu.memory_space<vmem>>, vector<1x16xf32>,
      %get3A_1062 = vector.shape_cast %get3A_1061 : vector<1x16xf32> to vector<16xf32>
      %get3A_1063 = arith.index_cast %scan3A_192 : i32 to index
      %get3A_1064 = arith.constant 992 : index
      %get3A_1065 = tpu.vector_load %arg5[%get3A_1063, %get3A_1064] {strides = array<i32>} : memref<16x1024xf32, #tpu.memory_space<vmem>>, vector<1x16xf32>,
      %get3A_1066 = vector.shape_cast %get3A_1065 : vector<1x16xf32> to vector<16xf32>
      %add3A_1067 = arith.addf %get3A_1062, %get3A_1066 : vector<16xf32>
      %swap3A_1068 = arith.index_cast %scan3A_192 : i32 to index
      %swap3A_1069 = arith.constant 992 : index
      %swap3A_1070 = tpu.vector_load %arg9[%swap3A_1068, %swap3A_1069] {strides = array<i32>} : memref<16x1024xf32, #tpu.memory_space<vmem>>, vector<1x16xf32>,
      %swap3A_1071 = vector.shape_cast %swap3A_1070 : vector<1x16xf32> to vector<16xf32>
      %swap3A_1072 = vector.shape_cast %add3A_1067 : vector<16xf32> to vector<1x16xf32>
      tpu.vector_store %arg9[%swap3A_1068, %swap3A_1069], %swap3A_1072 {strides = array<i32>} : memref<16x1024xf32, #tpu.memory_space<vmem>>, vector<1x16xf32>,
      %get3A_1073 = arith.index_cast %scan3A_192 : i32 to index
      %get3A_1074 = arith.constant 1008 : index
      %get3A_1075 = tpu.vector_load %arg9[%get3A_1073, %get3A_1074] {strides = array<i32>} : memref<16x1024xf32, #tpu.memory_space<vmem>>, vector<1x16xf32>,
      %get3A_1076 = vector.shape_cast %get3A_1075 : vector<1x16xf32> to vector<16xf32>
      %get3A_1077 = arith.index_cast %scan3A_192 : i32 to index
      %get3A_1078 = arith.constant 1008 : index
      %get3A_1079 = tpu.vector_load %arg5[%get3A_1077, %get3A_1078] {strides = array<i32>} : memref<16x1024xf32, #tpu.memory_space<vmem>>, vector<1x16xf32>,
      %get3A_1080 = vector.shape_cast %get3A_1079 : vector<1x16xf32> to vector<16xf32>
      %add3A_1081 = arith.addf %get3A_1076, %get3A_1080 : vector<16xf32>
      %swap3A_1082 = arith.index_cast %scan3A_192 : i32 to index
      %swap3A_1083 = arith.constant 1008 : index
      %swap3A_1084 = tpu.vector_load %arg9[%swap3A_1082, %swap3A_1083] {strides = array<i32>} : memref<16x1024xf32, #tpu.memory_space<vmem>>, vector<1x16xf32>,
      %swap3A_1085 = vector.shape_cast %swap3A_1084 : vector<1x16xf32> to vector<16xf32>
      %swap3A_1086 = vector.shape_cast %add3A_1081 : vector<16xf32> to vector<1x16xf32>
      tpu.vector_store %arg9[%swap3A_1082, %swap3A_1083], %swap3A_1086 {strides = array<i32>} : memref<16x1024xf32, #tpu.memory_space<vmem>>, vector<1x16xf32>,
    }
    %scan3A_128 = arith.constant 16 : i32
    %add3A_129 = arith.constant 32 : i32
    %add3A_130 = arith.addi %mul3A_2, %add3A_129 : i32
    %dma_start3A_131 = arith.constant 0 : i32
    %dma_start3A_132 = arith.constant 0 : i32
    %dma_start3A_133 = tpu.memref_slice %arg4[%dma_start3A_131, %add3A_130, %dma_start3A_132] : memref<1x2048x1024xf32, #tpu.memory_space<hbm>> -> memref<1x16x1024xf32, #tpu.memory_space<hbm>>
    %dma_start3A_134 = tpu.memref_squeeze %dma_start3A_133 : memref<1x16x1024xf32, #tpu.memory_space<hbm>> -> memref<16x1024xf32, #tpu.memory_space<hbm>>
    %dma_start3A_135 = arith.constant 0 : i32
    %dma_start3A_136 = tpu.memref_slice %arg4[%dma_start3A_131, %add3A_130, %dma_start3A_135] : memref<1x2048x1024xf32, #tpu.memory_space<hbm>> -> memref<1x16x1024xf32, #tpu.memory_space<hbm>>
    %dma_start3A_137 = tpu.memref_squeeze %dma_start3A_136 : memref<1x16x1024xf32, #tpu.memory_space<hbm>> -> memref<16x1024xf32, #tpu.memory_space<hbm>>
    tpu.enqueue_dma source(%arg9 : memref<16x1024xf32, #tpu.memory_space<vmem>>) target(%dma_start3A_137 : memref<16x1024xf32, #tpu.memory_space<hbm>>) target_semaphore(%arg19 : memref<!tpu.dma_semaphore, #tpu.memory_space<semaphore_mem>>)
    %dma_wait3A_138 = arith.constant 0 : i32
    %dma_wait3A_139 = arith.constant 0 : i32
    %dma_wait3A_140 = tpu.memref_slice %arg2[%dma_wait3A_138, %add3A_72, %dma_wait3A_139] : memref<4x2048x1024xf32, #tpu.memory_space<hbm>> -> memref<1x16x1024xf32, #tpu.memory_space<hbm>>
    %dma_wait3A_141 = tpu.memref_squeeze %dma_wait3A_140 : memref<1x16x1024xf32, #tpu.memory_space<hbm>> -> memref<16x1024xf32, #tpu.memory_space<hbm>>
    %dma_wait3A_142 = arith.constant 0 : i32
    %dma_wait3A_143 = tpu.memref_slice %arg2[%dma_wait3A_138, %add3A_72, %dma_wait3A_142] : memref<4x2048x1024xf32, #tpu.memory_space<hbm>> -> memref<1x16x1024xf32, #tpu.memory_space<hbm>>
    %dma_wait3A_144 = tpu.memref_squeeze %dma_wait3A_143 : memref<1x16x1024xf32, #tpu.memory_space<hbm>> -> memref<16x1024xf32, #tpu.memory_space<hbm>>
    tpu.wait_dma2 semaphore(%arg16 : memref<!tpu.dma_semaphore, #tpu.memory_space<semaphore_mem>>) src(%dma_wait3A_144 : memref<16x1024xf32, #tpu.memory_space<hbm>>) dst(%arg10 : memref<16x1024xf32, #tpu.memory_space<vmem>>)
    %dma_wait3A_145 = arith.constant 0 : i32
    %dma_wait3A_146 = tpu.memref_slice %arg3[%add3A_107, %dma_wait3A_145] : memref<2048x1024xf32, #tpu.memory_space<hbm>> -> memref<16x1024xf32, #tpu.memory_space<hbm>>
    %dma_wait3A_147 = arith.constant 0 : i32
    %dma_wait3A_148 = tpu.memref_slice %arg3[%add3A_107, %dma_wait3A_147] : memref<2048x1024xf32, #tpu.memory_space<hbm>> -> memref<16x1024xf32, #tpu.memory_space<hbm>>
    tpu.wait_dma2 semaphore(%arg12 : memref<!tpu.dma_semaphore, #tpu.memory_space<semaphore_mem>>) src(%dma_wait3A_148 : memref<16x1024xf32, #tpu.memory_space<hbm>>) dst(%arg6 : memref<16x1024xf32, #tpu.memory_space<vmem>>)
    %scan3A_149 = arith.constant 0 : i32
    %scan3A_150 = arith.constant 0 : i32
    %scan3A_151 = arith.constant 16 : i32
    %scan3A_152 = arith.addi %scan3A_150, %scan3A_151 : i32
    %scan3A_153 = arith.constant 1 : i32
    scf.for %scan3A_192 = %scan3A_150 to %scan3A_152 step %scan3A_153  : i32 {
      %get3A = arith.index_cast %scan3A_192 : i32 to index
      %get3A_193 = arith.constant 0 : index
      %get3A_194 = tpu.vector_load %arg10[%get3A, %get3A_193] {strides = array<i32>} : memref<16x1024xf32, #tpu.memory_space<vmem>>, vector<1x16xf32>,
      %get3A_195 = vector.shape_cast %get3A_194 : vector<1x16xf32> to vector<16xf32>
      %get3A_196 = arith.index_cast %scan3A_192 : i32 to index
      %get3A_197 = arith.constant 0 : index
      %get3A_198 = tpu.vector_load %arg6[%get3A_196, %get3A_197] {strides = array<i32>} : memref<16x1024xf32, #tpu.memory_space<vmem>>, vector<1x16xf32>,
      %get3A_199 = vector.shape_cast %get3A_198 : vector<1x16xf32> to vector<16xf32>
      %add3A_200 = arith.addf %get3A_195, %get3A_199 : vector<16xf32>
      %swap3A = arith.index_cast %scan3A_192 : i32 to index
      %swap3A_201 = arith.constant 0 : index
      %swap3A_202 = tpu.vector_load %arg10[%swap3A, %swap3A_201] {strides = array<i32>} : memref<16x1024xf32, #tpu.memory_space<vmem>>, vector<1x16xf32>,
      %swap3A_203 = vector.shape_cast %swap3A_202 : vector<1x16xf32> to vector<16xf32>
      %swap3A_204 = vector.shape_cast %add3A_200 : vector<16xf32> to vector<1x16xf32>
      tpu.vector_store %arg10[%swap3A, %swap3A_201], %swap3A_204 {strides = array<i32>} : memref<16x1024xf32, #tpu.memory_space<vmem>>, vector<1x16xf32>,
      %get3A_205 = arith.index_cast %scan3A_192 : i32 to index
      %get3A_206 = arith.constant 16 : index
      %get3A_207 = tpu.vector_load %arg10[%get3A_205, %get3A_206] {strides = array<i32>} : memref<16x1024xf32, #tpu.memory_space<vmem>>, vector<1x16xf32>,
      %get3A_208 = vector.shape_cast %get3A_207 : vector<1x16xf32> to vector<16xf32>
      %get3A_209 = arith.index_cast %scan3A_192 : i32 to index
      %get3A_210 = arith.constant 16 : index
      %get3A_211 = tpu.vector_load %arg6[%get3A_209, %get3A_210] {strides = array<i32>} : memref<16x1024xf32, #tpu.memory_space<vmem>>, vector<1x16xf32>,
      %get3A_212 = vector.shape_cast %get3A_211 : vector<1x16xf32> to vector<16xf32>
      %add3A_213 = arith.addf %get3A_208, %get3A_212 : vector<16xf32>
      %swap3A_214 = arith.index_cast %scan3A_192 : i32 to index
      %swap3A_215 = arith.constant 16 : index
      %swap3A_216 = tpu.vector_load %arg10[%swap3A_214, %swap3A_215] {strides = array<i32>} : memref<16x1024xf32, #tpu.memory_space<vmem>>, vector<1x16xf32>,
      %swap3A_217 = vector.shape_cast %swap3A_216 : vector<1x16xf32> to vector<16xf32>
      %swap3A_218 = vector.shape_cast %add3A_213 : vector<16xf32> to vector<1x16xf32>
      tpu.vector_store %arg10[%swap3A_214, %swap3A_215], %swap3A_218 {strides = array<i32>} : memref<16x1024xf32, #tpu.memory_space<vmem>>, vector<1x16xf32>,
      %get3A_219 = arith.index_cast %scan3A_192 : i32 to index
      %get3A_220 = arith.constant 32 : index
      %get3A_221 = tpu.vector_load %arg10[%get3A_219, %get3A_220] {strides = array<i32>} : memref<16x1024xf32, #tpu.memory_space<vmem>>, vector<1x16xf32>,
      %get3A_222 = vector.shape_cast %get3A_221 : vector<1x16xf32> to vector<16xf32>
      %get3A_223 = arith.index_cast %scan3A_192 : i32 to index
      %get3A_224 = arith.constant 32 : index
      %get3A_225 = tpu.vector_load %arg6[%get3A_223, %get3A_224] {strides = array<i32>} : memref<16x1024xf32, #tpu.memory_space<vmem>>, vector<1x16xf32>,
      %get3A_226 = vector.shape_cast %get3A_225 : vector<1x16xf32> to vector<16xf32>
      %add3A_227 = arith.addf %get3A_222, %get3A_226 : vector<16xf32>
      %swap3A_228 = arith.index_cast %scan3A_192 : i32 to index
      %swap3A_229 = arith.constant 32 : index
      %swap3A_230 = tpu.vector_load %arg10[%swap3A_228, %swap3A_229] {strides = array<i32>} : memref<16x1024xf32, #tpu.memory_space<vmem>>, vector<1x16xf32>,
      %swap3A_231 = vector.shape_cast %swap3A_230 : vector<1x16xf32> to vector<16xf32>
      %swap3A_232 = vector.shape_cast %add3A_227 : vector<16xf32> to vector<1x16xf32>
      tpu.vector_store %arg10[%swap3A_228, %swap3A_229], %swap3A_232 {strides = array<i32>} : memref<16x1024xf32, #tpu.memory_space<vmem>>, vector<1x16xf32>,
      %get3A_233 = arith.index_cast %scan3A_192 : i32 to index
      %get3A_234 = arith.constant 48 : index
      %get3A_235 = tpu.vector_load %arg10[%get3A_233, %get3A_234] {strides = array<i32>} : memref<16x1024xf32, #tpu.memory_space<vmem>>, vector<1x16xf32>,
      %get3A_236 = vector.shape_cast %get3A_235 : vector<1x16xf32> to vector<16xf32>
      %get3A_237 = arith.index_cast %scan3A_192 : i32 to index
      %get3A_238 = arith.constant 48 : index
      %get3A_239 = tpu.vector_load %arg6[%get3A_237, %get3A_238] {strides = array<i32>} : memref<16x1024xf32, #tpu.memory_space<vmem>>, vector<1x16xf32>,
      %get3A_240 = vector.shape_cast %get3A_239 : vector<1x16xf32> to vector<16xf32>
      %add3A_241 = arith.addf %get3A_236, %get3A_240 : vector<16xf32>
      %swap3A_242 = arith.index_cast %scan3A_192 : i32 to index
      %swap3A_243 = arith.constant 48 : index
      %swap3A_244 = tpu.vector_load %arg10[%swap3A_242, %swap3A_243] {strides = array<i32>} : memref<16x1024xf32, #tpu.memory_space<vmem>>, vector<1x16xf32>,
      %swap3A_245 = vector.shape_cast %swap3A_244 : vector<1x16xf32> to vector<16xf32>
      %swap3A_246 = vector.shape_cast %add3A_241 : vector<16xf32> to vector<1x16xf32>
      tpu.vector_store %arg10[%swap3A_242, %swap3A_243], %swap3A_246 {strides = array<i32>} : memref<16x1024xf32, #tpu.memory_space<vmem>>, vector<1x16xf32>,
      %get3A_247 = arith.index_cast %scan3A_192 : i32 to index
      %get3A_248 = arith.constant 64 : index
      %get3A_249 = tpu.vector_load %arg10[%get3A_247, %get3A_248] {strides = array<i32>} : memref<16x1024xf32, #tpu.memory_space<vmem>>, vector<1x16xf32>,
      %get3A_250 = vector.shape_cast %get3A_249 : vector<1x16xf32> to vector<16xf32>
      %get3A_251 = arith.index_cast %scan3A_192 : i32 to index
      %get3A_252 = arith.constant 64 : index
      %get3A_253 = tpu.vector_load %arg6[%get3A_251, %get3A_252] {strides = array<i32>} : memref<16x1024xf32, #tpu.memory_space<vmem>>, vector<1x16xf32>,
      %get3A_254 = vector.shape_cast %get3A_253 : vector<1x16xf32> to vector<16xf32>
      %add3A_255 = arith.addf %get3A_250, %get3A_254 : vector<16xf32>
      %swap3A_256 = arith.index_cast %scan3A_192 : i32 to index
      %swap3A_257 = arith.constant 64 : index
      %swap3A_258 = tpu.vector_load %arg10[%swap3A_256, %swap3A_257] {strides = array<i32>} : memref<16x1024xf32, #tpu.memory_space<vmem>>, vector<1x16xf32>,
      %swap3A_259 = vector.shape_cast %swap3A_258 : vector<1x16xf32> to vector<16xf32>
      %swap3A_260 = vector.shape_cast %add3A_255 : vector<16xf32> to vector<1x16xf32>
      tpu.vector_store %arg10[%swap3A_256, %swap3A_257], %swap3A_260 {strides = array<i32>} : memref<16x1024xf32, #tpu.memory_space<vmem>>, vector<1x16xf32>,
      %get3A_261 = arith.index_cast %scan3A_192 : i32 to index
      %get3A_262 = arith.constant 80 : index
      %get3A_263 = tpu.vector_load %arg10[%get3A_261, %get3A_262] {strides = array<i32>} : memref<16x1024xf32, #tpu.memory_space<vmem>>, vector<1x16xf32>,
      %get3A_264 = vector.shape_cast %get3A_263 : vector<1x16xf32> to vector<16xf32>
      %get3A_265 = arith.index_cast %scan3A_192 : i32 to index
      %get3A_266 = arith.constant 80 : index
      %get3A_267 = tpu.vector_load %arg6[%get3A_265, %get3A_266] {strides = array<i32>} : memref<16x1024xf32, #tpu.memory_space<vmem>>, vector<1x16xf32>,
      %get3A_268 = vector.shape_cast %get3A_267 : vector<1x16xf32> to vector<16xf32>
      %add3A_269 = arith.addf %get3A_264, %get3A_268 : vector<16xf32>
      %swap3A_270 = arith.index_cast %scan3A_192 : i32 to index
      %swap3A_271 = arith.constant 80 : index
      %swap3A_272 = tpu.vector_load %arg10[%swap3A_270, %swap3A_271] {strides = array<i32>} : memref<16x1024xf32, #tpu.memory_space<vmem>>, vector<1x16xf32>,
      %swap3A_273 = vector.shape_cast %swap3A_272 : vector<1x16xf32> to vector<16xf32>
      %swap3A_274 = vector.shape_cast %add3A_269 : vector<16xf32> to vector<1x16xf32>
      tpu.vector_store %arg10[%swap3A_270, %swap3A_271], %swap3A_274 {strides = array<i32>} : memref<16x1024xf32, #tpu.memory_space<vmem>>, vector<1x16xf32>,
      %get3A_275 = arith.index_cast %scan3A_192 : i32 to index
      %get3A_276 = arith.constant 96 : index
      %get3A_277 = tpu.vector_load %arg10[%get3A_275, %get3A_276] {strides = array<i32>} : memref<16x1024xf32, #tpu.memory_space<vmem>>, vector<1x16xf32>,
      %get3A_278 = vector.shape_cast %get3A_277 : vector<1x16xf32> to vector<16xf32>
      %get3A_279 = arith.index_cast %scan3A_192 : i32 to index
      %get3A_280 = arith.constant 96 : index
      %get3A_281 = tpu.vector_load %arg6[%get3A_279, %get3A_280] {strides = array<i32>} : memref<16x1024xf32, #tpu.memory_space<vmem>>, vector<1x16xf32>,
      %get3A_282 = vector.shape_cast %get3A_281 : vector<1x16xf32> to vector<16xf32>
      %add3A_283 = arith.addf %get3A_278, %get3A_282 : vector<16xf32>
      %swap3A_284 = arith.index_cast %scan3A_192 : i32 to index
      %swap3A_285 = arith.constant 96 : index
      %swap3A_286 = tpu.vector_load %arg10[%swap3A_284, %swap3A_285] {strides = array<i32>} : memref<16x1024xf32, #tpu.memory_space<vmem>>, vector<1x16xf32>,
      %swap3A_287 = vector.shape_cast %swap3A_286 : vector<1x16xf32> to vector<16xf32>
      %swap3A_288 = vector.shape_cast %add3A_283 : vector<16xf32> to vector<1x16xf32>
      tpu.vector_store %arg10[%swap3A_284, %swap3A_285], %swap3A_288 {strides = array<i32>} : memref<16x1024xf32, #tpu.memory_space<vmem>>, vector<1x16xf32>,
      %get3A_289 = arith.index_cast %scan3A_192 : i32 to index
      %get3A_290 = arith.constant 112 : index
      %get3A_291 = tpu.vector_load %arg10[%get3A_289, %get3A_290] {strides = array<i32>} : memref<16x1024xf32, #tpu.memory_space<vmem>>, vector<1x16xf32>,
      %get3A_292 = vector.shape_cast %get3A_291 : vector<1x16xf32> to vector<16xf32>
      %get3A_293 = arith.index_cast %scan3A_192 : i32 to index
      %get3A_294 = arith.constant 112 : index
      %get3A_295 = tpu.vector_load %arg6[%get3A_293, %get3A_294] {strides = array<i32>} : memref<16x1024xf32, #tpu.memory_space<vmem>>, vector<1x16xf32>,
      %get3A_296 = vector.shape_cast %get3A_295 : vector<1x16xf32> to vector<16xf32>
      %add3A_297 = arith.addf %get3A_292, %get3A_296 : vector<16xf32>
      %swap3A_298 = arith.index_cast %scan3A_192 : i32 to index
      %swap3A_299 = arith.constant 112 : index
      %swap3A_300 = tpu.vector_load %arg10[%swap3A_298, %swap3A_299] {strides = array<i32>} : memref<16x1024xf32, #tpu.memory_space<vmem>>, vector<1x16xf32>,
      %swap3A_301 = vector.shape_cast %swap3A_300 : vector<1x16xf32> to vector<16xf32>
      %swap3A_302 = vector.shape_cast %add3A_297 : vector<16xf32> to vector<1x16xf32>
      tpu.vector_store %arg10[%swap3A_298, %swap3A_299], %swap3A_302 {strides = array<i32>} : memref<16x1024xf32, #tpu.memory_space<vmem>>, vector<1x16xf32>,
      %get3A_303 = arith.index_cast %scan3A_192 : i32 to index
      %get3A_304 = arith.constant 128 : index
      %get3A_305 = tpu.vector_load %arg10[%get3A_303, %get3A_304] {strides = array<i32>} : memref<16x1024xf32, #tpu.memory_space<vmem>>, vector<1x16xf32>,
      %get3A_306 = vector.shape_cast %get3A_305 : vector<1x16xf32> to vector<16xf32>
      %get3A_307 = arith.index_cast %scan3A_192 : i32 to index
      %get3A_308 = arith.constant 128 : index
      %get3A_309 = tpu.vector_load %arg6[%get3A_307, %get3A_308] {strides = array<i32>} : memref<16x1024xf32, #tpu.memory_space<vmem>>, vector<1x16xf32>,
      %get3A_310 = vector.shape_cast %get3A_309 : vector<1x16xf32> to vector<16xf32>
      %add3A_311 = arith.addf %get3A_306, %get3A_310 : vector<16xf32>
      %swap3A_312 = arith.index_cast %scan3A_192 : i32 to index
      %swap3A_313 = arith.constant 128 : index
      %swap3A_314 = tpu.vector_load %arg10[%swap3A_312, %swap3A_313] {strides = array<i32>} : memref<16x1024xf32, #tpu.memory_space<vmem>>, vector<1x16xf32>,
      %swap3A_315 = vector.shape_cast %swap3A_314 : vector<1x16xf32> to vector<16xf32>
      %swap3A_316 = vector.shape_cast %add3A_311 : vector<16xf32> to vector<1x16xf32>
      tpu.vector_store %arg10[%swap3A_312, %swap3A_313], %swap3A_316 {strides = array<i32>} : memref<16x1024xf32, #tpu.memory_space<vmem>>, vector<1x16xf32>,
      %get3A_317 = arith.index_cast %scan3A_192 : i32 to index
      %get3A_318 = arith.constant 144 : index
      %get3A_319 = tpu.vector_load %arg10[%get3A_317, %get3A_318] {strides = array<i32>} : memref<16x1024xf32, #tpu.memory_space<vmem>>, vector<1x16xf32>,
      %get3A_320 = vector.shape_cast %get3A_319 : vector<1x16xf32> to vector<16xf32>
      %get3A_321 = arith.index_cast %scan3A_192 : i32 to index
      %get3A_322 = arith.constant 144 : index
      %get3A_323 = tpu.vector_load %arg6[%get3A_321, %get3A_322] {strides = array<i32>} : memref<16x1024xf32, #tpu.memory_space<vmem>>, vector<1x16xf32>,
      %get3A_324 = vector.shape_cast %get3A_323 : vector<1x16xf32> to vector<16xf32>
      %add3A_325 = arith.addf %get3A_320, %get3A_324 : vector<16xf32>
      %swap3A_326 = arith.index_cast %scan3A_192 : i32 to index
      %swap3A_327 = arith.constant 144 : index
      %swap3A_328 = tpu.vector_load %arg10[%swap3A_326, %swap3A_327] {strides = array<i32>} : memref<16x1024xf32, #tpu.memory_space<vmem>>, vector<1x16xf32>,
      %swap3A_329 = vector.shape_cast %swap3A_328 : vector<1x16xf32> to vector<16xf32>
      %swap3A_330 = vector.shape_cast %add3A_325 : vector<16xf32> to vector<1x16xf32>
      tpu.vector_store %arg10[%swap3A_326, %swap3A_327], %swap3A_330 {strides = array<i32>} : memref<16x1024xf32, #tpu.memory_space<vmem>>, vector<1x16xf32>,
      %get3A_331 = arith.index_cast %scan3A_192 : i32 to index
      %get3A_332 = arith.constant 160 : index
      %get3A_333 = tpu.vector_load %arg10[%get3A_331, %get3A_332] {strides = array<i32>} : memref<16x1024xf32, #tpu.memory_space<vmem>>, vector<1x16xf32>,
      %get3A_334 = vector.shape_cast %get3A_333 : vector<1x16xf32> to vector<16xf32>
      %get3A_335 = arith.index_cast %scan3A_192 : i32 to index
      %get3A_336 = arith.constant 160 : index
      %get3A_337 = tpu.vector_load %arg6[%get3A_335, %get3A_336] {strides = array<i32>} : memref<16x1024xf32, #tpu.memory_space<vmem>>, vector<1x16xf32>,
      %get3A_338 = vector.shape_cast %get3A_337 : vector<1x16xf32> to vector<16xf32>
      %add3A_339 = arith.addf %get3A_334, %get3A_338 : vector<16xf32>
      %swap3A_340 = arith.index_cast %scan3A_192 : i32 to index
      %swap3A_341 = arith.constant 160 : index
      %swap3A_342 = tpu.vector_load %arg10[%swap3A_340, %swap3A_341] {strides = array<i32>} : memref<16x1024xf32, #tpu.memory_space<vmem>>, vector<1x16xf32>,
      %swap3A_343 = vector.shape_cast %swap3A_342 : vector<1x16xf32> to vector<16xf32>
      %swap3A_344 = vector.shape_cast %add3A_339 : vector<16xf32> to vector<1x16xf32>
      tpu.vector_store %arg10[%swap3A_340, %swap3A_341], %swap3A_344 {strides = array<i32>} : memref<16x1024xf32, #tpu.memory_space<vmem>>, vector<1x16xf32>,
      %get3A_345 = arith.index_cast %scan3A_192 : i32 to index
      %get3A_346 = arith.constant 176 : index
      %get3A_347 = tpu.vector_load %arg10[%get3A_345, %get3A_346] {strides = array<i32>} : memref<16x1024xf32, #tpu.memory_space<vmem>>, vector<1x16xf32>,
      %get3A_348 = vector.shape_cast %get3A_347 : vector<1x16xf32> to vector<16xf32>
      %get3A_349 = arith.index_cast %scan3A_192 : i32 to index
      %get3A_350 = arith.constant 176 : index
      %get3A_351 = tpu.vector_load %arg6[%get3A_349, %get3A_350] {strides = array<i32>} : memref<16x1024xf32, #tpu.memory_space<vmem>>, vector<1x16xf32>,
      %get3A_352 = vector.shape_cast %get3A_351 : vector<1x16xf32> to vector<16xf32>
      %add3A_353 = arith.addf %get3A_348, %get3A_352 : vector<16xf32>
      %swap3A_354 = arith.index_cast %scan3A_192 : i32 to index
      %swap3A_355 = arith.constant 176 : index
      %swap3A_356 = tpu.vector_load %arg10[%swap3A_354, %swap3A_355] {strides = array<i32>} : memref<16x1024xf32, #tpu.memory_space<vmem>>, vector<1x16xf32>,
      %swap3A_357 = vector.shape_cast %swap3A_356 : vector<1x16xf32> to vector<16xf32>
      %swap3A_358 = vector.shape_cast %add3A_353 : vector<16xf32> to vector<1x16xf32>
      tpu.vector_store %arg10[%swap3A_354, %swap3A_355], %swap3A_358 {strides = array<i32>} : memref<16x1024xf32, #tpu.memory_space<vmem>>, vector<1x16xf32>,
      %get3A_359 = arith.index_cast %scan3A_192 : i32 to index
      %get3A_360 = arith.constant 192 : index
      %get3A_361 = tpu.vector_load %arg10[%get3A_359, %get3A_360] {strides = array<i32>} : memref<16x1024xf32, #tpu.memory_space<vmem>>, vector<1x16xf32>,
      %get3A_362 = vector.shape_cast %get3A_361 : vector<1x16xf32> to vector<16xf32>
      %get3A_363 = arith.index_cast %scan3A_192 : i32 to index
      %get3A_364 = arith.constant 192 : index
      %get3A_365 = tpu.vector_load %arg6[%get3A_363, %get3A_364] {strides = array<i32>} : memref<16x1024xf32, #tpu.memory_space<vmem>>, vector<1x16xf32>,
      %get3A_366 = vector.shape_cast %get3A_365 : vector<1x16xf32> to vector<16xf32>
      %add3A_367 = arith.addf %get3A_362, %get3A_366 : vector<16xf32>
      %swap3A_368 = arith.index_cast %scan3A_192 : i32 to index
      %swap3A_369 = arith.constant 192 : index
      %swap3A_370 = tpu.vector_load %arg10[%swap3A_368, %swap3A_369] {strides = array<i32>} : memref<16x1024xf32, #tpu.memory_space<vmem>>, vector<1x16xf32>,
      %swap3A_371 = vector.shape_cast %swap3A_370 : vector<1x16xf32> to vector<16xf32>
      %swap3A_372 = vector.shape_cast %add3A_367 : vector<16xf32> to vector<1x16xf32>
      tpu.vector_store %arg10[%swap3A_368, %swap3A_369], %swap3A_372 {strides = array<i32>} : memref<16x1024xf32, #tpu.memory_space<vmem>>, vector<1x16xf32>,
      %get3A_373 = arith.index_cast %scan3A_192 : i32 to index
      %get3A_374 = arith.constant 208 : index
      %get3A_375 = tpu.vector_load %arg10[%get3A_373, %get3A_374] {strides = array<i32>} : memref<16x1024xf32, #tpu.memory_space<vmem>>, vector<1x16xf32>,
      %get3A_376 = vector.shape_cast %get3A_375 : vector<1x16xf32> to vector<16xf32>
      %get3A_377 = arith.index_cast %scan3A_192 : i32 to index
      %get3A_378 = arith.constant 208 : index
      %get3A_379 = tpu.vector_load %arg6[%get3A_377, %get3A_378] {strides = array<i32>} : memref<16x1024xf32, #tpu.memory_space<vmem>>, vector<1x16xf32>,
      %get3A_380 = vector.shape_cast %get3A_379 : vector<1x16xf32> to vector<16xf32>
      %add3A_381 = arith.addf %get3A_376, %get3A_380 : vector<16xf32>
      %swap3A_382 = arith.index_cast %scan3A_192 : i32 to index
      %swap3A_383 = arith.constant 208 : index
      %swap3A_384 = tpu.vector_load %arg10[%swap3A_382, %swap3A_383] {strides = array<i32>} : memref<16x1024xf32, #tpu.memory_space<vmem>>, vector<1x16xf32>,
      %swap3A_385 = vector.shape_cast %swap3A_384 : vector<1x16xf32> to vector<16xf32>
      %swap3A_386 = vector.shape_cast %add3A_381 : vector<16xf32> to vector<1x16xf32>
      tpu.vector_store %arg10[%swap3A_382, %swap3A_383], %swap3A_386 {strides = array<i32>} : memref<16x1024xf32, #tpu.memory_space<vmem>>, vector<1x16xf32>,
      %get3A_387 = arith.index_cast %scan3A_192 : i32 to index
      %get3A_388 = arith.constant 224 : index
      %get3A_389 = tpu.vector_load %arg10[%get3A_387, %get3A_388] {strides = array<i32>} : memref<16x1024xf32, #tpu.memory_space<vmem>>, vector<1x16xf32>,
      %get3A_390 = vector.shape_cast %get3A_389 : vector<1x16xf32> to vector<16xf32>
      %get3A_391 = arith.index_cast %scan3A_192 : i32 to index
      %get3A_392 = arith.constant 224 : index
      %get3A_393 = tpu.vector_load %arg6[%get3A_391, %get3A_392] {strides = array<i32>} : memref<16x1024xf32, #tpu.memory_space<vmem>>, vector<1x16xf32>,
      %get3A_394 = vector.shape_cast %get3A_393 : vector<1x16xf32> to vector<16xf32>
      %add3A_395 = arith.addf %get3A_390, %get3A_394 : vector<16xf32>
      %swap3A_396 = arith.index_cast %scan3A_192 : i32 to index
      %swap3A_397 = arith.constant 224 : index
      %swap3A_398 = tpu.vector_load %arg10[%swap3A_396, %swap3A_397] {strides = array<i32>} : memref<16x1024xf32, #tpu.memory_space<vmem>>, vector<1x16xf32>,
      %swap3A_399 = vector.shape_cast %swap3A_398 : vector<1x16xf32> to vector<16xf32>
      %swap3A_400 = vector.shape_cast %add3A_395 : vector<16xf32> to vector<1x16xf32>
      tpu.vector_store %arg10[%swap3A_396, %swap3A_397], %swap3A_400 {strides = array<i32>} : memref<16x1024xf32, #tpu.memory_space<vmem>>, vector<1x16xf32>,
      %get3A_401 = arith.index_cast %scan3A_192 : i32 to index
      %get3A_402 = arith.constant 240 : index
      %get3A_403 = tpu.vector_load %arg10[%get3A_401, %get3A_402] {strides = array<i32>} : memref<16x1024xf32, #tpu.memory_space<vmem>>, vector<1x16xf32>,
      %get3A_404 = vector.shape_cast %get3A_403 : vector<1x16xf32> to vector<16xf32>
      %get3A_405 = arith.index_cast %scan3A_192 : i32 to index
      %get3A_406 = arith.constant 240 : index
      %get3A_407 = tpu.vector_load %arg6[%get3A_405, %get3A_406] {strides = array<i32>} : memref<16x1024xf32, #tpu.memory_space<vmem>>, vector<1x16xf32>,
      %get3A_408 = vector.shape_cast %get3A_407 : vector<1x16xf32> to vector<16xf32>
      %add3A_409 = arith.addf %get3A_404, %get3A_408 : vector<16xf32>
      %swap3A_410 = arith.index_cast %scan3A_192 : i32 to index
      %swap3A_411 = arith.constant 240 : index
      %swap3A_412 = tpu.vector_load %arg10[%swap3A_410, %swap3A_411] {strides = array<i32>} : memref<16x1024xf32, #tpu.memory_space<vmem>>, vector<1x16xf32>,
      %swap3A_413 = vector.shape_cast %swap3A_412 : vector<1x16xf32> to vector<16xf32>
      %swap3A_414 = vector.shape_cast %add3A_409 : vector<16xf32> to vector<1x16xf32>
      tpu.vector_store %arg10[%swap3A_410, %swap3A_411], %swap3A_414 {strides = array<i32>} : memref<16x1024xf32, #tpu.memory_space<vmem>>, vector<1x16xf32>,
      %get3A_415 = arith.index_cast %scan3A_192 : i32 to index
      %get3A_416 = arith.constant 256 : index
      %get3A_417 = tpu.vector_load %arg10[%get3A_415, %get3A_416] {strides = array<i32>} : memref<16x1024xf32, #tpu.memory_space<vmem>>, vector<1x16xf32>,
      %get3A_418 = vector.shape_cast %get3A_417 : vector<1x16xf32> to vector<16xf32>
      %get3A_419 = arith.index_cast %scan3A_192 : i32 to index
      %get3A_420 = arith.constant 256 : index
      %get3A_421 = tpu.vector_load %arg6[%get3A_419, %get3A_420] {strides = array<i32>} : memref<16x1024xf32, #tpu.memory_space<vmem>>, vector<1x16xf32>,
      %get3A_422 = vector.shape_cast %get3A_421 : vector<1x16xf32> to vector<16xf32>
      %add3A_423 = arith.addf %get3A_418, %get3A_422 : vector<16xf32>
      %swap3A_424 = arith.index_cast %scan3A_192 : i32 to index
      %swap3A_425 = arith.constant 256 : index
      %swap3A_426 = tpu.vector_load %arg10[%swap3A_424, %swap3A_425] {strides = array<i32>} : memref<16x1024xf32, #tpu.memory_space<vmem>>, vector<1x16xf32>,
      %swap3A_427 = vector.shape_cast %swap3A_426 : vector<1x16xf32> to vector<16xf32>
      %swap3A_428 = vector.shape_cast %add3A_423 : vector<16xf32> to vector<1x16xf32>
      tpu.vector_store %arg10[%swap3A_424, %swap3A_425], %swap3A_428 {strides = array<i32>} : memref<16x1024xf32, #tpu.memory_space<vmem>>, vector<1x16xf32>,
      %get3A_429 = arith.index_cast %scan3A_192 : i32 to index
      %get3A_430 = arith.constant 272 : index
      %get3A_431 = tpu.vector_load %arg10[%get3A_429, %get3A_430] {strides = array<i32>} : memref<16x1024xf32, #tpu.memory_space<vmem>>, vector<1x16xf32>,
      %get3A_432 = vector.shape_cast %get3A_431 : vector<1x16xf32> to vector<16xf32>
      %get3A_433 = arith.index_cast %scan3A_192 : i32 to index
      %get3A_434 = arith.constant 272 : index
      %get3A_435 = tpu.vector_load %arg6[%get3A_433, %get3A_434] {strides = array<i32>} : memref<16x1024xf32, #tpu.memory_space<vmem>>, vector<1x16xf32>,
      %get3A_436 = vector.shape_cast %get3A_435 : vector<1x16xf32> to vector<16xf32>
      %add3A_437 = arith.addf %get3A_432, %get3A_436 : vector<16xf32>
      %swap3A_438 = arith.index_cast %scan3A_192 : i32 to index
      %swap3A_439 = arith.constant 272 : index
      %swap3A_440 = tpu.vector_load %arg10[%swap3A_438, %swap3A_439] {strides = array<i32>} : memref<16x1024xf32, #tpu.memory_space<vmem>>, vector<1x16xf32>,
      %swap3A_441 = vector.shape_cast %swap3A_440 : vector<1x16xf32> to vector<16xf32>
      %swap3A_442 = vector.shape_cast %add3A_437 : vector<16xf32> to vector<1x16xf32>
      tpu.vector_store %arg10[%swap3A_438, %swap3A_439], %swap3A_442 {strides = array<i32>} : memref<16x1024xf32, #tpu.memory_space<vmem>>, vector<1x16xf32>,
      %get3A_443 = arith.index_cast %scan3A_192 : i32 to index
      %get3A_444 = arith.constant 288 : index
      %get3A_445 = tpu.vector_load %arg10[%get3A_443, %get3A_444] {strides = array<i32>} : memref<16x1024xf32, #tpu.memory_space<vmem>>, vector<1x16xf32>,
      %get3A_446 = vector.shape_cast %get3A_445 : vector<1x16xf32> to vector<16xf32>
      %get3A_447 = arith.index_cast %scan3A_192 : i32 to index
      %get3A_448 = arith.constant 288 : index
      %get3A_449 = tpu.vector_load %arg6[%get3A_447, %get3A_448] {strides = array<i32>} : memref<16x1024xf32, #tpu.memory_space<vmem>>, vector<1x16xf32>,
      %get3A_450 = vector.shape_cast %get3A_449 : vector<1x16xf32> to vector<16xf32>
      %add3A_451 = arith.addf %get3A_446, %get3A_450 : vector<16xf32>
      %swap3A_452 = arith.index_cast %scan3A_192 : i32 to index
      %swap3A_453 = arith.constant 288 : index
      %swap3A_454 = tpu.vector_load %arg10[%swap3A_452, %swap3A_453] {strides = array<i32>} : memref<16x1024xf32, #tpu.memory_space<vmem>>, vector<1x16xf32>,
      %swap3A_455 = vector.shape_cast %swap3A_454 : vector<1x16xf32> to vector<16xf32>
      %swap3A_456 = vector.shape_cast %add3A_451 : vector<16xf32> to vector<1x16xf32>
      tpu.vector_store %arg10[%swap3A_452, %swap3A_453], %swap3A_456 {strides = array<i32>} : memref<16x1024xf32, #tpu.memory_space<vmem>>, vector<1x16xf32>,
      %get3A_457 = arith.index_cast %scan3A_192 : i32 to index
      %get3A_458 = arith.constant 304 : index
      %get3A_459 = tpu.vector_load %arg10[%get3A_457, %get3A_458] {strides = array<i32>} : memref<16x1024xf32, #tpu.memory_space<vmem>>, vector<1x16xf32>,
      %get3A_460 = vector.shape_cast %get3A_459 : vector<1x16xf32> to vector<16xf32>
      %get3A_461 = arith.index_cast %scan3A_192 : i32 to index
      %get3A_462 = arith.constant 304 : index
      %get3A_463 = tpu.vector_load %arg6[%get3A_461, %get3A_462] {strides = array<i32>} : memref<16x1024xf32, #tpu.memory_space<vmem>>, vector<1x16xf32>,
      %get3A_464 = vector.shape_cast %get3A_463 : vector<1x16xf32> to vector<16xf32>
      %add3A_465 = arith.addf %get3A_460, %get3A_464 : vector<16xf32>
      %swap3A_466 = arith.index_cast %scan3A_192 : i32 to index
      %swap3A_467 = arith.constant 304 : index
      %swap3A_468 = tpu.vector_load %arg10[%swap3A_466, %swap3A_467] {strides = array<i32>} : memref<16x1024xf32, #tpu.memory_space<vmem>>, vector<1x16xf32>,
      %swap3A_469 = vector.shape_cast %swap3A_468 : vector<1x16xf32> to vector<16xf32>
      %swap3A_470 = vector.shape_cast %add3A_465 : vector<16xf32> to vector<1x16xf32>
      tpu.vector_store %arg10[%swap3A_466, %swap3A_467], %swap3A_470 {strides = array<i32>} : memref<16x1024xf32, #tpu.memory_space<vmem>>, vector<1x16xf32>,
      %get3A_471 = arith.index_cast %scan3A_192 : i32 to index
      %get3A_472 = arith.constant 320 : index
      %get3A_473 = tpu.vector_load %arg10[%get3A_471, %get3A_472] {strides = array<i32>} : memref<16x1024xf32, #tpu.memory_space<vmem>>, vector<1x16xf32>,
      %get3A_474 = vector.shape_cast %get3A_473 : vector<1x16xf32> to vector<16xf32>
      %get3A_475 = arith.index_cast %scan3A_192 : i32 to index
      %get3A_476 = arith.constant 320 : index
      %get3A_477 = tpu.vector_load %arg6[%get3A_475, %get3A_476] {strides = array<i32>} : memref<16x1024xf32, #tpu.memory_space<vmem>>, vector<1x16xf32>,
      %get3A_478 = vector.shape_cast %get3A_477 : vector<1x16xf32> to vector<16xf32>
      %add3A_479 = arith.addf %get3A_474, %get3A_478 : vector<16xf32>
      %swap3A_480 = arith.index_cast %scan3A_192 : i32 to index
      %swap3A_481 = arith.constant 320 : index
      %swap3A_482 = tpu.vector_load %arg10[%swap3A_480, %swap3A_481] {strides = array<i32>} : memref<16x1024xf32, #tpu.memory_space<vmem>>, vector<1x16xf32>,
      %swap3A_483 = vector.shape_cast %swap3A_482 : vector<1x16xf32> to vector<16xf32>
      %swap3A_484 = vector.shape_cast %add3A_479 : vector<16xf32> to vector<1x16xf32>
      tpu.vector_store %arg10[%swap3A_480, %swap3A_481], %swap3A_484 {strides = array<i32>} : memref<16x1024xf32, #tpu.memory_space<vmem>>, vector<1x16xf32>,
      %get3A_485 = arith.index_cast %scan3A_192 : i32 to index
      %get3A_486 = arith.constant 336 : index
      %get3A_487 = tpu.vector_load %arg10[%get3A_485, %get3A_486] {strides = array<i32>} : memref<16x1024xf32, #tpu.memory_space<vmem>>, vector<1x16xf32>,
      %get3A_488 = vector.shape_cast %get3A_487 : vector<1x16xf32> to vector<16xf32>
      %get3A_489 = arith.index_cast %scan3A_192 : i32 to index
      %get3A_490 = arith.constant 336 : index
      %get3A_491 = tpu.vector_load %arg6[%get3A_489, %get3A_490] {strides = array<i32>} : memref<16x1024xf32, #tpu.memory_space<vmem>>, vector<1x16xf32>,
      %get3A_492 = vector.shape_cast %get3A_491 : vector<1x16xf32> to vector<16xf32>
      %add3A_493 = arith.addf %get3A_488, %get3A_492 : vector<16xf32>
      %swap3A_494 = arith.index_cast %scan3A_192 : i32 to index
      %swap3A_495 = arith.constant 336 : index
      %swap3A_496 = tpu.vector_load %arg10[%swap3A_494, %swap3A_495] {strides = array<i32>} : memref<16x1024xf32, #tpu.memory_space<vmem>>, vector<1x16xf32>,
      %swap3A_497 = vector.shape_cast %swap3A_496 : vector<1x16xf32> to vector<16xf32>
      %swap3A_498 = vector.shape_cast %add3A_493 : vector<16xf32> to vector<1x16xf32>
      tpu.vector_store %arg10[%swap3A_494, %swap3A_495], %swap3A_498 {strides = array<i32>} : memref<16x1024xf32, #tpu.memory_space<vmem>>, vector<1x16xf32>,
      %get3A_499 = arith.index_cast %scan3A_192 : i32 to index
      %get3A_500 = arith.constant 352 : index
      %get3A_501 = tpu.vector_load %arg10[%get3A_499, %get3A_500] {strides = array<i32>} : memref<16x1024xf32, #tpu.memory_space<vmem>>, vector<1x16xf32>,
      %get3A_502 = vector.shape_cast %get3A_501 : vector<1x16xf32> to vector<16xf32>
      %get3A_503 = arith.index_cast %scan3A_192 : i32 to index
      %get3A_504 = arith.constant 352 : index
      %get3A_505 = tpu.vector_load %arg6[%get3A_503, %get3A_504] {strides = array<i32>} : memref<16x1024xf32, #tpu.memory_space<vmem>>, vector<1x16xf32>,
      %get3A_506 = vector.shape_cast %get3A_505 : vector<1x16xf32> to vector<16xf32>
      %add3A_507 = arith.addf %get3A_502, %get3A_506 : vector<16xf32>
      %swap3A_508 = arith.index_cast %scan3A_192 : i32 to index
      %swap3A_509 = arith.constant 352 : index
      %swap3A_510 = tpu.vector_load %arg10[%swap3A_508, %swap3A_509] {strides = array<i32>} : memref<16x1024xf32, #tpu.memory_space<vmem>>, vector<1x16xf32>,
      %swap3A_511 = vector.shape_cast %swap3A_510 : vector<1x16xf32> to vector<16xf32>
      %swap3A_512 = vector.shape_cast %add3A_507 : vector<16xf32> to vector<1x16xf32>
      tpu.vector_store %arg10[%swap3A_508, %swap3A_509], %swap3A_512 {strides = array<i32>} : memref<16x1024xf32, #tpu.memory_space<vmem>>, vector<1x16xf32>,
      %get3A_513 = arith.index_cast %scan3A_192 : i32 to index
      %get3A_514 = arith.constant 368 : index
      %get3A_515 = tpu.vector_load %arg10[%get3A_513, %get3A_514] {strides = array<i32>} : memref<16x1024xf32, #tpu.memory_space<vmem>>, vector<1x16xf32>,
      %get3A_516 = vector.shape_cast %get3A_515 : vector<1x16xf32> to vector<16xf32>
      %get3A_517 = arith.index_cast %scan3A_192 : i32 to index
      %get3A_518 = arith.constant 368 : index
      %get3A_519 = tpu.vector_load %arg6[%get3A_517, %get3A_518] {strides = array<i32>} : memref<16x1024xf32, #tpu.memory_space<vmem>>, vector<1x16xf32>,
      %get3A_520 = vector.shape_cast %get3A_519 : vector<1x16xf32> to vector<16xf32>
      %add3A_521 = arith.addf %get3A_516, %get3A_520 : vector<16xf32>
      %swap3A_522 = arith.index_cast %scan3A_192 : i32 to index
      %swap3A_523 = arith.constant 368 : index
      %swap3A_524 = tpu.vector_load %arg10[%swap3A_522, %swap3A_523] {strides = array<i32>} : memref<16x1024xf32, #tpu.memory_space<vmem>>, vector<1x16xf32>,
      %swap3A_525 = vector.shape_cast %swap3A_524 : vector<1x16xf32> to vector<16xf32>
      %swap3A_526 = vector.shape_cast %add3A_521 : vector<16xf32> to vector<1x16xf32>
      tpu.vector_store %arg10[%swap3A_522, %swap3A_523], %swap3A_526 {strides = array<i32>} : memref<16x1024xf32, #tpu.memory_space<vmem>>, vector<1x16xf32>,
      %get3A_527 = arith.index_cast %scan3A_192 : i32 to index
      %get3A_528 = arith.constant 384 : index
      %get3A_529 = tpu.vector_load %arg10[%get3A_527, %get3A_528] {strides = array<i32>} : memref<16x1024xf32, #tpu.memory_space<vmem>>, vector<1x16xf32>,
      %get3A_530 = vector.shape_cast %get3A_529 : vector<1x16xf32> to vector<16xf32>
      %get3A_531 = arith.index_cast %scan3A_192 : i32 to index
      %get3A_532 = arith.constant 384 : index
      %get3A_533 = tpu.vector_load %arg6[%get3A_531, %get3A_532] {strides = array<i32>} : memref<16x1024xf32, #tpu.memory_space<vmem>>, vector<1x16xf32>,
      %get3A_534 = vector.shape_cast %get3A_533 : vector<1x16xf32> to vector<16xf32>
      %add3A_535 = arith.addf %get3A_530, %get3A_534 : vector<16xf32>
      %swap3A_536 = arith.index_cast %scan3A_192 : i32 to index
      %swap3A_537 = arith.constant 384 : index
      %swap3A_538 = tpu.vector_load %arg10[%swap3A_536, %swap3A_537] {strides = array<i32>} : memref<16x1024xf32, #tpu.memory_space<vmem>>, vector<1x16xf32>,
      %swap3A_539 = vector.shape_cast %swap3A_538 : vector<1x16xf32> to vector<16xf32>
      %swap3A_540 = vector.shape_cast %add3A_535 : vector<16xf32> to vector<1x16xf32>
      tpu.vector_store %arg10[%swap3A_536, %swap3A_537], %swap3A_540 {strides = array<i32>} : memref<16x1024xf32, #tpu.memory_space<vmem>>, vector<1x16xf32>,
      %get3A_541 = arith.index_cast %scan3A_192 : i32 to index
      %get3A_542 = arith.constant 400 : index
      %get3A_543 = tpu.vector_load %arg10[%get3A_541, %get3A_542] {strides = array<i32>} : memref<16x1024xf32, #tpu.memory_space<vmem>>, vector<1x16xf32>,
      %get3A_544 = vector.shape_cast %get3A_543 : vector<1x16xf32> to vector<16xf32>
      %get3A_545 = arith.index_cast %scan3A_192 : i32 to index
      %get3A_546 = arith.constant 400 : index
      %get3A_547 = tpu.vector_load %arg6[%get3A_545, %get3A_546] {strides = array<i32>} : memref<16x1024xf32, #tpu.memory_space<vmem>>, vector<1x16xf32>,
      %get3A_548 = vector.shape_cast %get3A_547 : vector<1x16xf32> to vector<16xf32>
      %add3A_549 = arith.addf %get3A_544, %get3A_548 : vector<16xf32>
      %swap3A_550 = arith.index_cast %scan3A_192 : i32 to index
      %swap3A_551 = arith.constant 400 : index
      %swap3A_552 = tpu.vector_load %arg10[%swap3A_550, %swap3A_551] {strides = array<i32>} : memref<16x1024xf32, #tpu.memory_space<vmem>>, vector<1x16xf32>,
      %swap3A_553 = vector.shape_cast %swap3A_552 : vector<1x16xf32> to vector<16xf32>
      %swap3A_554 = vector.shape_cast %add3A_549 : vector<16xf32> to vector<1x16xf32>
      tpu.vector_store %arg10[%swap3A_550, %swap3A_551], %swap3A_554 {strides = array<i32>} : memref<16x1024xf32, #tpu.memory_space<vmem>>, vector<1x16xf32>,
      %get3A_555 = arith.index_cast %scan3A_192 : i32 to index
      %get3A_556 = arith.constant 416 : index
      %get3A_557 = tpu.vector_load %arg10[%get3A_555, %get3A_556] {strides = array<i32>} : memref<16x1024xf32, #tpu.memory_space<vmem>>, vector<1x16xf32>,
      %get3A_558 = vector.shape_cast %get3A_557 : vector<1x16xf32> to vector<16xf32>
      %get3A_559 = arith.index_cast %scan3A_192 : i32 to index
      %get3A_560 = arith.constant 416 : index
      %get3A_561 = tpu.vector_load %arg6[%get3A_559, %get3A_560] {strides = array<i32>} : memref<16x1024xf32, #tpu.memory_space<vmem>>, vector<1x16xf32>,
      %get3A_562 = vector.shape_cast %get3A_561 : vector<1x16xf32> to vector<16xf32>
      %add3A_563 = arith.addf %get3A_558, %get3A_562 : vector<16xf32>
      %swap3A_564 = arith.index_cast %scan3A_192 : i32 to index
      %swap3A_565 = arith.constant 416 : index
      %swap3A_566 = tpu.vector_load %arg10[%swap3A_564, %swap3A_565] {strides = array<i32>} : memref<16x1024xf32, #tpu.memory_space<vmem>>, vector<1x16xf32>,
      %swap3A_567 = vector.shape_cast %swap3A_566 : vector<1x16xf32> to vector<16xf32>
      %swap3A_568 = vector.shape_cast %add3A_563 : vector<16xf32> to vector<1x16xf32>
      tpu.vector_store %arg10[%swap3A_564, %swap3A_565], %swap3A_568 {strides = array<i32>} : memref<16x1024xf32, #tpu.memory_space<vmem>>, vector<1x16xf32>,
      %get3A_569 = arith.index_cast %scan3A_192 : i32 to index
      %get3A_570 = arith.constant 432 : index
      %get3A_571 = tpu.vector_load %arg10[%get3A_569, %get3A_570] {strides = array<i32>} : memref<16x1024xf32, #tpu.memory_space<vmem>>, vector<1x16xf32>,
      %get3A_572 = vector.shape_cast %get3A_571 : vector<1x16xf32> to vector<16xf32>
      %get3A_573 = arith.index_cast %scan3A_192 : i32 to index
      %get3A_574 = arith.constant 432 : index
      %get3A_575 = tpu.vector_load %arg6[%get3A_573, %get3A_574] {strides = array<i32>} : memref<16x1024xf32, #tpu.memory_space<vmem>>, vector<1x16xf32>,
      %get3A_576 = vector.shape_cast %get3A_575 : vector<1x16xf32> to vector<16xf32>
      %add3A_577 = arith.addf %get3A_572, %get3A_576 : vector<16xf32>
      %swap3A_578 = arith.index_cast %scan3A_192 : i32 to index
      %swap3A_579 = arith.constant 432 : index
      %swap3A_580 = tpu.vector_load %arg10[%swap3A_578, %swap3A_579] {strides = array<i32>} : memref<16x1024xf32, #tpu.memory_space<vmem>>, vector<1x16xf32>,
      %swap3A_581 = vector.shape_cast %swap3A_580 : vector<1x16xf32> to vector<16xf32>
      %swap3A_582 = vector.shape_cast %add3A_577 : vector<16xf32> to vector<1x16xf32>
      tpu.vector_store %arg10[%swap3A_578, %swap3A_579], %swap3A_582 {strides = array<i32>} : memref<16x1024xf32, #tpu.memory_space<vmem>>, vector<1x16xf32>,
      %get3A_583 = arith.index_cast %scan3A_192 : i32 to index
      %get3A_584 = arith.constant 448 : index
      %get3A_585 = tpu.vector_load %arg10[%get3A_583, %get3A_584] {strides = array<i32>} : memref<16x1024xf32, #tpu.memory_space<vmem>>, vector<1x16xf32>,
      %get3A_586 = vector.shape_cast %get3A_585 : vector<1x16xf32> to vector<16xf32>
      %get3A_587 = arith.index_cast %scan3A_192 : i32 to index
      %get3A_588 = arith.constant 448 : index
      %get3A_589 = tpu.vector_load %arg6[%get3A_587, %get3A_588] {strides = array<i32>} : memref<16x1024xf32, #tpu.memory_space<vmem>>, vector<1x16xf32>,
      %get3A_590 = vector.shape_cast %get3A_589 : vector<1x16xf32> to vector<16xf32>
      %add3A_591 = arith.addf %get3A_586, %get3A_590 : vector<16xf32>
      %swap3A_592 = arith.index_cast %scan3A_192 : i32 to index
      %swap3A_593 = arith.constant 448 : index
      %swap3A_594 = tpu.vector_load %arg10[%swap3A_592, %swap3A_593] {strides = array<i32>} : memref<16x1024xf32, #tpu.memory_space<vmem>>, vector<1x16xf32>,
      %swap3A_595 = vector.shape_cast %swap3A_594 : vector<1x16xf32> to vector<16xf32>
      %swap3A_596 = vector.shape_cast %add3A_591 : vector<16xf32> to vector<1x16xf32>
      tpu.vector_store %arg10[%swap3A_592, %swap3A_593], %swap3A_596 {strides = array<i32>} : memref<16x1024xf32, #tpu.memory_space<vmem>>, vector<1x16xf32>,
      %get3A_597 = arith.index_cast %scan3A_192 : i32 to index
      %get3A_598 = arith.constant 464 : index
      %get3A_599 = tpu.vector_load %arg10[%get3A_597, %get3A_598] {strides = array<i32>} : memref<16x1024xf32, #tpu.memory_space<vmem>>, vector<1x16xf32>,
      %get3A_600 = vector.shape_cast %get3A_599 : vector<1x16xf32> to vector<16xf32>
      %get3A_601 = arith.index_cast %scan3A_192 : i32 to index
      %get3A_602 = arith.constant 464 : index
      %get3A_603 = tpu.vector_load %arg6[%get3A_601, %get3A_602] {strides = array<i32>} : memref<16x1024xf32, #tpu.memory_space<vmem>>, vector<1x16xf32>,
      %get3A_604 = vector.shape_cast %get3A_603 : vector<1x16xf32> to vector<16xf32>
      %add3A_605 = arith.addf %get3A_600, %get3A_604 : vector<16xf32>
      %swap3A_606 = arith.index_cast %scan3A_192 : i32 to index
      %swap3A_607 = arith.constant 464 : index
      %swap3A_608 = tpu.vector_load %arg10[%swap3A_606, %swap3A_607] {strides = array<i32>} : memref<16x1024xf32, #tpu.memory_space<vmem>>, vector<1x16xf32>,
      %swap3A_609 = vector.shape_cast %swap3A_608 : vector<1x16xf32> to vector<16xf32>
      %swap3A_610 = vector.shape_cast %add3A_605 : vector<16xf32> to vector<1x16xf32>
      tpu.vector_store %arg10[%swap3A_606, %swap3A_607], %swap3A_610 {strides = array<i32>} : memref<16x1024xf32, #tpu.memory_space<vmem>>, vector<1x16xf32>,
      %get3A_611 = arith.index_cast %scan3A_192 : i32 to index
      %get3A_612 = arith.constant 480 : index
      %get3A_613 = tpu.vector_load %arg10[%get3A_611, %get3A_612] {strides = array<i32>} : memref<16x1024xf32, #tpu.memory_space<vmem>>, vector<1x16xf32>,
      %get3A_614 = vector.shape_cast %get3A_613 : vector<1x16xf32> to vector<16xf32>
      %get3A_615 = arith.index_cast %scan3A_192 : i32 to index
      %get3A_616 = arith.constant 480 : index
      %get3A_617 = tpu.vector_load %arg6[%get3A_615, %get3A_616] {strides = array<i32>} : memref<16x1024xf32, #tpu.memory_space<vmem>>, vector<1x16xf32>,
      %get3A_618 = vector.shape_cast %get3A_617 : vector<1x16xf32> to vector<16xf32>
      %add3A_619 = arith.addf %get3A_614, %get3A_618 : vector<16xf32>
      %swap3A_620 = arith.index_cast %scan3A_192 : i32 to index
      %swap3A_621 = arith.constant 480 : index
      %swap3A_622 = tpu.vector_load %arg10[%swap3A_620, %swap3A_621] {strides = array<i32>} : memref<16x1024xf32, #tpu.memory_space<vmem>>, vector<1x16xf32>,
      %swap3A_623 = vector.shape_cast %swap3A_622 : vector<1x16xf32> to vector<16xf32>
      %swap3A_624 = vector.shape_cast %add3A_619 : vector<16xf32> to vector<1x16xf32>
      tpu.vector_store %arg10[%swap3A_620, %swap3A_621], %swap3A_624 {strides = array<i32>} : memref<16x1024xf32, #tpu.memory_space<vmem>>, vector<1x16xf32>,
      %get3A_625 = arith.index_cast %scan3A_192 : i32 to index
      %get3A_626 = arith.constant 496 : index
      %get3A_627 = tpu.vector_load %arg10[%get3A_625, %get3A_626] {strides = array<i32>} : memref<16x1024xf32, #tpu.memory_space<vmem>>, vector<1x16xf32>,
      %get3A_628 = vector.shape_cast %get3A_627 : vector<1x16xf32> to vector<16xf32>
      %get3A_629 = arith.index_cast %scan3A_192 : i32 to index
      %get3A_630 = arith.constant 496 : index
      %get3A_631 = tpu.vector_load %arg6[%get3A_629, %get3A_630] {strides = array<i32>} : memref<16x1024xf32, #tpu.memory_space<vmem>>, vector<1x16xf32>,
      %get3A_632 = vector.shape_cast %get3A_631 : vector<1x16xf32> to vector<16xf32>
      %add3A_633 = arith.addf %get3A_628, %get3A_632 : vector<16xf32>
      %swap3A_634 = arith.index_cast %scan3A_192 : i32 to index
      %swap3A_635 = arith.constant 496 : index
      %swap3A_636 = tpu.vector_load %arg10[%swap3A_634, %swap3A_635] {strides = array<i32>} : memref<16x1024xf32, #tpu.memory_space<vmem>>, vector<1x16xf32>,
      %swap3A_637 = vector.shape_cast %swap3A_636 : vector<1x16xf32> to vector<16xf32>
      %swap3A_638 = vector.shape_cast %add3A_633 : vector<16xf32> to vector<1x16xf32>
      tpu.vector_store %arg10[%swap3A_634, %swap3A_635], %swap3A_638 {strides = array<i32>} : memref<16x1024xf32, #tpu.memory_space<vmem>>, vector<1x16xf32>,
      %get3A_639 = arith.index_cast %scan3A_192 : i32 to index
      %get3A_640 = arith.constant 512 : index
      %get3A_641 = tpu.vector_load %arg10[%get3A_639, %get3A_640] {strides = array<i32>} : memref<16x1024xf32, #tpu.memory_space<vmem>>, vector<1x16xf32>,
      %get3A_642 = vector.shape_cast %get3A_641 : vector<1x16xf32> to vector<16xf32>
      %get3A_643 = arith.index_cast %scan3A_192 : i32 to index
      %get3A_644 = arith.constant 512 : index
      %get3A_645 = tpu.vector_load %arg6[%get3A_643, %get3A_644] {strides = array<i32>} : memref<16x1024xf32, #tpu.memory_space<vmem>>, vector<1x16xf32>,
      %get3A_646 = vector.shape_cast %get3A_645 : vector<1x16xf32> to vector<16xf32>
      %add3A_647 = arith.addf %get3A_642, %get3A_646 : vector<16xf32>
      %swap3A_648 = arith.index_cast %scan3A_192 : i32 to index
      %swap3A_649 = arith.constant 512 : index
      %swap3A_650 = tpu.vector_load %arg10[%swap3A_648, %swap3A_649] {strides = array<i32>} : memref<16x1024xf32, #tpu.memory_space<vmem>>, vector<1x16xf32>,
      %swap3A_651 = vector.shape_cast %swap3A_650 : vector<1x16xf32> to vector<16xf32>
      %swap3A_652 = vector.shape_cast %add3A_647 : vector<16xf32> to vector<1x16xf32>
      tpu.vector_store %arg10[%swap3A_648, %swap3A_649], %swap3A_652 {strides = array<i32>} : memref<16x1024xf32, #tpu.memory_space<vmem>>, vector<1x16xf32>,
      %get3A_653 = arith.index_cast %scan3A_192 : i32 to index
      %get3A_654 = arith.constant 528 : index
      %get3A_655 = tpu.vector_load %arg10[%get3A_653, %get3A_654] {strides = array<i32>} : memref<16x1024xf32, #tpu.memory_space<vmem>>, vector<1x16xf32>,
      %get3A_656 = vector.shape_cast %get3A_655 : vector<1x16xf32> to vector<16xf32>
      %get3A_657 = arith.index_cast %scan3A_192 : i32 to index
      %get3A_658 = arith.constant 528 : index
      %get3A_659 = tpu.vector_load %arg6[%get3A_657, %get3A_658] {strides = array<i32>} : memref<16x1024xf32, #tpu.memory_space<vmem>>, vector<1x16xf32>,
      %get3A_660 = vector.shape_cast %get3A_659 : vector<1x16xf32> to vector<16xf32>
      %add3A_661 = arith.addf %get3A_656, %get3A_660 : vector<16xf32>
      %swap3A_662 = arith.index_cast %scan3A_192 : i32 to index
      %swap3A_663 = arith.constant 528 : index
      %swap3A_664 = tpu.vector_load %arg10[%swap3A_662, %swap3A_663] {strides = array<i32>} : memref<16x1024xf32, #tpu.memory_space<vmem>>, vector<1x16xf32>,
      %swap3A_665 = vector.shape_cast %swap3A_664 : vector<1x16xf32> to vector<16xf32>
      %swap3A_666 = vector.shape_cast %add3A_661 : vector<16xf32> to vector<1x16xf32>
      tpu.vector_store %arg10[%swap3A_662, %swap3A_663], %swap3A_666 {strides = array<i32>} : memref<16x1024xf32, #tpu.memory_space<vmem>>, vector<1x16xf32>,
      %get3A_667 = arith.index_cast %scan3A_192 : i32 to index
      %get3A_668 = arith.constant 544 : index
      %get3A_669 = tpu.vector_load %arg10[%get3A_667, %get3A_668] {strides = array<i32>} : memref<16x1024xf32, #tpu.memory_space<vmem>>, vector<1x16xf32>,
      %get3A_670 = vector.shape_cast %get3A_669 : vector<1x16xf32> to vector<16xf32>
      %get3A_671 = arith.index_cast %scan3A_192 : i32 to index
      %get3A_672 = arith.constant 544 : index
      %get3A_673 = tpu.vector_load %arg6[%get3A_671, %get3A_672] {strides = array<i32>} : memref<16x1024xf32, #tpu.memory_space<vmem>>, vector<1x16xf32>,
      %get3A_674 = vector.shape_cast %get3A_673 : vector<1x16xf32> to vector<16xf32>
      %add3A_675 = arith.addf %get3A_670, %get3A_674 : vector<16xf32>
      %swap3A_676 = arith.index_cast %scan3A_192 : i32 to index
      %swap3A_677 = arith.constant 544 : index
      %swap3A_678 = tpu.vector_load %arg10[%swap3A_676, %swap3A_677] {strides = array<i32>} : memref<16x1024xf32, #tpu.memory_space<vmem>>, vector<1x16xf32>,
      %swap3A_679 = vector.shape_cast %swap3A_678 : vector<1x16xf32> to vector<16xf32>
      %swap3A_680 = vector.shape_cast %add3A_675 : vector<16xf32> to vector<1x16xf32>
      tpu.vector_store %arg10[%swap3A_676, %swap3A_677], %swap3A_680 {strides = array<i32>} : memref<16x1024xf32, #tpu.memory_space<vmem>>, vector<1x16xf32>,
      %get3A_681 = arith.index_cast %scan3A_192 : i32 to index
      %get3A_682 = arith.constant 560 : index
      %get3A_683 = tpu.vector_load %arg10[%get3A_681, %get3A_682] {strides = array<i32>} : memref<16x1024xf32, #tpu.memory_space<vmem>>, vector<1x16xf32>,
      %get3A_684 = vector.shape_cast %get3A_683 : vector<1x16xf32> to vector<16xf32>
      %get3A_685 = arith.index_cast %scan3A_192 : i32 to index
      %get3A_686 = arith.constant 560 : index
      %get3A_687 = tpu.vector_load %arg6[%get3A_685, %get3A_686] {strides = array<i32>} : memref<16x1024xf32, #tpu.memory_space<vmem>>, vector<1x16xf32>,
      %get3A_688 = vector.shape_cast %get3A_687 : vector<1x16xf32> to vector<16xf32>
      %add3A_689 = arith.addf %get3A_684, %get3A_688 : vector<16xf32>
      %swap3A_690 = arith.index_cast %scan3A_192 : i32 to index
      %swap3A_691 = arith.constant 560 : index
      %swap3A_692 = tpu.vector_load %arg10[%swap3A_690, %swap3A_691] {strides = array<i32>} : memref<16x1024xf32, #tpu.memory_space<vmem>>, vector<1x16xf32>,
      %swap3A_693 = vector.shape_cast %swap3A_692 : vector<1x16xf32> to vector<16xf32>
      %swap3A_694 = vector.shape_cast %add3A_689 : vector<16xf32> to vector<1x16xf32>
      tpu.vector_store %arg10[%swap3A_690, %swap3A_691], %swap3A_694 {strides = array<i32>} : memref<16x1024xf32, #tpu.memory_space<vmem>>, vector<1x16xf32>,
      %get3A_695 = arith.index_cast %scan3A_192 : i32 to index
      %get3A_696 = arith.constant 576 : index
      %get3A_697 = tpu.vector_load %arg10[%get3A_695, %get3A_696] {strides = array<i32>} : memref<16x1024xf32, #tpu.memory_space<vmem>>, vector<1x16xf32>,
      %get3A_698 = vector.shape_cast %get3A_697 : vector<1x16xf32> to vector<16xf32>
      %get3A_699 = arith.index_cast %scan3A_192 : i32 to index
      %get3A_700 = arith.constant 576 : index
      %get3A_701 = tpu.vector_load %arg6[%get3A_699, %get3A_700] {strides = array<i32>} : memref<16x1024xf32, #tpu.memory_space<vmem>>, vector<1x16xf32>,
      %get3A_702 = vector.shape_cast %get3A_701 : vector<1x16xf32> to vector<16xf32>
      %add3A_703 = arith.addf %get3A_698, %get3A_702 : vector<16xf32>
      %swap3A_704 = arith.index_cast %scan3A_192 : i32 to index
      %swap3A_705 = arith.constant 576 : index
      %swap3A_706 = tpu.vector_load %arg10[%swap3A_704, %swap3A_705] {strides = array<i32>} : memref<16x1024xf32, #tpu.memory_space<vmem>>, vector<1x16xf32>,
      %swap3A_707 = vector.shape_cast %swap3A_706 : vector<1x16xf32> to vector<16xf32>
      %swap3A_708 = vector.shape_cast %add3A_703 : vector<16xf32> to vector<1x16xf32>
      tpu.vector_store %arg10[%swap3A_704, %swap3A_705], %swap3A_708 {strides = array<i32>} : memref<16x1024xf32, #tpu.memory_space<vmem>>, vector<1x16xf32>,
      %get3A_709 = arith.index_cast %scan3A_192 : i32 to index
      %get3A_710 = arith.constant 592 : index
      %get3A_711 = tpu.vector_load %arg10[%get3A_709, %get3A_710] {strides = array<i32>} : memref<16x1024xf32, #tpu.memory_space<vmem>>, vector<1x16xf32>,
      %get3A_712 = vector.shape_cast %get3A_711 : vector<1x16xf32> to vector<16xf32>
      %get3A_713 = arith.index_cast %scan3A_192 : i32 to index
      %get3A_714 = arith.constant 592 : index
      %get3A_715 = tpu.vector_load %arg6[%get3A_713, %get3A_714] {strides = array<i32>} : memref<16x1024xf32, #tpu.memory_space<vmem>>, vector<1x16xf32>,
      %get3A_716 = vector.shape_cast %get3A_715 : vector<1x16xf32> to vector<16xf32>
      %add3A_717 = arith.addf %get3A_712, %get3A_716 : vector<16xf32>
      %swap3A_718 = arith.index_cast %scan3A_192 : i32 to index
      %swap3A_719 = arith.constant 592 : index
      %swap3A_720 = tpu.vector_load %arg10[%swap3A_718, %swap3A_719] {strides = array<i32>} : memref<16x1024xf32, #tpu.memory_space<vmem>>, vector<1x16xf32>,
      %swap3A_721 = vector.shape_cast %swap3A_720 : vector<1x16xf32> to vector<16xf32>
      %swap3A_722 = vector.shape_cast %add3A_717 : vector<16xf32> to vector<1x16xf32>
      tpu.vector_store %arg10[%swap3A_718, %swap3A_719], %swap3A_722 {strides = array<i32>} : memref<16x1024xf32, #tpu.memory_space<vmem>>, vector<1x16xf32>,
      %get3A_723 = arith.index_cast %scan3A_192 : i32 to index
      %get3A_724 = arith.constant 608 : index
      %get3A_725 = tpu.vector_load %arg10[%get3A_723, %get3A_724] {strides = array<i32>} : memref<16x1024xf32, #tpu.memory_space<vmem>>, vector<1x16xf32>,
      %get3A_726 = vector.shape_cast %get3A_725 : vector<1x16xf32> to vector<16xf32>
      %get3A_727 = arith.index_cast %scan3A_192 : i32 to index
      %get3A_728 = arith.constant 608 : index
      %get3A_729 = tpu.vector_load %arg6[%get3A_727, %get3A_728] {strides = array<i32>} : memref<16x1024xf32, #tpu.memory_space<vmem>>, vector<1x16xf32>,
      %get3A_730 = vector.shape_cast %get3A_729 : vector<1x16xf32> to vector<16xf32>
      %add3A_731 = arith.addf %get3A_726, %get3A_730 : vector<16xf32>
      %swap3A_732 = arith.index_cast %scan3A_192 : i32 to index
      %swap3A_733 = arith.constant 608 : index
      %swap3A_734 = tpu.vector_load %arg10[%swap3A_732, %swap3A_733] {strides = array<i32>} : memref<16x1024xf32, #tpu.memory_space<vmem>>, vector<1x16xf32>,
      %swap3A_735 = vector.shape_cast %swap3A_734 : vector<1x16xf32> to vector<16xf32>
      %swap3A_736 = vector.shape_cast %add3A_731 : vector<16xf32> to vector<1x16xf32>
      tpu.vector_store %arg10[%swap3A_732, %swap3A_733], %swap3A_736 {strides = array<i32>} : memref<16x1024xf32, #tpu.memory_space<vmem>>, vector<1x16xf32>,
      %get3A_737 = arith.index_cast %scan3A_192 : i32 to index
      %get3A_738 = arith.constant 624 : index
      %get3A_739 = tpu.vector_load %arg10[%get3A_737, %get3A_738] {strides = array<i32>} : memref<16x1024xf32, #tpu.memory_space<vmem>>, vector<1x16xf32>,
      %get3A_740 = vector.shape_cast %get3A_739 : vector<1x16xf32> to vector<16xf32>
      %get3A_741 = arith.index_cast %scan3A_192 : i32 to index
      %get3A_742 = arith.constant 624 : index
      %get3A_743 = tpu.vector_load %arg6[%get3A_741, %get3A_742] {strides = array<i32>} : memref<16x1024xf32, #tpu.memory_space<vmem>>, vector<1x16xf32>,
      %get3A_744 = vector.shape_cast %get3A_743 : vector<1x16xf32> to vector<16xf32>
      %add3A_745 = arith.addf %get3A_740, %get3A_744 : vector<16xf32>
      %swap3A_746 = arith.index_cast %scan3A_192 : i32 to index
      %swap3A_747 = arith.constant 624 : index
      %swap3A_748 = tpu.vector_load %arg10[%swap3A_746, %swap3A_747] {strides = array<i32>} : memref<16x1024xf32, #tpu.memory_space<vmem>>, vector<1x16xf32>,
      %swap3A_749 = vector.shape_cast %swap3A_748 : vector<1x16xf32> to vector<16xf32>
      %swap3A_750 = vector.shape_cast %add3A_745 : vector<16xf32> to vector<1x16xf32>
      tpu.vector_store %arg10[%swap3A_746, %swap3A_747], %swap3A_750 {strides = array<i32>} : memref<16x1024xf32, #tpu.memory_space<vmem>>, vector<1x16xf32>,
      %get3A_751 = arith.index_cast %scan3A_192 : i32 to index
      %get3A_752 = arith.constant 640 : index
      %get3A_753 = tpu.vector_load %arg10[%get3A_751, %get3A_752] {strides = array<i32>} : memref<16x1024xf32, #tpu.memory_space<vmem>>, vector<1x16xf32>,
      %get3A_754 = vector.shape_cast %get3A_753 : vector<1x16xf32> to vector<16xf32>
      %get3A_755 = arith.index_cast %scan3A_192 : i32 to index
      %get3A_756 = arith.constant 640 : index
      %get3A_757 = tpu.vector_load %arg6[%get3A_755, %get3A_756] {strides = array<i32>} : memref<16x1024xf32, #tpu.memory_space<vmem>>, vector<1x16xf32>,
      %get3A_758 = vector.shape_cast %get3A_757 : vector<1x16xf32> to vector<16xf32>
      %add3A_759 = arith.addf %get3A_754, %get3A_758 : vector<16xf32>
      %swap3A_760 = arith.index_cast %scan3A_192 : i32 to index
      %swap3A_761 = arith.constant 640 : index
      %swap3A_762 = tpu.vector_load %arg10[%swap3A_760, %swap3A_761] {strides = array<i32>} : memref<16x1024xf32, #tpu.memory_space<vmem>>, vector<1x16xf32>,
      %swap3A_763 = vector.shape_cast %swap3A_762 : vector<1x16xf32> to vector<16xf32>
      %swap3A_764 = vector.shape_cast %add3A_759 : vector<16xf32> to vector<1x16xf32>
      tpu.vector_store %arg10[%swap3A_760, %swap3A_761], %swap3A_764 {strides = array<i32>} : memref<16x1024xf32, #tpu.memory_space<vmem>>, vector<1x16xf32>,
      %get3A_765 = arith.index_cast %scan3A_192 : i32 to index
      %get3A_766 = arith.constant 656 : index
      %get3A_767 = tpu.vector_load %arg10[%get3A_765, %get3A_766] {strides = array<i32>} : memref<16x1024xf32, #tpu.memory_space<vmem>>, vector<1x16xf32>,
      %get3A_768 = vector.shape_cast %get3A_767 : vector<1x16xf32> to vector<16xf32>
      %get3A_769 = arith.index_cast %scan3A_192 : i32 to index
      %get3A_770 = arith.constant 656 : index
      %get3A_771 = tpu.vector_load %arg6[%get3A_769, %get3A_770] {strides = array<i32>} : memref<16x1024xf32, #tpu.memory_space<vmem>>, vector<1x16xf32>,
      %get3A_772 = vector.shape_cast %get3A_771 : vector<1x16xf32> to vector<16xf32>
      %add3A_773 = arith.addf %get3A_768, %get3A_772 : vector<16xf32>
      %swap3A_774 = arith.index_cast %scan3A_192 : i32 to index
      %swap3A_775 = arith.constant 656 : index
      %swap3A_776 = tpu.vector_load %arg10[%swap3A_774, %swap3A_775] {strides = array<i32>} : memref<16x1024xf32, #tpu.memory_space<vmem>>, vector<1x16xf32>,
      %swap3A_777 = vector.shape_cast %swap3A_776 : vector<1x16xf32> to vector<16xf32>
      %swap3A_778 = vector.shape_cast %add3A_773 : vector<16xf32> to vector<1x16xf32>
      tpu.vector_store %arg10[%swap3A_774, %swap3A_775], %swap3A_778 {strides = array<i32>} : memref<16x1024xf32, #tpu.memory_space<vmem>>, vector<1x16xf32>,
      %get3A_779 = arith.index_cast %scan3A_192 : i32 to index
      %get3A_780 = arith.constant 672 : index
      %get3A_781 = tpu.vector_load %arg10[%get3A_779, %get3A_780] {strides = array<i32>} : memref<16x1024xf32, #tpu.memory_space<vmem>>, vector<1x16xf32>,
      %get3A_782 = vector.shape_cast %get3A_781 : vector<1x16xf32> to vector<16xf32>
      %get3A_783 = arith.index_cast %scan3A_192 : i32 to index
      %get3A_784 = arith.constant 672 : index
      %get3A_785 = tpu.vector_load %arg6[%get3A_783, %get3A_784] {strides = array<i32>} : memref<16x1024xf32, #tpu.memory_space<vmem>>, vector<1x16xf32>,
      %get3A_786 = vector.shape_cast %get3A_785 : vector<1x16xf32> to vector<16xf32>
      %add3A_787 = arith.addf %get3A_782, %get3A_786 : vector<16xf32>
      %swap3A_788 = arith.index_cast %scan3A_192 : i32 to index
      %swap3A_789 = arith.constant 672 : index
      %swap3A_790 = tpu.vector_load %arg10[%swap3A_788, %swap3A_789] {strides = array<i32>} : memref<16x1024xf32, #tpu.memory_space<vmem>>, vector<1x16xf32>,
      %swap3A_791 = vector.shape_cast %swap3A_790 : vector<1x16xf32> to vector<16xf32>
      %swap3A_792 = vector.shape_cast %add3A_787 : vector<16xf32> to vector<1x16xf32>
      tpu.vector_store %arg10[%swap3A_788, %swap3A_789], %swap3A_792 {strides = array<i32>} : memref<16x1024xf32, #tpu.memory_space<vmem>>, vector<1x16xf32>,
      %get3A_793 = arith.index_cast %scan3A_192 : i32 to index
      %get3A_794 = arith.constant 688 : index
      %get3A_795 = tpu.vector_load %arg10[%get3A_793, %get3A_794] {strides = array<i32>} : memref<16x1024xf32, #tpu.memory_space<vmem>>, vector<1x16xf32>,
      %get3A_796 = vector.shape_cast %get3A_795 : vector<1x16xf32> to vector<16xf32>
      %get3A_797 = arith.index_cast %scan3A_192 : i32 to index
      %get3A_798 = arith.constant 688 : index
      %get3A_799 = tpu.vector_load %arg6[%get3A_797, %get3A_798] {strides = array<i32>} : memref<16x1024xf32, #tpu.memory_space<vmem>>, vector<1x16xf32>,
      %get3A_800 = vector.shape_cast %get3A_799 : vector<1x16xf32> to vector<16xf32>
      %add3A_801 = arith.addf %get3A_796, %get3A_800 : vector<16xf32>
      %swap3A_802 = arith.index_cast %scan3A_192 : i32 to index
      %swap3A_803 = arith.constant 688 : index
      %swap3A_804 = tpu.vector_load %arg10[%swap3A_802, %swap3A_803] {strides = array<i32>} : memref<16x1024xf32, #tpu.memory_space<vmem>>, vector<1x16xf32>,
      %swap3A_805 = vector.shape_cast %swap3A_804 : vector<1x16xf32> to vector<16xf32>
      %swap3A_806 = vector.shape_cast %add3A_801 : vector<16xf32> to vector<1x16xf32>
      tpu.vector_store %arg10[%swap3A_802, %swap3A_803], %swap3A_806 {strides = array<i32>} : memref<16x1024xf32, #tpu.memory_space<vmem>>, vector<1x16xf32>,
      %get3A_807 = arith.index_cast %scan3A_192 : i32 to index
      %get3A_808 = arith.constant 704 : index
      %get3A_809 = tpu.vector_load %arg10[%get3A_807, %get3A_808] {strides = array<i32>} : memref<16x1024xf32, #tpu.memory_space<vmem>>, vector<1x16xf32>,
      %get3A_810 = vector.shape_cast %get3A_809 : vector<1x16xf32> to vector<16xf32>
      %get3A_811 = arith.index_cast %scan3A_192 : i32 to index
      %get3A_812 = arith.constant 704 : index
      %get3A_813 = tpu.vector_load %arg6[%get3A_811, %get3A_812] {strides = array<i32>} : memref<16x1024xf32, #tpu.memory_space<vmem>>, vector<1x16xf32>,
      %get3A_814 = vector.shape_cast %get3A_813 : vector<1x16xf32> to vector<16xf32>
      %add3A_815 = arith.addf %get3A_810, %get3A_814 : vector<16xf32>
      %swap3A_816 = arith.index_cast %scan3A_192 : i32 to index
      %swap3A_817 = arith.constant 704 : index
      %swap3A_818 = tpu.vector_load %arg10[%swap3A_816, %swap3A_817] {strides = array<i32>} : memref<16x1024xf32, #tpu.memory_space<vmem>>, vector<1x16xf32>,
      %swap3A_819 = vector.shape_cast %swap3A_818 : vector<1x16xf32> to vector<16xf32>
      %swap3A_820 = vector.shape_cast %add3A_815 : vector<16xf32> to vector<1x16xf32>
      tpu.vector_store %arg10[%swap3A_816, %swap3A_817], %swap3A_820 {strides = array<i32>} : memref<16x1024xf32, #tpu.memory_space<vmem>>, vector<1x16xf32>,
      %get3A_821 = arith.index_cast %scan3A_192 : i32 to index
      %get3A_822 = arith.constant 720 : index
      %get3A_823 = tpu.vector_load %arg10[%get3A_821, %get3A_822] {strides = array<i32>} : memref<16x1024xf32, #tpu.memory_space<vmem>>, vector<1x16xf32>,
      %get3A_824 = vector.shape_cast %get3A_823 : vector<1x16xf32> to vector<16xf32>
      %get3A_825 = arith.index_cast %scan3A_192 : i32 to index
      %get3A_826 = arith.constant 720 : index
      %get3A_827 = tpu.vector_load %arg6[%get3A_825, %get3A_826] {strides = array<i32>} : memref<16x1024xf32, #tpu.memory_space<vmem>>, vector<1x16xf32>,
      %get3A_828 = vector.shape_cast %get3A_827 : vector<1x16xf32> to vector<16xf32>
      %add3A_829 = arith.addf %get3A_824, %get3A_828 : vector<16xf32>
      %swap3A_830 = arith.index_cast %scan3A_192 : i32 to index
      %swap3A_831 = arith.constant 720 : index
      %swap3A_832 = tpu.vector_load %arg10[%swap3A_830, %swap3A_831] {strides = array<i32>} : memref<16x1024xf32, #tpu.memory_space<vmem>>, vector<1x16xf32>,
      %swap3A_833 = vector.shape_cast %swap3A_832 : vector<1x16xf32> to vector<16xf32>
      %swap3A_834 = vector.shape_cast %add3A_829 : vector<16xf32> to vector<1x16xf32>
      tpu.vector_store %arg10[%swap3A_830, %swap3A_831], %swap3A_834 {strides = array<i32>} : memref<16x1024xf32, #tpu.memory_space<vmem>>, vector<1x16xf32>,
      %get3A_835 = arith.index_cast %scan3A_192 : i32 to index
      %get3A_836 = arith.constant 736 : index
      %get3A_837 = tpu.vector_load %arg10[%get3A_835, %get3A_836] {strides = array<i32>} : memref<16x1024xf32, #tpu.memory_space<vmem>>, vector<1x16xf32>,
      %get3A_838 = vector.shape_cast %get3A_837 : vector<1x16xf32> to vector<16xf32>
      %get3A_839 = arith.index_cast %scan3A_192 : i32 to index
      %get3A_840 = arith.constant 736 : index
      %get3A_841 = tpu.vector_load %arg6[%get3A_839, %get3A_840] {strides = array<i32>} : memref<16x1024xf32, #tpu.memory_space<vmem>>, vector<1x16xf32>,
      %get3A_842 = vector.shape_cast %get3A_841 : vector<1x16xf32> to vector<16xf32>
      %add3A_843 = arith.addf %get3A_838, %get3A_842 : vector<16xf32>
      %swap3A_844 = arith.index_cast %scan3A_192 : i32 to index
      %swap3A_845 = arith.constant 736 : index
      %swap3A_846 = tpu.vector_load %arg10[%swap3A_844, %swap3A_845] {strides = array<i32>} : memref<16x1024xf32, #tpu.memory_space<vmem>>, vector<1x16xf32>,
      %swap3A_847 = vector.shape_cast %swap3A_846 : vector<1x16xf32> to vector<16xf32>
      %swap3A_848 = vector.shape_cast %add3A_843 : vector<16xf32> to vector<1x16xf32>
      tpu.vector_store %arg10[%swap3A_844, %swap3A_845], %swap3A_848 {strides = array<i32>} : memref<16x1024xf32, #tpu.memory_space<vmem>>, vector<1x16xf32>,
      %get3A_849 = arith.index_cast %scan3A_192 : i32 to index
      %get3A_850 = arith.constant 752 : index
      %get3A_851 = tpu.vector_load %arg10[%get3A_849, %get3A_850] {strides = array<i32>} : memref<16x1024xf32, #tpu.memory_space<vmem>>, vector<1x16xf32>,
      %get3A_852 = vector.shape_cast %get3A_851 : vector<1x16xf32> to vector<16xf32>
      %get3A_853 = arith.index_cast %scan3A_192 : i32 to index
      %get3A_854 = arith.constant 752 : index
      %get3A_855 = tpu.vector_load %arg6[%get3A_853, %get3A_854] {strides = array<i32>} : memref<16x1024xf32, #tpu.memory_space<vmem>>, vector<1x16xf32>,
      %get3A_856 = vector.shape_cast %get3A_855 : vector<1x16xf32> to vector<16xf32>
      %add3A_857 = arith.addf %get3A_852, %get3A_856 : vector<16xf32>
      %swap3A_858 = arith.index_cast %scan3A_192 : i32 to index
      %swap3A_859 = arith.constant 752 : index
      %swap3A_860 = tpu.vector_load %arg10[%swap3A_858, %swap3A_859] {strides = array<i32>} : memref<16x1024xf32, #tpu.memory_space<vmem>>, vector<1x16xf32>,
      %swap3A_861 = vector.shape_cast %swap3A_860 : vector<1x16xf32> to vector<16xf32>
      %swap3A_862 = vector.shape_cast %add3A_857 : vector<16xf32> to vector<1x16xf32>
      tpu.vector_store %arg10[%swap3A_858, %swap3A_859], %swap3A_862 {strides = array<i32>} : memref<16x1024xf32, #tpu.memory_space<vmem>>, vector<1x16xf32>,
      %get3A_863 = arith.index_cast %scan3A_192 : i32 to index
      %get3A_864 = arith.constant 768 : index
      %get3A_865 = tpu.vector_load %arg10[%get3A_863, %get3A_864] {strides = array<i32>} : memref<16x1024xf32, #tpu.memory_space<vmem>>, vector<1x16xf32>,
      %get3A_866 = vector.shape_cast %get3A_865 : vector<1x16xf32> to vector<16xf32>
      %get3A_867 = arith.index_cast %scan3A_192 : i32 to index
      %get3A_868 = arith.constant 768 : index
      %get3A_869 = tpu.vector_load %arg6[%get3A_867, %get3A_868] {strides = array<i32>} : memref<16x1024xf32, #tpu.memory_space<vmem>>, vector<1x16xf32>,
      %get3A_870 = vector.shape_cast %get3A_869 : vector<1x16xf32> to vector<16xf32>
      %add3A_871 = arith.addf %get3A_866, %get3A_870 : vector<16xf32>
      %swap3A_872 = arith.index_cast %scan3A_192 : i32 to index
      %swap3A_873 = arith.constant 768 : index
      %swap3A_874 = tpu.vector_load %arg10[%swap3A_872, %swap3A_873] {strides = array<i32>} : memref<16x1024xf32, #tpu.memory_space<vmem>>, vector<1x16xf32>,
      %swap3A_875 = vector.shape_cast %swap3A_874 : vector<1x16xf32> to vector<16xf32>
      %swap3A_876 = vector.shape_cast %add3A_871 : vector<16xf32> to vector<1x16xf32>
      tpu.vector_store %arg10[%swap3A_872, %swap3A_873], %swap3A_876 {strides = array<i32>} : memref<16x1024xf32, #tpu.memory_space<vmem>>, vector<1x16xf32>,
      %get3A_877 = arith.index_cast %scan3A_192 : i32 to index
      %get3A_878 = arith.constant 784 : index
      %get3A_879 = tpu.vector_load %arg10[%get3A_877, %get3A_878] {strides = array<i32>} : memref<16x1024xf32, #tpu.memory_space<vmem>>, vector<1x16xf32>,
      %get3A_880 = vector.shape_cast %get3A_879 : vector<1x16xf32> to vector<16xf32>
      %get3A_881 = arith.index_cast %scan3A_192 : i32 to index
      %get3A_882 = arith.constant 784 : index
      %get3A_883 = tpu.vector_load %arg6[%get3A_881, %get3A_882] {strides = array<i32>} : memref<16x1024xf32, #tpu.memory_space<vmem>>, vector<1x16xf32>,
      %get3A_884 = vector.shape_cast %get3A_883 : vector<1x16xf32> to vector<16xf32>
      %add3A_885 = arith.addf %get3A_880, %get3A_884 : vector<16xf32>
      %swap3A_886 = arith.index_cast %scan3A_192 : i32 to index
      %swap3A_887 = arith.constant 784 : index
      %swap3A_888 = tpu.vector_load %arg10[%swap3A_886, %swap3A_887] {strides = array<i32>} : memref<16x1024xf32, #tpu.memory_space<vmem>>, vector<1x16xf32>,
      %swap3A_889 = vector.shape_cast %swap3A_888 : vector<1x16xf32> to vector<16xf32>
      %swap3A_890 = vector.shape_cast %add3A_885 : vector<16xf32> to vector<1x16xf32>
      tpu.vector_store %arg10[%swap3A_886, %swap3A_887], %swap3A_890 {strides = array<i32>} : memref<16x1024xf32, #tpu.memory_space<vmem>>, vector<1x16xf32>,
      %get3A_891 = arith.index_cast %scan3A_192 : i32 to index
      %get3A_892 = arith.constant 800 : index
      %get3A_893 = tpu.vector_load %arg10[%get3A_891, %get3A_892] {strides = array<i32>} : memref<16x1024xf32, #tpu.memory_space<vmem>>, vector<1x16xf32>,
      %get3A_894 = vector.shape_cast %get3A_893 : vector<1x16xf32> to vector<16xf32>
      %get3A_895 = arith.index_cast %scan3A_192 : i32 to index
      %get3A_896 = arith.constant 800 : index
      %get3A_897 = tpu.vector_load %arg6[%get3A_895, %get3A_896] {strides = array<i32>} : memref<16x1024xf32, #tpu.memory_space<vmem>>, vector<1x16xf32>,
      %get3A_898 = vector.shape_cast %get3A_897 : vector<1x16xf32> to vector<16xf32>
      %add3A_899 = arith.addf %get3A_894, %get3A_898 : vector<16xf32>
      %swap3A_900 = arith.index_cast %scan3A_192 : i32 to index
      %swap3A_901 = arith.constant 800 : index
      %swap3A_902 = tpu.vector_load %arg10[%swap3A_900, %swap3A_901] {strides = array<i32>} : memref<16x1024xf32, #tpu.memory_space<vmem>>, vector<1x16xf32>,
      %swap3A_903 = vector.shape_cast %swap3A_902 : vector<1x16xf32> to vector<16xf32>
      %swap3A_904 = vector.shape_cast %add3A_899 : vector<16xf32> to vector<1x16xf32>
      tpu.vector_store %arg10[%swap3A_900, %swap3A_901], %swap3A_904 {strides = array<i32>} : memref<16x1024xf32, #tpu.memory_space<vmem>>, vector<1x16xf32>,
      %get3A_905 = arith.index_cast %scan3A_192 : i32 to index
      %get3A_906 = arith.constant 816 : index
      %get3A_907 = tpu.vector_load %arg10[%get3A_905, %get3A_906] {strides = array<i32>} : memref<16x1024xf32, #tpu.memory_space<vmem>>, vector<1x16xf32>,
      %get3A_908 = vector.shape_cast %get3A_907 : vector<1x16xf32> to vector<16xf32>
      %get3A_909 = arith.index_cast %scan3A_192 : i32 to index
      %get3A_910 = arith.constant 816 : index
      %get3A_911 = tpu.vector_load %arg6[%get3A_909, %get3A_910] {strides = array<i32>} : memref<16x1024xf32, #tpu.memory_space<vmem>>, vector<1x16xf32>,
      %get3A_912 = vector.shape_cast %get3A_911 : vector<1x16xf32> to vector<16xf32>
      %add3A_913 = arith.addf %get3A_908, %get3A_912 : vector<16xf32>
      %swap3A_914 = arith.index_cast %scan3A_192 : i32 to index
      %swap3A_915 = arith.constant 816 : index
      %swap3A_916 = tpu.vector_load %arg10[%swap3A_914, %swap3A_915] {strides = array<i32>} : memref<16x1024xf32, #tpu.memory_space<vmem>>, vector<1x16xf32>,
      %swap3A_917 = vector.shape_cast %swap3A_916 : vector<1x16xf32> to vector<16xf32>
      %swap3A_918 = vector.shape_cast %add3A_913 : vector<16xf32> to vector<1x16xf32>
      tpu.vector_store %arg10[%swap3A_914, %swap3A_915], %swap3A_918 {strides = array<i32>} : memref<16x1024xf32, #tpu.memory_space<vmem>>, vector<1x16xf32>,
      %get3A_919 = arith.index_cast %scan3A_192 : i32 to index
      %get3A_920 = arith.constant 832 : index
      %get3A_921 = tpu.vector_load %arg10[%get3A_919, %get3A_920] {strides = array<i32>} : memref<16x1024xf32, #tpu.memory_space<vmem>>, vector<1x16xf32>,
      %get3A_922 = vector.shape_cast %get3A_921 : vector<1x16xf32> to vector<16xf32>
      %get3A_923 = arith.index_cast %scan3A_192 : i32 to index
      %get3A_924 = arith.constant 832 : index
      %get3A_925 = tpu.vector_load %arg6[%get3A_923, %get3A_924] {strides = array<i32>} : memref<16x1024xf32, #tpu.memory_space<vmem>>, vector<1x16xf32>,
      %get3A_926 = vector.shape_cast %get3A_925 : vector<1x16xf32> to vector<16xf32>
      %add3A_927 = arith.addf %get3A_922, %get3A_926 : vector<16xf32>
      %swap3A_928 = arith.index_cast %scan3A_192 : i32 to index
      %swap3A_929 = arith.constant 832 : index
      %swap3A_930 = tpu.vector_load %arg10[%swap3A_928, %swap3A_929] {strides = array<i32>} : memref<16x1024xf32, #tpu.memory_space<vmem>>, vector<1x16xf32>,
      %swap3A_931 = vector.shape_cast %swap3A_930 : vector<1x16xf32> to vector<16xf32>
      %swap3A_932 = vector.shape_cast %add3A_927 : vector<16xf32> to vector<1x16xf32>
      tpu.vector_store %arg10[%swap3A_928, %swap3A_929], %swap3A_932 {strides = array<i32>} : memref<16x1024xf32, #tpu.memory_space<vmem>>, vector<1x16xf32>,
      %get3A_933 = arith.index_cast %scan3A_192 : i32 to index
      %get3A_934 = arith.constant 848 : index
      %get3A_935 = tpu.vector_load %arg10[%get3A_933, %get3A_934] {strides = array<i32>} : memref<16x1024xf32, #tpu.memory_space<vmem>>, vector<1x16xf32>,
      %get3A_936 = vector.shape_cast %get3A_935 : vector<1x16xf32> to vector<16xf32>
      %get3A_937 = arith.index_cast %scan3A_192 : i32 to index
      %get3A_938 = arith.constant 848 : index
      %get3A_939 = tpu.vector_load %arg6[%get3A_937, %get3A_938] {strides = array<i32>} : memref<16x1024xf32, #tpu.memory_space<vmem>>, vector<1x16xf32>,
      %get3A_940 = vector.shape_cast %get3A_939 : vector<1x16xf32> to vector<16xf32>
      %add3A_941 = arith.addf %get3A_936, %get3A_940 : vector<16xf32>
      %swap3A_942 = arith.index_cast %scan3A_192 : i32 to index
      %swap3A_943 = arith.constant 848 : index
      %swap3A_944 = tpu.vector_load %arg10[%swap3A_942, %swap3A_943] {strides = array<i32>} : memref<16x1024xf32, #tpu.memory_space<vmem>>, vector<1x16xf32>,
      %swap3A_945 = vector.shape_cast %swap3A_944 : vector<1x16xf32> to vector<16xf32>
      %swap3A_946 = vector.shape_cast %add3A_941 : vector<16xf32> to vector<1x16xf32>
      tpu.vector_store %arg10[%swap3A_942, %swap3A_943], %swap3A_946 {strides = array<i32>} : memref<16x1024xf32, #tpu.memory_space<vmem>>, vector<1x16xf32>,
      %get3A_947 = arith.index_cast %scan3A_192 : i32 to index
      %get3A_948 = arith.constant 864 : index
      %get3A_949 = tpu.vector_load %arg10[%get3A_947, %get3A_948] {strides = array<i32>} : memref<16x1024xf32, #tpu.memory_space<vmem>>, vector<1x16xf32>,
      %get3A_950 = vector.shape_cast %get3A_949 : vector<1x16xf32> to vector<16xf32>
      %get3A_951 = arith.index_cast %scan3A_192 : i32 to index
      %get3A_952 = arith.constant 864 : index
      %get3A_953 = tpu.vector_load %arg6[%get3A_951, %get3A_952] {strides = array<i32>} : memref<16x1024xf32, #tpu.memory_space<vmem>>, vector<1x16xf32>,
      %get3A_954 = vector.shape_cast %get3A_953 : vector<1x16xf32> to vector<16xf32>
      %add3A_955 = arith.addf %get3A_950, %get3A_954 : vector<16xf32>
      %swap3A_956 = arith.index_cast %scan3A_192 : i32 to index
      %swap3A_957 = arith.constant 864 : index
      %swap3A_958 = tpu.vector_load %arg10[%swap3A_956, %swap3A_957] {strides = array<i32>} : memref<16x1024xf32, #tpu.memory_space<vmem>>, vector<1x16xf32>,
      %swap3A_959 = vector.shape_cast %swap3A_958 : vector<1x16xf32> to vector<16xf32>
      %swap3A_960 = vector.shape_cast %add3A_955 : vector<16xf32> to vector<1x16xf32>
      tpu.vector_store %arg10[%swap3A_956, %swap3A_957], %swap3A_960 {strides = array<i32>} : memref<16x1024xf32, #tpu.memory_space<vmem>>, vector<1x16xf32>,
      %get3A_961 = arith.index_cast %scan3A_192 : i32 to index
      %get3A_962 = arith.constant 880 : index
      %get3A_963 = tpu.vector_load %arg10[%get3A_961, %get3A_962] {strides = array<i32>} : memref<16x1024xf32, #tpu.memory_space<vmem>>, vector<1x16xf32>,
      %get3A_964 = vector.shape_cast %get3A_963 : vector<1x16xf32> to vector<16xf32>
      %get3A_965 = arith.index_cast %scan3A_192 : i32 to index
      %get3A_966 = arith.constant 880 : index
      %get3A_967 = tpu.vector_load %arg6[%get3A_965, %get3A_966] {strides = array<i32>} : memref<16x1024xf32, #tpu.memory_space<vmem>>, vector<1x16xf32>,
      %get3A_968 = vector.shape_cast %get3A_967 : vector<1x16xf32> to vector<16xf32>
      %add3A_969 = arith.addf %get3A_964, %get3A_968 : vector<16xf32>
      %swap3A_970 = arith.index_cast %scan3A_192 : i32 to index
      %swap3A_971 = arith.constant 880 : index
      %swap3A_972 = tpu.vector_load %arg10[%swap3A_970, %swap3A_971] {strides = array<i32>} : memref<16x1024xf32, #tpu.memory_space<vmem>>, vector<1x16xf32>,
      %swap3A_973 = vector.shape_cast %swap3A_972 : vector<1x16xf32> to vector<16xf32>
      %swap3A_974 = vector.shape_cast %add3A_969 : vector<16xf32> to vector<1x16xf32>
      tpu.vector_store %arg10[%swap3A_970, %swap3A_971], %swap3A_974 {strides = array<i32>} : memref<16x1024xf32, #tpu.memory_space<vmem>>, vector<1x16xf32>,
      %get3A_975 = arith.index_cast %scan3A_192 : i32 to index
      %get3A_976 = arith.constant 896 : index
      %get3A_977 = tpu.vector_load %arg10[%get3A_975, %get3A_976] {strides = array<i32>} : memref<16x1024xf32, #tpu.memory_space<vmem>>, vector<1x16xf32>,
      %get3A_978 = vector.shape_cast %get3A_977 : vector<1x16xf32> to vector<16xf32>
      %get3A_979 = arith.index_cast %scan3A_192 : i32 to index
      %get3A_980 = arith.constant 896 : index
      %get3A_981 = tpu.vector_load %arg6[%get3A_979, %get3A_980] {strides = array<i32>} : memref<16x1024xf32, #tpu.memory_space<vmem>>, vector<1x16xf32>,
      %get3A_982 = vector.shape_cast %get3A_981 : vector<1x16xf32> to vector<16xf32>
      %add3A_983 = arith.addf %get3A_978, %get3A_982 : vector<16xf32>
      %swap3A_984 = arith.index_cast %scan3A_192 : i32 to index
      %swap3A_985 = arith.constant 896 : index
      %swap3A_986 = tpu.vector_load %arg10[%swap3A_984, %swap3A_985] {strides = array<i32>} : memref<16x1024xf32, #tpu.memory_space<vmem>>, vector<1x16xf32>,
      %swap3A_987 = vector.shape_cast %swap3A_986 : vector<1x16xf32> to vector<16xf32>
      %swap3A_988 = vector.shape_cast %add3A_983 : vector<16xf32> to vector<1x16xf32>
      tpu.vector_store %arg10[%swap3A_984, %swap3A_985], %swap3A_988 {strides = array<i32>} : memref<16x1024xf32, #tpu.memory_space<vmem>>, vector<1x16xf32>,
      %get3A_989 = arith.index_cast %scan3A_192 : i32 to index
      %get3A_990 = arith.constant 912 : index
      %get3A_991 = tpu.vector_load %arg10[%get3A_989, %get3A_990] {strides = array<i32>} : memref<16x1024xf32, #tpu.memory_space<vmem>>, vector<1x16xf32>,
      %get3A_992 = vector.shape_cast %get3A_991 : vector<1x16xf32> to vector<16xf32>
      %get3A_993 = arith.index_cast %scan3A_192 : i32 to index
      %get3A_994 = arith.constant 912 : index
      %get3A_995 = tpu.vector_load %arg6[%get3A_993, %get3A_994] {strides = array<i32>} : memref<16x1024xf32, #tpu.memory_space<vmem>>, vector<1x16xf32>,
      %get3A_996 = vector.shape_cast %get3A_995 : vector<1x16xf32> to vector<16xf32>
      %add3A_997 = arith.addf %get3A_992, %get3A_996 : vector<16xf32>
      %swap3A_998 = arith.index_cast %scan3A_192 : i32 to index
      %swap3A_999 = arith.constant 912 : index
      %swap3A_1000 = tpu.vector_load %arg10[%swap3A_998, %swap3A_999] {strides = array<i32>} : memref<16x1024xf32, #tpu.memory_space<vmem>>, vector<1x16xf32>,
      %swap3A_1001 = vector.shape_cast %swap3A_1000 : vector<1x16xf32> to vector<16xf32>
      %swap3A_1002 = vector.shape_cast %add3A_997 : vector<16xf32> to vector<1x16xf32>
      tpu.vector_store %arg10[%swap3A_998, %swap3A_999], %swap3A_1002 {strides = array<i32>} : memref<16x1024xf32, #tpu.memory_space<vmem>>, vector<1x16xf32>,
      %get3A_1003 = arith.index_cast %scan3A_192 : i32 to index
      %get3A_1004 = arith.constant 928 : index
      %get3A_1005 = tpu.vector_load %arg10[%get3A_1003, %get3A_1004] {strides = array<i32>} : memref<16x1024xf32, #tpu.memory_space<vmem>>, vector<1x16xf32>,
      %get3A_1006 = vector.shape_cast %get3A_1005 : vector<1x16xf32> to vector<16xf32>
      %get3A_1007 = arith.index_cast %scan3A_192 : i32 to index
      %get3A_1008 = arith.constant 928 : index
      %get3A_1009 = tpu.vector_load %arg6[%get3A_1007, %get3A_1008] {strides = array<i32>} : memref<16x1024xf32, #tpu.memory_space<vmem>>, vector<1x16xf32>,
      %get3A_1010 = vector.shape_cast %get3A_1009 : vector<1x16xf32> to vector<16xf32>
      %add3A_1011 = arith.addf %get3A_1006, %get3A_1010 : vector<16xf32>
      %swap3A_1012 = arith.index_cast %scan3A_192 : i32 to index
      %swap3A_1013 = arith.constant 928 : index
      %swap3A_1014 = tpu.vector_load %arg10[%swap3A_1012, %swap3A_1013] {strides = array<i32>} : memref<16x1024xf32, #tpu.memory_space<vmem>>, vector<1x16xf32>,
      %swap3A_1015 = vector.shape_cast %swap3A_1014 : vector<1x16xf32> to vector<16xf32>
      %swap3A_1016 = vector.shape_cast %add3A_1011 : vector<16xf32> to vector<1x16xf32>
      tpu.vector_store %arg10[%swap3A_1012, %swap3A_1013], %swap3A_1016 {strides = array<i32>} : memref<16x1024xf32, #tpu.memory_space<vmem>>, vector<1x16xf32>,
      %get3A_1017 = arith.index_cast %scan3A_192 : i32 to index
      %get3A_1018 = arith.constant 944 : index
      %get3A_1019 = tpu.vector_load %arg10[%get3A_1017, %get3A_1018] {strides = array<i32>} : memref<16x1024xf32, #tpu.memory_space<vmem>>, vector<1x16xf32>,
      %get3A_1020 = vector.shape_cast %get3A_1019 : vector<1x16xf32> to vector<16xf32>
      %get3A_1021 = arith.index_cast %scan3A_192 : i32 to index
      %get3A_1022 = arith.constant 944 : index
      %get3A_1023 = tpu.vector_load %arg6[%get3A_1021, %get3A_1022] {strides = array<i32>} : memref<16x1024xf32, #tpu.memory_space<vmem>>, vector<1x16xf32>,
      %get3A_1024 = vector.shape_cast %get3A_1023 : vector<1x16xf32> to vector<16xf32>
      %add3A_1025 = arith.addf %get3A_1020, %get3A_1024 : vector<16xf32>
      %swap3A_1026 = arith.index_cast %scan3A_192 : i32 to index
      %swap3A_1027 = arith.constant 944 : index
      %swap3A_1028 = tpu.vector_load %arg10[%swap3A_1026, %swap3A_1027] {strides = array<i32>} : memref<16x1024xf32, #tpu.memory_space<vmem>>, vector<1x16xf32>,
      %swap3A_1029 = vector.shape_cast %swap3A_1028 : vector<1x16xf32> to vector<16xf32>
      %swap3A_1030 = vector.shape_cast %add3A_1025 : vector<16xf32> to vector<1x16xf32>
      tpu.vector_store %arg10[%swap3A_1026, %swap3A_1027], %swap3A_1030 {strides = array<i32>} : memref<16x1024xf32, #tpu.memory_space<vmem>>, vector<1x16xf32>,
      %get3A_1031 = arith.index_cast %scan3A_192 : i32 to index
      %get3A_1032 = arith.constant 960 : index
      %get3A_1033 = tpu.vector_load %arg10[%get3A_1031, %get3A_1032] {strides = array<i32>} : memref<16x1024xf32, #tpu.memory_space<vmem>>, vector<1x16xf32>,
      %get3A_1034 = vector.shape_cast %get3A_1033 : vector<1x16xf32> to vector<16xf32>
      %get3A_1035 = arith.index_cast %scan3A_192 : i32 to index
      %get3A_1036 = arith.constant 960 : index
      %get3A_1037 = tpu.vector_load %arg6[%get3A_1035, %get3A_1036] {strides = array<i32>} : memref<16x1024xf32, #tpu.memory_space<vmem>>, vector<1x16xf32>,
      %get3A_1038 = vector.shape_cast %get3A_1037 : vector<1x16xf32> to vector<16xf32>
      %add3A_1039 = arith.addf %get3A_1034, %get3A_1038 : vector<16xf32>
      %swap3A_1040 = arith.index_cast %scan3A_192 : i32 to index
      %swap3A_1041 = arith.constant 960 : index
      %swap3A_1042 = tpu.vector_load %arg10[%swap3A_1040, %swap3A_1041] {strides = array<i32>} : memref<16x1024xf32, #tpu.memory_space<vmem>>, vector<1x16xf32>,
      %swap3A_1043 = vector.shape_cast %swap3A_1042 : vector<1x16xf32> to vector<16xf32>
      %swap3A_1044 = vector.shape_cast %add3A_1039 : vector<16xf32> to vector<1x16xf32>
      tpu.vector_store %arg10[%swap3A_1040, %swap3A_1041], %swap3A_1044 {strides = array<i32>} : memref<16x1024xf32, #tpu.memory_space<vmem>>, vector<1x16xf32>,
      %get3A_1045 = arith.index_cast %scan3A_192 : i32 to index
      %get3A_1046 = arith.constant 976 : index
      %get3A_1047 = tpu.vector_load %arg10[%get3A_1045, %get3A_1046] {strides = array<i32>} : memref<16x1024xf32, #tpu.memory_space<vmem>>, vector<1x16xf32>,
      %get3A_1048 = vector.shape_cast %get3A_1047 : vector<1x16xf32> to vector<16xf32>
      %get3A_1049 = arith.index_cast %scan3A_192 : i32 to index
      %get3A_1050 = arith.constant 976 : index
      %get3A_1051 = tpu.vector_load %arg6[%get3A_1049, %get3A_1050] {strides = array<i32>} : memref<16x1024xf32, #tpu.memory_space<vmem>>, vector<1x16xf32>,
      %get3A_1052 = vector.shape_cast %get3A_1051 : vector<1x16xf32> to vector<16xf32>
      %add3A_1053 = arith.addf %get3A_1048, %get3A_1052 : vector<16xf32>
      %swap3A_1054 = arith.index_cast %scan3A_192 : i32 to index
      %swap3A_1055 = arith.constant 976 : index
      %swap3A_1056 = tpu.vector_load %arg10[%swap3A_1054, %swap3A_1055] {strides = array<i32>} : memref<16x1024xf32, #tpu.memory_space<vmem>>, vector<1x16xf32>,
      %swap3A_1057 = vector.shape_cast %swap3A_1056 : vector<1x16xf32> to vector<16xf32>
      %swap3A_1058 = vector.shape_cast %add3A_1053 : vector<16xf32> to vector<1x16xf32>
      tpu.vector_store %arg10[%swap3A_1054, %swap3A_1055], %swap3A_1058 {strides = array<i32>} : memref<16x1024xf32, #tpu.memory_space<vmem>>, vector<1x16xf32>,
      %get3A_1059 = arith.index_cast %scan3A_192 : i32 to index
      %get3A_1060 = arith.constant 992 : index
      %get3A_1061 = tpu.vector_load %arg10[%get3A_1059, %get3A_1060] {strides = array<i32>} : memref<16x1024xf32, #tpu.memory_space<vmem>>, vector<1x16xf32>,
      %get3A_1062 = vector.shape_cast %get3A_1061 : vector<1x16xf32> to vector<16xf32>
      %get3A_1063 = arith.index_cast %scan3A_192 : i32 to index
      %get3A_1064 = arith.constant 992 : index
      %get3A_1065 = tpu.vector_load %arg6[%get3A_1063, %get3A_1064] {strides = array<i32>} : memref<16x1024xf32, #tpu.memory_space<vmem>>, vector<1x16xf32>,
      %get3A_1066 = vector.shape_cast %get3A_1065 : vector<1x16xf32> to vector<16xf32>
      %add3A_1067 = arith.addf %get3A_1062, %get3A_1066 : vector<16xf32>
      %swap3A_1068 = arith.index_cast %scan3A_192 : i32 to index
      %swap3A_1069 = arith.constant 992 : index
      %swap3A_1070 = tpu.vector_load %arg10[%swap3A_1068, %swap3A_1069] {strides = array<i32>} : memref<16x1024xf32, #tpu.memory_space<vmem>>, vector<1x16xf32>,
      %swap3A_1071 = vector.shape_cast %swap3A_1070 : vector<1x16xf32> to vector<16xf32>
      %swap3A_1072 = vector.shape_cast %add3A_1067 : vector<16xf32> to vector<1x16xf32>
      tpu.vector_store %arg10[%swap3A_1068, %swap3A_1069], %swap3A_1072 {strides = array<i32>} : memref<16x1024xf32, #tpu.memory_space<vmem>>, vector<1x16xf32>,
      %get3A_1073 = arith.index_cast %scan3A_192 : i32 to index
      %get3A_1074 = arith.constant 1008 : index
      %get3A_1075 = tpu.vector_load %arg10[%get3A_1073, %get3A_1074] {strides = array<i32>} : memref<16x1024xf32, #tpu.memory_space<vmem>>, vector<1x16xf32>,
      %get3A_1076 = vector.shape_cast %get3A_1075 : vector<1x16xf32> to vector<16xf32>
      %get3A_1077 = arith.index_cast %scan3A_192 : i32 to index
      %get3A_1078 = arith.constant 1008 : index
      %get3A_1079 = tpu.vector_load %arg6[%get3A_1077, %get3A_1078] {strides = array<i32>} : memref<16x1024xf32, #tpu.memory_space<vmem>>, vector<1x16xf32>,
      %get3A_1080 = vector.shape_cast %get3A_1079 : vector<1x16xf32> to vector<16xf32>
      %add3A_1081 = arith.addf %get3A_1076, %get3A_1080 : vector<16xf32>
      %swap3A_1082 = arith.index_cast %scan3A_192 : i32 to index
      %swap3A_1083 = arith.constant 1008 : index
      %swap3A_1084 = tpu.vector_load %arg10[%swap3A_1082, %swap3A_1083] {strides = array<i32>} : memref<16x1024xf32, #tpu.memory_space<vmem>>, vector<1x16xf32>,
      %swap3A_1085 = vector.shape_cast %swap3A_1084 : vector<1x16xf32> to vector<16xf32>
      %swap3A_1086 = vector.shape_cast %add3A_1081 : vector<16xf32> to vector<1x16xf32>
      tpu.vector_store %arg10[%swap3A_1082, %swap3A_1083], %swap3A_1086 {strides = array<i32>} : memref<16x1024xf32, #tpu.memory_space<vmem>>, vector<1x16xf32>,
    }
    %scan3A_154 = arith.constant 16 : i32
    %add3A_155 = arith.constant 48 : i32
    %add3A_156 = arith.addi %mul3A_2, %add3A_155 : i32
    %dma_start3A_157 = arith.constant 0 : i32
    %dma_start3A_158 = arith.constant 0 : i32
    %dma_start3A_159 = tpu.memref_slice %arg4[%dma_start3A_157, %add3A_156, %dma_start3A_158] : memref<1x2048x1024xf32, #tpu.memory_space<hbm>> -> memref<1x16x1024xf32, #tpu.memory_space<hbm>>
    %dma_start3A_160 = tpu.memref_squeeze %dma_start3A_159 : memref<1x16x1024xf32, #tpu.memory_space<hbm>> -> memref<16x1024xf32, #tpu.memory_space<hbm>>
    %dma_start3A_161 = arith.constant 0 : i32
    %dma_start3A_162 = tpu.memref_slice %arg4[%dma_start3A_157, %add3A_156, %dma_start3A_161] : memref<1x2048x1024xf32, #tpu.memory_space<hbm>> -> memref<1x16x1024xf32, #tpu.memory_space<hbm>>
    %dma_start3A_163 = tpu.memref_squeeze %dma_start3A_162 : memref<1x16x1024xf32, #tpu.memory_space<hbm>> -> memref<16x1024xf32, #tpu.memory_space<hbm>>
    tpu.enqueue_dma source(%arg10 : memref<16x1024xf32, #tpu.memory_space<vmem>>) target(%dma_start3A_163 : memref<16x1024xf32, #tpu.memory_space<hbm>>) target_semaphore(%arg20 : memref<!tpu.dma_semaphore, #tpu.memory_space<semaphore_mem>>)
    %dma_wait3A_164 = arith.constant 0 : i32
    %dma_wait3A_165 = arith.constant 0 : i32
    %dma_wait3A_166 = tpu.memref_slice %arg4[%dma_wait3A_164, %add3A_57, %dma_wait3A_165] : memref<1x2048x1024xf32, #tpu.memory_space<hbm>> -> memref<1x16x1024xf32, #tpu.memory_space<hbm>>
    %dma_wait3A_167 = tpu.memref_squeeze %dma_wait3A_166 : memref<1x16x1024xf32, #tpu.memory_space<hbm>> -> memref<16x1024xf32, #tpu.memory_space<hbm>>
    %dma_wait3A_168 = arith.constant 0 : i32
    %dma_wait3A_169 = tpu.memref_slice %arg4[%dma_wait3A_164, %add3A_57, %dma_wait3A_168] : memref<1x2048x1024xf32, #tpu.memory_space<hbm>> -> memref<1x16x1024xf32, #tpu.memory_space<hbm>>
    %dma_wait3A_170 = tpu.memref_squeeze %dma_wait3A_169 : memref<1x16x1024xf32, #tpu.memory_space<hbm>> -> memref<16x1024xf32, #tpu.memory_space<hbm>>
    tpu.wait_dma2 semaphore(%arg17 : memref<!tpu.dma_semaphore, #tpu.memory_space<semaphore_mem>>) src(%arg7 : memref<16x1024xf32, #tpu.memory_space<vmem>>) dst(%dma_wait3A_170 : memref<16x1024xf32, #tpu.memory_space<hbm>>)
    %dma_wait3A_171 = arith.constant 0 : i32
    %dma_wait3A_172 = arith.constant 0 : i32
    %dma_wait3A_173 = tpu.memref_slice %arg4[%dma_wait3A_171, %add3A_98, %dma_wait3A_172] : memref<1x2048x1024xf32, #tpu.memory_space<hbm>> -> memref<1x16x1024xf32, #tpu.memory_space<hbm>>
    %dma_wait3A_174 = tpu.memref_squeeze %dma_wait3A_173 : memref<1x16x1024xf32, #tpu.memory_space<hbm>> -> memref<16x1024xf32, #tpu.memory_space<hbm>>
    %dma_wait3A_175 = arith.constant 0 : i32
    %dma_wait3A_176 = tpu.memref_slice %arg4[%dma_wait3A_171, %add3A_98, %dma_wait3A_175] : memref<1x2048x1024xf32, #tpu.memory_space<hbm>> -> memref<1x16x1024xf32, #tpu.memory_space<hbm>>
    %dma_wait3A_177 = tpu.memref_squeeze %dma_wait3A_176 : memref<1x16x1024xf32, #tpu.memory_space<hbm>> -> memref<16x1024xf32, #tpu.memory_space<hbm>>
    tpu.wait_dma2 semaphore(%arg18 : memref<!tpu.dma_semaphore, #tpu.memory_space<semaphore_mem>>) src(%arg8 : memref<16x1024xf32, #tpu.memory_space<vmem>>) dst(%dma_wait3A_177 : memref<16x1024xf32, #tpu.memory_space<hbm>>)
    %dma_wait3A_178 = arith.constant 0 : i32
    %dma_wait3A_179 = arith.constant 0 : i32
    %dma_wait3A_180 = tpu.memref_slice %arg4[%dma_wait3A_178, %add3A_130, %dma_wait3A_179] : memref<1x2048x1024xf32, #tpu.memory_space<hbm>> -> memref<1x16x1024xf32, #tpu.memory_space<hbm>>
    %dma_wait3A_181 = tpu.memref_squeeze %dma_wait3A_180 : memref<1x16x1024xf32, #tpu.memory_space<hbm>> -> memref<16x1024xf32, #tpu.memory_space<hbm>>
    %dma_wait3A_182 = arith.constant 0 : i32
    %dma_wait3A_183 = tpu.memref_slice %arg4[%dma_wait3A_178, %add3A_130, %dma_wait3A_182] : memref<1x2048x1024xf32, #tpu.memory_space<hbm>> -> memref<1x16x1024xf32, #tpu.memory_space<hbm>>
    %dma_wait3A_184 = tpu.memref_squeeze %dma_wait3A_183 : memref<1x16x1024xf32, #tpu.memory_space<hbm>> -> memref<16x1024xf32, #tpu.memory_space<hbm>>
    tpu.wait_dma2 semaphore(%arg19 : memref<!tpu.dma_semaphore, #tpu.memory_space<semaphore_mem>>) src(%arg9 : memref<16x1024xf32, #tpu.memory_space<vmem>>) dst(%dma_wait3A_184 : memref<16x1024xf32, #tpu.memory_space<hbm>>)
    %dma_wait3A_185 = arith.constant 0 : i32
    %dma_wait3A_186 = arith.constant 0 : i32
    %dma_wait3A_187 = tpu.memref_slice %arg4[%dma_wait3A_185, %add3A_156, %dma_wait3A_186] : memref<1x2048x1024xf32, #tpu.memory_space<hbm>> -> memref<1x16x1024xf32, #tpu.memory_space<hbm>>
    %dma_wait3A_188 = tpu.memref_squeeze %dma_wait3A_187 : memref<1x16x1024xf32, #tpu.memory_space<hbm>> -> memref<16x1024xf32, #tpu.memory_space<hbm>>
    %dma_wait3A_189 = arith.constant 0 : i32
    %dma_wait3A_190 = tpu.memref_slice %arg4[%dma_wait3A_185, %add3A_156, %dma_wait3A_189] : memref<1x2048x1024xf32, #tpu.memory_space<hbm>> -> memref<1x16x1024xf32, #tpu.memory_space<hbm>>
    %dma_wait3A_191 = tpu.memref_squeeze %dma_wait3A_190 : memref<1x16x1024xf32, #tpu.memory_space<hbm>> -> memref<16x1024xf32, #tpu.memory_space<hbm>>
    tpu.wait_dma2 semaphore(%arg20 : memref<!tpu.dma_semaphore, #tpu.memory_space<semaphore_mem>>) src(%arg10 : memref<16x1024xf32, #tpu.memory_space<vmem>>) dst(%dma_wait3A_191 : memref<16x1024xf32, #tpu.memory_space<hbm>>)
    return
  }
}

module attributes {stable_mosaic.version = 14 : i64} {
  func.func @_tc_add_body(%arg0: i32, %arg1: i32, %arg2: memref<1x2048x1024xf32, #tpu.memory_space<vmem>>, %arg3: memref<2048x1024xf32, #tpu.memory_space<vmem>>, %arg4: memref<1x2048x1024xf32, #tpu.memory_space<vmem>>) attributes {dimension_semantics = [#tpu.dimension_semantics<arbitrary>, #tpu.dimension_semantics<arbitrary>], iteration_bounds = array<i64: 1, 3>, scalar_prefetch = 0 : i64, scratch_operands = 0 : i64, tpu.core_type = #tpu.core_type<tc>, window_params = [{transform_indices = @transform_0, window_bounds = array<i64: 1, 2048, 1024>}, {transform_indices = @transform_1, window_bounds = array<i64: 2048, 1024>}, {transform_indices = @transform_2, window_bounds = array<i64: 1, 2048, 1024>}]} {
    %get3A = arith.constant 0 : index
    %get3A_0 = arith.constant 0 : index
    %get3A_1 = arith.constant 0 : index
    %get3A_2 = vector.load %arg2[%get3A, %get3A_0, %get3A_1] : memref<1x2048x1024xf32, #tpu.memory_space<vmem>>, vector<1x2048x1024xf32>
    %get3A_3 = arith.constant 0 : index
    %get3A_4 = arith.constant 0 : index
    %get3A_5 = vector.load %arg3[%get3A_3, %get3A_4] : memref<2048x1024xf32, #tpu.memory_space<vmem>>, vector<2048x1024xf32>
    %broadcast_in_dim3A = vector.shape_cast %get3A_5 : vector<2048x1024xf32> to vector<1x2048x1024xf32>
    %add3A = arith.addf %get3A_2, %broadcast_in_dim3A : vector<1x2048x1024xf32>
    %swap3A = arith.constant 0 : index
    %swap3A_6 = arith.constant 0 : index
    %swap3A_7 = arith.constant 0 : index
    %swap3A_8 = vector.load %arg4[%swap3A, %swap3A_6, %swap3A_7] : memref<1x2048x1024xf32, #tpu.memory_space<vmem>>, vector<1x2048x1024xf32>
    tpu.vector_store %arg4[%swap3A, %swap3A_6, %swap3A_7], %add3A {strides = array<i32>} : memref<1x2048x1024xf32, #tpu.memory_space<vmem>>, vector<1x2048x1024xf32>,
    return
  }
  func.func @transform_0(%arg0: i32, %arg1: i32) -> (i32, i32, i32) {
    %add3A = arith.constant 1 : i32
    %add3A_0 = arith.addi %arg1, %add3A : i32
    %c0_i32 = arith.constant 0 : i32
    %c0_i32_1 = arith.constant 0 : i32
    return %add3A_0, %arg0, %c0_i32 : i32, i32, i32
  }
  func.func @transform_1(%arg0: i32, %arg1: i32) -> (i32, i32) {
    %c0_i32 = arith.constant 0 : i32
    %c0_i32_0 = arith.constant 0 : i32
    return %arg0, %c0_i32 : i32, i32
  }
  func.func @transform_2(%arg0: i32, %arg1: i32) -> (i32, i32, i32) {
    %add3A = arith.constant 1 : i32
    %add3A_0 = arith.addi %arg1, %add3A : i32
    %c0_i32 = arith.constant 0 : i32
    %c0_i32_1 = arith.constant 0 : i32
    return %add3A_0, %arg0, %c0_i32 : i32, i32, i32
  }
}

module attributes {stable_mosaic.version = 14 : i64} {
  func.func @_merge_body(%arg0: i32, %arg1: memref<1x2048x1024xf32, #tpu.memory_space<vmem>>, %arg2: memref<4x2048x1024xf32, #tpu.memory_space<any>>, %arg3: memref<1x2048x1024xf32, #tpu.memory_space<vmem>>) attributes {dimension_semantics = [#tpu.dimension_semantics<arbitrary>], iteration_bounds = array<i64: 1>, scalar_prefetch = 0 : i64, scratch_operands = 0 : i64, tpu.core_type = #tpu.core_type<tc>, window_params = [{transform_indices = @transform_0, window_bounds = array<i64: 1, 2048, 1024>}, {}, {transform_indices = @transform_2, window_bounds = array<i64: 1, 2048, 1024>}]} {
    %get3A = arith.constant 0 : index
    %get3A_0 = arith.constant 0 : index
    %get3A_1 = arith.constant 0 : index
    %get3A_2 = vector.load %arg1[%get3A, %get3A_0, %get3A_1] : memref<1x2048x1024xf32, #tpu.memory_space<vmem>>, vector<1x2048x1024xf32>
    %swap3A = arith.constant 0 : index
    %swap3A_3 = arith.constant 0 : index
    %swap3A_4 = arith.constant 0 : index
    %swap3A_5 = vector.load %arg3[%swap3A, %swap3A_3, %swap3A_4] : memref<1x2048x1024xf32, #tpu.memory_space<vmem>>, vector<1x2048x1024xf32>
    tpu.vector_store %arg3[%swap3A, %swap3A_3, %swap3A_4], %get3A_2 {strides = array<i32>} : memref<1x2048x1024xf32, #tpu.memory_space<vmem>>, vector<1x2048x1024xf32>,
    return
  }
  func.func @transform_0(%arg0: i32) -> (i32, i32, i32) {
    %c0_i32 = arith.constant 0 : i32
    %c0_i32_0 = arith.constant 0 : i32
    %c0_i32_1 = arith.constant 0 : i32
    return %c0_i32, %arg0, %c0_i32_0 : i32, i32, i32
  }
  func.func @transform_2(%arg0: i32) -> (i32, i32, i32) {
    %c0_i32 = arith.constant 0 : i32
    %c0_i32_0 = arith.constant 0 : i32
    %c0_i32_1 = arith.constant 0 : i32
    return %c0_i32, %arg0, %c0_i32_0 : i32, i32, i32
  }
}

</mosaic_0001>

<sc_bundles>
// kernel: kernel.5.cloned.1.call-start
scs
__scs_entry_jumppad:
0x0: {  	(pc) =	sbr.rel $0x88, $3  }
0x1: {  	(tag) =	ssettag $0x0;
	lr =	simm.s32 $0x1  }
0x2: {  	[smem:$0x3F9F] =	sst lr;
	_ =	strace $0xD0000000  }
0x3: {  	_ = 	snop  }
0x4: {  	_ = 	snop  }
0x5: {  	_ = 	snop  }
0x6: {  	_ = 	snop  }
0x7: {  	_ = 	snop  }
__scs_overlays_trampoline_lowered:
0x8: {  	[smem:$0x3FAE] =	sst s0  }
0x9: {  	[smem:$0x3FAF] =	sst s1  }
0xa: {  	[smem:$0x3FB0] =	sst s2  }
0xb: {  	[smem:$0x3FB1] =	sst s3  }
0xc: {  	[smem:$0x3FB2] =	sst s4  }
0xd: {  	[smem:$0x3FB3] =	sst s5  }
0xe: {  	[smem:$0x3FB4] =	sst s6  }
0xf: {  	[smem:$0x3FB5] =	sst s7  }
0x10: {  	[smem:$0x3FB6] =	sst s8  }
0x11: {  	[smem:$0x3FB7] =	sst s9;
	s0 =	simm.s32 @!p0 $0x0  }
0x12: {  	s1 =	sld [smem:$0x3F9D];
	s0 =	simm.s32 @p0 $0x1  }
0x13: {  	[smem:$0x3FB8] =	sst s0;
	s0 =	simm.s32 @!p1 $0x0  }
0x14: {  	s2 =	sld [smem:$0x3F9C];
	s0 =	simm.s32 @p1 $0x1  }
0x15: {  	[smem:$0x3FB9] =	sst s0;
	s0 =	simm.s32 @!p2 $0x0  }
0x16: {  	s3 =	sld [smem:$0x3FDB];
	s0 =	simm.s32 @p2 $0x1  }
0x17: {  	s4 =	simm.s32 $0x1BF5;
	[smem:$0x3FBB] =	sst s0  }
0x18: {  	s0 =	sld [smem:$0x3F9E];
	_ =	swait.ge [sflag:s4], $0x0  }
0x19: {  	s7 =	sld [smem:$0x3F9F]  }
0x1a: {  	s8 =	sadd.s32 $0xFFFFE003, lr  }
0x1b: {  	s9 =	sadd.s32 $0xFFFFFEF7, lr;
	s5 =	simm.s32 $0xFFFFFFFF;
	p2 =	slt.u32 s8, $0xFFFFF086  }
0x1c: {  	p1 =	slt.u32 s9, $0xF7A;
	s5 =	simm.s32 @!p2 $0x0  }
0x1d: {  	s5 =	simm.s32 @p1 $0x1;
	p0 =	seq.s32 s7, s2  }
0x1e: {  	s7 =	smul.u32 @!p0 $0xF7A, s2;
	p2 =	seq.s32 @!p0 s5, $0x0  }
0x1f: {  	s9 =	smul.u32 $0xF7A, s1;
	s8 =	simm.s32 @!p0 $0x1BF5;
	p2 =	por !p2, p0  }
0x20: {  	[sflag:s8] =	ssyncset.s32 @!p0 $0xFFFFF086;
	s6 =	sadd.s32 @!p0 s3, s7;
	s7 =	simm.s32 @!p0 $0x108  }
0x21: {  	s3 =	sadd.s32 s3, s9;
	s6 =	sadd.s32 @!p0 $0x88, s6;
	s7 =	simm.s32 @p2 $0x1082  }
0x22: {  	[simem:s7], [sflag:s8] =	dma.local @!p0 [hbm:s6], $0xF7A  }
0x23: {  	s9 =	sor.u32 $0xD0000000, s2;
	s6 =	simm.s32 $0x108;
	_ =	swait.ge @!p0 [sflag:s8], $0x0  }
0x24: {  	s3 =	sadd.s32 $0x88, s3;
	s6 =	simm.s32 @!p1 $0x1082;
	[sflag:s4] =	ssyncset.s32 $0xFFFFF086  }
0x25: {  	[simem:s6], [sflag:s4] =	dma.local [hbm:s3], $0xF7A  }
0x26: {  	[smem:$0x3F9F] =	sst s1;
	(tag) =	ssettag s2;
	_ =	strace s9  }
0x27: {  	s1 =	sld [smem:$0x3FAF]  }
0x28: {  	s2 =	sld [smem:$0x3FB0]  }
0x29: {  	s4 =	sld [smem:$0x3FB2]  }
0x2a: {  	p0 =	seq.s32 s5, $0x0;
	s5 =	sld [smem:$0x3FB3]  }
0x2b: {  	s6 =	sld [smem:$0x3FB4]  }
0x2c: {  	s7 =	sld [smem:$0x3FB5]  }
0x2d: {  	s3 =	simm.s32 $0x108;
	s8 =	sld [smem:$0x3FB6]  }
0x2e: {  	s3 =	simm.s32 @!p0 $0x1082;
	s9 =	sld [smem:$0x3FB7]  }
0x2f: {  	lr =	sadd.s32 s0, s3;
	s0 =	sld [smem:$0x3FAE]  }
0x30: {  	s3 =	sld [smem:$0x3FB1]  }
0x31: {  	[smem:$0x3FBA] =	sst s10  }
0x32: {  	s10 =	sld [smem:$0x3FB8];
	_ =	sdelay $0x3  }
0x33: {  	p0 =	seq.s32 s10, $0x1;
	s10 =	sld [smem:$0x3FBA];
	_ =	sdelay $0x3  }
0x34: {  	[smem:$0x3FBA] =	sst s10  }
0x35: {  	s10 =	sld [smem:$0x3FB9];
	_ =	sdelay $0x3  }
0x36: {  	p1 =	seq.s32 s10, $0x1;
	s10 =	sld [smem:$0x3FBA];
	_ =	sdelay $0x3  }
0x37: {  	[smem:$0x3FBA] =	sst s10  }
0x38: {  	s10 =	sld [smem:$0x3FBB]  }
0x39: {  	_ = 	snop;
	(pc) =	sbr.ind lr, $3  }
0x3a: {  	_ = 	snop  }
0x3b: {  	_ = 	snop  }
0x3c: {  	p2 =	seq.s32 s10, $0x1;
	s10 =	sld [smem:$0x3FBA]  }
0x3d: {  	_ =	shalt  }
0x3e: {  	_ =	shalt  }
0x3f: {  	_ =	shalt  }
0x40: {  	_ =	shalt  }
0x41: {  	_ =	shalt  }
0x42: {  	_ =	shalt  }
0x43: {  	_ =	shalt  }
0x44: {  	_ =	shalt  }
0x45: {  	_ =	shalt  }
0x46: {  	_ =	shalt  }
0x47: {  	_ =	shalt  }
0x48: {  	_ =	shalt  }
0x49: {  	_ =	shalt  }
0x4a: {  	_ =	shalt  }
0x4b: {  	_ =	shalt  }
0x4c: {  	_ =	shalt  }
0x4d: {  	_ =	shalt  }
0x4e: {  	_ =	shalt  }
0x4f: {  	_ =	shalt  }
0x50: {  	_ =	shalt  }
0x51: {  	_ =	shalt  }
0x52: {  	_ =	shalt  }
0x53: {  	_ =	shalt  }
0x54: {  	_ =	shalt  }
0x55: {  	_ =	shalt  }
0x56: {  	_ =	shalt  }
0x57: {  	_ =	shalt  }
0x58: {  	_ =	shalt  }
0x59: {  	_ =	shalt  }
0x5a: {  	_ =	shalt  }
0x5b: {  	_ =	shalt  }
0x5c: {  	_ =	shalt  }
0x5d: {  	_ =	shalt  }
0x5e: {  	_ =	shalt  }
0x5f: {  	_ =	shalt  }
0x60: {  	_ =	shalt  }
0x61: {  	_ =	shalt  }
0x62: {  	_ =	shalt  }
0x63: {  	_ =	shalt  }
0x64: {  	_ =	shalt  }
0x65: {  	_ =	shalt  }
0x66: {  	_ =	shalt  }
0x67: {  	_ =	shalt  }
0x68: {  	_ =	shalt  }
0x69: {  	_ =	shalt  }
0x6a: {  	_ =	shalt  }
0x6b: {  	_ =	shalt  }
0x6c: {  	_ =	shalt  }
0x6d: {  	_ =	shalt  }
0x6e: {  	_ =	shalt  }
0x6f: {  	_ =	shalt  }
0x70: {  	_ =	shalt  }
0x71: {  	_ =	shalt  }
0x72: {  	_ =	shalt  }
0x73: {  	_ =	shalt  }
0x74: {  	_ =	shalt  }
0x75: {  	_ =	shalt  }
0x76: {  	_ =	shalt  }
0x77: {  	_ =	shalt  }
0x78: {  	_ =	shalt  }
0x79: {  	_ =	shalt  }
0x7a: {  	_ =	shalt  }
0x7b: {  	_ =	shalt  }
0x7c: {  	_ =	shalt  }
0x7d: {  	_ =	shalt  }
0x7e: {  	_ =	shalt  }
0x7f: {  	_ =	shalt  }
0x80: {  	_ =	shalt  }
0x81: {  	_ =	shalt  }
0x82: {  	_ =	shalt  }
0x83: {  	_ =	shalt  }
0x84: {  	_ =	shalt  }
0x85: {  	_ =	shalt  }
0x86: {  	_ =	shalt  }
0x87: {  	_ =	shalt  }
.Lfunc_end0:
.L_simem_size_0:
called_computation_lowered:
.L_overlay_start_0:
0x88: {  	s2 =	sld [smem:$0x3FD9]  }
0x89: {  	s3 =	sld [smem:$0x3FFE];
	_ =	sdelay $0x1  }
0x8a: {  	s1 =	srdreg.scid  }
0x8b: {  	s0 =	sand.u32 $0x1, s1  }
0x8c: {  	s17 =	sshll.u32 s0, $0xA;
	s2 =	sadd.s32 s3, s2  }
0x8d: {  	s2 =	sadd.s32 s2, s17  }
0x8e: {  	[smem:$0x3FC6] =	sst s2  }
0x8f: {  	_ = 	snop  }
0x90: {  	s2 =	sld [smem:$0x3FC9]  }
0x91: {  	s18 =	sld [smem:$0x3FC8];
	(tm) =	ssettm $0x1  }
0x92: {  	s4 =	sld [smem:$0x3FFB];
	_ =	sdelay $0x3  }
0x93: {  	_ =	strace s4  }
0x94: {  	s4 =	sld [smem:$0x3FFC];
	_ =	sdelay $0x3  }
0x95: {  	_ =	strace s4  }
0x96: {  	s4 =	sld [smem:$0x3FFD];
	_ =	sdelay $0x3  }
0x97: {  	_ =	strace s4  }
0x98: {  	_ =	strace $0x8FFFFFFF  }
0x99: {  	s19 =	sld [smem:$0x3FDB];
	_ =	sdelay $0x1  }
0x9a: {  	s5 =	simm.s32 $_scs_section_size  }
0x9b: {  	s6 =	simm.s32 $_size__tile_overlayer_lowered;
	s7 =	simm.s32 $_tile_overlayer_lowered  }
0x9c: {  	s22 =	simm.s32 $0x1BFF;
	s21 =	sshll.u32 s7, $0x1;
	s4 =	sadd.s32 s5, s19  }
0x9d: {  	s8 =	simm.s32 $0x0;
	s20 =	sshll.u32 s6, $0x1;
	s6 =	sadd.s32 s21, s4  }
0x9e: {  	[timem:s8], [sflag:s22] =	dma.local [hbm:s6], s20  }
0x9f: {  	_ =	swait.ge [sflag:s22], s20  }
0xa0: {  	s5 =	ssub.s32 $0x0, s20;
	[sflag:s22] =	ssyncset.done $0x0  }
0xa1: {  	[sflag:s22] =	ssyncadd.s32 s5;
	_ =	sdelay $0x1  }
0xa2: {  	s23 =	simm.s32 $0x1B8B  }
0xa3: {  	_ =	swait.ge [sflag:s23], $0x1  }
0xa4: {  	[sflag:s23] =	ssyncset.done $0x0  }
0xa5: {  	s25 =	simm.s32 $0x1B8E;
	s24 =	sld [smem:$0x3FFE];
	[sflag:s23] =	ssyncadd.s32 $0xFFFFFFFF  }
0xa6: {  	s26 =	simm.s32 $execute0_lowered;
	[smem:$0x3FD2] =	sst s25  }
0xa7: {  	s6 =	sshll.u32 s26, $0x1;
	_ =	strace $0x80000046;
	[dreg:$0x1] =	wrdreg $0xFFFFFFFF  }
0xa8: {  	s28 =	simm.s32 $_size_execute0_lowered;
	s4 =	sadd.s32 s4, s6;
	[dreg:$0x0] =	wrdreg $0x0  }
0xa9: {  	s6 =	sshll.u32 s28, $0x1;
	[dreg:$0x2] =	wrdreg s4  }
0xaa: {  	[dreg:$0x3] =	wrdreg s6  }
0xab: {  	[dreg:$0x4] =	wrdreg $0xC0  }
0xac: {  	_ =	task [dreg:s8], $0x5FFFF  }
0xad: {  	[dreg:$0x1] =	wrdreg $0xFFFFFFFF  }
0xae: {  	[dreg:$0x0] =	wrdreg $0x60  }
0xaf: {  	[dreg:$0x2] =	wrdreg s2  }
0xb0: {  	[dreg:$0x3] =	wrdreg s18  }
0xb1: {  	[dreg:$0x4] =	wrdreg s24  }
0xb2: {  	[dreg:$0x5] =	wrdreg $0x9  }
0xb3: {  	_ =	task.clear_ibuf [dreg:s8], $0x6FFFF;
	_ =	strace $0x90000046  }
0xb4: {  	s29 =	simm.s32 $0x9;
	_ =	strace $0x80000048  }
0xb5: {  	_ =	swait.ge [sflag:s29], $0x1  }
0xb6: {  	[sflag:s29] =	ssyncadd.s32 $0xFFFFFFFF  }
0xb7: {  	_ =	strace $0x90000048  }
0xb8: {  	_ =	sfence  }
0xb9: {  	s30 =	sld [smem:$0x0];
	_ =	sdelay $0x2  }
0xba: {  	s31 =	sshll.u32 s1, $0xD;
	s1 =	sshrl.u32 s1, $0x2  }
0xbb: {  	s3 =	sand.u32 $0x4000, s31;
	s1 =	sadd.s32 s1, s30  }
0xbc: {  	s0 =	sor.u32 s3, s0;
	s1 =	sshll.u32 s1, $0x11  }
0xbd: {  	s0 =	sor.u32 s1, s0  }
0xbe: {  	s0 =	sadd.s32 $0x8F2B, s0  }
0xbf: {  	[sflag:s0] =	ssyncadd.remote.s32 $0x1  }
0xc0: {  	_ =	sfence.sel $0xFFFF  }
0xc1: {  	[dreg:$0x0] =	wrdreg $0xFFFFFFFF;
	(pc) =	sbr.abs _section_cstart, $3  }
0xc2: {  	[dreg:$0x1] =	wrdreg $0xFFFFFFFF  }
0xc3: {  	_ =	task.clear_ibuf [dreg:s8], $0x2FFFF;
	_ =	strace $0x9FFFFFFF  }
0xc4: {  	(tm) =	ssettm $0x7FFFFFFF  }
0xc5: {  	_ =	shalt  }
tec
execute0_lowered:
.L_overlay_start_1:
0x0: {  	(tag) =	ssettag $0x1  }
0x1: {  	s0 =	rddreg [dreg:$0x0]  }
0x2: {  	s1 =	rddreg [dreg:$0x1]  }
0x3: {  	s3 =	rddreg [dreg:$0x2];
	s2 =	simm.s32 $0x0  }
0x4: {  	s4 =	srdreg.scid;
	s6 =	stileid.u32;
	s20 =	simm.s32 $0x3  }
0x5: {  	s21 =	simm.s32 $0x1;
	s22 =	simm.s32 $0x14000;
	s23 =	simm.s32 $0x4  }
0x6: {  	s24 =	simm.s32 $0x2;
	s25 =	simm.s32 $0x5;
	s28 =	simm.s32 $0x7  }
0x7: {  	s29 =	simm.s32 $0x8;
	s30 =	simm.s32 $0x9;
	s31 =	simm.s32 $0xA  }
0x8: {  	[smem:$0x7FF] =	sst s2;
	s4 =	sand.u32 $0x1, s4;
	s6 =	sshll.u32 s6, $0xE  }
0x9: {  	s3 =	sadd.s32 $0x800, s3;
	s5 =	ssub.s32 $0x2, s4;
	s4 =	sshll.u32 s4, $0xD  }
0xa: {  	_ =	strace $0x80000047;
	s7 =	sshrl.u32 s5, $0x1;
	s8 =	sor.u32 s4, s6  }
0xb: {  	s15 =	ssub.s32 s5, s7;
	s4 =	sadd.s32 s1, s8;
	s11 =	sor.u32 $0x800, s8  }
0xc: {  	s26 =	sadd.s32 s0, s8;
	s13 =	sor.u32 $0x1000, s8;
	[dreg:$0x4] =	wrdreg s4  }
0xd: {  	s14 =	sor.u32 $0x1800, s8;
	s8 =	sadd.s32 s3, s8;
	[dreg:$0x5] =	wrdreg s26  }
0xe: {  	s5 =	sadd.s32 s0, s11;
	s6 =	sadd.s32 s1, s11;
	s7 =	sadd.s32 s0, s13  }
0xf: {  	s9 =	sadd.s32 s1, s13;
	s10 =	sadd.s32 s0, s14;
	s11 =	sadd.s32 s3, s11  }
0x10: {  	s12 =	sadd.s32 s1, s14;
	s13 =	sadd.s32 s3, s13;
	s14 =	sadd.s32 s3, s14  }
0x11: {  	s15 =	smax.u32 s15, $0x1;
	s26 =	simm.s32 $0x6;
	s0 =	simm.s32 $0x0  }
.LBB2_1:
0x12: {  	s1 =	rddreg [dreg:$0x4]  }
0x13: {  	[tilespmem:s2], [sflag:$0x1] =	stream.linear.gather [hbm4b:s1+s2], $0x4000, $0x38;
	[tilespmem:$0x18000] =	vst v63  }
0x14: {  	s16 =	rddreg [dreg:$0x5];
	s3 =	simm.s32 $0x8000  }
0x15: {  	[tilespmem:s3], [sflag:$0x3] =	stream.linear.gather [hbm4b:s16+s2], $0x4000, $0x38;
	[tilespmem:$0x18000] =	vst v63  }
0x16: {  	s17 =	simm.s32 $0xC000  }
0x17: {  	[tilespmem:s17], [sflag:$0x4] =	stream.linear.gather [hbm4b:s5+s2], $0x4000, $0x38;
	[tilespmem:$0x18000] =	vst v63  }
0x18: {  	s18 =	simm.s32 $0x4000  }
0x19: {  	[tilespmem:s18], [sflag:$0x2] =	stream.linear.gather [hbm4b:s6+s2], $0x4000, $0x38;
	[tilespmem:$0x18000] =	vst v63  }
0x1a: {  	s19 =	simm.s32 $0x10000  }
0x1b: {  	[tilespmem:s19], [sflag:$0x5] =	stream.linear.gather [hbm4b:s7+s2], $0x4000, $0x38;
	[tilespmem:$0x18000] =	vst v63  }
0x1c: {  	_ =	swait.ge [sflag:s20], $0x4000  }
0x1d: {  	[sflag:s20] =	ssyncset.done $0x0  }
0x1e: {  	[sflag:s20] =	ssyncadd.s32 $0xFFFFC000  }
0x1f: {  	_ =	swait.ge [sflag:s21], $0x4000  }
0x20: {  	s1 =	simm.s32 $0xFFFFC000;
	s16 =	simm.s32 $0x0;
	[sflag:s21] =	ssyncset.done $0x0  }
0x21: {  	s17 =	simm.s32 $0x0;
	s18 =	simm.s32 $0x0;
	[sflag:s21] =	ssyncadd.s32 $0xFFFFC000  }
.LBB2_2:
0x22: {  	s3 =	sadd.s32 $0x4000, s1  }
0x23: {  	s19 =	sand.u32 $0x380, s18;
	s3 =	sand.u32 $0x2000, s3  }
0x24: {  	s3 =	sor.u32 s19, s3  }
0x25: {  	v0 =	vld [tilespmem:s3+$0x8000]  }
0x26: {  	v1 =	vld [tilespmem:s3+$0x0]  }
0x27: {  	v2 =	vld [tilespmem:s3+$0x8010]  }
0x28: {  	v3 =	vld [tilespmem:s3+$0x10]  }
0x29: {  	v4 =	vld [tilespmem:s3+$0x8020]  }
0x2a: {  	v5 =	vld [tilespmem:s3+$0x20]  }
0x2b: {  	v6 =	vld [tilespmem:s3+$0x8030]  }
0x2c: {  	v7 =	vld [tilespmem:s3+$0x30]  }
0x2d: {  	v8 =	vld [tilespmem:s3+$0x8040]  }
0x2e: {  	v9 =	vld [tilespmem:s3+$0x40]  }
0x2f: {  	v10 =	vld [tilespmem:s3+$0x8050]  }
0x30: {  	v11 =	vld [tilespmem:s3+$0x50]  }
0x31: {  	v12 =	vld [tilespmem:s3+$0x8060]  }
0x32: {  	v13 =	vld [tilespmem:s3+$0x60]  }
0x33: {  	v14 =	vld [tilespmem:s3+$0x8070]  }
0x34: {  	v15 =	vld [tilespmem:s3+$0x70]  }
0x35: {  	v16 =	vld [tilespmem:s3+$0x8400]  }
0x36: {  	v17 =	vld [tilespmem:s3+$0x400]  }
0x37: {  	v18 =	vld [tilespmem:s3+$0x8410]  }
0x38: {  	v19 =	vld [tilespmem:s3+$0x410]  }
0x39: {  	v20 =	vld [tilespmem:s3+$0x8420]  }
0x3a: {  	v21 =	vld [tilespmem:s3+$0x420]  }
0x3b: {  	v22 =	vld [tilespmem:s3+$0x8430]  }
0x3c: {  	v23 =	vld [tilespmem:s3+$0x430]  }
0x3d: {  	v24 =	vld [tilespmem:s3+$0x8440]  }
0x3e: {  	v25 =	vld [tilespmem:s3+$0x440]  }
0x3f: {  	v26 =	vld [tilespmem:s3+$0x8450]  }
0x40: {  	v27 =	vld [tilespmem:s3+$0x450]  }
0x41: {  	v28 =	vld [tilespmem:s3+$0x8460]  }
0x42: {  	v29 =	vld [tilespmem:s3+$0x460]  }
0x43: {  	v30 =	vld [tilespmem:s3+$0x8470]  }
0x44: {  	v31 =	vld [tilespmem:s3+$0x470]  }
0x45: {  	v32 =	vld [tilespmem:s3+$0x8800]  }
0x46: {  	v33 =	vld [tilespmem:s3+$0x800]  }
0x47: {  	v34 =	vld [tilespmem:s3+$0x8810]  }
0x48: {  	v35 =	vld [tilespmem:s3+$0x810]  }
0x49: {  	v36 =	vld [tilespmem:s3+$0x8820]  }
0x4a: {  	v37 =	vld [tilespmem:s3+$0x820]  }
0x4b: {  	v38 =	vld [tilespmem:s3+$0x8830]  }
0x4c: {  	v39 =	vld [tilespmem:s3+$0x830]  }
0x4d: {  	v40 =	vld [tilespmem:s3+$0x8840]  }
0x4e: {  	v41 =	vld [tilespmem:s3+$0x840]  }
0x4f: {  	v42 =	vld [tilespmem:s3+$0x8850]  }
0x50: {  	v43 =	vld [tilespmem:s3+$0x850]  }
0x51: {  	v44 =	vld [tilespmem:s3+$0x8860]  }
0x52: {  	v45 =	vld [tilespmem:s3+$0x860]  }
0x53: {  	v46 =	vld [tilespmem:s3+$0x8870]  }
0x54: {  	v47 =	vld [tilespmem:s3+$0x870]  }
0x55: {  	v48 =	vld [tilespmem:s3+$0x8C00]  }
0x56: {  	v49 =	vld [tilespmem:s3+$0xC00]  }
0x57: {  	v50 =	vld [tilespmem:s3+$0x8C10]  }
0x58: {  	v51 =	vld [tilespmem:s3+$0xC10]  }
0x59: {  	v52 =	vld [tilespmem:s3+$0x8C20]  }
0x5a: {  	v53 =	vld [tilespmem:s3+$0xC20]  }
0x5b: {  	v54 =	vld [tilespmem:s3+$0x8C30]  }
0x5c: {  	v55 =	vld [tilespmem:s3+$0xC30]  }
0x5d: {  	v56 =	vld [tilespmem:s3+$0x8C40]  }
0x5e: {  	v57 =	vld [tilespmem:s3+$0xC40]  }
0x5f: {  	v58 =	vld [tilespmem:s3+$0x8C50]  }
0x60: {  	v59 =	vld [tilespmem:s3+$0xC50]  }
0x61: {  	v60 =	vld [tilespmem:s3+$0x8C60]  }
0x62: {  	v0 =	vadd.f32 v1, v0;
	v1 =	vld [tilespmem:s3+$0xC60]  }
0x63: {  	v2 =	vadd.f32 v3, v2;
	v3 =	vld [tilespmem:s3+$0x8C70]  }
0x64: {  	v63 =	vadd.f32 v5, v4;
	v4 =	vld [tilespmem:s3+$0xC70];
	[tilespmem:s3+$0x8000] =	vst v0  }
0x65: {  	v61 =	vadd.f32 v7, v6;
	v5 =	vld [tilespmem:s3+$0x9000];
	[tilespmem:s3+$0x8010] =	vst v2  }
0x66: {  	v62 =	vadd.f32 v9, v8;
	v6 =	vld [tilespmem:s3+$0x1000];
	[tilespmem:s3+$0x8020] =	vst v63  }
0x67: {  	v7 =	vld [tilespmem:s3+$0x9010];
	v13 =	vadd.f32 v13, v12;
	[tilespmem:s3+$0x8030] =	vst v61  }
0x68: {  	v8 =	vld [tilespmem:s3+$0x1010];
	v15 =	vadd.f32 v15, v14;
	[tilespmem:s3+$0x8040] =	vst v62  }
0x69: {  	v9 =	vld [tilespmem:s3+$0x9020];
	v17 =	vadd.f32 v17, v16;
	[tilespmem:s3+$0x8060] =	vst v13  }
0x6a: {  	v19 =	vadd.f32 v19, v18;
	v12 =	vld [tilespmem:s3+$0x1030];
	[tilespmem:s3+$0x8070] =	vst v15  }
0x6b: {  	v21 =	vadd.f32 v21, v20;
	v14 =	vld [tilespmem:s3+$0x1040];
	[tilespmem:s3+$0x8400] =	vst v17  }
0x6c: {  	v23 =	vadd.f32 v23, v22;
	v16 =	vld [tilespmem:s3+$0x1050];
	[tilespmem:s3+$0x8410] =	vst v19  }
0x6d: {  	v25 =	vadd.f32 v25, v24;
	v20 =	vld [tilespmem:s3+$0x1070];
	[tilespmem:s3+$0x8420] =	vst v21  }
0x6e: {  	v27 =	vadd.f32 v27, v26;
	v22 =	vld [tilespmem:s3+$0x1400];
	[tilespmem:s3+$0x8430] =	vst v23  }
0x6f: {  	v29 =	vadd.f32 v29, v28;
	v24 =	vld [tilespmem:s3+$0x1410];
	[tilespmem:s3+$0x8440] =	vst v25  }
0x70: {  	v28 =	vadd.f32 v37, v36;
	v37 =	vld [tilespmem:s3+$0x9430];
	[tilespmem:s3+$0x8450] =	vst v27  }
0x71: {  	v36 =	vadd.f32 v51, v50;
	v51 =	vld [tilespmem:s3+$0x1460];
	[tilespmem:s3+$0x8460] =	vst v29  }
0x72: {  	v63 =	vadd.f32 v11, v10;
	v10 =	vld [tilespmem:s3+$0x1020];
	[tilespmem:s3+$0x8820] =	vst v28  }
0x73: {  	v11 =	vld [tilespmem:s3+$0x9030];
	v61 =	vadd.f32 v31, v30;
	[tilespmem:s3+$0x8C10] =	vst v36  }
0x74: {  	v13 =	vld [tilespmem:s3+$0x9040];
	v62 =	vadd.f32 v33, v32;
	[tilespmem:s3+$0x8050] =	vst v63  }
0x75: {  	v15 =	vld [tilespmem:s3+$0x9050];
	v27 =	vadd.f32 v35, v34;
	[tilespmem:s3+$0x8470] =	vst v61  }
0x76: {  	v17 =	vld [tilespmem:s3+$0x9060];
	v29 =	vadd.f32 v39, v38;
	[tilespmem:s3+$0x8800] =	vst v62  }
0x77: {  	v19 =	vld [tilespmem:s3+$0x9070];
	v30 =	vadd.f32 v41, v40;
	[tilespmem:s3+$0x8810] =	vst v27  }
0x78: {  	v21 =	vld [tilespmem:s3+$0x9400];
	v31 =	vadd.f32 v43, v42;
	[tilespmem:s3+$0x8830] =	vst v29  }
0x79: {  	v23 =	vld [tilespmem:s3+$0x9410];
	v32 =	vadd.f32 v45, v44;
	[tilespmem:s3+$0x8840] =	vst v30  }
0x7a: {  	v33 =	vadd.f32 v47, v46;
	v25 =	vld [tilespmem:s3+$0x9420];
	[tilespmem:s3+$0x8850] =	vst v31  }
0x7b: {  	v34 =	vadd.f32 v49, v48;
	v35 =	vld [tilespmem:s3+$0x1420];
	[tilespmem:s3+$0x8860] =	vst v32  }
0x7c: {  	v38 =	vadd.f32 v53, v52;
	v39 =	vld [tilespmem:s3+$0x1430];
	[tilespmem:s3+$0x8870] =	vst v33  }
0x7d: {  	v40 =	vadd.f32 v55, v54;
	v41 =	vld [tilespmem:s3+$0x9440];
	[tilespmem:s3+$0x8C00] =	vst v34  }
0x7e: {  	v42 =	vadd.f32 v57, v56;
	v43 =	vld [tilespmem:s3+$0x1440];
	[tilespmem:s3+$0x8C20] =	vst v38  }
0x7f: {  	v44 =	vadd.f32 v59, v58;
	v45 =	vld [tilespmem:s3+$0x9450];
	[tilespmem:s3+$0x8C30] =	vst v40  }
0x80: {  	v47 =	vld [tilespmem:s3+$0x1450];
	[tilespmem:s3+$0x8C40] =	vst v42;
	v46 =	vadd.f32 v1, v60  }
0x81: {  	v49 =	vld [tilespmem:s3+$0x9460];
	[tilespmem:s3+$0x8C50] =	vst v44;
	v48 =	vadd.f32 v4, v3  }
0x82: {  	v53 =	vld [tilespmem:s3+$0x9470];
	v50 =	vadd.f32 v6, v5;
	[tilespmem:s3+$0x8C60] =	vst v46  }
0x83: {  	v55 =	vld [tilespmem:s3+$0x1470];
	v52 =	vadd.f32 v8, v7;
	[tilespmem:s3+$0x8C70] =	vst v48  }
0x84: {  	v57 =	vld [tilespmem:s3+$0x9800];
	[tilespmem:s3+$0x9000] =	vst v50;
	v54 =	vadd.f32 v10, v9  }
0x85: {  	v59 =	vld [tilespmem:s3+$0x1800];
	[tilespmem:s3+$0x9010] =	vst v52;
	v56 =	vadd.f32 v12, v11  }
0x86: {  	v36 =	vld [tilespmem:s3+$0x1830];
	v58 =	vadd.f32 v14, v13;
	[tilespmem:s3+$0x9020] =	vst v54  }
0x87: {  	v63 =	vld [tilespmem:s3+$0x1060];
	v60 =	vadd.f32 v16, v15;
	[tilespmem:s3+$0x9030] =	vst v56  }
0x88: {  	v61 =	vld [tilespmem:s3+$0x9810];
	v19 =	vadd.f32 v20, v19;
	[tilespmem:s3+$0x9040] =	vst v58  }
0x89: {  	v32 =	vld [tilespmem:s3+$0x1820];
	v22 =	vadd.f32 v22, v21;
	[tilespmem:s3+$0x9050] =	vst v60  }
0x8a: {  	v34 =	vld [tilespmem:s3+$0x9830];
	v33 =	vadd.f32 v24, v23;
	[tilespmem:s3+$0x9070] =	vst v19  }
0x8b: {  	v38 =	vld [tilespmem:s3+$0x9840];
	v35 =	vadd.f32 v35, v25;
	[tilespmem:s3+$0x9400] =	vst v22  }
0x8c: {  	v40 =	vld [tilespmem:s3+$0x9850];
	v37 =	vadd.f32 v39, v37;
	[tilespmem:s3+$0x9410] =	vst v33  }
0x8d: {  	v20 =	vld [tilespmem:s3+$0x9820];
	v39 =	vadd.f32 v43, v41;
	[tilespmem:s3+$0x9420] =	vst v35  }
0x8e: {  	v1 =	vadd.f32 v47, v45;
	v41 =	vld [tilespmem:s3+$0x1850];
	[tilespmem:s3+$0x9430] =	vst v37  }
0x8f: {  	v42 =	vadd.f32 v51, v49;
	v43 =	vld [tilespmem:s3+$0x9860];
	[tilespmem:s3+$0x9440] =	vst v39  }
0x90: {  	v44 =	vadd.f32 v55, v53;
	v45 =	vld [tilespmem:s3+$0x1860];
	[tilespmem:s3+$0x9450] =	vst v1  }
0x91: {  	v46 =	vadd.f32 v59, v57;
	v47 =	vld [tilespmem:s3+$0x9870];
	[tilespmem:s3+$0x9460] =	vst v42  }
0x92: {  	v49 =	vld [tilespmem:s3+$0x1870];
	v62 =	vadd.f32 v63, v17;
	[tilespmem:s3+$0x9470] =	vst v44  }
0x93: {  	v63 =	vld [tilespmem:s3+$0x1810];
	[tilespmem:s3+$0x9800] =	vst v46;
	v52 =	vadd.f32 v36, v34  }
0x94: {  	v51 =	vld [tilespmem:s3+$0x1840];
	[tilespmem:s3+$0x9060] =	vst v62;
	v50 =	vadd.f32 v32, v20  }
0x95: {  	[tilespmem:s3+$0x9830] =	vst v52;
	v53 =	vadd.f32 v41, v40  }
0x96: {  	v54 =	vadd.f32 v45, v43;
	[tilespmem:s3+$0x9820] =	vst v50  }
0x97: {  	s4 =	sand.u32 $0x7, s16;
	v55 =	vadd.f32 v49, v47;
	[tilespmem:s3+$0x9850] =	vst v53  }
0x98: {  	s19 =	sshll.u32 s4, $0x7;
	v48 =	vadd.f32 v63, v61;
	[tilespmem:s3+$0x9860] =	vst v54  }
0x99: {  	s19 =	sadd.s32 s19, s17;
	v56 =	vadd.f32 v51, v38;
	[tilespmem:s3+$0x9870] =	vst v55  }
0x9a: {  	s4 =	sor.u32 $0x1C00, s19;
	[tilespmem:s3+$0x9810] =	vst v48  }
0x9b: {  	[tilespmem:s3+$0x9840] =	vst v56;
	v0 =	vld [tilespmem:s4+$0x8000]  }
0x9c: {  	v1 =	vld [tilespmem:s4+$0x0];
	_ =	sdelay $0x4  }
0x9d: {  	v0 =	vadd.f32 v1, v0;
	_ =	sdelay $0x1  }
0x9e: {  	[tilespmem:s4+$0x8000] =	vst v0;
	s4 =	sor.u32 $0x1C10, s19  }
0x9f: {  	v0 =	vld [tilespmem:s4+$0x8000]  }
0xa0: {  	v57 =	vld [tilespmem:s4+$0x0];
	_ =	sdelay $0x4  }
0xa1: {  	v0 =	vadd.f32 v57, v0;
	_ =	sdelay $0x1  }
0xa2: {  	[tilespmem:s4+$0x8000] =	vst v0;
	s4 =	sor.u32 $0x1C20, s19  }
0xa3: {  	v0 =	vld [tilespmem:s4+$0x8000]  }
0xa4: {  	v58 =	vld [tilespmem:s4+$0x0];
	_ =	sdelay $0x4  }
0xa5: {  	v0 =	vadd.f32 v58, v0;
	_ =	sdelay $0x1  }
0xa6: {  	[tilespmem:s4+$0x8000] =	vst v0;
	s4 =	sor.u32 $0x1C30, s19  }
0xa7: {  	v0 =	vld [tilespmem:s4+$0x8000]  }
0xa8: {  	v59 =	vld [tilespmem:s4+$0x0];
	_ =	sdelay $0x4  }
0xa9: {  	v0 =	vadd.f32 v59, v0;
	_ =	sdelay $0x1  }
0xaa: {  	[tilespmem:s4+$0x8000] =	vst v0;
	s4 =	sor.u32 $0x1C40, s19  }
0xab: {  	v0 =	vld [tilespmem:s4+$0x8000]  }
0xac: {  	v60 =	vld [tilespmem:s4+$0x0];
	_ =	sdelay $0x4  }
0xad: {  	v0 =	vadd.f32 v60, v0;
	_ =	sdelay $0x1  }
0xae: {  	[tilespmem:s4+$0x8000] =	vst v0;
	s4 =	sor.u32 $0x1C50, s19  }
0xaf: {  	v0 =	vld [tilespmem:s4+$0x8000]  }
0xb0: {  	v61 =	vld [tilespmem:s4+$0x0];
	_ =	sdelay $0x4  }
0xb1: {  	v0 =	vadd.f32 v61, v0;
	_ =	sdelay $0x1  }
0xb2: {  	[tilespmem:s4+$0x8000] =	vst v0;
	s4 =	sor.u32 $0x1C60, s19  }
0xb3: {  	v0 =	vld [tilespmem:s4+$0x8000]  }
0xb4: {  	v62 =	vld [tilespmem:s4+$0x0];
	_ =	sdelay $0x4  }
0xb5: {  	v0 =	vadd.f32 v62, v0;
	_ =	sdelay $0x1  }
0xb6: {  	s19 =	sor.u32 $0x1C70, s19;
	[tilespmem:s4+$0x8000] =	vst v0  }
0xb7: {  	v0 =	vld [tilespmem:s19+$0x8000]  }
0xb8: {  	v63 =	vld [tilespmem:s19+$0x0];
	_ =	sdelay $0x1  }
0xb9: {  	p0 =	sne.s32 s18, $0x780  }
.Ltmp0:
0xba: {  	_ = 	snop;
	(pc) =	sbr.rel @p0 .LBB2_2-.Ltmp0, $4  }
0xbb: {  	_ = 	snop  }
0xbc: {  	v0 =	vadd.f32 v63, v0  }
0xbd: {  	s16 =	sadd.s32 $0x1, s16  }
0xbe: {  	s1 =	sadd.s32 $0x400, s1;
	s18 =	sadd.s32 $0x80, s18;
	s17 =	sadd.s32 $0x400, s17;
	[tilespmem:s19+$0x8000] =	vst v0  }
0xbf: {  	s1 =	simm.s32 $0x0;
	s3 =	simm.s32 $0x8000  }
0xc0: {  	[hbm4b:s8+s1] =	stream.linear.scatter [tilespmem:s3], [sflag:$0x7], $0x4000, $0x38;
	[tilespmem:$0x18000] =	vst v63  }
0xc1: {  	_ = 	snop  }
0xc2: {  	[tilespmem:s1], [sflag:$0x1] =	stream.linear.gather [hbm4b:s9+s1], $0x4000, $0x38;
	[tilespmem:$0x18000] =	vst v63  }
0xc3: {  	_ = 	snop  }
0xc4: {  	[tilespmem:s22], [sflag:$0x6] =	stream.linear.gather [hbm4b:s10+s1], $0x4000, $0x38;
	[tilespmem:$0x18000] =	vst v63  }
0xc5: {  	_ =	swait.ge [sflag:s23], $0x4000  }
0xc6: {  	[sflag:s23] =	ssyncset.done $0x0  }
0xc7: {  	[sflag:s23] =	ssyncadd.s32 $0xFFFFC000  }
0xc8: {  	_ =	swait.ge [sflag:s24], $0x4000  }
0xc9: {  	s16 =	simm.s32 $0xFFFFC000;
	[sflag:s24] =	ssyncset.done $0x0  }
0xca: {  	s17 =	simm.s32 $0x0;
	s18 =	simm.s32 $0x0;
	[sflag:s24] =	ssyncadd.s32 $0xFFFFC000  }
.LBB2_4:
0xcb: {  	s3 =	sadd.s32 $0x4000, s16  }
0xcc: {  	s4 =	sand.u32 $0x380, s18;
	s3 =	sand.u32 $0x2000, s3  }
0xcd: {  	s3 =	sor.u32 s4, s3  }
0xce: {  	v0 =	vld [tilespmem:s3+$0xC000]  }
0xcf: {  	v1 =	vld [tilespmem:s3+$0x4000]  }
0xd0: {  	v2 =	vld [tilespmem:s3+$0xC010]  }
0xd1: {  	v3 =	vld [tilespmem:s3+$0x4010]  }
0xd2: {  	v4 =	vld [tilespmem:s3+$0xC020]  }
0xd3: {  	v5 =	vld [tilespmem:s3+$0x4020]  }
0xd4: {  	v6 =	vld [tilespmem:s3+$0xC030]  }
0xd5: {  	v7 =	vld [tilespmem:s3+$0x4030]  }
0xd6: {  	v8 =	vld [tilespmem:s3+$0xC040]  }
0xd7: {  	v9 =	vld [tilespmem:s3+$0x4040]  }
0xd8: {  	v10 =	vld [tilespmem:s3+$0xC050]  }
0xd9: {  	v11 =	vld [tilespmem:s3+$0x4050]  }
0xda: {  	v12 =	vld [tilespmem:s3+$0xC060]  }
0xdb: {  	v13 =	vld [tilespmem:s3+$0x4060]  }
0xdc: {  	v14 =	vld [tilespmem:s3+$0xC070]  }
0xdd: {  	v15 =	vld [tilespmem:s3+$0x4070]  }
0xde: {  	v16 =	vld [tilespmem:s3+$0xC400]  }
0xdf: {  	v17 =	vld [tilespmem:s3+$0x4400]  }
0xe0: {  	v18 =	vld [tilespmem:s3+$0xC410]  }
0xe1: {  	v19 =	vld [tilespmem:s3+$0x4410]  }
0xe2: {  	v20 =	vld [tilespmem:s3+$0xC420]  }
0xe3: {  	v21 =	vld [tilespmem:s3+$0x4420]  }
0xe4: {  	v22 =	vld [tilespmem:s3+$0xC430]  }
0xe5: {  	v23 =	vld [tilespmem:s3+$0x4430]  }
0xe6: {  	v24 =	vld [tilespmem:s3+$0xC440]  }
0xe7: {  	v25 =	vld [tilespmem:s3+$0x4440]  }
0xe8: {  	v26 =	vld [tilespmem:s3+$0xC450]  }
0xe9: {  	v27 =	vld [tilespmem:s3+$0x4450]  }
0xea: {  	v28 =	vld [tilespmem:s3+$0xC460]  }
0xeb: {  	v29 =	vld [tilespmem:s3+$0x4460]  }
0xec: {  	v30 =	vld [tilespmem:s3+$0xC470]  }
0xed: {  	v31 =	vld [tilespmem:s3+$0x4470]  }
0xee: {  	v32 =	vld [tilespmem:s3+$0xC800]  }
0xef: {  	v33 =	vld [tilespmem:s3+$0x4800]  }
0xf0: {  	v34 =	vld [tilespmem:s3+$0xC810]  }
0xf1: {  	v35 =	vld [tilespmem:s3+$0x4810]  }
0xf2: {  	v36 =	vld [tilespmem:s3+$0xC820]  }
0xf3: {  	v37 =	vld [tilespmem:s3+$0x4820]  }
0xf4: {  	v38 =	vld [tilespmem:s3+$0xC830]  }
0xf5: {  	v39 =	vld [tilespmem:s3+$0x4830]  }
0xf6: {  	v40 =	vld [tilespmem:s3+$0xC840]  }
0xf7: {  	v41 =	vld [tilespmem:s3+$0x4840]  }
0xf8: {  	v42 =	vld [tilespmem:s3+$0xC850]  }
0xf9: {  	v43 =	vld [tilespmem:s3+$0x4850]  }
0xfa: {  	v44 =	vld [tilespmem:s3+$0xC860]  }
0xfb: {  	v45 =	vld [tilespmem:s3+$0x4860]  }
0xfc: {  	v46 =	vld [tilespmem:s3+$0xC870]  }
0xfd: {  	v47 =	vld [tilespmem:s3+$0x4870]  }
0xfe: {  	v48 =	vld [tilespmem:s3+$0xCC00]  }
0xff: {  	v49 =	vld [tilespmem:s3+$0x4C00]  }
0x100: {  	v50 =	vld [tilespmem:s3+$0xCC10]  }
0x101: {  	v51 =	vld [tilespmem:s3+$0x4C10]  }
0x102: {  	v52 =	vld [tilespmem:s3+$0xCC20]  }
0x103: {  	v53 =	vld [tilespmem:s3+$0x4C20]  }
0x104: {  	v54 =	vld [tilespmem:s3+$0xCC30]  }
0x105: {  	v55 =	vld [tilespmem:s3+$0x4C30]  }
0x106: {  	v56 =	vld [tilespmem:s3+$0xCC40]  }
0x107: {  	v57 =	vld [tilespmem:s3+$0x4C40]  }
0x108: {  	v58 =	vld [tilespmem:s3+$0xCC50]  }
0x109: {  	v59 =	vld [tilespmem:s3+$0x4C50]  }
0x10a: {  	v60 =	vld [tilespmem:s3+$0xCC60]  }
0x10b: {  	v0 =	vadd.f32 v1, v0;
	v1 =	vld [tilespmem:s3+$0x4C60]  }
0x10c: {  	v2 =	vadd.f32 v3, v2;
	v3 =	vld [tilespmem:s3+$0xCC70]  }
0x10d: {  	v63 =	vadd.f32 v5, v4;
	v4 =	vld [tilespmem:s3+$0x4C70];
	[tilespmem:s3+$0xC000] =	vst v0  }
0x10e: {  	v61 =	vadd.f32 v7, v6;
	v5 =	vld [tilespmem:s3+$0xD000];
	[tilespmem:s3+$0xC010] =	vst v2  }
0x10f: {  	v62 =	vadd.f32 v9, v8;
	v6 =	vld [tilespmem:s3+$0x5000];
	[tilespmem:s3+$0xC020] =	vst v63  }
0x110: {  	v7 =	vld [tilespmem:s3+$0xD010];
	v13 =	vadd.f32 v13, v12;
	[tilespmem:s3+$0xC030] =	vst v61  }
0x111: {  	v8 =	vld [tilespmem:s3+$0x5010];
	v15 =	vadd.f32 v15, v14;
	[tilespmem:s3+$0xC040] =	vst v62  }
0x112: {  	v9 =	vld [tilespmem:s3+$0xD020];
	v17 =	vadd.f32 v17, v16;
	[tilespmem:s3+$0xC060] =	vst v13  }
0x113: {  	v19 =	vadd.f32 v19, v18;
	v12 =	vld [tilespmem:s3+$0x5030];
	[tilespmem:s3+$0xC070] =	vst v15  }
0x114: {  	v21 =	vadd.f32 v21, v20;
	v14 =	vld [tilespmem:s3+$0x5040];
	[tilespmem:s3+$0xC400] =	vst v17  }
0x115: {  	v23 =	vadd.f32 v23, v22;
	v16 =	vld [tilespmem:s3+$0x5050];
	[tilespmem:s3+$0xC410] =	vst v19  }
0x116: {  	v25 =	vadd.f32 v25, v24;
	v20 =	vld [tilespmem:s3+$0x5070];
	[tilespmem:s3+$0xC420] =	vst v21  }
0x117: {  	v27 =	vadd.f32 v27, v26;
	v22 =	vld [tilespmem:s3+$0x5400];
	[tilespmem:s3+$0xC430] =	vst v23  }
0x118: {  	v29 =	vadd.f32 v29, v28;
	v24 =	vld [tilespmem:s3+$0x5410];
	[tilespmem:s3+$0xC440] =	vst v25  }
0x119: {  	v28 =	vadd.f32 v37, v36;
	v37 =	vld [tilespmem:s3+$0xD430];
	[tilespmem:s3+$0xC450] =	vst v27  }
0x11a: {  	v36 =	vadd.f32 v51, v50;
	v51 =	vld [tilespmem:s3+$0x5460];
	[tilespmem:s3+$0xC460] =	vst v29  }
0x11b: {  	v63 =	vadd.f32 v11, v10;
	v10 =	vld [tilespmem:s3+$0x5020];
	[tilespmem:s3+$0xC820] =	vst v28  }
0x11c: {  	v11 =	vld [tilespmem:s3+$0xD030];
	v61 =	vadd.f32 v31, v30;
	[tilespmem:s3+$0xCC10] =	vst v36  }
0x11d: {  	v13 =	vld [tilespmem:s3+$0xD040];
	v62 =	vadd.f32 v33, v32;
	[tilespmem:s3+$0xC050] =	vst v63  }
0x11e: {  	v15 =	vld [tilespmem:s3+$0xD050];
	v27 =	vadd.f32 v35, v34;
	[tilespmem:s3+$0xC470] =	vst v61  }
0x11f: {  	v17 =	vld [tilespmem:s3+$0xD060];
	v29 =	vadd.f32 v39, v38;
	[tilespmem:s3+$0xC800] =	vst v62  }
0x120: {  	v19 =	vld [tilespmem:s3+$0xD070];
	v30 =	vadd.f32 v41, v40;
	[tilespmem:s3+$0xC810] =	vst v27  }
0x121: {  	v21 =	vld [tilespmem:s3+$0xD400];
	v31 =	vadd.f32 v43, v42;
	[tilespmem:s3+$0xC830] =	vst v29  }
0x122: {  	v23 =	vld [tilespmem:s3+$0xD410];
	v32 =	vadd.f32 v45, v44;
	[tilespmem:s3+$0xC840] =	vst v30  }
0x123: {  	v33 =	vadd.f32 v47, v46;
	v25 =	vld [tilespmem:s3+$0xD420];
	[tilespmem:s3+$0xC850] =	vst v31  }
0x124: {  	v34 =	vadd.f32 v49, v48;
	v35 =	vld [tilespmem:s3+$0x5420];
	[tilespmem:s3+$0xC860] =	vst v32  }
0x125: {  	v38 =	vadd.f32 v53, v52;
	v39 =	vld [tilespmem:s3+$0x5430];
	[tilespmem:s3+$0xC870] =	vst v33  }
0x126: {  	v40 =	vadd.f32 v55, v54;
	v41 =	vld [tilespmem:s3+$0xD440];
	[tilespmem:s3+$0xCC00] =	vst v34  }
0x127: {  	v42 =	vadd.f32 v57, v56;
	v43 =	vld [tilespmem:s3+$0x5440];
	[tilespmem:s3+$0xCC20] =	vst v38  }
0x128: {  	v44 =	vadd.f32 v59, v58;
	v45 =	vld [tilespmem:s3+$0xD450];
	[tilespmem:s3+$0xCC30] =	vst v40  }
0x129: {  	v47 =	vld [tilespmem:s3+$0x5450];
	[tilespmem:s3+$0xCC40] =	vst v42;
	v46 =	vadd.f32 v1, v60  }
0x12a: {  	v49 =	vld [tilespmem:s3+$0xD460];
	[tilespmem:s3+$0xCC50] =	vst v44;
	v48 =	vadd.f32 v4, v3  }
0x12b: {  	v53 =	vld [tilespmem:s3+$0xD470];
	v50 =	vadd.f32 v6, v5;
	[tilespmem:s3+$0xCC60] =	vst v46  }
0x12c: {  	v55 =	vld [tilespmem:s3+$0x5470];
	v52 =	vadd.f32 v8, v7;
	[tilespmem:s3+$0xCC70] =	vst v48  }
0x12d: {  	v57 =	vld [tilespmem:s3+$0xD800];
	[tilespmem:s3+$0xD000] =	vst v50;
	v54 =	vadd.f32 v10, v9  }
0x12e: {  	v59 =	vld [tilespmem:s3+$0x5800];
	[tilespmem:s3+$0xD010] =	vst v52;
	v56 =	vadd.f32 v12, v11  }
0x12f: {  	v36 =	vld [tilespmem:s3+$0x5830];
	v58 =	vadd.f32 v14, v13;
	[tilespmem:s3+$0xD020] =	vst v54  }
0x130: {  	v63 =	vld [tilespmem:s3+$0x5060];
	v60 =	vadd.f32 v16, v15;
	[tilespmem:s3+$0xD030] =	vst v56  }
0x131: {  	v61 =	vld [tilespmem:s3+$0xD810];
	v19 =	vadd.f32 v20, v19;
	[tilespmem:s3+$0xD040] =	vst v58  }
0x132: {  	v32 =	vld [tilespmem:s3+$0x5820];
	v22 =	vadd.f32 v22, v21;
	[tilespmem:s3+$0xD050] =	vst v60  }
0x133: {  	v34 =	vld [tilespmem:s3+$0xD830];
	v33 =	vadd.f32 v24, v23;
	[tilespmem:s3+$0xD070] =	vst v19  }
0x134: {  	v38 =	vld [tilespmem:s3+$0xD840];
	v35 =	vadd.f32 v35, v25;
	[tilespmem:s3+$0xD400] =	vst v22  }
0x135: {  	v40 =	vld [tilespmem:s3+$0xD850];
	v37 =	vadd.f32 v39, v37;
	[tilespmem:s3+$0xD410] =	vst v33  }
0x136: {  	v20 =	vld [tilespmem:s3+$0xD820];
	v39 =	vadd.f32 v43, v41;
	[tilespmem:s3+$0xD420] =	vst v35  }
0x137: {  	v1 =	vadd.f32 v47, v45;
	v41 =	vld [tilespmem:s3+$0x5850];
	[tilespmem:s3+$0xD430] =	vst v37  }
0x138: {  	v42 =	vadd.f32 v51, v49;
	v43 =	vld [tilespmem:s3+$0xD860];
	[tilespmem:s3+$0xD440] =	vst v39  }
0x139: {  	v44 =	vadd.f32 v55, v53;
	v45 =	vld [tilespmem:s3+$0x5860];
	[tilespmem:s3+$0xD450] =	vst v1  }
0x13a: {  	v46 =	vadd.f32 v59, v57;
	v47 =	vld [tilespmem:s3+$0xD870];
	[tilespmem:s3+$0xD460] =	vst v42  }
0x13b: {  	v49 =	vld [tilespmem:s3+$0x5870];
	v62 =	vadd.f32 v63, v17;
	[tilespmem:s3+$0xD470] =	vst v44  }
0x13c: {  	v63 =	vld [tilespmem:s3+$0x5810];
	[tilespmem:s3+$0xD800] =	vst v46;
	v52 =	vadd.f32 v36, v34  }
0x13d: {  	v51 =	vld [tilespmem:s3+$0x5840];
	[tilespmem:s3+$0xD060] =	vst v62;
	v50 =	vadd.f32 v32, v20  }
0x13e: {  	[tilespmem:s3+$0xD830] =	vst v52;
	v53 =	vadd.f32 v41, v40  }
0x13f: {  	v54 =	vadd.f32 v45, v43;
	[tilespmem:s3+$0xD820] =	vst v50  }
0x140: {  	s19 =	sand.u32 $0x7, s1;
	v55 =	vadd.f32 v49, v47;
	[tilespmem:s3+$0xD850] =	vst v53  }
0x141: {  	s4 =	sshll.u32 s19, $0x7;
	v48 =	vadd.f32 v63, v61;
	[tilespmem:s3+$0xD860] =	vst v54  }
0x142: {  	s4 =	sadd.s32 s4, s17;
	v56 =	vadd.f32 v51, v38;
	[tilespmem:s3+$0xD870] =	vst v55  }
0x143: {  	s19 =	sor.u32 $0x1C00, s4;
	[tilespmem:s3+$0xD810] =	vst v48  }
0x144: {  	[tilespmem:s3+$0xD840] =	vst v56;
	v0 =	vld [tilespmem:s19+$0xC000]  }
0x145: {  	v1 =	vld [tilespmem:s19+$0x4000];
	_ =	sdelay $0x4  }
0x146: {  	v0 =	vadd.f32 v1, v0;
	_ =	sdelay $0x1  }
0x147: {  	[tilespmem:s19+$0xC000] =	vst v0;
	s19 =	sor.u32 $0x1C10, s4  }
0x148: {  	v0 =	vld [tilespmem:s19+$0xC000]  }
0x149: {  	v57 =	vld [tilespmem:s19+$0x4000];
	_ =	sdelay $0x4  }
0x14a: {  	v0 =	vadd.f32 v57, v0;
	_ =	sdelay $0x1  }
0x14b: {  	[tilespmem:s19+$0xC000] =	vst v0;
	s19 =	sor.u32 $0x1C20, s4  }
0x14c: {  	v0 =	vld [tilespmem:s19+$0xC000]  }
0x14d: {  	v58 =	vld [tilespmem:s19+$0x4000];
	_ =	sdelay $0x4  }
0x14e: {  	v0 =	vadd.f32 v58, v0;
	_ =	sdelay $0x1  }
0x14f: {  	[tilespmem:s19+$0xC000] =	vst v0;
	s19 =	sor.u32 $0x1C30, s4  }
0x150: {  	v0 =	vld [tilespmem:s19+$0xC000]  }
0x151: {  	v59 =	vld [tilespmem:s19+$0x4000];
	_ =	sdelay $0x4  }
0x152: {  	v0 =	vadd.f32 v59, v0;
	_ =	sdelay $0x1  }
0x153: {  	[tilespmem:s19+$0xC000] =	vst v0;
	s19 =	sor.u32 $0x1C40, s4  }
0x154: {  	v0 =	vld [tilespmem:s19+$0xC000]  }
0x155: {  	v60 =	vld [tilespmem:s19+$0x4000];
	_ =	sdelay $0x4  }
0x156: {  	v0 =	vadd.f32 v60, v0;
	_ =	sdelay $0x1  }
0x157: {  	[tilespmem:s19+$0xC000] =	vst v0;
	s19 =	sor.u32 $0x1C50, s4  }
0x158: {  	v0 =	vld [tilespmem:s19+$0xC000]  }
0x159: {  	v61 =	vld [tilespmem:s19+$0x4000];
	_ =	sdelay $0x4  }
0x15a: {  	v0 =	vadd.f32 v61, v0;
	_ =	sdelay $0x1  }
0x15b: {  	[tilespmem:s19+$0xC000] =	vst v0;
	s19 =	sor.u32 $0x1C60, s4  }
0x15c: {  	v0 =	vld [tilespmem:s19+$0xC000]  }
0x15d: {  	v62 =	vld [tilespmem:s19+$0x4000];
	_ =	sdelay $0x4  }
0x15e: {  	v0 =	vadd.f32 v62, v0;
	_ =	sdelay $0x1  }
0x15f: {  	[tilespmem:s19+$0xC000] =	vst v0;
	s19 =	sor.u32 $0x1C70, s4  }
0x160: {  	v0 =	vld [tilespmem:s19+$0xC000]  }
0x161: {  	v63 =	vld [tilespmem:s19+$0x4000];
	_ =	sdelay $0x1  }
0x162: {  	p0 =	sne.s32 s18, $0x780  }
.Ltmp1:
0x163: {  	_ = 	snop;
	(pc) =	sbr.rel @p0 .LBB2_4-.Ltmp1, $4  }
0x164: {  	_ = 	snop  }
0x165: {  	v0 =	vadd.f32 v63, v0  }
0x166: {  	s1 =	sadd.s32 $0x1, s1  }
0x167: {  	s16 =	sadd.s32 $0x400, s16;
	s18 =	sadd.s32 $0x80, s18;
	s17 =	sadd.s32 $0x400, s17;
	[tilespmem:s19+$0xC000] =	vst v0  }
0x168: {  	s1 =	simm.s32 $0x0;
	s3 =	simm.s32 $0xC000  }
0x169: {  	[hbm4b:s11+s1] =	stream.linear.scatter [tilespmem:s3], [sflag:$0x8], $0x4000, $0x38;
	[tilespmem:$0x18000] =	vst v63  }
0x16a: {  	s19 =	simm.s32 $0x4000  }
0x16b: {  	[tilespmem:s19], [sflag:$0x2] =	stream.linear.gather [hbm4b:s12+s1], $0x4000, $0x38;
	[tilespmem:$0x18000] =	vst v63  }
0x16c: {  	_ =	swait.ge [sflag:s25], $0x4000  }
0x16d: {  	[sflag:s25] =	ssyncset.done $0x0  }
0x16e: {  	[sflag:s25] =	ssyncadd.s32 $0xFFFFC000  }
0x16f: {  	_ =	swait.ge [sflag:s21], $0x4000  }
0x170: {  	s16 =	simm.s32 $0xFFFFC000;
	[sflag:s21] =	ssyncset.done $0x0  }
0x171: {  	s17 =	simm.s32 $0x0;
	s18 =	simm.s32 $0x0;
	[sflag:s21] =	ssyncadd.s32 $0xFFFFC000  }
.LBB2_6:
0x172: {  	s3 =	sadd.s32 $0x4000, s16  }
0x173: {  	s4 =	sand.u32 $0x380, s18;
	s3 =	sand.u32 $0x2000, s3  }
0x174: {  	s3 =	sor.u32 s4, s3  }
0x175: {  	v0 =	vld [tilespmem:s3+$0x10000]  }
0x176: {  	v1 =	vld [tilespmem:s3+$0x0]  }
0x177: {  	v2 =	vld [tilespmem:s3+$0x10010]  }
0x178: {  	v3 =	vld [tilespmem:s3+$0x10]  }
0x179: {  	v4 =	vld [tilespmem:s3+$0x10020]  }
0x17a: {  	v5 =	vld [tilespmem:s3+$0x20]  }
0x17b: {  	v6 =	vld [tilespmem:s3+$0x10030]  }
0x17c: {  	v7 =	vld [tilespmem:s3+$0x30]  }
0x17d: {  	v8 =	vld [tilespmem:s3+$0x10040]  }
0x17e: {  	v9 =	vld [tilespmem:s3+$0x40]  }
0x17f: {  	v10 =	vld [tilespmem:s3+$0x10050]  }
0x180: {  	v11 =	vld [tilespmem:s3+$0x50]  }
0x181: {  	v12 =	vld [tilespmem:s3+$0x10060]  }
0x182: {  	v13 =	vld [tilespmem:s3+$0x60]  }
0x183: {  	v14 =	vld [tilespmem:s3+$0x10070]  }
0x184: {  	v15 =	vld [tilespmem:s3+$0x70]  }
0x185: {  	v16 =	vld [tilespmem:s3+$0x10400]  }
0x186: {  	v17 =	vld [tilespmem:s3+$0x400]  }
0x187: {  	v18 =	vld [tilespmem:s3+$0x10410]  }
0x188: {  	v19 =	vld [tilespmem:s3+$0x410]  }
0x189: {  	v20 =	vld [tilespmem:s3+$0x10420]  }
0x18a: {  	v21 =	vld [tilespmem:s3+$0x420]  }
0x18b: {  	v22 =	vld [tilespmem:s3+$0x10430]  }
0x18c: {  	v23 =	vld [tilespmem:s3+$0x430]  }
0x18d: {  	v24 =	vld [tilespmem:s3+$0x10440]  }
0x18e: {  	v25 =	vld [tilespmem:s3+$0x440]  }
0x18f: {  	v26 =	vld [tilespmem:s3+$0x10450]  }
0x190: {  	v27 =	vld [tilespmem:s3+$0x450]  }
0x191: {  	v28 =	vld [tilespmem:s3+$0x10460]  }
0x192: {  	v29 =	vld [tilespmem:s3+$0x460]  }
0x193: {  	v30 =	vld [tilespmem:s3+$0x10470]  }
0x194: {  	v31 =	vld [tilespmem:s3+$0x470]  }
0x195: {  	v32 =	vld [tilespmem:s3+$0x10800]  }
0x196: {  	v33 =	vld [tilespmem:s3+$0x800]  }
0x197: {  	v34 =	vld [tilespmem:s3+$0x10810]  }
0x198: {  	v35 =	vld [tilespmem:s3+$0x810]  }
0x199: {  	v36 =	vld [tilespmem:s3+$0x10820]  }
0x19a: {  	v37 =	vld [tilespmem:s3+$0x820]  }
0x19b: {  	v38 =	vld [tilespmem:s3+$0x10830]  }
0x19c: {  	v39 =	vld [tilespmem:s3+$0x830]  }
0x19d: {  	v40 =	vld [tilespmem:s3+$0x10840]  }
0x19e: {  	v41 =	vld [tilespmem:s3+$0x840]  }
0x19f: {  	v42 =	vld [tilespmem:s3+$0x10850]  }
0x1a0: {  	v43 =	vld [tilespmem:s3+$0x850]  }
0x1a1: {  	v44 =	vld [tilespmem:s3+$0x10860]  }
0x1a2: {  	v45 =	vld [tilespmem:s3+$0x860]  }
0x1a3: {  	v46 =	vld [tilespmem:s3+$0x10870]  }
0x1a4: {  	v47 =	vld [tilespmem:s3+$0x870]  }
0x1a5: {  	v48 =	vld [tilespmem:s3+$0x10C00]  }
0x1a6: {  	v49 =	vld [tilespmem:s3+$0xC00]  }
0x1a7: {  	v50 =	vld [tilespmem:s3+$0x10C10]  }
0x1a8: {  	v51 =	vld [tilespmem:s3+$0xC10]  }
0x1a9: {  	v52 =	vld [tilespmem:s3+$0x10C20]  }
0x1aa: {  	v53 =	vld [tilespmem:s3+$0xC20]  }
0x1ab: {  	v54 =	vld [tilespmem:s3+$0x10C30]  }
0x1ac: {  	v55 =	vld [tilespmem:s3+$0xC30]  }
0x1ad: {  	v56 =	vld [tilespmem:s3+$0x10C40]  }
0x1ae: {  	v57 =	vld [tilespmem:s3+$0xC40]  }
0x1af: {  	v58 =	vld [tilespmem:s3+$0x10C50]  }
0x1b0: {  	v59 =	vld [tilespmem:s3+$0xC50]  }
0x1b1: {  	v60 =	vld [tilespmem:s3+$0x10C60]  }
0x1b2: {  	v0 =	vadd.f32 v1, v0;
	v1 =	vld [tilespmem:s3+$0xC60]  }
0x1b3: {  	v2 =	vadd.f32 v3, v2;
	v3 =	vld [tilespmem:s3+$0x10C70]  }
0x1b4: {  	v63 =	vadd.f32 v5, v4;
	v4 =	vld [tilespmem:s3+$0xC70];
	[tilespmem:s3+$0x10000] =	vst v0  }
0x1b5: {  	v61 =	vadd.f32 v7, v6;
	v5 =	vld [tilespmem:s3+$0x11000];
	[tilespmem:s3+$0x10010] =	vst v2  }
0x1b6: {  	v62 =	vadd.f32 v9, v8;
	v6 =	vld [tilespmem:s3+$0x1000];
	[tilespmem:s3+$0x10020] =	vst v63  }
0x1b7: {  	v7 =	vld [tilespmem:s3+$0x11010];
	v13 =	vadd.f32 v13, v12;
	[tilespmem:s3+$0x10030] =	vst v61  }
0x1b8: {  	v8 =	vld [tilespmem:s3+$0x1010];
	v15 =	vadd.f32 v15, v14;
	[tilespmem:s3+$0x10040] =	vst v62  }
0x1b9: {  	v9 =	vld [tilespmem:s3+$0x11020];
	v17 =	vadd.f32 v17, v16;
	[tilespmem:s3+$0x10060] =	vst v13  }
0x1ba: {  	v19 =	vadd.f32 v19, v18;
	v12 =	vld [tilespmem:s3+$0x1030];
	[tilespmem:s3+$0x10070] =	vst v15  }
0x1bb: {  	v21 =	vadd.f32 v21, v20;
	v14 =	vld [tilespmem:s3+$0x1040];
	[tilespmem:s3+$0x10400] =	vst v17  }
0x1bc: {  	v23 =	vadd.f32 v23, v22;
	v16 =	vld [tilespmem:s3+$0x1050];
	[tilespmem:s3+$0x10410] =	vst v19  }
0x1bd: {  	v25 =	vadd.f32 v25, v24;
	v20 =	vld [tilespmem:s3+$0x1070];
	[tilespmem:s3+$0x10420] =	vst v21  }
0x1be: {  	v27 =	vadd.f32 v27, v26;
	v22 =	vld [tilespmem:s3+$0x1400];
	[tilespmem:s3+$0x10430] =	vst v23  }
0x1bf: {  	v29 =	vadd.f32 v29, v28;
	v24 =	vld [tilespmem:s3+$0x1410];
	[tilespmem:s3+$0x10440] =	vst v25  }
0x1c0: {  	v28 =	vadd.f32 v37, v36;
	v37 =	vld [tilespmem:s3+$0x11430];
	[tilespmem:s3+$0x10450] =	vst v27  }
0x1c1: {  	v36 =	vadd.f32 v51, v50;
	v51 =	vld [tilespmem:s3+$0x1460];
	[tilespmem:s3+$0x10460] =	vst v29  }
0x1c2: {  	v63 =	vadd.f32 v11, v10;
	v10 =	vld [tilespmem:s3+$0x1020];
	[tilespmem:s3+$0x10820] =	vst v28  }
0x1c3: {  	v11 =	vld [tilespmem:s3+$0x11030];
	v61 =	vadd.f32 v31, v30;
	[tilespmem:s3+$0x10C10] =	vst v36  }
0x1c4: {  	v13 =	vld [tilespmem:s3+$0x11040];
	v62 =	vadd.f32 v33, v32;
	[tilespmem:s3+$0x10050] =	vst v63  }
0x1c5: {  	v15 =	vld [tilespmem:s3+$0x11050];
	v27 =	vadd.f32 v35, v34;
	[tilespmem:s3+$0x10470] =	vst v61  }
0x1c6: {  	v17 =	vld [tilespmem:s3+$0x11060];
	v29 =	vadd.f32 v39, v38;
	[tilespmem:s3+$0x10800] =	vst v62  }
0x1c7: {  	v19 =	vld [tilespmem:s3+$0x11070];
	v30 =	vadd.f32 v41, v40;
	[tilespmem:s3+$0x10810] =	vst v27  }
0x1c8: {  	v21 =	vld [tilespmem:s3+$0x11400];
	v31 =	vadd.f32 v43, v42;
	[tilespmem:s3+$0x10830] =	vst v29  }
0x1c9: {  	v23 =	vld [tilespmem:s3+$0x11410];
	v32 =	vadd.f32 v45, v44;
	[tilespmem:s3+$0x10840] =	vst v30  }
0x1ca: {  	v33 =	vadd.f32 v47, v46;
	v25 =	vld [tilespmem:s3+$0x11420];
	[tilespmem:s3+$0x10850] =	vst v31  }
0x1cb: {  	v34 =	vadd.f32 v49, v48;
	v35 =	vld [tilespmem:s3+$0x1420];
	[tilespmem:s3+$0x10860] =	vst v32  }
0x1cc: {  	v38 =	vadd.f32 v53, v52;
	v39 =	vld [tilespmem:s3+$0x1430];
	[tilespmem:s3+$0x10870] =	vst v33  }
0x1cd: {  	v40 =	vadd.f32 v55, v54;
	v41 =	vld [tilespmem:s3+$0x11440];
	[tilespmem:s3+$0x10C00] =	vst v34  }
0x1ce: {  	v42 =	vadd.f32 v57, v56;
	v43 =	vld [tilespmem:s3+$0x1440];
	[tilespmem:s3+$0x10C20] =	vst v38  }
0x1cf: {  	v44 =	vadd.f32 v59, v58;
	v45 =	vld [tilespmem:s3+$0x11450];
	[tilespmem:s3+$0x10C30] =	vst v40  }
0x1d0: {  	v47 =	vld [tilespmem:s3+$0x1450];
	[tilespmem:s3+$0x10C40] =	vst v42;
	v46 =	vadd.f32 v1, v60  }
0x1d1: {  	v49 =	vld [tilespmem:s3+$0x11460];
	[tilespmem:s3+$0x10C50] =	vst v44;
	v48 =	vadd.f32 v4, v3  }
0x1d2: {  	v53 =	vld [tilespmem:s3+$0x11470];
	v50 =	vadd.f32 v6, v5;
	[tilespmem:s3+$0x10C60] =	vst v46  }
0x1d3: {  	v55 =	vld [tilespmem:s3+$0x1470];
	v52 =	vadd.f32 v8, v7;
	[tilespmem:s3+$0x10C70] =	vst v48  }
0x1d4: {  	v57 =	vld [tilespmem:s3+$0x11800];
	[tilespmem:s3+$0x11000] =	vst v50;
	v54 =	vadd.f32 v10, v9  }
0x1d5: {  	v59 =	vld [tilespmem:s3+$0x1800];
	[tilespmem:s3+$0x11010] =	vst v52;
	v56 =	vadd.f32 v12, v11  }
0x1d6: {  	v36 =	vld [tilespmem:s3+$0x1830];
	v58 =	vadd.f32 v14, v13;
	[tilespmem:s3+$0x11020] =	vst v54  }
0x1d7: {  	v63 =	vld [tilespmem:s3+$0x1060];
	v60 =	vadd.f32 v16, v15;
	[tilespmem:s3+$0x11030] =	vst v56  }
0x1d8: {  	v61 =	vld [tilespmem:s3+$0x11810];
	v19 =	vadd.f32 v20, v19;
	[tilespmem:s3+$0x11040] =	vst v58  }
0x1d9: {  	v32 =	vld [tilespmem:s3+$0x1820];
	v22 =	vadd.f32 v22, v21;
	[tilespmem:s3+$0x11050] =	vst v60  }
0x1da: {  	v34 =	vld [tilespmem:s3+$0x11830];
	v33 =	vadd.f32 v24, v23;
	[tilespmem:s3+$0x11070] =	vst v19  }
0x1db: {  	v38 =	vld [tilespmem:s3+$0x11840];
	v35 =	vadd.f32 v35, v25;
	[tilespmem:s3+$0x11400] =	vst v22  }
0x1dc: {  	v40 =	vld [tilespmem:s3+$0x11850];
	v37 =	vadd.f32 v39, v37;
	[tilespmem:s3+$0x11410] =	vst v33  }
0x1dd: {  	v20 =	vld [tilespmem:s3+$0x11820];
	v39 =	vadd.f32 v43, v41;
	[tilespmem:s3+$0x11420] =	vst v35  }
0x1de: {  	v1 =	vadd.f32 v47, v45;
	v41 =	vld [tilespmem:s3+$0x1850];
	[tilespmem:s3+$0x11430] =	vst v37  }
0x1df: {  	v42 =	vadd.f32 v51, v49;
	v43 =	vld [tilespmem:s3+$0x11860];
	[tilespmem:s3+$0x11440] =	vst v39  }
0x1e0: {  	v44 =	vadd.f32 v55, v53;
	v45 =	vld [tilespmem:s3+$0x1860];
	[tilespmem:s3+$0x11450] =	vst v1  }
0x1e1: {  	v46 =	vadd.f32 v59, v57;
	v47 =	vld [tilespmem:s3+$0x11870];
	[tilespmem:s3+$0x11460] =	vst v42  }
0x1e2: {  	v49 =	vld [tilespmem:s3+$0x1870];
	v62 =	vadd.f32 v63, v17;
	[tilespmem:s3+$0x11470] =	vst v44  }
0x1e3: {  	v63 =	vld [tilespmem:s3+$0x1810];
	[tilespmem:s3+$0x11800] =	vst v46;
	v52 =	vadd.f32 v36, v34  }
0x1e4: {  	v51 =	vld [tilespmem:s3+$0x1840];
	[tilespmem:s3+$0x11060] =	vst v62;
	v50 =	vadd.f32 v32, v20  }
0x1e5: {  	[tilespmem:s3+$0x11830] =	vst v52;
	v53 =	vadd.f32 v41, v40  }
0x1e6: {  	v54 =	vadd.f32 v45, v43;
	[tilespmem:s3+$0x11820] =	vst v50  }
0x1e7: {  	s19 =	sand.u32 $0x7, s1;
	v55 =	vadd.f32 v49, v47;
	[tilespmem:s3+$0x11850] =	vst v53  }
0x1e8: {  	s4 =	sshll.u32 s19, $0x7;
	v48 =	vadd.f32 v63, v61;
	[tilespmem:s3+$0x11860] =	vst v54  }
0x1e9: {  	s4 =	sadd.s32 s4, s17;
	v56 =	vadd.f32 v51, v38;
	[tilespmem:s3+$0x11870] =	vst v55  }
0x1ea: {  	s19 =	sor.u32 $0x1C00, s4;
	[tilespmem:s3+$0x11810] =	vst v48  }
0x1eb: {  	[tilespmem:s3+$0x11840] =	vst v56;
	v0 =	vld [tilespmem:s19+$0x10000]  }
0x1ec: {  	v1 =	vld [tilespmem:s19+$0x0];
	_ =	sdelay $0x4  }
0x1ed: {  	v0 =	vadd.f32 v1, v0;
	_ =	sdelay $0x1  }
0x1ee: {  	[tilespmem:s19+$0x10000] =	vst v0;
	s19 =	sor.u32 $0x1C10, s4  }
0x1ef: {  	v0 =	vld [tilespmem:s19+$0x10000]  }
0x1f0: {  	v57 =	vld [tilespmem:s19+$0x0];
	_ =	sdelay $0x4  }
0x1f1: {  	v0 =	vadd.f32 v57, v0;
	_ =	sdelay $0x1  }
0x1f2: {  	[tilespmem:s19+$0x10000] =	vst v0;
	s19 =	sor.u32 $0x1C20, s4  }
0x1f3: {  	v0 =	vld [tilespmem:s19+$0x10000]  }
0x1f4: {  	v58 =	vld [tilespmem:s19+$0x0];
	_ =	sdelay $0x4  }
0x1f5: {  	v0 =	vadd.f32 v58, v0;
	_ =	sdelay $0x1  }
0x1f6: {  	[tilespmem:s19+$0x10000] =	vst v0;
	s19 =	sor.u32 $0x1C30, s4  }
0x1f7: {  	v0 =	vld [tilespmem:s19+$0x10000]  }
0x1f8: {  	v59 =	vld [tilespmem:s19+$0x0];
	_ =	sdelay $0x4  }
0x1f9: {  	v0 =	vadd.f32 v59, v0;
	_ =	sdelay $0x1  }
0x1fa: {  	[tilespmem:s19+$0x10000] =	vst v0;
	s19 =	sor.u32 $0x1C40, s4  }
0x1fb: {  	v0 =	vld [tilespmem:s19+$0x10000]  }
0x1fc: {  	v60 =	vld [tilespmem:s19+$0x0];
	_ =	sdelay $0x4  }
0x1fd: {  	v0 =	vadd.f32 v60, v0;
	_ =	sdelay $0x1  }
0x1fe: {  	[tilespmem:s19+$0x10000] =	vst v0;
	s19 =	sor.u32 $0x1C50, s4  }
0x1ff: {  	v0 =	vld [tilespmem:s19+$0x10000]  }
0x200: {  	v61 =	vld [tilespmem:s19+$0x0];
	_ =	sdelay $0x4  }
0x201: {  	v0 =	vadd.f32 v61, v0;
	_ =	sdelay $0x1  }
0x202: {  	[tilespmem:s19+$0x10000] =	vst v0;
	s19 =	sor.u32 $0x1C60, s4  }
0x203: {  	v0 =	vld [tilespmem:s19+$0x10000]  }
0x204: {  	v62 =	vld [tilespmem:s19+$0x0];
	_ =	sdelay $0x4  }
0x205: {  	v0 =	vadd.f32 v62, v0;
	_ =	sdelay $0x1  }
0x206: {  	[tilespmem:s19+$0x10000] =	vst v0;
	s19 =	sor.u32 $0x1C70, s4  }
0x207: {  	v0 =	vld [tilespmem:s19+$0x10000]  }
0x208: {  	v63 =	vld [tilespmem:s19+$0x0];
	_ =	sdelay $0x1  }
0x209: {  	p0 =	sne.s32 s18, $0x780  }
.Ltmp2:
0x20a: {  	_ = 	snop;
	(pc) =	sbr.rel @p0 .LBB2_6-.Ltmp2, $4  }
0x20b: {  	_ = 	snop  }
0x20c: {  	v0 =	vadd.f32 v63, v0  }
0x20d: {  	s1 =	sadd.s32 $0x1, s1  }
0x20e: {  	s16 =	sadd.s32 $0x400, s16;
	s18 =	sadd.s32 $0x80, s18;
	s17 =	sadd.s32 $0x400, s17;
	[tilespmem:s19+$0x10000] =	vst v0  }
0x20f: {  	s1 =	simm.s32 $0x0;
	s3 =	simm.s32 $0x10000  }
0x210: {  	[hbm4b:s13+s1] =	stream.linear.scatter [tilespmem:s3], [sflag:$0x9], $0x4000, $0x38;
	[tilespmem:$0x18000] =	vst v63  }
0x211: {  	_ =	swait.ge [sflag:s26], $0x4000  }
0x212: {  	[sflag:s26] =	ssyncset.done $0x0  }
0x213: {  	[sflag:s26] =	ssyncadd.s32 $0xFFFFC000  }
0x214: {  	_ =	swait.ge [sflag:s24], $0x4000  }
0x215: {  	s16 =	simm.s32 $0xFFFFC000;
	[sflag:s24] =	ssyncset.done $0x0  }
0x216: {  	s17 =	simm.s32 $0x0;
	s18 =	simm.s32 $0x0;
	[sflag:s24] =	ssyncadd.s32 $0xFFFFC000  }
.LBB2_8:
0x217: {  	s3 =	sadd.s32 $0x4000, s16  }
0x218: {  	s4 =	sand.u32 $0x380, s18;
	s3 =	sand.u32 $0x2000, s3  }
0x219: {  	s3 =	sor.u32 s4, s3  }
0x21a: {  	v0 =	vld [tilespmem:s3+$0x14000]  }
0x21b: {  	v1 =	vld [tilespmem:s3+$0x4000]  }
0x21c: {  	v2 =	vld [tilespmem:s3+$0x14010]  }
0x21d: {  	v3 =	vld [tilespmem:s3+$0x4010]  }
0x21e: {  	v4 =	vld [tilespmem:s3+$0x14020]  }
0x21f: {  	v5 =	vld [tilespmem:s3+$0x4020]  }
0x220: {  	v6 =	vld [tilespmem:s3+$0x14030]  }
0x221: {  	v7 =	vld [tilespmem:s3+$0x4030]  }
0x222: {  	v8 =	vld [tilespmem:s3+$0x14040]  }
0x223: {  	v9 =	vld [tilespmem:s3+$0x4040]  }
0x224: {  	v10 =	vld [tilespmem:s3+$0x14050]  }
0x225: {  	v11 =	vld [tilespmem:s3+$0x4050]  }
0x226: {  	v12 =	vld [tilespmem:s3+$0x14060]  }
0x227: {  	v13 =	vld [tilespmem:s3+$0x4060]  }
0x228: {  	v14 =	vld [tilespmem:s3+$0x14070]  }
0x229: {  	v15 =	vld [tilespmem:s3+$0x4070]  }
0x22a: {  	v16 =	vld [tilespmem:s3+$0x14400]  }
0x22b: {  	v17 =	vld [tilespmem:s3+$0x4400]  }
0x22c: {  	v18 =	vld [tilespmem:s3+$0x14410]  }
0x22d: {  	v19 =	vld [tilespmem:s3+$0x4410]  }
0x22e: {  	v20 =	vld [tilespmem:s3+$0x14420]  }
0x22f: {  	v21 =	vld [tilespmem:s3+$0x4420]  }
0x230: {  	v22 =	vld [tilespmem:s3+$0x14430]  }
0x231: {  	v23 =	vld [tilespmem:s3+$0x4430]  }
0x232: {  	v24 =	vld [tilespmem:s3+$0x14440]  }
0x233: {  	v25 =	vld [tilespmem:s3+$0x4440]  }
0x234: {  	v26 =	vld [tilespmem:s3+$0x14450]  }
0x235: {  	v27 =	vld [tilespmem:s3+$0x4450]  }
0x236: {  	v28 =	vld [tilespmem:s3+$0x14460]  }
0x237: {  	v29 =	vld [tilespmem:s3+$0x4460]  }
0x238: {  	v30 =	vld [tilespmem:s3+$0x14470]  }
0x239: {  	v31 =	vld [tilespmem:s3+$0x4470]  }
0x23a: {  	v32 =	vld [tilespmem:s3+$0x14800]  }
0x23b: {  	v33 =	vld [tilespmem:s3+$0x4800]  }
0x23c: {  	v34 =	vld [tilespmem:s3+$0x14810]  }
0x23d: {  	v35 =	vld [tilespmem:s3+$0x4810]  }
0x23e: {  	v36 =	vld [tilespmem:s3+$0x14820]  }
0x23f: {  	v37 =	vld [tilespmem:s3+$0x4820]  }
0x240: {  	v38 =	vld [tilespmem:s3+$0x14830]  }
0x241: {  	v39 =	vld [tilespmem:s3+$0x4830]  }
0x242: {  	v40 =	vld [tilespmem:s3+$0x14840]  }
0x243: {  	v41 =	vld [tilespmem:s3+$0x4840]  }
0x244: {  	v42 =	vld [tilespmem:s3+$0x14850]  }
0x245: {  	v43 =	vld [tilespmem:s3+$0x4850]  }
0x246: {  	v44 =	vld [tilespmem:s3+$0x14860]  }
0x247: {  	v45 =	vld [tilespmem:s3+$0x4860]  }
0x248: {  	v46 =	vld [tilespmem:s3+$0x14870]  }
0x249: {  	v47 =	vld [tilespmem:s3+$0x4870]  }
0x24a: {  	v48 =	vld [tilespmem:s3+$0x14C00]  }
0x24b: {  	v49 =	vld [tilespmem:s3+$0x4C00]  }
0x24c: {  	v50 =	vld [tilespmem:s3+$0x14C10]  }
0x24d: {  	v51 =	vld [tilespmem:s3+$0x4C10]  }
0x24e: {  	v52 =	vld [tilespmem:s3+$0x14C20]  }
0x24f: {  	v53 =	vld [tilespmem:s3+$0x4C20]  }
0x250: {  	v54 =	vld [tilespmem:s3+$0x14C30]  }
0x251: {  	v55 =	vld [tilespmem:s3+$0x4C30]  }
0x252: {  	v56 =	vld [tilespmem:s3+$0x14C40]  }
0x253: {  	v57 =	vld [tilespmem:s3+$0x4C40]  }
0x254: {  	v58 =	vld [tilespmem:s3+$0x14C50]  }
0x255: {  	v59 =	vld [tilespmem:s3+$0x4C50]  }
0x256: {  	v60 =	vld [tilespmem:s3+$0x14C60]  }
0x257: {  	v0 =	vadd.f32 v1, v0;
	v1 =	vld [tilespmem:s3+$0x4C60]  }
0x258: {  	v2 =	vadd.f32 v3, v2;
	v3 =	vld [tilespmem:s3+$0x14C70]  }
0x259: {  	v63 =	vadd.f32 v5, v4;
	v4 =	vld [tilespmem:s3+$0x4C70];
	[tilespmem:s3+$0x14000] =	vst v0  }
0x25a: {  	v61 =	vadd.f32 v7, v6;
	v5 =	vld [tilespmem:s3+$0x15000];
	[tilespmem:s3+$0x14010] =	vst v2  }
0x25b: {  	v62 =	vadd.f32 v9, v8;
	v6 =	vld [tilespmem:s3+$0x5000];
	[tilespmem:s3+$0x14020] =	vst v63  }
0x25c: {  	v7 =	vld [tilespmem:s3+$0x15010];
	v13 =	vadd.f32 v13, v12;
	[tilespmem:s3+$0x14030] =	vst v61  }
0x25d: {  	v8 =	vld [tilespmem:s3+$0x5010];
	v15 =	vadd.f32 v15, v14;
	[tilespmem:s3+$0x14040] =	vst v62  }
0x25e: {  	v9 =	vld [tilespmem:s3+$0x15020];
	v17 =	vadd.f32 v17, v16;
	[tilespmem:s3+$0x14060] =	vst v13  }
0x25f: {  	v19 =	vadd.f32 v19, v18;
	v12 =	vld [tilespmem:s3+$0x5030];
	[tilespmem:s3+$0x14070] =	vst v15  }
0x260: {  	v21 =	vadd.f32 v21, v20;
	v14 =	vld [tilespmem:s3+$0x5040];
	[tilespmem:s3+$0x14400] =	vst v17  }
0x261: {  	v23 =	vadd.f32 v23, v22;
	v16 =	vld [tilespmem:s3+$0x5050];
	[tilespmem:s3+$0x14410] =	vst v19  }
0x262: {  	v25 =	vadd.f32 v25, v24;
	v20 =	vld [tilespmem:s3+$0x5070];
	[tilespmem:s3+$0x14420] =	vst v21  }
0x263: {  	v27 =	vadd.f32 v27, v26;
	v22 =	vld [tilespmem:s3+$0x5400];
	[tilespmem:s3+$0x14430] =	vst v23  }
0x264: {  	v29 =	vadd.f32 v29, v28;
	v24 =	vld [tilespmem:s3+$0x5410];
	[tilespmem:s3+$0x14440] =	vst v25  }
0x265: {  	v28 =	vadd.f32 v37, v36;
	v37 =	vld [tilespmem:s3+$0x15430];
	[tilespmem:s3+$0x14450] =	vst v27  }
0x266: {  	v36 =	vadd.f32 v51, v50;
	v51 =	vld [tilespmem:s3+$0x5460];
	[tilespmem:s3+$0x14460] =	vst v29  }
0x267: {  	v63 =	vadd.f32 v11, v10;
	v10 =	vld [tilespmem:s3+$0x5020];
	[tilespmem:s3+$0x14820] =	vst v28  }
0x268: {  	v11 =	vld [tilespmem:s3+$0x15030];
	v61 =	vadd.f32 v31, v30;
	[tilespmem:s3+$0x14C10] =	vst v36  }
0x269: {  	v13 =	vld [tilespmem:s3+$0x15040];
	v62 =	vadd.f32 v33, v32;
	[tilespmem:s3+$0x14050] =	vst v63  }
0x26a: {  	v15 =	vld [tilespmem:s3+$0x15050];
	v27 =	vadd.f32 v35, v34;
	[tilespmem:s3+$0x14470] =	vst v61  }
0x26b: {  	v17 =	vld [tilespmem:s3+$0x15060];
	v29 =	vadd.f32 v39, v38;
	[tilespmem:s3+$0x14800] =	vst v62  }
0x26c: {  	v19 =	vld [tilespmem:s3+$0x15070];
	v30 =	vadd.f32 v41, v40;
	[tilespmem:s3+$0x14810] =	vst v27  }
0x26d: {  	v21 =	vld [tilespmem:s3+$0x15400];
	v31 =	vadd.f32 v43, v42;
	[tilespmem:s3+$0x14830] =	vst v29  }
0x26e: {  	v23 =	vld [tilespmem:s3+$0x15410];
	v32 =	vadd.f32 v45, v44;
	[tilespmem:s3+$0x14840] =	vst v30  }
0x26f: {  	v33 =	vadd.f32 v47, v46;
	v25 =	vld [tilespmem:s3+$0x15420];
	[tilespmem:s3+$0x14850] =	vst v31  }
0x270: {  	v34 =	vadd.f32 v49, v48;
	v35 =	vld [tilespmem:s3+$0x5420];
	[tilespmem:s3+$0x14860] =	vst v32  }
0x271: {  	v38 =	vadd.f32 v53, v52;
	v39 =	vld [tilespmem:s3+$0x5430];
	[tilespmem:s3+$0x14870] =	vst v33  }
0x272: {  	v40 =	vadd.f32 v55, v54;
	v41 =	vld [tilespmem:s3+$0x15440];
	[tilespmem:s3+$0x14C00] =	vst v34  }
0x273: {  	v42 =	vadd.f32 v57, v56;
	v43 =	vld [tilespmem:s3+$0x5440];
	[tilespmem:s3+$0x14C20] =	vst v38  }
0x274: {  	v44 =	vadd.f32 v59, v58;
	v45 =	vld [tilespmem:s3+$0x15450];
	[tilespmem:s3+$0x14C30] =	vst v40  }
0x275: {  	v47 =	vld [tilespmem:s3+$0x5450];
	[tilespmem:s3+$0x14C40] =	vst v42;
	v46 =	vadd.f32 v1, v60  }
0x276: {  	v49 =	vld [tilespmem:s3+$0x15460];
	[tilespmem:s3+$0x14C50] =	vst v44;
	v48 =	vadd.f32 v4, v3  }
0x277: {  	v53 =	vld [tilespmem:s3+$0x15470];
	v50 =	vadd.f32 v6, v5;
	[tilespmem:s3+$0x14C60] =	vst v46  }
0x278: {  	v55 =	vld [tilespmem:s3+$0x5470];
	v52 =	vadd.f32 v8, v7;
	[tilespmem:s3+$0x14C70] =	vst v48  }
0x279: {  	v57 =	vld [tilespmem:s3+$0x15800];
	[tilespmem:s3+$0x15000] =	vst v50;
	v54 =	vadd.f32 v10, v9  }
0x27a: {  	v59 =	vld [tilespmem:s3+$0x5800];
	[tilespmem:s3+$0x15010] =	vst v52;
	v56 =	vadd.f32 v12, v11  }
0x27b: {  	v36 =	vld [tilespmem:s3+$0x5830];
	v58 =	vadd.f32 v14, v13;
	[tilespmem:s3+$0x15020] =	vst v54  }
0x27c: {  	v63 =	vld [tilespmem:s3+$0x5060];
	v60 =	vadd.f32 v16, v15;
	[tilespmem:s3+$0x15030] =	vst v56  }
0x27d: {  	v61 =	vld [tilespmem:s3+$0x15810];
	v19 =	vadd.f32 v20, v19;
	[tilespmem:s3+$0x15040] =	vst v58  }
0x27e: {  	v32 =	vld [tilespmem:s3+$0x5820];
	v22 =	vadd.f32 v22, v21;
	[tilespmem:s3+$0x15050] =	vst v60  }
0x27f: {  	v34 =	vld [tilespmem:s3+$0x15830];
	v33 =	vadd.f32 v24, v23;
	[tilespmem:s3+$0x15070] =	vst v19  }
0x280: {  	v38 =	vld [tilespmem:s3+$0x15840];
	v35 =	vadd.f32 v35, v25;
	[tilespmem:s3+$0x15400] =	vst v22  }
0x281: {  	v40 =	vld [tilespmem:s3+$0x15850];
	v37 =	vadd.f32 v39, v37;
	[tilespmem:s3+$0x15410] =	vst v33  }
0x282: {  	v20 =	vld [tilespmem:s3+$0x15820];
	v39 =	vadd.f32 v43, v41;
	[tilespmem:s3+$0x15420] =	vst v35  }
0x283: {  	v1 =	vadd.f32 v47, v45;
	v41 =	vld [tilespmem:s3+$0x5850];
	[tilespmem:s3+$0x15430] =	vst v37  }
0x284: {  	v42 =	vadd.f32 v51, v49;
	v43 =	vld [tilespmem:s3+$0x15860];
	[tilespmem:s3+$0x15440] =	vst v39  }
0x285: {  	v44 =	vadd.f32 v55, v53;
	v45 =	vld [tilespmem:s3+$0x5860];
	[tilespmem:s3+$0x15450] =	vst v1  }
0x286: {  	v46 =	vadd.f32 v59, v57;
	v47 =	vld [tilespmem:s3+$0x15870];
	[tilespmem:s3+$0x15460] =	vst v42  }
0x287: {  	v49 =	vld [tilespmem:s3+$0x5870];
	v62 =	vadd.f32 v63, v17;
	[tilespmem:s3+$0x15470] =	vst v44  }
0x288: {  	v63 =	vld [tilespmem:s3+$0x5810];
	[tilespmem:s3+$0x15800] =	vst v46;
	v52 =	vadd.f32 v36, v34  }
0x289: {  	v51 =	vld [tilespmem:s3+$0x5840];
	[tilespmem:s3+$0x15060] =	vst v62;
	v50 =	vadd.f32 v32, v20  }
0x28a: {  	[tilespmem:s3+$0x15830] =	vst v52;
	v53 =	vadd.f32 v41, v40  }
0x28b: {  	v54 =	vadd.f32 v45, v43;
	[tilespmem:s3+$0x15820] =	vst v50  }
0x28c: {  	s19 =	sand.u32 $0x7, s1;
	v55 =	vadd.f32 v49, v47;
	[tilespmem:s3+$0x15850] =	vst v53  }
0x28d: {  	s4 =	sshll.u32 s19, $0x7;
	v48 =	vadd.f32 v63, v61;
	[tilespmem:s3+$0x15860] =	vst v54  }
0x28e: {  	s4 =	sadd.s32 s4, s17;
	v56 =	vadd.f32 v51, v38;
	[tilespmem:s3+$0x15870] =	vst v55  }
0x28f: {  	s19 =	sor.u32 $0x1C00, s4;
	[tilespmem:s3+$0x15810] =	vst v48  }
0x290: {  	[tilespmem:s3+$0x15840] =	vst v56;
	v0 =	vld [tilespmem:s19+$0x14000]  }
0x291: {  	v1 =	vld [tilespmem:s19+$0x4000];
	_ =	sdelay $0x4  }
0x292: {  	v0 =	vadd.f32 v1, v0;
	_ =	sdelay $0x1  }
0x293: {  	[tilespmem:s19+$0x14000] =	vst v0;
	s19 =	sor.u32 $0x1C10, s4  }
0x294: {  	v0 =	vld [tilespmem:s19+$0x14000]  }
0x295: {  	v57 =	vld [tilespmem:s19+$0x4000];
	_ =	sdelay $0x4  }
0x296: {  	v0 =	vadd.f32 v57, v0;
	_ =	sdelay $0x1  }
0x297: {  	[tilespmem:s19+$0x14000] =	vst v0;
	s19 =	sor.u32 $0x1C20, s4  }
0x298: {  	v0 =	vld [tilespmem:s19+$0x14000]  }
0x299: {  	v58 =	vld [tilespmem:s19+$0x4000];
	_ =	sdelay $0x4  }
0x29a: {  	v0 =	vadd.f32 v58, v0;
	_ =	sdelay $0x1  }
0x29b: {  	[tilespmem:s19+$0x14000] =	vst v0;
	s19 =	sor.u32 $0x1C30, s4  }
0x29c: {  	v0 =	vld [tilespmem:s19+$0x14000]  }
0x29d: {  	v59 =	vld [tilespmem:s19+$0x4000];
	_ =	sdelay $0x4  }
0x29e: {  	v0 =	vadd.f32 v59, v0;
	_ =	sdelay $0x1  }
0x29f: {  	[tilespmem:s19+$0x14000] =	vst v0;
	s19 =	sor.u32 $0x1C40, s4  }
0x2a0: {  	v0 =	vld [tilespmem:s19+$0x14000]  }
0x2a1: {  	v60 =	vld [tilespmem:s19+$0x4000];
	_ =	sdelay $0x4  }
0x2a2: {  	v0 =	vadd.f32 v60, v0;
	_ =	sdelay $0x1  }
0x2a3: {  	[tilespmem:s19+$0x14000] =	vst v0;
	s19 =	sor.u32 $0x1C50, s4  }
0x2a4: {  	v0 =	vld [tilespmem:s19+$0x14000]  }
0x2a5: {  	v61 =	vld [tilespmem:s19+$0x4000];
	_ =	sdelay $0x4  }
0x2a6: {  	v0 =	vadd.f32 v61, v0;
	_ =	sdelay $0x1  }
0x2a7: {  	[tilespmem:s19+$0x14000] =	vst v0;
	s19 =	sor.u32 $0x1C60, s4  }
0x2a8: {  	v0 =	vld [tilespmem:s19+$0x14000]  }
0x2a9: {  	v62 =	vld [tilespmem:s19+$0x4000];
	_ =	sdelay $0x4  }
0x2aa: {  	v0 =	vadd.f32 v62, v0;
	_ =	sdelay $0x1  }
0x2ab: {  	[tilespmem:s19+$0x14000] =	vst v0;
	s19 =	sor.u32 $0x1C70, s4  }
0x2ac: {  	v0 =	vld [tilespmem:s19+$0x14000]  }
0x2ad: {  	v63 =	vld [tilespmem:s19+$0x4000];
	_ =	sdelay $0x1  }
0x2ae: {  	p0 =	sne.s32 s18, $0x780  }
.Ltmp3:
0x2af: {  	_ = 	snop;
	(pc) =	sbr.rel @p0 .LBB2_8-.Ltmp3, $4  }
0x2b0: {  	_ = 	snop  }
0x2b1: {  	v0 =	vadd.f32 v63, v0  }
0x2b2: {  	s1 =	sadd.s32 $0x1, s1  }
0x2b3: {  	s16 =	sadd.s32 $0x400, s16;
	s18 =	sadd.s32 $0x80, s18;
	s17 =	sadd.s32 $0x400, s17;
	[tilespmem:s19+$0x14000] =	vst v0  }
0x2b4: {  	[hbm4b:s14+s2] =	stream.linear.scatter [tilespmem:s22], [sflag:$0xA], $0x4000, $0x38;
	[tilespmem:$0x18000] =	vst v63  }
0x2b5: {  	_ =	swait.ge [sflag:s28], $0x4000  }
0x2b6: {  	[sflag:s28] =	ssyncset.done $0x0  }
0x2b7: {  	[sflag:s28] =	ssyncadd.s32 $0xFFFFC000  }
0x2b8: {  	_ =	swait.ge [sflag:s29], $0x4000  }
0x2b9: {  	[sflag:s29] =	ssyncset.done $0x0  }
0x2ba: {  	s0 =	sadd.s32 $0x1, s0;
	[sflag:s29] =	ssyncadd.s32 $0xFFFFC000  }
0x2bb: {  	p0 =	sne.s32 s0, s15;
	_ =	swait.ge [sflag:s30], $0x4000  }
.Ltmp4:
0x2bc: {  	[sflag:s30] =	ssyncset.done $0x0;
	(pc) =	sbr.rel @p0 .LBB2_1-.Ltmp4, $4  }
0x2bd: {  	[sflag:s30] =	ssyncadd.s32 $0xFFFFC000  }
0x2be: {  	_ =	swait.ge [sflag:s31], $0x4000  }
0x2bf: {  	[sflag:s31] =	ssyncset.done $0x0  }
0x2c0: {  	[sflag:s31] =	ssyncadd.s32 $0xFFFFC000  }
0x2c1: {  	_ =	sfence.sel $0x180000  }
0x2c2: {  	[bflag:$0x0] =	sbarrier.arrive $0xFFFF  }
0x2c3: {  	_ =	strace $0x90000047  }
0x2c4: {  	s0 =	stileid.u32;
	[bflag:$0x2] =	sbarrier.arrive $0xFFFF  }
0x2c5: {  	p0 =	sne.s32 s0, $0x0;
	s0 =	rddreg [dreg:$0x3]  }
0x2c6: {  	s0 =	sadd.s32 @!p0 $0x100000, s0  }
0x2c7: {  	[sflag:s0] =	ssyncadd.tile.s32 @!p0 $0x1;
	_ =	shalt  }
.Lfunc_end2:
_tile_overlayer_lowered:
.L_overlay_start_2:
0x2c8: {  	(tag) =	ssettag $0x2  }
0x2c9: {  	s0 =	rddreg [dreg:$0x0];
	s2 =	stileid.u32  }
0x2ca: {  	s1 =	rddreg [dreg:$0x1];
	p0 =	sne.s32 s2, $0x0  }
0x2cb: {  	s3 =	rddreg [dreg:$0x2];
	[bflag:$0x3] =	sbarrier.arrive $0xFFFF;
	s2 =	simm.s32 @!p0 $0x1C0B  }
0x2cc: {  	[timem:s3], [sflag:s2] =	dma.local @!p0 [hbm:s0], s1  }
0x2cd: {  	s0 =	simm.s32 @!p0 $0xB  }
0x2ce: {  	_ =	swait.ge @!p0 [sflag:s0], s1  }
0x2cf: {  	s1 =	ssub.s32 @!p0 $0x0, s1;
	[sflag:s0] =	ssyncset.done @!p0 $0x0  }
0x2d0: {  	[sflag:s0] =	ssyncadd.s32 @!p0 s1  }
0x2d1: {  	[bflag:$0x3] =	sbarrier.arrive $0xFFFF  }
0x2d2: {  	_ =	shalt  }

</sc_bundles>
